<compile_context>
chip_gen: v7x
topology: tpu7x:2x2x1
jax: 0.10.2.dev20260603
libtpu: 0.0.44.dev20260713+nightly
codegen_flags: <defaults>
</compile_context>

<pallas_src>
import functools

import jax
import jax.numpy as jnp
from jax import lax
from jax.experimental import pallas as pl
from jax.experimental.pallas import tpu as pltpu
from jax.experimental.pallas import tpu_sc as plsc

_S_CHUNK = 2048


def _add_pos_kernel(x_ref, pos_ref, scale_ref, out_ref):
    out_ref[...] = x_ref[...] + pos_ref[...] * scale_ref[0]


def _tc_kernel(x, pos, scale):
    batch, seq_len, dim = x.shape
    num_chunks = seq_len // _S_CHUNK
    return pl.pallas_call(
        _add_pos_kernel,
        grid=(num_chunks, batch),
        in_specs=[
            pl.BlockSpec((1, _S_CHUNK, dim), lambda i, j: (j, i, 0)),
            pl.BlockSpec((_S_CHUNK, dim), lambda i, j: (i, 0)),
            pl.BlockSpec(memory_space=pltpu.SMEM),
        ],
        out_specs=pl.BlockSpec((1, _S_CHUNK, dim), lambda i, j: (j, i, 0)),
        out_shape=jax.ShapeDtypeStruct(x.shape, x.dtype),
    )(x, pos, scale)



_LANES = 16
_R = 16
_SEQ_BLOCKS = 8
_ROWS_PER_W = 1024
_NCHUNK = _ROWS_PER_W // _R


def _sc_body(x_hbm, pos_hbm, scale_hbm, out_hbm, xb, pb, ob, sb,
             in_sem0, in_sem1, out_sem0, out_sem1):
    dim = xb.shape[2]
    in_sems = (in_sem0, in_sem1)
    out_sems = (out_sem0, out_sem1)
    c = lax.axis_index("c")
    s = lax.axis_index("s")
    wid = c * 16 + s
    b = wid // _SEQ_BLOCKS
    s0 = (wid % _SEQ_BLOCKS) * _ROWS_PER_W

    pltpu.sync_copy(scale_hbm, sb)
    vscale = sb[...]

    def x_src(k):
        return x_hbm.at[b, pl.ds(s0 + k * _R, _R), :]

    def pos_src(k):
        return pos_hbm.at[pl.ds(s0 + k * _R, _R), :]

    def out_dst(k):
        return out_hbm.at[b, pl.ds(s0 + k * _R, _R), :]

    def start_in(k, slot):
        pltpu.async_copy(x_src(k), xb.at[slot], in_sems[slot])
        pltpu.async_copy(pos_src(k), pb.at[slot], in_sems[slot])

    start_in(0, 0)
    start_in(1, 1)

    def pair_body(g, carry):
        for slot in range(2):
            k = 2 * g + slot
            pltpu.make_async_copy(x_src(k), xb.at[slot], in_sems[slot]).wait()
            pltpu.make_async_copy(pos_src(k), pb.at[slot], in_sems[slot]).wait()

            @pl.when(g >= 1)
            def _():
                pltpu.make_async_copy(
                    ob.at[slot], out_dst(k - 2), out_sems[slot]).wait()

            def row_body(i, carry2):
                for j in range(dim // _LANES):
                    col = pl.ds(j * _LANES, _LANES)
                    ob[slot, i, col] = xb[slot, i, col] + pb[slot, i, col] * vscale
                return carry2

            lax.fori_loop(0, _R, row_body, 0)

            pltpu.async_copy(ob.at[slot], out_dst(k), out_sems[slot])

            @pl.when(k + 2 < _NCHUNK)
            def _():
                start_in(k + 2, slot)
        return carry

    lax.fori_loop(0, _NCHUNK // 2, pair_body, 0)

    pltpu.make_async_copy(ob.at[0], out_dst(_NCHUNK - 2), out_sem0).wait()
    pltpu.make_async_copy(ob.at[1], out_dst(_NCHUNK - 1), out_sem1).wait()


def _sc_kernel(x, pos, scale):
    batch, seq_len, dim = x.shape
    scale_vec = jnp.broadcast_to(scale, (_LANES,))
    mesh = plsc.VectorSubcoreMesh(core_axis_name="c", subcore_axis_name="s")
    run = functools.partial(
        pl.kernel,
        mesh=mesh,
        out_type=jax.ShapeDtypeStruct(x.shape, x.dtype),
        scratch_types=[
            pltpu.VMEM((2, _R, dim), jnp.float32),
            pltpu.VMEM((2, _R, dim), jnp.float32),
            pltpu.VMEM((2, _R, dim), jnp.float32),
            pltpu.VMEM((_LANES,), jnp.float32),
            pltpu.SemaphoreType.DMA,
            pltpu.SemaphoreType.DMA,
            pltpu.SemaphoreType.DMA,
            pltpu.SemaphoreType.DMA,
        ],
    )(_sc_body)
    return run(x, pos, scale_vec)


def kernel(x, pos_embedding, scale):
    seq_len = x.shape[1]
    pos = pos_embedding[:seq_len]
    return _sc_kernel(x, pos, scale)

# --- scband reference (transcript-rebuilt; emitter-appended) ---
"""Pipeline reference for scband-emergent-position-encoder-60567628808281 (READ-ONLY COPY).

The authoritative reference and input builder live on the scoring server;
editing this copy changes nothing except your own understanding.
"""

import jax, jax.numpy as jnp
import numpy as np

DIM = 1024
MAX_SEQ_LEN = 8192
BATCH = 4
SEQ_LEN = 8192

def setup_inputs(seed: int = 0) -> dict:
    key = jax.random.key(seed)
    k_x, k_emb = jax.random.split(key, 2)
    x = jax.random.normal(k_x, (BATCH, SEQ_LEN, DIM), dtype=jnp.float32)
    pos_embedding = jax.random.normal(k_emb, (MAX_SEQ_LEN, DIM), dtype=jnp.float32) * 0.02
    scale = jnp.ones((1,), dtype=jnp.float32)
    return {"x": x, "pos_embedding": pos_embedding, "scale": scale}

def reference(x, pos_embedding, scale):
    batch, seq_len, dim = x.shape
    positions = jnp.arange(seq_len)
    pos_emb = jnp.take(pos_embedding, positions[:seq_len], axis=0)
    x_with_pos = x + pos_emb * scale
    return x_with_pos

if __name__ == "__main__":
    import jax
    _d = setup_inputs()
    print(jax.jit(kernel)(*tuple(_d.values())))

</pallas_src>

<mosaic_0001>
#map = affine_map<(d0, d1) -> (0, 0, 0)>
#map1 = affine_map<(d0, d1) -> (0, 0)>
#map2 = affine_map<(d0, d1) -> (0)>
module attributes {stable_mosaic.version = 14 : i64} {
  func.func @_sc_body(%arg0: i32, %arg1: i32, %arg2: memref<4x8192x1024xf32, #tpu.memory_space<hbm>>, %arg3: memref<8192x1024xf32, #tpu.memory_space<hbm>>, %arg4: memref<16xf32, #tpu.memory_space<hbm>>, %arg5: memref<4x8192x1024xf32, #tpu.memory_space<hbm>>, %arg6: memref<2x16x1024xf32, #tpu.memory_space<vmem>>, %arg7: memref<2x16x1024xf32, #tpu.memory_space<vmem>>, %arg8: memref<2x16x1024xf32, #tpu.memory_space<vmem>>, %arg9: memref<16xf32, #tpu.memory_space<vmem>>, %arg10: memref<!tpu.dma_semaphore, #tpu.memory_space<semaphore_mem>>, %arg11: memref<!tpu.dma_semaphore, #tpu.memory_space<semaphore_mem>>, %arg12: memref<!tpu.dma_semaphore, #tpu.memory_space<semaphore_mem>>, %arg13: memref<!tpu.dma_semaphore, #tpu.memory_space<semaphore_mem>>) attributes {dimension_semantics = [#tpu.dimension_semantics<core_parallel>, #tpu.dimension_semantics<subcore_parallel>], iteration_bounds = array<i64: 2, 16>, scalar_prefetch = 0 : i64, scratch_operands = 8 : i64, tpu.core_type = #tpu.core_type<sc_vector_subcore>, window_params = [{transform_indices = #map}, {transform_indices = #map1}, {transform_indices = #map2}, {transform_indices = #map}]} {
    %mul3A = arith.constant 16 : i32
    %mul3A_0 = arith.muli %arg0, %mul3A : i32
    %add3A = arith.addi %mul3A_0, %arg1 : i32
    %jit3A = arith.constant 8 : i32
    %div3A = arith.divsi %add3A, %jit3A : i32
    %sign3A = arith.constant 0 : i32
    %sign3A_1 = arith.cmpi sgt, %add3A, %sign3A : i32
    %sign3A_2 = arith.extui %sign3A_1 : i1 to i32
    %sign3A_3 = arith.constant 0 : i32
    %sign3A_4 = arith.cmpi slt, %add3A, %sign3A_3 : i32
    %sign3A_5 = arith.extui %sign3A_4 : i1 to i32
    %sign3A_6 = arith.subi %sign3A_2, %sign3A_5 : i32
    %sign3A_7 = arith.constant 0 : i32
    %sign3A_8 = arith.cmpi sgt, %jit3A, %sign3A_7 : i32
    %sign3A_9 = arith.extui %sign3A_8 : i1 to i32
    %sign3A_10 = arith.constant 0 : i32
    %sign3A_11 = arith.cmpi slt, %jit3A, %sign3A_10 : i32
    %sign3A_12 = arith.extui %sign3A_11 : i1 to i32
    %sign3A_13 = arith.subi %sign3A_9, %sign3A_12 : i32
    %ne3A = arith.cmpi ne, %sign3A_6, %sign3A_13 : i32
    %rem3A = arith.remsi %add3A, %jit3A : i32
    %ne3A_14 = arith.constant 0 : i32
    %ne3A_15 = arith.cmpi ne, %rem3A, %ne3A_14 : i32
    %and3A = arith.andi %ne3A, %ne3A_15 : i1
    %sub3A = arith.constant 1 : i32
    %sub3A_16 = arith.subi %div3A, %sub3A : i32
    %select_n3A = arith.select %and3A, %sub3A_16, %div3A : i32
    %jit3A_17 = arith.constant 8 : i32
    %eq3A = arith.constant 0 : i32
    %eq3A_18 = arith.cmpi eq, %jit3A_17, %eq3A : i32
    %jit3A_19 = arith.constant 1 : i32
    %select_n3A_20 = arith.select %eq3A_18, %jit3A_19, %jit3A_17 : i32
    %rem3A_21 = arith.remsi %add3A, %select_n3A_20 : i32
    %ne3A_22 = arith.constant 0 : i32
    %ne3A_23 = arith.cmpi ne, %rem3A_21, %ne3A_22 : i32
    %lt3A = arith.constant 0 : i32
    %lt3A_24 = arith.cmpi slt, %rem3A_21, %lt3A : i32
    %lt3A_25 = arith.constant 0 : i32
    %lt3A_26 = arith.cmpi slt, %select_n3A_20, %lt3A_25 : i32
    %ne3A_27 = arith.xori %lt3A_24, %lt3A_26 : i1
    %and3A_28 = arith.andi %ne3A_27, %ne3A_23 : i1
    %add3A_29 = arith.addi %rem3A_21, %select_n3A_20 : i32
    %select_n3A_30 = arith.select %and3A_28, %add3A_29, %rem3A_21 : i32
    %mul3A_31 = arith.constant 1024 : i32
    %mul3A_32 = arith.muli %select_n3A_30, %mul3A_31 : i32
    "tpu.region"() ({
      %run_scoped3A = tpu.sem_alloc : memref<!tpu.dma_semaphore, #tpu.memory_space<semaphore_mem>>
      tpu.enqueue_dma source(%arg4 : memref<16xf32, #tpu.memory_space<hbm>>) target(%arg9 : memref<16xf32, #tpu.memory_space<vmem>>) target_semaphore(%run_scoped3A : memref<!tpu.dma_semaphore, #tpu.memory_space<semaphore_mem>>)
      tpu.wait_dma2 semaphore(%run_scoped3A : memref<!tpu.dma_semaphore, #tpu.memory_space<semaphore_mem>>) src(%arg4 : memref<16xf32, #tpu.memory_space<hbm>>) dst(%arg9 : memref<16xf32, #tpu.memory_space<vmem>>)
      tpu.yield
    }) : () -> ()
    %get3A = arith.constant 0 : index
    %get3A_33 = tpu.vector_load %arg9[%get3A] {strides = array<i32>} : memref<16xf32, #tpu.memory_space<vmem>>, vector<16xf32>,
    %get3A_34 = vector.shape_cast %get3A_33 : vector<16xf32> to vector<16xf32>
    %add3A_35 = arith.constant 0 : i32
    %add3A_36 = arith.addi %mul3A_32, %add3A_35 : i32
    %dma_start3A = arith.constant 0 : i32
    %dma_start3A_37 = arith.constant 0 : i32
    %dma_start3A_38 = arith.constant 0 : i32
    %dma_start3A_39 = tpu.memref_slice %arg6[%dma_start3A, %dma_start3A_37, %dma_start3A_38] : memref<2x16x1024xf32, #tpu.memory_space<vmem>> -> memref<1x16x1024xf32, #tpu.memory_space<vmem>>
    %dma_start3A_40 = tpu.memref_squeeze %dma_start3A_39 : memref<1x16x1024xf32, #tpu.memory_space<vmem>> -> memref<16x1024xf32, #tpu.memory_space<vmem>>
    %dma_start3A_41 = arith.constant 0 : i32
    %dma_start3A_42 = tpu.memref_slice %arg2[%select_n3A, %add3A_36, %dma_start3A_41] : memref<4x8192x1024xf32, #tpu.memory_space<hbm>> -> memref<1x16x1024xf32, #tpu.memory_space<hbm>>
    %dma_start3A_43 = tpu.memref_squeeze %dma_start3A_42 : memref<1x16x1024xf32, #tpu.memory_space<hbm>> -> memref<16x1024xf32, #tpu.memory_space<hbm>>
    %dma_start3A_44 = arith.constant 0 : i32
    %dma_start3A_45 = arith.constant 0 : i32
    %dma_start3A_46 = tpu.memref_slice %arg6[%dma_start3A, %dma_start3A_44, %dma_start3A_45] : memref<2x16x1024xf32, #tpu.memory_space<vmem>> -> memref<1x16x1024xf32, #tpu.memory_space<vmem>>
    %dma_start3A_47 = tpu.memref_squeeze %dma_start3A_46 : memref<1x16x1024xf32, #tpu.memory_space<vmem>> -> memref<16x1024xf32, #tpu.memory_space<vmem>>
    %dma_start3A_48 = arith.constant 0 : i32
    %dma_start3A_49 = tpu.memref_slice %arg2[%select_n3A, %add3A_36, %dma_start3A_48] : memref<4x8192x1024xf32, #tpu.memory_space<hbm>> -> memref<1x16x1024xf32, #tpu.memory_space<hbm>>
    %dma_start3A_50 = tpu.memref_squeeze %dma_start3A_49 : memref<1x16x1024xf32, #tpu.memory_space<hbm>> -> memref<16x1024xf32, #tpu.memory_space<hbm>>
    tpu.enqueue_dma source(%dma_start3A_50 : memref<16x1024xf32, #tpu.memory_space<hbm>>) target(%dma_start3A_47 : memref<16x1024xf32, #tpu.memory_space<vmem>>) target_semaphore(%arg10 : memref<!tpu.dma_semaphore, #tpu.memory_space<semaphore_mem>>)
    %add3A_51 = arith.constant 0 : i32
    %add3A_52 = arith.addi %mul3A_32, %add3A_51 : i32
    %dma_start3A_53 = arith.constant 0 : i32
    %dma_start3A_54 = arith.constant 0 : i32
    %dma_start3A_55 = arith.constant 0 : i32
    %dma_start3A_56 = tpu.memref_slice %arg7[%dma_start3A_53, %dma_start3A_54, %dma_start3A_55] : memref<2x16x1024xf32, #tpu.memory_space<vmem>> -> memref<1x16x1024xf32, #tpu.memory_space<vmem>>
    %dma_start3A_57 = tpu.memref_squeeze %dma_start3A_56 : memref<1x16x1024xf32, #tpu.memory_space<vmem>> -> memref<16x1024xf32, #tpu.memory_space<vmem>>
    %dma_start3A_58 = arith.constant 0 : i32
    %dma_start3A_59 = tpu.memref_slice %arg3[%add3A_52, %dma_start3A_58] : memref<8192x1024xf32, #tpu.memory_space<hbm>> -> memref<16x1024xf32, #tpu.memory_space<hbm>>
    %dma_start3A_60 = arith.constant 0 : i32
    %dma_start3A_61 = arith.constant 0 : i32
    %dma_start3A_62 = tpu.memref_slice %arg7[%dma_start3A_53, %dma_start3A_60, %dma_start3A_61] : memref<2x16x1024xf32, #tpu.memory_space<vmem>> -> memref<1x16x1024xf32, #tpu.memory_space<vmem>>
    %dma_start3A_63 = tpu.memref_squeeze %dma_start3A_62 : memref<1x16x1024xf32, #tpu.memory_space<vmem>> -> memref<16x1024xf32, #tpu.memory_space<vmem>>
    %dma_start3A_64 = arith.constant 0 : i32
    %dma_start3A_65 = tpu.memref_slice %arg3[%add3A_52, %dma_start3A_64] : memref<8192x1024xf32, #tpu.memory_space<hbm>> -> memref<16x1024xf32, #tpu.memory_space<hbm>>
    tpu.enqueue_dma source(%dma_start3A_65 : memref<16x1024xf32, #tpu.memory_space<hbm>>) target(%dma_start3A_63 : memref<16x1024xf32, #tpu.memory_space<vmem>>) target_semaphore(%arg10 : memref<!tpu.dma_semaphore, #tpu.memory_space<semaphore_mem>>)
    %add3A_66 = arith.constant 16 : i32
    %add3A_67 = arith.addi %mul3A_32, %add3A_66 : i32
    %dma_start3A_68 = arith.constant 1 : i32
    %dma_start3A_69 = arith.constant 0 : i32
    %dma_start3A_70 = arith.constant 0 : i32
    %dma_start3A_71 = tpu.memref_slice %arg6[%dma_start3A_68, %dma_start3A_69, %dma_start3A_70] : memref<2x16x1024xf32, #tpu.memory_space<vmem>> -> memref<1x16x1024xf32, #tpu.memory_space<vmem>>
    %dma_start3A_72 = tpu.memref_squeeze %dma_start3A_71 : memref<1x16x1024xf32, #tpu.memory_space<vmem>> -> memref<16x1024xf32, #tpu.memory_space<vmem>>
    %dma_start3A_73 = arith.constant 0 : i32
    %dma_start3A_74 = tpu.memref_slice %arg2[%select_n3A, %add3A_67, %dma_start3A_73] : memref<4x8192x1024xf32, #tpu.memory_space<hbm>> -> memref<1x16x1024xf32, #tpu.memory_space<hbm>>
    %dma_start3A_75 = tpu.memref_squeeze %dma_start3A_74 : memref<1x16x1024xf32, #tpu.memory_space<hbm>> -> memref<16x1024xf32, #tpu.memory_space<hbm>>
    %dma_start3A_76 = arith.constant 0 : i32
    %dma_start3A_77 = arith.constant 0 : i32
    %dma_start3A_78 = tpu.memref_slice %arg6[%dma_start3A_68, %dma_start3A_76, %dma_start3A_77] : memref<2x16x1024xf32, #tpu.memory_space<vmem>> -> memref<1x16x1024xf32, #tpu.memory_space<vmem>>
    %dma_start3A_79 = tpu.memref_squeeze %dma_start3A_78 : memref<1x16x1024xf32, #tpu.memory_space<vmem>> -> memref<16x1024xf32, #tpu.memory_space<vmem>>
    %dma_start3A_80 = arith.constant 0 : i32
    %dma_start3A_81 = tpu.memref_slice %arg2[%select_n3A, %add3A_67, %dma_start3A_80] : memref<4x8192x1024xf32, #tpu.memory_space<hbm>> -> memref<1x16x1024xf32, #tpu.memory_space<hbm>>
    %dma_start3A_82 = tpu.memref_squeeze %dma_start3A_81 : memref<1x16x1024xf32, #tpu.memory_space<hbm>> -> memref<16x1024xf32, #tpu.memory_space<hbm>>
    tpu.enqueue_dma source(%dma_start3A_82 : memref<16x1024xf32, #tpu.memory_space<hbm>>) target(%dma_start3A_79 : memref<16x1024xf32, #tpu.memory_space<vmem>>) target_semaphore(%arg11 : memref<!tpu.dma_semaphore, #tpu.memory_space<semaphore_mem>>)
    %add3A_83 = arith.constant 16 : i32
    %add3A_84 = arith.addi %mul3A_32, %add3A_83 : i32
    %dma_start3A_85 = arith.constant 1 : i32
    %dma_start3A_86 = arith.constant 0 : i32
    %dma_start3A_87 = arith.constant 0 : i32
    %dma_start3A_88 = tpu.memref_slice %arg7[%dma_start3A_85, %dma_start3A_86, %dma_start3A_87] : memref<2x16x1024xf32, #tpu.memory_space<vmem>> -> memref<1x16x1024xf32, #tpu.memory_space<vmem>>
    %dma_start3A_89 = tpu.memref_squeeze %dma_start3A_88 : memref<1x16x1024xf32, #tpu.memory_space<vmem>> -> memref<16x1024xf32, #tpu.memory_space<vmem>>
    %dma_start3A_90 = arith.constant 0 : i32
    %dma_start3A_91 = tpu.memref_slice %arg3[%add3A_84, %dma_start3A_90] : memref<8192x1024xf32, #tpu.memory_space<hbm>> -> memref<16x1024xf32, #tpu.memory_space<hbm>>
    %dma_start3A_92 = arith.constant 0 : i32
    %dma_start3A_93 = arith.constant 0 : i32
    %dma_start3A_94 = tpu.memref_slice %arg7[%dma_start3A_85, %dma_start3A_92, %dma_start3A_93] : memref<2x16x1024xf32, #tpu.memory_space<vmem>> -> memref<1x16x1024xf32, #tpu.memory_space<vmem>>
    %dma_start3A_95 = tpu.memref_squeeze %dma_start3A_94 : memref<1x16x1024xf32, #tpu.memory_space<vmem>> -> memref<16x1024xf32, #tpu.memory_space<vmem>>
    %dma_start3A_96 = arith.constant 0 : i32
    %dma_start3A_97 = tpu.memref_slice %arg3[%add3A_84, %dma_start3A_96] : memref<8192x1024xf32, #tpu.memory_space<hbm>> -> memref<16x1024xf32, #tpu.memory_space<hbm>>
    tpu.enqueue_dma source(%dma_start3A_97 : memref<16x1024xf32, #tpu.memory_space<hbm>>) target(%dma_start3A_95 : memref<16x1024xf32, #tpu.memory_space<vmem>>) target_semaphore(%arg11 : memref<!tpu.dma_semaphore, #tpu.memory_space<semaphore_mem>>)
    %scan3A = arith.constant 0 : i32
    %scan3A_98 = arith.constant 0 : i32
    %scan3A_99 = arith.constant 32 : i32
    %scan3A_100 = arith.addi %scan3A_98, %scan3A_99 : i32
    %scan3A_101 = arith.constant 1 : i32
    scf.for %scan3A_136 = %scan3A_98 to %scan3A_100 step %scan3A_101  : i32 {
      %mul3A_137 = arith.constant 2 : i32
      %mul3A_138 = arith.muli %mul3A_137, %scan3A_136 : i32
      %add3A_139 = arith.constant 0 : i32
      %add3A_140 = arith.addi %mul3A_138, %add3A_139 : i32
      %mul3A_141 = arith.constant 16 : i32
      %mul3A_142 = arith.muli %add3A_140, %mul3A_141 : i32
      %add3A_143 = arith.addi %mul3A_32, %mul3A_142 : i32
      %dma_wait3A_144 = arith.constant 0 : i32
      %dma_wait3A_145 = arith.constant 0 : i32
      %dma_wait3A_146 = arith.constant 0 : i32
      %dma_wait3A_147 = tpu.memref_slice %arg6[%dma_wait3A_144, %dma_wait3A_145, %dma_wait3A_146] : memref<2x16x1024xf32, #tpu.memory_space<vmem>> -> memref<1x16x1024xf32, #tpu.memory_space<vmem>>
      %dma_wait3A_148 = tpu.memref_squeeze %dma_wait3A_147 : memref<1x16x1024xf32, #tpu.memory_space<vmem>> -> memref<16x1024xf32, #tpu.memory_space<vmem>>
      %dma_wait3A_149 = arith.constant 0 : i32
      %dma_wait3A_150 = tpu.memref_slice %arg2[%select_n3A, %add3A_143, %dma_wait3A_149] : memref<4x8192x1024xf32, #tpu.memory_space<hbm>> -> memref<1x16x1024xf32, #tpu.memory_space<hbm>>
      %dma_wait3A_151 = tpu.memref_squeeze %dma_wait3A_150 : memref<1x16x1024xf32, #tpu.memory_space<hbm>> -> memref<16x1024xf32, #tpu.memory_space<hbm>>
      %dma_wait3A_152 = arith.constant 0 : i32
      %dma_wait3A_153 = arith.constant 0 : i32
      %dma_wait3A_154 = tpu.memref_slice %arg6[%dma_wait3A_144, %dma_wait3A_152, %dma_wait3A_153] : memref<2x16x1024xf32, #tpu.memory_space<vmem>> -> memref<1x16x1024xf32, #tpu.memory_space<vmem>>
      %dma_wait3A_155 = tpu.memref_squeeze %dma_wait3A_154 : memref<1x16x1024xf32, #tpu.memory_space<vmem>> -> memref<16x1024xf32, #tpu.memory_space<vmem>>
      %dma_wait3A_156 = arith.constant 0 : i32
      %dma_wait3A_157 = tpu.memref_slice %arg2[%select_n3A, %add3A_143, %dma_wait3A_156] : memref<4x8192x1024xf32, #tpu.memory_space<hbm>> -> memref<1x16x1024xf32, #tpu.memory_space<hbm>>
      %dma_wait3A_158 = tpu.memref_squeeze %dma_wait3A_157 : memref<1x16x1024xf32, #tpu.memory_space<hbm>> -> memref<16x1024xf32, #tpu.memory_space<hbm>>
      tpu.wait_dma2 semaphore(%arg10 : memref<!tpu.dma_semaphore, #tpu.memory_space<semaphore_mem>>) src(%dma_wait3A_158 : memref<16x1024xf32, #tpu.memory_space<hbm>>) dst(%dma_wait3A_155 : memref<16x1024xf32, #tpu.memory_space<vmem>>)
      %mul3A_159 = arith.constant 16 : i32
      %mul3A_160 = arith.muli %add3A_140, %mul3A_159 : i32
      %add3A_161 = arith.addi %mul3A_32, %mul3A_160 : i32
      %dma_wait3A_162 = arith.constant 0 : i32
      %dma_wait3A_163 = arith.constant 0 : i32
      %dma_wait3A_164 = arith.constant 0 : i32
      %dma_wait3A_165 = tpu.memref_slice %arg7[%dma_wait3A_162, %dma_wait3A_163, %dma_wait3A_164] : memref<2x16x1024xf32, #tpu.memory_space<vmem>> -> memref<1x16x1024xf32, #tpu.memory_space<vmem>>
      %dma_wait3A_166 = tpu.memref_squeeze %dma_wait3A_165 : memref<1x16x1024xf32, #tpu.memory_space<vmem>> -> memref<16x1024xf32, #tpu.memory_space<vmem>>
      %dma_wait3A_167 = arith.constant 0 : i32
      %dma_wait3A_168 = tpu.memref_slice %arg3[%add3A_161, %dma_wait3A_167] : memref<8192x1024xf32, #tpu.memory_space<hbm>> -> memref<16x1024xf32, #tpu.memory_space<hbm>>
      %dma_wait3A_169 = arith.constant 0 : i32
      %dma_wait3A_170 = arith.constant 0 : i32
      %dma_wait3A_171 = tpu.memref_slice %arg7[%dma_wait3A_162, %dma_wait3A_169, %dma_wait3A_170] : memref<2x16x1024xf32, #tpu.memory_space<vmem>> -> memref<1x16x1024xf32, #tpu.memory_space<vmem>>
      %dma_wait3A_172 = tpu.memref_squeeze %dma_wait3A_171 : memref<1x16x1024xf32, #tpu.memory_space<vmem>> -> memref<16x1024xf32, #tpu.memory_space<vmem>>
      %dma_wait3A_173 = arith.constant 0 : i32
      %dma_wait3A_174 = tpu.memref_slice %arg3[%add3A_161, %dma_wait3A_173] : memref<8192x1024xf32, #tpu.memory_space<hbm>> -> memref<16x1024xf32, #tpu.memory_space<hbm>>
      tpu.wait_dma2 semaphore(%arg10 : memref<!tpu.dma_semaphore, #tpu.memory_space<semaphore_mem>>) src(%dma_wait3A_174 : memref<16x1024xf32, #tpu.memory_space<hbm>>) dst(%dma_wait3A_172 : memref<16x1024xf32, #tpu.memory_space<vmem>>)
      %ge3A = arith.constant 1 : i32
      %ge3A_175 = arith.cmpi sge, %scan3A_136, %ge3A : i32
      %convert_element_type3A = arith.extui %ge3A_175 : i1 to i32
      %cond3A = arith.constant 0 : i32
      %cond3A_176 = arith.cmpi ne, %convert_element_type3A, %cond3A : i32
      scf.if %cond3A_176 {
        %sub3A_282 = arith.constant 2 : i32
        %sub3A_283 = arith.subi %add3A_140, %sub3A_282 : i32
        %mul3A_284 = arith.constant 16 : i32
        %mul3A_285 = arith.muli %sub3A_283, %mul3A_284 : i32
        %add3A_286 = arith.addi %mul3A_32, %mul3A_285 : i32
        %dma_wait3A_287 = arith.constant 0 : i32
        %dma_wait3A_288 = arith.constant 0 : i32
        %dma_wait3A_289 = arith.constant 0 : i32
        %dma_wait3A_290 = tpu.memref_slice %arg8[%dma_wait3A_287, %dma_wait3A_288, %dma_wait3A_289] : memref<2x16x1024xf32, #tpu.memory_space<vmem>> -> memref<1x16x1024xf32, #tpu.memory_space<vmem>>
        %dma_wait3A_291 = tpu.memref_squeeze %dma_wait3A_290 : memref<1x16x1024xf32, #tpu.memory_space<vmem>> -> memref<16x1024xf32, #tpu.memory_space<vmem>>
        %dma_wait3A_292 = arith.constant 0 : i32
        %dma_wait3A_293 = tpu.memref_slice %arg5[%select_n3A, %add3A_286, %dma_wait3A_292] : memref<4x8192x1024xf32, #tpu.memory_space<hbm>> -> memref<1x16x1024xf32, #tpu.memory_space<hbm>>
        %dma_wait3A_294 = tpu.memref_squeeze %dma_wait3A_293 : memref<1x16x1024xf32, #tpu.memory_space<hbm>> -> memref<16x1024xf32, #tpu.memory_space<hbm>>
        %dma_wait3A_295 = arith.constant 0 : i32
        %dma_wait3A_296 = tpu.memref_slice %arg5[%select_n3A, %add3A_286, %dma_wait3A_295] : memref<4x8192x1024xf32, #tpu.memory_space<hbm>> -> memref<1x16x1024xf32, #tpu.memory_space<hbm>>
        %dma_wait3A_297 = tpu.memref_squeeze %dma_wait3A_296 : memref<1x16x1024xf32, #tpu.memory_space<hbm>> -> memref<16x1024xf32, #tpu.memory_space<hbm>>
        %dma_wait3A_298 = arith.constant 0 : i32
        %dma_wait3A_299 = arith.constant 0 : i32
        %dma_wait3A_300 = tpu.memref_slice %arg8[%dma_wait3A_287, %dma_wait3A_298, %dma_wait3A_299] : memref<2x16x1024xf32, #tpu.memory_space<vmem>> -> memref<1x16x1024xf32, #tpu.memory_space<vmem>>
        %dma_wait3A_301 = tpu.memref_squeeze %dma_wait3A_300 : memref<1x16x1024xf32, #tpu.memory_space<vmem>> -> memref<16x1024xf32, #tpu.memory_space<vmem>>
        tpu.wait_dma2 semaphore(%arg12 : memref<!tpu.dma_semaphore, #tpu.memory_space<semaphore_mem>>) src(%dma_wait3A_301 : memref<16x1024xf32, #tpu.memory_space<vmem>>) dst(%dma_wait3A_297 : memref<16x1024xf32, #tpu.memory_space<hbm>>)
      } else {
      }
      %scan3A_177 = arith.constant 0 : i32
      %scan3A_178 = arith.constant 0 : i32
      %scan3A_179 = arith.constant 16 : i32
      %scan3A_180 = arith.addi %scan3A_178, %scan3A_179 : i32
      %scan3A_181 = arith.constant 1 : i32
      scf.for %scan3A_282 = %scan3A_178 to %scan3A_180 step %scan3A_181  : i32 {
        %get3A_283 = arith.constant 0 : i32
        %get3A_284 = arith.index_cast %get3A_283 : i32 to index
        %get3A_285 = arith.index_cast %scan3A_282 : i32 to index
        %get3A_286 = arith.constant 0 : index
        %get3A_287 = tpu.vector_load %arg6[%get3A_284, %get3A_285, %get3A_286] {strides = array<i32>} : memref<2x16x1024xf32, #tpu.memory_space<vmem>>, vector<1x1x16xf32>,
        %get3A_288 = vector.shape_cast %get3A_287 : vector<1x1x16xf32> to vector<16xf32>
        %get3A_289 = arith.constant 0 : i32
        %get3A_290 = arith.index_cast %get3A_289 : i32 to index
        %get3A_291 = arith.index_cast %scan3A_282 : i32 to index
        %get3A_292 = arith.constant 0 : index
        %get3A_293 = tpu.vector_load %arg7[%get3A_290, %get3A_291, %get3A_292] {strides = array<i32>} : memref<2x16x1024xf32, #tpu.memory_space<vmem>>, vector<1x1x16xf32>,
        %get3A_294 = vector.shape_cast %get3A_293 : vector<1x1x16xf32> to vector<16xf32>
        %mul3A_295 = arith.mulf %get3A_294, %get3A_34 : vector<16xf32>
        %add3A_296 = arith.addf %get3A_288, %mul3A_295 : vector<16xf32>
        %swap3A = arith.constant 0 : i32
        %swap3A_297 = arith.index_cast %swap3A : i32 to index
        %swap3A_298 = arith.index_cast %scan3A_282 : i32 to index
        %swap3A_299 = arith.constant 0 : index
        %swap3A_300 = tpu.vector_load %arg8[%swap3A_297, %swap3A_298, %swap3A_299] {strides = array<i32>} : memref<2x16x1024xf32, #tpu.memory_space<vmem>>, vector<1x1x16xf32>,
        %swap3A_301 = vector.shape_cast %swap3A_300 : vector<1x1x16xf32> to vector<16xf32>
        %swap3A_302 = vector.shape_cast %add3A_296 : vector<16xf32> to vector<1x1x16xf32>
        tpu.vector_store %arg8[%swap3A_297, %swap3A_298, %swap3A_299], %swap3A_302 {strides = array<i32>} : memref<2x16x1024xf32, #tpu.memory_space<vmem>>, vector<1x1x16xf32>,
        %get3A_303 = arith.constant 0 : i32
        %get3A_304 = arith.index_cast %get3A_303 : i32 to index
        %get3A_305 = arith.index_cast %scan3A_282 : i32 to index
        %get3A_306 = arith.constant 16 : index
        %get3A_307 = tpu.vector_load %arg6[%get3A_304, %get3A_305, %get3A_306] {strides = array<i32>} : memref<2x16x1024xf32, #tpu.memory_space<vmem>>, vector<1x1x16xf32>,
        %get3A_308 = vector.shape_cast %get3A_307 : vector<1x1x16xf32> to vector<16xf32>
        %get3A_309 = arith.constant 0 : i32
        %get3A_310 = arith.index_cast %get3A_309 : i32 to index
        %get3A_311 = arith.index_cast %scan3A_282 : i32 to index
        %get3A_312 = arith.constant 16 : index
        %get3A_313 = tpu.vector_load %arg7[%get3A_310, %get3A_311, %get3A_312] {strides = array<i32>} : memref<2x16x1024xf32, #tpu.memory_space<vmem>>, vector<1x1x16xf32>,
        %get3A_314 = vector.shape_cast %get3A_313 : vector<1x1x16xf32> to vector<16xf32>
        %mul3A_315 = arith.mulf %get3A_314, %get3A_34 : vector<16xf32>
        %add3A_316 = arith.addf %get3A_308, %mul3A_315 : vector<16xf32>
        %swap3A_317 = arith.constant 0 : i32
        %swap3A_318 = arith.index_cast %swap3A_317 : i32 to index
        %swap3A_319 = arith.index_cast %scan3A_282 : i32 to index
        %swap3A_320 = arith.constant 16 : index
        %swap3A_321 = tpu.vector_load %arg8[%swap3A_318, %swap3A_319, %swap3A_320] {strides = array<i32>} : memref<2x16x1024xf32, #tpu.memory_space<vmem>>, vector<1x1x16xf32>,
        %swap3A_322 = vector.shape_cast %swap3A_321 : vector<1x1x16xf32> to vector<16xf32>
        %swap3A_323 = vector.shape_cast %add3A_316 : vector<16xf32> to vector<1x1x16xf32>
        tpu.vector_store %arg8[%swap3A_318, %swap3A_319, %swap3A_320], %swap3A_323 {strides = array<i32>} : memref<2x16x1024xf32, #tpu.memory_space<vmem>>, vector<1x1x16xf32>,
        %get3A_324 = arith.constant 0 : i32
        %get3A_325 = arith.index_cast %get3A_324 : i32 to index
        %get3A_326 = arith.index_cast %scan3A_282 : i32 to index
        %get3A_327 = arith.constant 32 : index
        %get3A_328 = tpu.vector_load %arg6[%get3A_325, %get3A_326, %get3A_327] {strides = array<i32>} : memref<2x16x1024xf32, #tpu.memory_space<vmem>>, vector<1x1x16xf32>,
        %get3A_329 = vector.shape_cast %get3A_328 : vector<1x1x16xf32> to vector<16xf32>
        %get3A_330 = arith.constant 0 : i32
        %get3A_331 = arith.index_cast %get3A_330 : i32 to index
        %get3A_332 = arith.index_cast %scan3A_282 : i32 to index
        %get3A_333 = arith.constant 32 : index
        %get3A_334 = tpu.vector_load %arg7[%get3A_331, %get3A_332, %get3A_333] {strides = array<i32>} : memref<2x16x1024xf32, #tpu.memory_space<vmem>>, vector<1x1x16xf32>,
        %get3A_335 = vector.shape_cast %get3A_334 : vector<1x1x16xf32> to vector<16xf32>
        %mul3A_336 = arith.mulf %get3A_335, %get3A_34 : vector<16xf32>
        %add3A_337 = arith.addf %get3A_329, %mul3A_336 : vector<16xf32>
        %swap3A_338 = arith.constant 0 : i32
        %swap3A_339 = arith.index_cast %swap3A_338 : i32 to index
        %swap3A_340 = arith.index_cast %scan3A_282 : i32 to index
        %swap3A_341 = arith.constant 32 : index
        %swap3A_342 = tpu.vector_load %arg8[%swap3A_339, %swap3A_340, %swap3A_341] {strides = array<i32>} : memref<2x16x1024xf32, #tpu.memory_space<vmem>>, vector<1x1x16xf32>,
        %swap3A_343 = vector.shape_cast %swap3A_342 : vector<1x1x16xf32> to vector<16xf32>
        %swap3A_344 = vector.shape_cast %add3A_337 : vector<16xf32> to vector<1x1x16xf32>
        tpu.vector_store %arg8[%swap3A_339, %swap3A_340, %swap3A_341], %swap3A_344 {strides = array<i32>} : memref<2x16x1024xf32, #tpu.memory_space<vmem>>, vector<1x1x16xf32>,
        %get3A_345 = arith.constant 0 : i32
        %get3A_346 = arith.index_cast %get3A_345 : i32 to index
        %get3A_347 = arith.index_cast %scan3A_282 : i32 to index
        %get3A_348 = arith.constant 48 : index
        %get3A_349 = tpu.vector_load %arg6[%get3A_346, %get3A_347, %get3A_348] {strides = array<i32>} : memref<2x16x1024xf32, #tpu.memory_space<vmem>>, vector<1x1x16xf32>,
        %get3A_350 = vector.shape_cast %get3A_349 : vector<1x1x16xf32> to vector<16xf32>
        %get3A_351 = arith.constant 0 : i32
        %get3A_352 = arith.index_cast %get3A_351 : i32 to index
        %get3A_353 = arith.index_cast %scan3A_282 : i32 to index
        %get3A_354 = arith.constant 48 : index
        %get3A_355 = tpu.vector_load %arg7[%get3A_352, %get3A_353, %get3A_354] {strides = array<i32>} : memref<2x16x1024xf32, #tpu.memory_space<vmem>>, vector<1x1x16xf32>,
        %get3A_356 = vector.shape_cast %get3A_355 : vector<1x1x16xf32> to vector<16xf32>
        %mul3A_357 = arith.mulf %get3A_356, %get3A_34 : vector<16xf32>
        %add3A_358 = arith.addf %get3A_350, %mul3A_357 : vector<16xf32>
        %swap3A_359 = arith.constant 0 : i32
        %swap3A_360 = arith.index_cast %swap3A_359 : i32 to index
        %swap3A_361 = arith.index_cast %scan3A_282 : i32 to index
        %swap3A_362 = arith.constant 48 : index
        %swap3A_363 = tpu.vector_load %arg8[%swap3A_360, %swap3A_361, %swap3A_362] {strides = array<i32>} : memref<2x16x1024xf32, #tpu.memory_space<vmem>>, vector<1x1x16xf32>,
        %swap3A_364 = vector.shape_cast %swap3A_363 : vector<1x1x16xf32> to vector<16xf32>
        %swap3A_365 = vector.shape_cast %add3A_358 : vector<16xf32> to vector<1x1x16xf32>
        tpu.vector_store %arg8[%swap3A_360, %swap3A_361, %swap3A_362], %swap3A_365 {strides = array<i32>} : memref<2x16x1024xf32, #tpu.memory_space<vmem>>, vector<1x1x16xf32>,
        %get3A_366 = arith.constant 0 : i32
        %get3A_367 = arith.index_cast %get3A_366 : i32 to index
        %get3A_368 = arith.index_cast %scan3A_282 : i32 to index
        %get3A_369 = arith.constant 64 : index
        %get3A_370 = tpu.vector_load %arg6[%get3A_367, %get3A_368, %get3A_369] {strides = array<i32>} : memref<2x16x1024xf32, #tpu.memory_space<vmem>>, vector<1x1x16xf32>,
        %get3A_371 = vector.shape_cast %get3A_370 : vector<1x1x16xf32> to vector<16xf32>
        %get3A_372 = arith.constant 0 : i32
        %get3A_373 = arith.index_cast %get3A_372 : i32 to index
        %get3A_374 = arith.index_cast %scan3A_282 : i32 to index
        %get3A_375 = arith.constant 64 : index
        %get3A_376 = tpu.vector_load %arg7[%get3A_373, %get3A_374, %get3A_375] {strides = array<i32>} : memref<2x16x1024xf32, #tpu.memory_space<vmem>>, vector<1x1x16xf32>,
        %get3A_377 = vector.shape_cast %get3A_376 : vector<1x1x16xf32> to vector<16xf32>
        %mul3A_378 = arith.mulf %get3A_377, %get3A_34 : vector<16xf32>
        %add3A_379 = arith.addf %get3A_371, %mul3A_378 : vector<16xf32>
        %swap3A_380 = arith.constant 0 : i32
        %swap3A_381 = arith.index_cast %swap3A_380 : i32 to index
        %swap3A_382 = arith.index_cast %scan3A_282 : i32 to index
        %swap3A_383 = arith.constant 64 : index
        %swap3A_384 = tpu.vector_load %arg8[%swap3A_381, %swap3A_382, %swap3A_383] {strides = array<i32>} : memref<2x16x1024xf32, #tpu.memory_space<vmem>>, vector<1x1x16xf32>,
        %swap3A_385 = vector.shape_cast %swap3A_384 : vector<1x1x16xf32> to vector<16xf32>
        %swap3A_386 = vector.shape_cast %add3A_379 : vector<16xf32> to vector<1x1x16xf32>
        tpu.vector_store %arg8[%swap3A_381, %swap3A_382, %swap3A_383], %swap3A_386 {strides = array<i32>} : memref<2x16x1024xf32, #tpu.memory_space<vmem>>, vector<1x1x16xf32>,
        %get3A_387 = arith.constant 0 : i32
        %get3A_388 = arith.index_cast %get3A_387 : i32 to index
        %get3A_389 = arith.index_cast %scan3A_282 : i32 to index
        %get3A_390 = arith.constant 80 : index
        %get3A_391 = tpu.vector_load %arg6[%get3A_388, %get3A_389, %get3A_390] {strides = array<i32>} : memref<2x16x1024xf32, #tpu.memory_space<vmem>>, vector<1x1x16xf32>,
        %get3A_392 = vector.shape_cast %get3A_391 : vector<1x1x16xf32> to vector<16xf32>
        %get3A_393 = arith.constant 0 : i32
        %get3A_394 = arith.index_cast %get3A_393 : i32 to index
        %get3A_395 = arith.index_cast %scan3A_282 : i32 to index
        %get3A_396 = arith.constant 80 : index
        %get3A_397 = tpu.vector_load %arg7[%get3A_394, %get3A_395, %get3A_396] {strides = array<i32>} : memref<2x16x1024xf32, #tpu.memory_space<vmem>>, vector<1x1x16xf32>,
        %get3A_398 = vector.shape_cast %get3A_397 : vector<1x1x16xf32> to vector<16xf32>
        %mul3A_399 = arith.mulf %get3A_398, %get3A_34 : vector<16xf32>
        %add3A_400 = arith.addf %get3A_392, %mul3A_399 : vector<16xf32>
        %swap3A_401 = arith.constant 0 : i32
        %swap3A_402 = arith.index_cast %swap3A_401 : i32 to index
        %swap3A_403 = arith.index_cast %scan3A_282 : i32 to index
        %swap3A_404 = arith.constant 80 : index
        %swap3A_405 = tpu.vector_load %arg8[%swap3A_402, %swap3A_403, %swap3A_404] {strides = array<i32>} : memref<2x16x1024xf32, #tpu.memory_space<vmem>>, vector<1x1x16xf32>,
        %swap3A_406 = vector.shape_cast %swap3A_405 : vector<1x1x16xf32> to vector<16xf32>
        %swap3A_407 = vector.shape_cast %add3A_400 : vector<16xf32> to vector<1x1x16xf32>
        tpu.vector_store %arg8[%swap3A_402, %swap3A_403, %swap3A_404], %swap3A_407 {strides = array<i32>} : memref<2x16x1024xf32, #tpu.memory_space<vmem>>, vector<1x1x16xf32>,
        %get3A_408 = arith.constant 0 : i32
        %get3A_409 = arith.index_cast %get3A_408 : i32 to index
        %get3A_410 = arith.index_cast %scan3A_282 : i32 to index
        %get3A_411 = arith.constant 96 : index
        %get3A_412 = tpu.vector_load %arg6[%get3A_409, %get3A_410, %get3A_411] {strides = array<i32>} : memref<2x16x1024xf32, #tpu.memory_space<vmem>>, vector<1x1x16xf32>,
        %get3A_413 = vector.shape_cast %get3A_412 : vector<1x1x16xf32> to vector<16xf32>
        %get3A_414 = arith.constant 0 : i32
        %get3A_415 = arith.index_cast %get3A_414 : i32 to index
        %get3A_416 = arith.index_cast %scan3A_282 : i32 to index
        %get3A_417 = arith.constant 96 : index
        %get3A_418 = tpu.vector_load %arg7[%get3A_415, %get3A_416, %get3A_417] {strides = array<i32>} : memref<2x16x1024xf32, #tpu.memory_space<vmem>>, vector<1x1x16xf32>,
        %get3A_419 = vector.shape_cast %get3A_418 : vector<1x1x16xf32> to vector<16xf32>
        %mul3A_420 = arith.mulf %get3A_419, %get3A_34 : vector<16xf32>
        %add3A_421 = arith.addf %get3A_413, %mul3A_420 : vector<16xf32>
        %swap3A_422 = arith.constant 0 : i32
        %swap3A_423 = arith.index_cast %swap3A_422 : i32 to index
        %swap3A_424 = arith.index_cast %scan3A_282 : i32 to index
        %swap3A_425 = arith.constant 96 : index
        %swap3A_426 = tpu.vector_load %arg8[%swap3A_423, %swap3A_424, %swap3A_425] {strides = array<i32>} : memref<2x16x1024xf32, #tpu.memory_space<vmem>>, vector<1x1x16xf32>,
        %swap3A_427 = vector.shape_cast %swap3A_426 : vector<1x1x16xf32> to vector<16xf32>
        %swap3A_428 = vector.shape_cast %add3A_421 : vector<16xf32> to vector<1x1x16xf32>
        tpu.vector_store %arg8[%swap3A_423, %swap3A_424, %swap3A_425], %swap3A_428 {strides = array<i32>} : memref<2x16x1024xf32, #tpu.memory_space<vmem>>, vector<1x1x16xf32>,
        %get3A_429 = arith.constant 0 : i32
        %get3A_430 = arith.index_cast %get3A_429 : i32 to index
        %get3A_431 = arith.index_cast %scan3A_282 : i32 to index
        %get3A_432 = arith.constant 112 : index
        %get3A_433 = tpu.vector_load %arg6[%get3A_430, %get3A_431, %get3A_432] {strides = array<i32>} : memref<2x16x1024xf32, #tpu.memory_space<vmem>>, vector<1x1x16xf32>,
        %get3A_434 = vector.shape_cast %get3A_433 : vector<1x1x16xf32> to vector<16xf32>
        %get3A_435 = arith.constant 0 : i32
        %get3A_436 = arith.index_cast %get3A_435 : i32 to index
        %get3A_437 = arith.index_cast %scan3A_282 : i32 to index
        %get3A_438 = arith.constant 112 : index
        %get3A_439 = tpu.vector_load %arg7[%get3A_436, %get3A_437, %get3A_438] {strides = array<i32>} : memref<2x16x1024xf32, #tpu.memory_space<vmem>>, vector<1x1x16xf32>,
        %get3A_440 = vector.shape_cast %get3A_439 : vector<1x1x16xf32> to vector<16xf32>
        %mul3A_441 = arith.mulf %get3A_440, %get3A_34 : vector<16xf32>
        %add3A_442 = arith.addf %get3A_434, %mul3A_441 : vector<16xf32>
        %swap3A_443 = arith.constant 0 : i32
        %swap3A_444 = arith.index_cast %swap3A_443 : i32 to index
        %swap3A_445 = arith.index_cast %scan3A_282 : i32 to index
        %swap3A_446 = arith.constant 112 : index
        %swap3A_447 = tpu.vector_load %arg8[%swap3A_444, %swap3A_445, %swap3A_446] {strides = array<i32>} : memref<2x16x1024xf32, #tpu.memory_space<vmem>>, vector<1x1x16xf32>,
        %swap3A_448 = vector.shape_cast %swap3A_447 : vector<1x1x16xf32> to vector<16xf32>
        %swap3A_449 = vector.shape_cast %add3A_442 : vector<16xf32> to vector<1x1x16xf32>
        tpu.vector_store %arg8[%swap3A_444, %swap3A_445, %swap3A_446], %swap3A_449 {strides = array<i32>} : memref<2x16x1024xf32, #tpu.memory_space<vmem>>, vector<1x1x16xf32>,
        %get3A_450 = arith.constant 0 : i32
        %get3A_451 = arith.index_cast %get3A_450 : i32 to index
        %get3A_452 = arith.index_cast %scan3A_282 : i32 to index
        %get3A_453 = arith.constant 128 : index
        %get3A_454 = tpu.vector_load %arg6[%get3A_451, %get3A_452, %get3A_453] {strides = array<i32>} : memref<2x16x1024xf32, #tpu.memory_space<vmem>>, vector<1x1x16xf32>,
        %get3A_455 = vector.shape_cast %get3A_454 : vector<1x1x16xf32> to vector<16xf32>
        %get3A_456 = arith.constant 0 : i32
        %get3A_457 = arith.index_cast %get3A_456 : i32 to index
        %get3A_458 = arith.index_cast %scan3A_282 : i32 to index
        %get3A_459 = arith.constant 128 : index
        %get3A_460 = tpu.vector_load %arg7[%get3A_457, %get3A_458, %get3A_459] {strides = array<i32>} : memref<2x16x1024xf32, #tpu.memory_space<vmem>>, vector<1x1x16xf32>,
        %get3A_461 = vector.shape_cast %get3A_460 : vector<1x1x16xf32> to vector<16xf32>
        %mul3A_462 = arith.mulf %get3A_461, %get3A_34 : vector<16xf32>
        %add3A_463 = arith.addf %get3A_455, %mul3A_462 : vector<16xf32>
        %swap3A_464 = arith.constant 0 : i32
        %swap3A_465 = arith.index_cast %swap3A_464 : i32 to index
        %swap3A_466 = arith.index_cast %scan3A_282 : i32 to index
        %swap3A_467 = arith.constant 128 : index
        %swap3A_468 = tpu.vector_load %arg8[%swap3A_465, %swap3A_466, %swap3A_467] {strides = array<i32>} : memref<2x16x1024xf32, #tpu.memory_space<vmem>>, vector<1x1x16xf32>,
        %swap3A_469 = vector.shape_cast %swap3A_468 : vector<1x1x16xf32> to vector<16xf32>
        %swap3A_470 = vector.shape_cast %add3A_463 : vector<16xf32> to vector<1x1x16xf32>
        tpu.vector_store %arg8[%swap3A_465, %swap3A_466, %swap3A_467], %swap3A_470 {strides = array<i32>} : memref<2x16x1024xf32, #tpu.memory_space<vmem>>, vector<1x1x16xf32>,
        %get3A_471 = arith.constant 0 : i32
        %get3A_472 = arith.index_cast %get3A_471 : i32 to index
        %get3A_473 = arith.index_cast %scan3A_282 : i32 to index
        %get3A_474 = arith.constant 144 : index
        %get3A_475 = tpu.vector_load %arg6[%get3A_472, %get3A_473, %get3A_474] {strides = array<i32>} : memref<2x16x1024xf32, #tpu.memory_space<vmem>>, vector<1x1x16xf32>,
        %get3A_476 = vector.shape_cast %get3A_475 : vector<1x1x16xf32> to vector<16xf32>
        %get3A_477 = arith.constant 0 : i32
        %get3A_478 = arith.index_cast %get3A_477 : i32 to index
        %get3A_479 = arith.index_cast %scan3A_282 : i32 to index
        %get3A_480 = arith.constant 144 : index
        %get3A_481 = tpu.vector_load %arg7[%get3A_478, %get3A_479, %get3A_480] {strides = array<i32>} : memref<2x16x1024xf32, #tpu.memory_space<vmem>>, vector<1x1x16xf32>,
        %get3A_482 = vector.shape_cast %get3A_481 : vector<1x1x16xf32> to vector<16xf32>
        %mul3A_483 = arith.mulf %get3A_482, %get3A_34 : vector<16xf32>
        %add3A_484 = arith.addf %get3A_476, %mul3A_483 : vector<16xf32>
        %swap3A_485 = arith.constant 0 : i32
        %swap3A_486 = arith.index_cast %swap3A_485 : i32 to index
        %swap3A_487 = arith.index_cast %scan3A_282 : i32 to index
        %swap3A_488 = arith.constant 144 : index
        %swap3A_489 = tpu.vector_load %arg8[%swap3A_486, %swap3A_487, %swap3A_488] {strides = array<i32>} : memref<2x16x1024xf32, #tpu.memory_space<vmem>>, vector<1x1x16xf32>,
        %swap3A_490 = vector.shape_cast %swap3A_489 : vector<1x1x16xf32> to vector<16xf32>
        %swap3A_491 = vector.shape_cast %add3A_484 : vector<16xf32> to vector<1x1x16xf32>
        tpu.vector_store %arg8[%swap3A_486, %swap3A_487, %swap3A_488], %swap3A_491 {strides = array<i32>} : memref<2x16x1024xf32, #tpu.memory_space<vmem>>, vector<1x1x16xf32>,
        %get3A_492 = arith.constant 0 : i32
        %get3A_493 = arith.index_cast %get3A_492 : i32 to index
        %get3A_494 = arith.index_cast %scan3A_282 : i32 to index
        %get3A_495 = arith.constant 160 : index
        %get3A_496 = tpu.vector_load %arg6[%get3A_493, %get3A_494, %get3A_495] {strides = array<i32>} : memref<2x16x1024xf32, #tpu.memory_space<vmem>>, vector<1x1x16xf32>,
        %get3A_497 = vector.shape_cast %get3A_496 : vector<1x1x16xf32> to vector<16xf32>
        %get3A_498 = arith.constant 0 : i32
        %get3A_499 = arith.index_cast %get3A_498 : i32 to index
        %get3A_500 = arith.index_cast %scan3A_282 : i32 to index
        %get3A_501 = arith.constant 160 : index
        %get3A_502 = tpu.vector_load %arg7[%get3A_499, %get3A_500, %get3A_501] {strides = array<i32>} : memref<2x16x1024xf32, #tpu.memory_space<vmem>>, vector<1x1x16xf32>,
        %get3A_503 = vector.shape_cast %get3A_502 : vector<1x1x16xf32> to vector<16xf32>
        %mul3A_504 = arith.mulf %get3A_503, %get3A_34 : vector<16xf32>
        %add3A_505 = arith.addf %get3A_497, %mul3A_504 : vector<16xf32>
        %swap3A_506 = arith.constant 0 : i32
        %swap3A_507 = arith.index_cast %swap3A_506 : i32 to index
        %swap3A_508 = arith.index_cast %scan3A_282 : i32 to index
        %swap3A_509 = arith.constant 160 : index
        %swap3A_510 = tpu.vector_load %arg8[%swap3A_507, %swap3A_508, %swap3A_509] {strides = array<i32>} : memref<2x16x1024xf32, #tpu.memory_space<vmem>>, vector<1x1x16xf32>,
        %swap3A_511 = vector.shape_cast %swap3A_510 : vector<1x1x16xf32> to vector<16xf32>
        %swap3A_512 = vector.shape_cast %add3A_505 : vector<16xf32> to vector<1x1x16xf32>
        tpu.vector_store %arg8[%swap3A_507, %swap3A_508, %swap3A_509], %swap3A_512 {strides = array<i32>} : memref<2x16x1024xf32, #tpu.memory_space<vmem>>, vector<1x1x16xf32>,
        %get3A_513 = arith.constant 0 : i32
        %get3A_514 = arith.index_cast %get3A_513 : i32 to index
        %get3A_515 = arith.index_cast %scan3A_282 : i32 to index
        %get3A_516 = arith.constant 176 : index
        %get3A_517 = tpu.vector_load %arg6[%get3A_514, %get3A_515, %get3A_516] {strides = array<i32>} : memref<2x16x1024xf32, #tpu.memory_space<vmem>>, vector<1x1x16xf32>,
        %get3A_518 = vector.shape_cast %get3A_517 : vector<1x1x16xf32> to vector<16xf32>
        %get3A_519 = arith.constant 0 : i32
        %get3A_520 = arith.index_cast %get3A_519 : i32 to index
        %get3A_521 = arith.index_cast %scan3A_282 : i32 to index
        %get3A_522 = arith.constant 176 : index
        %get3A_523 = tpu.vector_load %arg7[%get3A_520, %get3A_521, %get3A_522] {strides = array<i32>} : memref<2x16x1024xf32, #tpu.memory_space<vmem>>, vector<1x1x16xf32>,
        %get3A_524 = vector.shape_cast %get3A_523 : vector<1x1x16xf32> to vector<16xf32>
        %mul3A_525 = arith.mulf %get3A_524, %get3A_34 : vector<16xf32>
        %add3A_526 = arith.addf %get3A_518, %mul3A_525 : vector<16xf32>
        %swap3A_527 = arith.constant 0 : i32
        %swap3A_528 = arith.index_cast %swap3A_527 : i32 to index
        %swap3A_529 = arith.index_cast %scan3A_282 : i32 to index
        %swap3A_530 = arith.constant 176 : index
        %swap3A_531 = tpu.vector_load %arg8[%swap3A_528, %swap3A_529, %swap3A_530] {strides = array<i32>} : memref<2x16x1024xf32, #tpu.memory_space<vmem>>, vector<1x1x16xf32>,
        %swap3A_532 = vector.shape_cast %swap3A_531 : vector<1x1x16xf32> to vector<16xf32>
        %swap3A_533 = vector.shape_cast %add3A_526 : vector<16xf32> to vector<1x1x16xf32>
        tpu.vector_store %arg8[%swap3A_528, %swap3A_529, %swap3A_530], %swap3A_533 {strides = array<i32>} : memref<2x16x1024xf32, #tpu.memory_space<vmem>>, vector<1x1x16xf32>,
        %get3A_534 = arith.constant 0 : i32
        %get3A_535 = arith.index_cast %get3A_534 : i32 to index
        %get3A_536 = arith.index_cast %scan3A_282 : i32 to index
        %get3A_537 = arith.constant 192 : index
        %get3A_538 = tpu.vector_load %arg6[%get3A_535, %get3A_536, %get3A_537] {strides = array<i32>} : memref<2x16x1024xf32, #tpu.memory_space<vmem>>, vector<1x1x16xf32>,
        %get3A_539 = vector.shape_cast %get3A_538 : vector<1x1x16xf32> to vector<16xf32>
        %get3A_540 = arith.constant 0 : i32
        %get3A_541 = arith.index_cast %get3A_540 : i32 to index
        %get3A_542 = arith.index_cast %scan3A_282 : i32 to index
        %get3A_543 = arith.constant 192 : index
        %get3A_544 = tpu.vector_load %arg7[%get3A_541, %get3A_542, %get3A_543] {strides = array<i32>} : memref<2x16x1024xf32, #tpu.memory_space<vmem>>, vector<1x1x16xf32>,
        %get3A_545 = vector.shape_cast %get3A_544 : vector<1x1x16xf32> to vector<16xf32>
        %mul3A_546 = arith.mulf %get3A_545, %get3A_34 : vector<16xf32>
        %add3A_547 = arith.addf %get3A_539, %mul3A_546 : vector<16xf32>
        %swap3A_548 = arith.constant 0 : i32
        %swap3A_549 = arith.index_cast %swap3A_548 : i32 to index
        %swap3A_550 = arith.index_cast %scan3A_282 : i32 to index
        %swap3A_551 = arith.constant 192 : index
        %swap3A_552 = tpu.vector_load %arg8[%swap3A_549, %swap3A_550, %swap3A_551] {strides = array<i32>} : memref<2x16x1024xf32, #tpu.memory_space<vmem>>, vector<1x1x16xf32>,
        %swap3A_553 = vector.shape_cast %swap3A_552 : vector<1x1x16xf32> to vector<16xf32>
        %swap3A_554 = vector.shape_cast %add3A_547 : vector<16xf32> to vector<1x1x16xf32>
        tpu.vector_store %arg8[%swap3A_549, %swap3A_550, %swap3A_551], %swap3A_554 {strides = array<i32>} : memref<2x16x1024xf32, #tpu.memory_space<vmem>>, vector<1x1x16xf32>,
        %get3A_555 = arith.constant 0 : i32
        %get3A_556 = arith.index_cast %get3A_555 : i32 to index
        %get3A_557 = arith.index_cast %scan3A_282 : i32 to index
        %get3A_558 = arith.constant 208 : index
        %get3A_559 = tpu.vector_load %arg6[%get3A_556, %get3A_557, %get3A_558] {strides = array<i32>} : memref<2x16x1024xf32, #tpu.memory_space<vmem>>, vector<1x1x16xf32>,
        %get3A_560 = vector.shape_cast %get3A_559 : vector<1x1x16xf32> to vector<16xf32>
        %get3A_561 = arith.constant 0 : i32
        %get3A_562 = arith.index_cast %get3A_561 : i32 to index
        %get3A_563 = arith.index_cast %scan3A_282 : i32 to index
        %get3A_564 = arith.constant 208 : index
        %get3A_565 = tpu.vector_load %arg7[%get3A_562, %get3A_563, %get3A_564] {strides = array<i32>} : memref<2x16x1024xf32, #tpu.memory_space<vmem>>, vector<1x1x16xf32>,
        %get3A_566 = vector.shape_cast %get3A_565 : vector<1x1x16xf32> to vector<16xf32>
        %mul3A_567 = arith.mulf %get3A_566, %get3A_34 : vector<16xf32>
        %add3A_568 = arith.addf %get3A_560, %mul3A_567 : vector<16xf32>
        %swap3A_569 = arith.constant 0 : i32
        %swap3A_570 = arith.index_cast %swap3A_569 : i32 to index
        %swap3A_571 = arith.index_cast %scan3A_282 : i32 to index
        %swap3A_572 = arith.constant 208 : index
        %swap3A_573 = tpu.vector_load %arg8[%swap3A_570, %swap3A_571, %swap3A_572] {strides = array<i32>} : memref<2x16x1024xf32, #tpu.memory_space<vmem>>, vector<1x1x16xf32>,
        %swap3A_574 = vector.shape_cast %swap3A_573 : vector<1x1x16xf32> to vector<16xf32>
        %swap3A_575 = vector.shape_cast %add3A_568 : vector<16xf32> to vector<1x1x16xf32>
        tpu.vector_store %arg8[%swap3A_570, %swap3A_571, %swap3A_572], %swap3A_575 {strides = array<i32>} : memref<2x16x1024xf32, #tpu.memory_space<vmem>>, vector<1x1x16xf32>,
        %get3A_576 = arith.constant 0 : i32
        %get3A_577 = arith.index_cast %get3A_576 : i32 to index
        %get3A_578 = arith.index_cast %scan3A_282 : i32 to index
        %get3A_579 = arith.constant 224 : index
        %get3A_580 = tpu.vector_load %arg6[%get3A_577, %get3A_578, %get3A_579] {strides = array<i32>} : memref<2x16x1024xf32, #tpu.memory_space<vmem>>, vector<1x1x16xf32>,
        %get3A_581 = vector.shape_cast %get3A_580 : vector<1x1x16xf32> to vector<16xf32>
        %get3A_582 = arith.constant 0 : i32
        %get3A_583 = arith.index_cast %get3A_582 : i32 to index
        %get3A_584 = arith.index_cast %scan3A_282 : i32 to index
        %get3A_585 = arith.constant 224 : index
        %get3A_586 = tpu.vector_load %arg7[%get3A_583, %get3A_584, %get3A_585] {strides = array<i32>} : memref<2x16x1024xf32, #tpu.memory_space<vmem>>, vector<1x1x16xf32>,
        %get3A_587 = vector.shape_cast %get3A_586 : vector<1x1x16xf32> to vector<16xf32>
        %mul3A_588 = arith.mulf %get3A_587, %get3A_34 : vector<16xf32>
        %add3A_589 = arith.addf %get3A_581, %mul3A_588 : vector<16xf32>
        %swap3A_590 = arith.constant 0 : i32
        %swap3A_591 = arith.index_cast %swap3A_590 : i32 to index
        %swap3A_592 = arith.index_cast %scan3A_282 : i32 to index
        %swap3A_593 = arith.constant 224 : index
        %swap3A_594 = tpu.vector_load %arg8[%swap3A_591, %swap3A_592, %swap3A_593] {strides = array<i32>} : memref<2x16x1024xf32, #tpu.memory_space<vmem>>, vector<1x1x16xf32>,
        %swap3A_595 = vector.shape_cast %swap3A_594 : vector<1x1x16xf32> to vector<16xf32>
        %swap3A_596 = vector.shape_cast %add3A_589 : vector<16xf32> to vector<1x1x16xf32>
        tpu.vector_store %arg8[%swap3A_591, %swap3A_592, %swap3A_593], %swap3A_596 {strides = array<i32>} : memref<2x16x1024xf32, #tpu.memory_space<vmem>>, vector<1x1x16xf32>,
        %get3A_597 = arith.constant 0 : i32
        %get3A_598 = arith.index_cast %get3A_597 : i32 to index
        %get3A_599 = arith.index_cast %scan3A_282 : i32 to index
        %get3A_600 = arith.constant 240 : index
        %get3A_601 = tpu.vector_load %arg6[%get3A_598, %get3A_599, %get3A_600] {strides = array<i32>} : memref<2x16x1024xf32, #tpu.memory_space<vmem>>, vector<1x1x16xf32>,
        %get3A_602 = vector.shape_cast %get3A_601 : vector<1x1x16xf32> to vector<16xf32>
        %get3A_603 = arith.constant 0 : i32
        %get3A_604 = arith.index_cast %get3A_603 : i32 to index
        %get3A_605 = arith.index_cast %scan3A_282 : i32 to index
        %get3A_606 = arith.constant 240 : index
        %get3A_607 = tpu.vector_load %arg7[%get3A_604, %get3A_605, %get3A_606] {strides = array<i32>} : memref<2x16x1024xf32, #tpu.memory_space<vmem>>, vector<1x1x16xf32>,
        %get3A_608 = vector.shape_cast %get3A_607 : vector<1x1x16xf32> to vector<16xf32>
        %mul3A_609 = arith.mulf %get3A_608, %get3A_34 : vector<16xf32>
        %add3A_610 = arith.addf %get3A_602, %mul3A_609 : vector<16xf32>
        %swap3A_611 = arith.constant 0 : i32
        %swap3A_612 = arith.index_cast %swap3A_611 : i32 to index
        %swap3A_613 = arith.index_cast %scan3A_282 : i32 to index
        %swap3A_614 = arith.constant 240 : index
        %swap3A_615 = tpu.vector_load %arg8[%swap3A_612, %swap3A_613, %swap3A_614] {strides = array<i32>} : memref<2x16x1024xf32, #tpu.memory_space<vmem>>, vector<1x1x16xf32>,
        %swap3A_616 = vector.shape_cast %swap3A_615 : vector<1x1x16xf32> to vector<16xf32>
        %swap3A_617 = vector.shape_cast %add3A_610 : vector<16xf32> to vector<1x1x16xf32>
        tpu.vector_store %arg8[%swap3A_612, %swap3A_613, %swap3A_614], %swap3A_617 {strides = array<i32>} : memref<2x16x1024xf32, #tpu.memory_space<vmem>>, vector<1x1x16xf32>,
        %get3A_618 = arith.constant 0 : i32
        %get3A_619 = arith.index_cast %get3A_618 : i32 to index
        %get3A_620 = arith.index_cast %scan3A_282 : i32 to index
        %get3A_621 = arith.constant 256 : index
        %get3A_622 = tpu.vector_load %arg6[%get3A_619, %get3A_620, %get3A_621] {strides = array<i32>} : memref<2x16x1024xf32, #tpu.memory_space<vmem>>, vector<1x1x16xf32>,
        %get3A_623 = vector.shape_cast %get3A_622 : vector<1x1x16xf32> to vector<16xf32>
        %get3A_624 = arith.constant 0 : i32
        %get3A_625 = arith.index_cast %get3A_624 : i32 to index
        %get3A_626 = arith.index_cast %scan3A_282 : i32 to index
        %get3A_627 = arith.constant 256 : index
        %get3A_628 = tpu.vector_load %arg7[%get3A_625, %get3A_626, %get3A_627] {strides = array<i32>} : memref<2x16x1024xf32, #tpu.memory_space<vmem>>, vector<1x1x16xf32>,
        %get3A_629 = vector.shape_cast %get3A_628 : vector<1x1x16xf32> to vector<16xf32>
        %mul3A_630 = arith.mulf %get3A_629, %get3A_34 : vector<16xf32>
        %add3A_631 = arith.addf %get3A_623, %mul3A_630 : vector<16xf32>
        %swap3A_632 = arith.constant 0 : i32
        %swap3A_633 = arith.index_cast %swap3A_632 : i32 to index
        %swap3A_634 = arith.index_cast %scan3A_282 : i32 to index
        %swap3A_635 = arith.constant 256 : index
        %swap3A_636 = tpu.vector_load %arg8[%swap3A_633, %swap3A_634, %swap3A_635] {strides = array<i32>} : memref<2x16x1024xf32, #tpu.memory_space<vmem>>, vector<1x1x16xf32>,
        %swap3A_637 = vector.shape_cast %swap3A_636 : vector<1x1x16xf32> to vector<16xf32>
        %swap3A_638 = vector.shape_cast %add3A_631 : vector<16xf32> to vector<1x1x16xf32>
        tpu.vector_store %arg8[%swap3A_633, %swap3A_634, %swap3A_635], %swap3A_638 {strides = array<i32>} : memref<2x16x1024xf32, #tpu.memory_space<vmem>>, vector<1x1x16xf32>,
        %get3A_639 = arith.constant 0 : i32
        %get3A_640 = arith.index_cast %get3A_639 : i32 to index
        %get3A_641 = arith.index_cast %scan3A_282 : i32 to index
        %get3A_642 = arith.constant 272 : index
        %get3A_643 = tpu.vector_load %arg6[%get3A_640, %get3A_641, %get3A_642] {strides = array<i32>} : memref<2x16x1024xf32, #tpu.memory_space<vmem>>, vector<1x1x16xf32>,
        %get3A_644 = vector.shape_cast %get3A_643 : vector<1x1x16xf32> to vector<16xf32>
        %get3A_645 = arith.constant 0 : i32
        %get3A_646 = arith.index_cast %get3A_645 : i32 to index
        %get3A_647 = arith.index_cast %scan3A_282 : i32 to index
        %get3A_648 = arith.constant 272 : index
        %get3A_649 = tpu.vector_load %arg7[%get3A_646, %get3A_647, %get3A_648] {strides = array<i32>} : memref<2x16x1024xf32, #tpu.memory_space<vmem>>, vector<1x1x16xf32>,
        %get3A_650 = vector.shape_cast %get3A_649 : vector<1x1x16xf32> to vector<16xf32>
        %mul3A_651 = arith.mulf %get3A_650, %get3A_34 : vector<16xf32>
        %add3A_652 = arith.addf %get3A_644, %mul3A_651 : vector<16xf32>
        %swap3A_653 = arith.constant 0 : i32
        %swap3A_654 = arith.index_cast %swap3A_653 : i32 to index
        %swap3A_655 = arith.index_cast %scan3A_282 : i32 to index
        %swap3A_656 = arith.constant 272 : index
        %swap3A_657 = tpu.vector_load %arg8[%swap3A_654, %swap3A_655, %swap3A_656] {strides = array<i32>} : memref<2x16x1024xf32, #tpu.memory_space<vmem>>, vector<1x1x16xf32>,
        %swap3A_658 = vector.shape_cast %swap3A_657 : vector<1x1x16xf32> to vector<16xf32>
        %swap3A_659 = vector.shape_cast %add3A_652 : vector<16xf32> to vector<1x1x16xf32>
        tpu.vector_store %arg8[%swap3A_654, %swap3A_655, %swap3A_656], %swap3A_659 {strides = array<i32>} : memref<2x16x1024xf32, #tpu.memory_space<vmem>>, vector<1x1x16xf32>,
        %get3A_660 = arith.constant 0 : i32
        %get3A_661 = arith.index_cast %get3A_660 : i32 to index
        %get3A_662 = arith.index_cast %scan3A_282 : i32 to index
        %get3A_663 = arith.constant 288 : index
        %get3A_664 = tpu.vector_load %arg6[%get3A_661, %get3A_662, %get3A_663] {strides = array<i32>} : memref<2x16x1024xf32, #tpu.memory_space<vmem>>, vector<1x1x16xf32>,
        %get3A_665 = vector.shape_cast %get3A_664 : vector<1x1x16xf32> to vector<16xf32>
        %get3A_666 = arith.constant 0 : i32
        %get3A_667 = arith.index_cast %get3A_666 : i32 to index
        %get3A_668 = arith.index_cast %scan3A_282 : i32 to index
        %get3A_669 = arith.constant 288 : index
        %get3A_670 = tpu.vector_load %arg7[%get3A_667, %get3A_668, %get3A_669] {strides = array<i32>} : memref<2x16x1024xf32, #tpu.memory_space<vmem>>, vector<1x1x16xf32>,
        %get3A_671 = vector.shape_cast %get3A_670 : vector<1x1x16xf32> to vector<16xf32>
        %mul3A_672 = arith.mulf %get3A_671, %get3A_34 : vector<16xf32>
        %add3A_673 = arith.addf %get3A_665, %mul3A_672 : vector<16xf32>
        %swap3A_674 = arith.constant 0 : i32
        %swap3A_675 = arith.index_cast %swap3A_674 : i32 to index
        %swap3A_676 = arith.index_cast %scan3A_282 : i32 to index
        %swap3A_677 = arith.constant 288 : index
        %swap3A_678 = tpu.vector_load %arg8[%swap3A_675, %swap3A_676, %swap3A_677] {strides = array<i32>} : memref<2x16x1024xf32, #tpu.memory_space<vmem>>, vector<1x1x16xf32>,
        %swap3A_679 = vector.shape_cast %swap3A_678 : vector<1x1x16xf32> to vector<16xf32>
        %swap3A_680 = vector.shape_cast %add3A_673 : vector<16xf32> to vector<1x1x16xf32>
        tpu.vector_store %arg8[%swap3A_675, %swap3A_676, %swap3A_677], %swap3A_680 {strides = array<i32>} : memref<2x16x1024xf32, #tpu.memory_space<vmem>>, vector<1x1x16xf32>,
        %get3A_681 = arith.constant 0 : i32
        %get3A_682 = arith.index_cast %get3A_681 : i32 to index
        %get3A_683 = arith.index_cast %scan3A_282 : i32 to index
        %get3A_684 = arith.constant 304 : index
        %get3A_685 = tpu.vector_load %arg6[%get3A_682, %get3A_683, %get3A_684] {strides = array<i32>} : memref<2x16x1024xf32, #tpu.memory_space<vmem>>, vector<1x1x16xf32>,
        %get3A_686 = vector.shape_cast %get3A_685 : vector<1x1x16xf32> to vector<16xf32>
        %get3A_687 = arith.constant 0 : i32
        %get3A_688 = arith.index_cast %get3A_687 : i32 to index
        %get3A_689 = arith.index_cast %scan3A_282 : i32 to index
        %get3A_690 = arith.constant 304 : index
        %get3A_691 = tpu.vector_load %arg7[%get3A_688, %get3A_689, %get3A_690] {strides = array<i32>} : memref<2x16x1024xf32, #tpu.memory_space<vmem>>, vector<1x1x16xf32>,
        %get3A_692 = vector.shape_cast %get3A_691 : vector<1x1x16xf32> to vector<16xf32>
        %mul3A_693 = arith.mulf %get3A_692, %get3A_34 : vector<16xf32>
        %add3A_694 = arith.addf %get3A_686, %mul3A_693 : vector<16xf32>
        %swap3A_695 = arith.constant 0 : i32
        %swap3A_696 = arith.index_cast %swap3A_695 : i32 to index
        %swap3A_697 = arith.index_cast %scan3A_282 : i32 to index
        %swap3A_698 = arith.constant 304 : index
        %swap3A_699 = tpu.vector_load %arg8[%swap3A_696, %swap3A_697, %swap3A_698] {strides = array<i32>} : memref<2x16x1024xf32, #tpu.memory_space<vmem>>, vector<1x1x16xf32>,
        %swap3A_700 = vector.shape_cast %swap3A_699 : vector<1x1x16xf32> to vector<16xf32>
        %swap3A_701 = vector.shape_cast %add3A_694 : vector<16xf32> to vector<1x1x16xf32>
        tpu.vector_store %arg8[%swap3A_696, %swap3A_697, %swap3A_698], %swap3A_701 {strides = array<i32>} : memref<2x16x1024xf32, #tpu.memory_space<vmem>>, vector<1x1x16xf32>,
        %get3A_702 = arith.constant 0 : i32
        %get3A_703 = arith.index_cast %get3A_702 : i32 to index
        %get3A_704 = arith.index_cast %scan3A_282 : i32 to index
        %get3A_705 = arith.constant 320 : index
        %get3A_706 = tpu.vector_load %arg6[%get3A_703, %get3A_704, %get3A_705] {strides = array<i32>} : memref<2x16x1024xf32, #tpu.memory_space<vmem>>, vector<1x1x16xf32>,
        %get3A_707 = vector.shape_cast %get3A_706 : vector<1x1x16xf32> to vector<16xf32>
        %get3A_708 = arith.constant 0 : i32
        %get3A_709 = arith.index_cast %get3A_708 : i32 to index
        %get3A_710 = arith.index_cast %scan3A_282 : i32 to index
        %get3A_711 = arith.constant 320 : index
        %get3A_712 = tpu.vector_load %arg7[%get3A_709, %get3A_710, %get3A_711] {strides = array<i32>} : memref<2x16x1024xf32, #tpu.memory_space<vmem>>, vector<1x1x16xf32>,
        %get3A_713 = vector.shape_cast %get3A_712 : vector<1x1x16xf32> to vector<16xf32>
        %mul3A_714 = arith.mulf %get3A_713, %get3A_34 : vector<16xf32>
        %add3A_715 = arith.addf %get3A_707, %mul3A_714 : vector<16xf32>
        %swap3A_716 = arith.constant 0 : i32
        %swap3A_717 = arith.index_cast %swap3A_716 : i32 to index
        %swap3A_718 = arith.index_cast %scan3A_282 : i32 to index
        %swap3A_719 = arith.constant 320 : index
        %swap3A_720 = tpu.vector_load %arg8[%swap3A_717, %swap3A_718, %swap3A_719] {strides = array<i32>} : memref<2x16x1024xf32, #tpu.memory_space<vmem>>, vector<1x1x16xf32>,
        %swap3A_721 = vector.shape_cast %swap3A_720 : vector<1x1x16xf32> to vector<16xf32>
        %swap3A_722 = vector.shape_cast %add3A_715 : vector<16xf32> to vector<1x1x16xf32>
        tpu.vector_store %arg8[%swap3A_717, %swap3A_718, %swap3A_719], %swap3A_722 {strides = array<i32>} : memref<2x16x1024xf32, #tpu.memory_space<vmem>>, vector<1x1x16xf32>,
        %get3A_723 = arith.constant 0 : i32
        %get3A_724 = arith.index_cast %get3A_723 : i32 to index
        %get3A_725 = arith.index_cast %scan3A_282 : i32 to index
        %get3A_726 = arith.constant 336 : index
        %get3A_727 = tpu.vector_load %arg6[%get3A_724, %get3A_725, %get3A_726] {strides = array<i32>} : memref<2x16x1024xf32, #tpu.memory_space<vmem>>, vector<1x1x16xf32>,
        %get3A_728 = vector.shape_cast %get3A_727 : vector<1x1x16xf32> to vector<16xf32>
        %get3A_729 = arith.constant 0 : i32
        %get3A_730 = arith.index_cast %get3A_729 : i32 to index
        %get3A_731 = arith.index_cast %scan3A_282 : i32 to index
        %get3A_732 = arith.constant 336 : index
        %get3A_733 = tpu.vector_load %arg7[%get3A_730, %get3A_731, %get3A_732] {strides = array<i32>} : memref<2x16x1024xf32, #tpu.memory_space<vmem>>, vector<1x1x16xf32>,
        %get3A_734 = vector.shape_cast %get3A_733 : vector<1x1x16xf32> to vector<16xf32>
        %mul3A_735 = arith.mulf %get3A_734, %get3A_34 : vector<16xf32>
        %add3A_736 = arith.addf %get3A_728, %mul3A_735 : vector<16xf32>
        %swap3A_737 = arith.constant 0 : i32
        %swap3A_738 = arith.index_cast %swap3A_737 : i32 to index
        %swap3A_739 = arith.index_cast %scan3A_282 : i32 to index
        %swap3A_740 = arith.constant 336 : index
        %swap3A_741 = tpu.vector_load %arg8[%swap3A_738, %swap3A_739, %swap3A_740] {strides = array<i32>} : memref<2x16x1024xf32, #tpu.memory_space<vmem>>, vector<1x1x16xf32>,
        %swap3A_742 = vector.shape_cast %swap3A_741 : vector<1x1x16xf32> to vector<16xf32>
        %swap3A_743 = vector.shape_cast %add3A_736 : vector<16xf32> to vector<1x1x16xf32>
        tpu.vector_store %arg8[%swap3A_738, %swap3A_739, %swap3A_740], %swap3A_743 {strides = array<i32>} : memref<2x16x1024xf32, #tpu.memory_space<vmem>>, vector<1x1x16xf32>,
        %get3A_744 = arith.constant 0 : i32
        %get3A_745 = arith.index_cast %get3A_744 : i32 to index
        %get3A_746 = arith.index_cast %scan3A_282 : i32 to index
        %get3A_747 = arith.constant 352 : index
        %get3A_748 = tpu.vector_load %arg6[%get3A_745, %get3A_746, %get3A_747] {strides = array<i32>} : memref<2x16x1024xf32, #tpu.memory_space<vmem>>, vector<1x1x16xf32>,
        %get3A_749 = vector.shape_cast %get3A_748 : vector<1x1x16xf32> to vector<16xf32>
        %get3A_750 = arith.constant 0 : i32
        %get3A_751 = arith.index_cast %get3A_750 : i32 to index
        %get3A_752 = arith.index_cast %scan3A_282 : i32 to index
        %get3A_753 = arith.constant 352 : index
        %get3A_754 = tpu.vector_load %arg7[%get3A_751, %get3A_752, %get3A_753] {strides = array<i32>} : memref<2x16x1024xf32, #tpu.memory_space<vmem>>, vector<1x1x16xf32>,
        %get3A_755 = vector.shape_cast %get3A_754 : vector<1x1x16xf32> to vector<16xf32>
        %mul3A_756 = arith.mulf %get3A_755, %get3A_34 : vector<16xf32>
        %add3A_757 = arith.addf %get3A_749, %mul3A_756 : vector<16xf32>
        %swap3A_758 = arith.constant 0 : i32
        %swap3A_759 = arith.index_cast %swap3A_758 : i32 to index
        %swap3A_760 = arith.index_cast %scan3A_282 : i32 to index
        %swap3A_761 = arith.constant 352 : index
        %swap3A_762 = tpu.vector_load %arg8[%swap3A_759, %swap3A_760, %swap3A_761] {strides = array<i32>} : memref<2x16x1024xf32, #tpu.memory_space<vmem>>, vector<1x1x16xf32>,
        %swap3A_763 = vector.shape_cast %swap3A_762 : vector<1x1x16xf32> to vector<16xf32>
        %swap3A_764 = vector.shape_cast %add3A_757 : vector<16xf32> to vector<1x1x16xf32>
        tpu.vector_store %arg8[%swap3A_759, %swap3A_760, %swap3A_761], %swap3A_764 {strides = array<i32>} : memref<2x16x1024xf32, #tpu.memory_space<vmem>>, vector<1x1x16xf32>,
        %get3A_765 = arith.constant 0 : i32
        %get3A_766 = arith.index_cast %get3A_765 : i32 to index
        %get3A_767 = arith.index_cast %scan3A_282 : i32 to index
        %get3A_768 = arith.constant 368 : index
        %get3A_769 = tpu.vector_load %arg6[%get3A_766, %get3A_767, %get3A_768] {strides = array<i32>} : memref<2x16x1024xf32, #tpu.memory_space<vmem>>, vector<1x1x16xf32>,
        %get3A_770 = vector.shape_cast %get3A_769 : vector<1x1x16xf32> to vector<16xf32>
        %get3A_771 = arith.constant 0 : i32
        %get3A_772 = arith.index_cast %get3A_771 : i32 to index
        %get3A_773 = arith.index_cast %scan3A_282 : i32 to index
        %get3A_774 = arith.constant 368 : index
        %get3A_775 = tpu.vector_load %arg7[%get3A_772, %get3A_773, %get3A_774] {strides = array<i32>} : memref<2x16x1024xf32, #tpu.memory_space<vmem>>, vector<1x1x16xf32>,
        %get3A_776 = vector.shape_cast %get3A_775 : vector<1x1x16xf32> to vector<16xf32>
        %mul3A_777 = arith.mulf %get3A_776, %get3A_34 : vector<16xf32>
        %add3A_778 = arith.addf %get3A_770, %mul3A_777 : vector<16xf32>
        %swap3A_779 = arith.constant 0 : i32
        %swap3A_780 = arith.index_cast %swap3A_779 : i32 to index
        %swap3A_781 = arith.index_cast %scan3A_282 : i32 to index
        %swap3A_782 = arith.constant 368 : index
        %swap3A_783 = tpu.vector_load %arg8[%swap3A_780, %swap3A_781, %swap3A_782] {strides = array<i32>} : memref<2x16x1024xf32, #tpu.memory_space<vmem>>, vector<1x1x16xf32>,
        %swap3A_784 = vector.shape_cast %swap3A_783 : vector<1x1x16xf32> to vector<16xf32>
        %swap3A_785 = vector.shape_cast %add3A_778 : vector<16xf32> to vector<1x1x16xf32>
        tpu.vector_store %arg8[%swap3A_780, %swap3A_781, %swap3A_782], %swap3A_785 {strides = array<i32>} : memref<2x16x1024xf32, #tpu.memory_space<vmem>>, vector<1x1x16xf32>,
        %get3A_786 = arith.constant 0 : i32
        %get3A_787 = arith.index_cast %get3A_786 : i32 to index
        %get3A_788 = arith.index_cast %scan3A_282 : i32 to index
        %get3A_789 = arith.constant 384 : index
        %get3A_790 = tpu.vector_load %arg6[%get3A_787, %get3A_788, %get3A_789] {strides = array<i32>} : memref<2x16x1024xf32, #tpu.memory_space<vmem>>, vector<1x1x16xf32>,
        %get3A_791 = vector.shape_cast %get3A_790 : vector<1x1x16xf32> to vector<16xf32>
        %get3A_792 = arith.constant 0 : i32
        %get3A_793 = arith.index_cast %get3A_792 : i32 to index
        %get3A_794 = arith.index_cast %scan3A_282 : i32 to index
        %get3A_795 = arith.constant 384 : index
        %get3A_796 = tpu.vector_load %arg7[%get3A_793, %get3A_794, %get3A_795] {strides = array<i32>} : memref<2x16x1024xf32, #tpu.memory_space<vmem>>, vector<1x1x16xf32>,
        %get3A_797 = vector.shape_cast %get3A_796 : vector<1x1x16xf32> to vector<16xf32>
        %mul3A_798 = arith.mulf %get3A_797, %get3A_34 : vector<16xf32>
        %add3A_799 = arith.addf %get3A_791, %mul3A_798 : vector<16xf32>
        %swap3A_800 = arith.constant 0 : i32
        %swap3A_801 = arith.index_cast %swap3A_800 : i32 to index
        %swap3A_802 = arith.index_cast %scan3A_282 : i32 to index
        %swap3A_803 = arith.constant 384 : index
        %swap3A_804 = tpu.vector_load %arg8[%swap3A_801, %swap3A_802, %swap3A_803] {strides = array<i32>} : memref<2x16x1024xf32, #tpu.memory_space<vmem>>, vector<1x1x16xf32>,
        %swap3A_805 = vector.shape_cast %swap3A_804 : vector<1x1x16xf32> to vector<16xf32>
        %swap3A_806 = vector.shape_cast %add3A_799 : vector<16xf32> to vector<1x1x16xf32>
        tpu.vector_store %arg8[%swap3A_801, %swap3A_802, %swap3A_803], %swap3A_806 {strides = array<i32>} : memref<2x16x1024xf32, #tpu.memory_space<vmem>>, vector<1x1x16xf32>,
        %get3A_807 = arith.constant 0 : i32
        %get3A_808 = arith.index_cast %get3A_807 : i32 to index
        %get3A_809 = arith.index_cast %scan3A_282 : i32 to index
        %get3A_810 = arith.constant 400 : index
        %get3A_811 = tpu.vector_load %arg6[%get3A_808, %get3A_809, %get3A_810] {strides = array<i32>} : memref<2x16x1024xf32, #tpu.memory_space<vmem>>, vector<1x1x16xf32>,
        %get3A_812 = vector.shape_cast %get3A_811 : vector<1x1x16xf32> to vector<16xf32>
        %get3A_813 = arith.constant 0 : i32
        %get3A_814 = arith.index_cast %get3A_813 : i32 to index
        %get3A_815 = arith.index_cast %scan3A_282 : i32 to index
        %get3A_816 = arith.constant 400 : index
        %get3A_817 = tpu.vector_load %arg7[%get3A_814, %get3A_815, %get3A_816] {strides = array<i32>} : memref<2x16x1024xf32, #tpu.memory_space<vmem>>, vector<1x1x16xf32>,
        %get3A_818 = vector.shape_cast %get3A_817 : vector<1x1x16xf32> to vector<16xf32>
        %mul3A_819 = arith.mulf %get3A_818, %get3A_34 : vector<16xf32>
        %add3A_820 = arith.addf %get3A_812, %mul3A_819 : vector<16xf32>
        %swap3A_821 = arith.constant 0 : i32
        %swap3A_822 = arith.index_cast %swap3A_821 : i32 to index
        %swap3A_823 = arith.index_cast %scan3A_282 : i32 to index
        %swap3A_824 = arith.constant 400 : index
        %swap3A_825 = tpu.vector_load %arg8[%swap3A_822, %swap3A_823, %swap3A_824] {strides = array<i32>} : memref<2x16x1024xf32, #tpu.memory_space<vmem>>, vector<1x1x16xf32>,
        %swap3A_826 = vector.shape_cast %swap3A_825 : vector<1x1x16xf32> to vector<16xf32>
        %swap3A_827 = vector.shape_cast %add3A_820 : vector<16xf32> to vector<1x1x16xf32>
        tpu.vector_store %arg8[%swap3A_822, %swap3A_823, %swap3A_824], %swap3A_827 {strides = array<i32>} : memref<2x16x1024xf32, #tpu.memory_space<vmem>>, vector<1x1x16xf32>,
        %get3A_828 = arith.constant 0 : i32
        %get3A_829 = arith.index_cast %get3A_828 : i32 to index
        %get3A_830 = arith.index_cast %scan3A_282 : i32 to index
        %get3A_831 = arith.constant 416 : index
        %get3A_832 = tpu.vector_load %arg6[%get3A_829, %get3A_830, %get3A_831] {strides = array<i32>} : memref<2x16x1024xf32, #tpu.memory_space<vmem>>, vector<1x1x16xf32>,
        %get3A_833 = vector.shape_cast %get3A_832 : vector<1x1x16xf32> to vector<16xf32>
        %get3A_834 = arith.constant 0 : i32
        %get3A_835 = arith.index_cast %get3A_834 : i32 to index
        %get3A_836 = arith.index_cast %scan3A_282 : i32 to index
        %get3A_837 = arith.constant 416 : index
        %get3A_838 = tpu.vector_load %arg7[%get3A_835, %get3A_836, %get3A_837] {strides = array<i32>} : memref<2x16x1024xf32, #tpu.memory_space<vmem>>, vector<1x1x16xf32>,
        %get3A_839 = vector.shape_cast %get3A_838 : vector<1x1x16xf32> to vector<16xf32>
        %mul3A_840 = arith.mulf %get3A_839, %get3A_34 : vector<16xf32>
        %add3A_841 = arith.addf %get3A_833, %mul3A_840 : vector<16xf32>
        %swap3A_842 = arith.constant 0 : i32
        %swap3A_843 = arith.index_cast %swap3A_842 : i32 to index
        %swap3A_844 = arith.index_cast %scan3A_282 : i32 to index
        %swap3A_845 = arith.constant 416 : index
        %swap3A_846 = tpu.vector_load %arg8[%swap3A_843, %swap3A_844, %swap3A_845] {strides = array<i32>} : memref<2x16x1024xf32, #tpu.memory_space<vmem>>, vector<1x1x16xf32>,
        %swap3A_847 = vector.shape_cast %swap3A_846 : vector<1x1x16xf32> to vector<16xf32>
        %swap3A_848 = vector.shape_cast %add3A_841 : vector<16xf32> to vector<1x1x16xf32>
        tpu.vector_store %arg8[%swap3A_843, %swap3A_844, %swap3A_845], %swap3A_848 {strides = array<i32>} : memref<2x16x1024xf32, #tpu.memory_space<vmem>>, vector<1x1x16xf32>,
        %get3A_849 = arith.constant 0 : i32
        %get3A_850 = arith.index_cast %get3A_849 : i32 to index
        %get3A_851 = arith.index_cast %scan3A_282 : i32 to index
        %get3A_852 = arith.constant 432 : index
        %get3A_853 = tpu.vector_load %arg6[%get3A_850, %get3A_851, %get3A_852] {strides = array<i32>} : memref<2x16x1024xf32, #tpu.memory_space<vmem>>, vector<1x1x16xf32>,
        %get3A_854 = vector.shape_cast %get3A_853 : vector<1x1x16xf32> to vector<16xf32>
        %get3A_855 = arith.constant 0 : i32
        %get3A_856 = arith.index_cast %get3A_855 : i32 to index
        %get3A_857 = arith.index_cast %scan3A_282 : i32 to index
        %get3A_858 = arith.constant 432 : index
        %get3A_859 = tpu.vector_load %arg7[%get3A_856, %get3A_857, %get3A_858] {strides = array<i32>} : memref<2x16x1024xf32, #tpu.memory_space<vmem>>, vector<1x1x16xf32>,
        %get3A_860 = vector.shape_cast %get3A_859 : vector<1x1x16xf32> to vector<16xf32>
        %mul3A_861 = arith.mulf %get3A_860, %get3A_34 : vector<16xf32>
        %add3A_862 = arith.addf %get3A_854, %mul3A_861 : vector<16xf32>
        %swap3A_863 = arith.constant 0 : i32
        %swap3A_864 = arith.index_cast %swap3A_863 : i32 to index
        %swap3A_865 = arith.index_cast %scan3A_282 : i32 to index
        %swap3A_866 = arith.constant 432 : index
        %swap3A_867 = tpu.vector_load %arg8[%swap3A_864, %swap3A_865, %swap3A_866] {strides = array<i32>} : memref<2x16x1024xf32, #tpu.memory_space<vmem>>, vector<1x1x16xf32>,
        %swap3A_868 = vector.shape_cast %swap3A_867 : vector<1x1x16xf32> to vector<16xf32>
        %swap3A_869 = vector.shape_cast %add3A_862 : vector<16xf32> to vector<1x1x16xf32>
        tpu.vector_store %arg8[%swap3A_864, %swap3A_865, %swap3A_866], %swap3A_869 {strides = array<i32>} : memref<2x16x1024xf32, #tpu.memory_space<vmem>>, vector<1x1x16xf32>,
        %get3A_870 = arith.constant 0 : i32
        %get3A_871 = arith.index_cast %get3A_870 : i32 to index
        %get3A_872 = arith.index_cast %scan3A_282 : i32 to index
        %get3A_873 = arith.constant 448 : index
        %get3A_874 = tpu.vector_load %arg6[%get3A_871, %get3A_872, %get3A_873] {strides = array<i32>} : memref<2x16x1024xf32, #tpu.memory_space<vmem>>, vector<1x1x16xf32>,
        %get3A_875 = vector.shape_cast %get3A_874 : vector<1x1x16xf32> to vector<16xf32>
        %get3A_876 = arith.constant 0 : i32
        %get3A_877 = arith.index_cast %get3A_876 : i32 to index
        %get3A_878 = arith.index_cast %scan3A_282 : i32 to index
        %get3A_879 = arith.constant 448 : index
        %get3A_880 = tpu.vector_load %arg7[%get3A_877, %get3A_878, %get3A_879] {strides = array<i32>} : memref<2x16x1024xf32, #tpu.memory_space<vmem>>, vector<1x1x16xf32>,
        %get3A_881 = vector.shape_cast %get3A_880 : vector<1x1x16xf32> to vector<16xf32>
        %mul3A_882 = arith.mulf %get3A_881, %get3A_34 : vector<16xf32>
        %add3A_883 = arith.addf %get3A_875, %mul3A_882 : vector<16xf32>
        %swap3A_884 = arith.constant 0 : i32
        %swap3A_885 = arith.index_cast %swap3A_884 : i32 to index
        %swap3A_886 = arith.index_cast %scan3A_282 : i32 to index
        %swap3A_887 = arith.constant 448 : index
        %swap3A_888 = tpu.vector_load %arg8[%swap3A_885, %swap3A_886, %swap3A_887] {strides = array<i32>} : memref<2x16x1024xf32, #tpu.memory_space<vmem>>, vector<1x1x16xf32>,
        %swap3A_889 = vector.shape_cast %swap3A_888 : vector<1x1x16xf32> to vector<16xf32>
        %swap3A_890 = vector.shape_cast %add3A_883 : vector<16xf32> to vector<1x1x16xf32>
        tpu.vector_store %arg8[%swap3A_885, %swap3A_886, %swap3A_887], %swap3A_890 {strides = array<i32>} : memref<2x16x1024xf32, #tpu.memory_space<vmem>>, vector<1x1x16xf32>,
        %get3A_891 = arith.constant 0 : i32
        %get3A_892 = arith.index_cast %get3A_891 : i32 to index
        %get3A_893 = arith.index_cast %scan3A_282 : i32 to index
        %get3A_894 = arith.constant 464 : index
        %get3A_895 = tpu.vector_load %arg6[%get3A_892, %get3A_893, %get3A_894] {strides = array<i32>} : memref<2x16x1024xf32, #tpu.memory_space<vmem>>, vector<1x1x16xf32>,
        %get3A_896 = vector.shape_cast %get3A_895 : vector<1x1x16xf32> to vector<16xf32>
        %get3A_897 = arith.constant 0 : i32
        %get3A_898 = arith.index_cast %get3A_897 : i32 to index
        %get3A_899 = arith.index_cast %scan3A_282 : i32 to index
        %get3A_900 = arith.constant 464 : index
        %get3A_901 = tpu.vector_load %arg7[%get3A_898, %get3A_899, %get3A_900] {strides = array<i32>} : memref<2x16x1024xf32, #tpu.memory_space<vmem>>, vector<1x1x16xf32>,
        %get3A_902 = vector.shape_cast %get3A_901 : vector<1x1x16xf32> to vector<16xf32>
        %mul3A_903 = arith.mulf %get3A_902, %get3A_34 : vector<16xf32>
        %add3A_904 = arith.addf %get3A_896, %mul3A_903 : vector<16xf32>
        %swap3A_905 = arith.constant 0 : i32
        %swap3A_906 = arith.index_cast %swap3A_905 : i32 to index
        %swap3A_907 = arith.index_cast %scan3A_282 : i32 to index
        %swap3A_908 = arith.constant 464 : index
        %swap3A_909 = tpu.vector_load %arg8[%swap3A_906, %swap3A_907, %swap3A_908] {strides = array<i32>} : memref<2x16x1024xf32, #tpu.memory_space<vmem>>, vector<1x1x16xf32>,
        %swap3A_910 = vector.shape_cast %swap3A_909 : vector<1x1x16xf32> to vector<16xf32>
        %swap3A_911 = vector.shape_cast %add3A_904 : vector<16xf32> to vector<1x1x16xf32>
        tpu.vector_store %arg8[%swap3A_906, %swap3A_907, %swap3A_908], %swap3A_911 {strides = array<i32>} : memref<2x16x1024xf32, #tpu.memory_space<vmem>>, vector<1x1x16xf32>,
        %get3A_912 = arith.constant 0 : i32
        %get3A_913 = arith.index_cast %get3A_912 : i32 to index
        %get3A_914 = arith.index_cast %scan3A_282 : i32 to index
        %get3A_915 = arith.constant 480 : index
        %get3A_916 = tpu.vector_load %arg6[%get3A_913, %get3A_914, %get3A_915] {strides = array<i32>} : memref<2x16x1024xf32, #tpu.memory_space<vmem>>, vector<1x1x16xf32>,
        %get3A_917 = vector.shape_cast %get3A_916 : vector<1x1x16xf32> to vector<16xf32>
        %get3A_918 = arith.constant 0 : i32
        %get3A_919 = arith.index_cast %get3A_918 : i32 to index
        %get3A_920 = arith.index_cast %scan3A_282 : i32 to index
        %get3A_921 = arith.constant 480 : index
        %get3A_922 = tpu.vector_load %arg7[%get3A_919, %get3A_920, %get3A_921] {strides = array<i32>} : memref<2x16x1024xf32, #tpu.memory_space<vmem>>, vector<1x1x16xf32>,
        %get3A_923 = vector.shape_cast %get3A_922 : vector<1x1x16xf32> to vector<16xf32>
        %mul3A_924 = arith.mulf %get3A_923, %get3A_34 : vector<16xf32>
        %add3A_925 = arith.addf %get3A_917, %mul3A_924 : vector<16xf32>
        %swap3A_926 = arith.constant 0 : i32
        %swap3A_927 = arith.index_cast %swap3A_926 : i32 to index
        %swap3A_928 = arith.index_cast %scan3A_282 : i32 to index
        %swap3A_929 = arith.constant 480 : index
        %swap3A_930 = tpu.vector_load %arg8[%swap3A_927, %swap3A_928, %swap3A_929] {strides = array<i32>} : memref<2x16x1024xf32, #tpu.memory_space<vmem>>, vector<1x1x16xf32>,
        %swap3A_931 = vector.shape_cast %swap3A_930 : vector<1x1x16xf32> to vector<16xf32>
        %swap3A_932 = vector.shape_cast %add3A_925 : vector<16xf32> to vector<1x1x16xf32>
        tpu.vector_store %arg8[%swap3A_927, %swap3A_928, %swap3A_929], %swap3A_932 {strides = array<i32>} : memref<2x16x1024xf32, #tpu.memory_space<vmem>>, vector<1x1x16xf32>,
        %get3A_933 = arith.constant 0 : i32
        %get3A_934 = arith.index_cast %get3A_933 : i32 to index
        %get3A_935 = arith.index_cast %scan3A_282 : i32 to index
        %get3A_936 = arith.constant 496 : index
        %get3A_937 = tpu.vector_load %arg6[%get3A_934, %get3A_935, %get3A_936] {strides = array<i32>} : memref<2x16x1024xf32, #tpu.memory_space<vmem>>, vector<1x1x16xf32>,
        %get3A_938 = vector.shape_cast %get3A_937 : vector<1x1x16xf32> to vector<16xf32>
        %get3A_939 = arith.constant 0 : i32
        %get3A_940 = arith.index_cast %get3A_939 : i32 to index
        %get3A_941 = arith.index_cast %scan3A_282 : i32 to index
        %get3A_942 = arith.constant 496 : index
        %get3A_943 = tpu.vector_load %arg7[%get3A_940, %get3A_941, %get3A_942] {strides = array<i32>} : memref<2x16x1024xf32, #tpu.memory_space<vmem>>, vector<1x1x16xf32>,
        %get3A_944 = vector.shape_cast %get3A_943 : vector<1x1x16xf32> to vector<16xf32>
        %mul3A_945 = arith.mulf %get3A_944, %get3A_34 : vector<16xf32>
        %add3A_946 = arith.addf %get3A_938, %mul3A_945 : vector<16xf32>
        %swap3A_947 = arith.constant 0 : i32
        %swap3A_948 = arith.index_cast %swap3A_947 : i32 to index
        %swap3A_949 = arith.index_cast %scan3A_282 : i32 to index
        %swap3A_950 = arith.constant 496 : index
        %swap3A_951 = tpu.vector_load %arg8[%swap3A_948, %swap3A_949, %swap3A_950] {strides = array<i32>} : memref<2x16x1024xf32, #tpu.memory_space<vmem>>, vector<1x1x16xf32>,
        %swap3A_952 = vector.shape_cast %swap3A_951 : vector<1x1x16xf32> to vector<16xf32>
        %swap3A_953 = vector.shape_cast %add3A_946 : vector<16xf32> to vector<1x1x16xf32>
        tpu.vector_store %arg8[%swap3A_948, %swap3A_949, %swap3A_950], %swap3A_953 {strides = array<i32>} : memref<2x16x1024xf32, #tpu.memory_space<vmem>>, vector<1x1x16xf32>,
        %get3A_954 = arith.constant 0 : i32
        %get3A_955 = arith.index_cast %get3A_954 : i32 to index
        %get3A_956 = arith.index_cast %scan3A_282 : i32 to index
        %get3A_957 = arith.constant 512 : index
        %get3A_958 = tpu.vector_load %arg6[%get3A_955, %get3A_956, %get3A_957] {strides = array<i32>} : memref<2x16x1024xf32, #tpu.memory_space<vmem>>, vector<1x1x16xf32>,
        %get3A_959 = vector.shape_cast %get3A_958 : vector<1x1x16xf32> to vector<16xf32>
        %get3A_960 = arith.constant 0 : i32
        %get3A_961 = arith.index_cast %get3A_960 : i32 to index
        %get3A_962 = arith.index_cast %scan3A_282 : i32 to index
        %get3A_963 = arith.constant 512 : index
        %get3A_964 = tpu.vector_load %arg7[%get3A_961, %get3A_962, %get3A_963] {strides = array<i32>} : memref<2x16x1024xf32, #tpu.memory_space<vmem>>, vector<1x1x16xf32>,
        %get3A_965 = vector.shape_cast %get3A_964 : vector<1x1x16xf32> to vector<16xf32>
        %mul3A_966 = arith.mulf %get3A_965, %get3A_34 : vector<16xf32>
        %add3A_967 = arith.addf %get3A_959, %mul3A_966 : vector<16xf32>
        %swap3A_968 = arith.constant 0 : i32
        %swap3A_969 = arith.index_cast %swap3A_968 : i32 to index
        %swap3A_970 = arith.index_cast %scan3A_282 : i32 to index
        %swap3A_971 = arith.constant 512 : index
        %swap3A_972 = tpu.vector_load %arg8[%swap3A_969, %swap3A_970, %swap3A_971] {strides = array<i32>} : memref<2x16x1024xf32, #tpu.memory_space<vmem>>, vector<1x1x16xf32>,
        %swap3A_973 = vector.shape_cast %swap3A_972 : vector<1x1x16xf32> to vector<16xf32>
        %swap3A_974 = vector.shape_cast %add3A_967 : vector<16xf32> to vector<1x1x16xf32>
        tpu.vector_store %arg8[%swap3A_969, %swap3A_970, %swap3A_971], %swap3A_974 {strides = array<i32>} : memref<2x16x1024xf32, #tpu.memory_space<vmem>>, vector<1x1x16xf32>,
        %get3A_975 = arith.constant 0 : i32
        %get3A_976 = arith.index_cast %get3A_975 : i32 to index
        %get3A_977 = arith.index_cast %scan3A_282 : i32 to index
        %get3A_978 = arith.constant 528 : index
        %get3A_979 = tpu.vector_load %arg6[%get3A_976, %get3A_977, %get3A_978] {strides = array<i32>} : memref<2x16x1024xf32, #tpu.memory_space<vmem>>, vector<1x1x16xf32>,
        %get3A_980 = vector.shape_cast %get3A_979 : vector<1x1x16xf32> to vector<16xf32>
        %get3A_981 = arith.constant 0 : i32
        %get3A_982 = arith.index_cast %get3A_981 : i32 to index
        %get3A_983 = arith.index_cast %scan3A_282 : i32 to index
        %get3A_984 = arith.constant 528 : index
        %get3A_985 = tpu.vector_load %arg7[%get3A_982, %get3A_983, %get3A_984] {strides = array<i32>} : memref<2x16x1024xf32, #tpu.memory_space<vmem>>, vector<1x1x16xf32>,
        %get3A_986 = vector.shape_cast %get3A_985 : vector<1x1x16xf32> to vector<16xf32>
        %mul3A_987 = arith.mulf %get3A_986, %get3A_34 : vector<16xf32>
        %add3A_988 = arith.addf %get3A_980, %mul3A_987 : vector<16xf32>
        %swap3A_989 = arith.constant 0 : i32
        %swap3A_990 = arith.index_cast %swap3A_989 : i32 to index
        %swap3A_991 = arith.index_cast %scan3A_282 : i32 to index
        %swap3A_992 = arith.constant 528 : index
        %swap3A_993 = tpu.vector_load %arg8[%swap3A_990, %swap3A_991, %swap3A_992] {strides = array<i32>} : memref<2x16x1024xf32, #tpu.memory_space<vmem>>, vector<1x1x16xf32>,
        %swap3A_994 = vector.shape_cast %swap3A_993 : vector<1x1x16xf32> to vector<16xf32>
        %swap3A_995 = vector.shape_cast %add3A_988 : vector<16xf32> to vector<1x1x16xf32>
        tpu.vector_store %arg8[%swap3A_990, %swap3A_991, %swap3A_992], %swap3A_995 {strides = array<i32>} : memref<2x16x1024xf32, #tpu.memory_space<vmem>>, vector<1x1x16xf32>,
        %get3A_996 = arith.constant 0 : i32
        %get3A_997 = arith.index_cast %get3A_996 : i32 to index
        %get3A_998 = arith.index_cast %scan3A_282 : i32 to index
        %get3A_999 = arith.constant 544 : index
        %get3A_1000 = tpu.vector_load %arg6[%get3A_997, %get3A_998, %get3A_999] {strides = array<i32>} : memref<2x16x1024xf32, #tpu.memory_space<vmem>>, vector<1x1x16xf32>,
        %get3A_1001 = vector.shape_cast %get3A_1000 : vector<1x1x16xf32> to vector<16xf32>
        %get3A_1002 = arith.constant 0 : i32
        %get3A_1003 = arith.index_cast %get3A_1002 : i32 to index
        %get3A_1004 = arith.index_cast %scan3A_282 : i32 to index
        %get3A_1005 = arith.constant 544 : index
        %get3A_1006 = tpu.vector_load %arg7[%get3A_1003, %get3A_1004, %get3A_1005] {strides = array<i32>} : memref<2x16x1024xf32, #tpu.memory_space<vmem>>, vector<1x1x16xf32>,
        %get3A_1007 = vector.shape_cast %get3A_1006 : vector<1x1x16xf32> to vector<16xf32>
        %mul3A_1008 = arith.mulf %get3A_1007, %get3A_34 : vector<16xf32>
        %add3A_1009 = arith.addf %get3A_1001, %mul3A_1008 : vector<16xf32>
        %swap3A_1010 = arith.constant 0 : i32
        %swap3A_1011 = arith.index_cast %swap3A_1010 : i32 to index
        %swap3A_1012 = arith.index_cast %scan3A_282 : i32 to index
        %swap3A_1013 = arith.constant 544 : index
        %swap3A_1014 = tpu.vector_load %arg8[%swap3A_1011, %swap3A_1012, %swap3A_1013] {strides = array<i32>} : memref<2x16x1024xf32, #tpu.memory_space<vmem>>, vector<1x1x16xf32>,
        %swap3A_1015 = vector.shape_cast %swap3A_1014 : vector<1x1x16xf32> to vector<16xf32>
        %swap3A_1016 = vector.shape_cast %add3A_1009 : vector<16xf32> to vector<1x1x16xf32>
        tpu.vector_store %arg8[%swap3A_1011, %swap3A_1012, %swap3A_1013], %swap3A_1016 {strides = array<i32>} : memref<2x16x1024xf32, #tpu.memory_space<vmem>>, vector<1x1x16xf32>,
        %get3A_1017 = arith.constant 0 : i32
        %get3A_1018 = arith.index_cast %get3A_1017 : i32 to index
        %get3A_1019 = arith.index_cast %scan3A_282 : i32 to index
        %get3A_1020 = arith.constant 560 : index
        %get3A_1021 = tpu.vector_load %arg6[%get3A_1018, %get3A_1019, %get3A_1020] {strides = array<i32>} : memref<2x16x1024xf32, #tpu.memory_space<vmem>>, vector<1x1x16xf32>,
        %get3A_1022 = vector.shape_cast %get3A_1021 : vector<1x1x16xf32> to vector<16xf32>
        %get3A_1023 = arith.constant 0 : i32
        %get3A_1024 = arith.index_cast %get3A_1023 : i32 to index
        %get3A_1025 = arith.index_cast %scan3A_282 : i32 to index
        %get3A_1026 = arith.constant 560 : index
        %get3A_1027 = tpu.vector_load %arg7[%get3A_1024, %get3A_1025, %get3A_1026] {strides = array<i32>} : memref<2x16x1024xf32, #tpu.memory_space<vmem>>, vector<1x1x16xf32>,
        %get3A_1028 = vector.shape_cast %get3A_1027 : vector<1x1x16xf32> to vector<16xf32>
        %mul3A_1029 = arith.mulf %get3A_1028, %get3A_34 : vector<16xf32>
        %add3A_1030 = arith.addf %get3A_1022, %mul3A_1029 : vector<16xf32>
        %swap3A_1031 = arith.constant 0 : i32
        %swap3A_1032 = arith.index_cast %swap3A_1031 : i32 to index
        %swap3A_1033 = arith.index_cast %scan3A_282 : i32 to index
        %swap3A_1034 = arith.constant 560 : index
        %swap3A_1035 = tpu.vector_load %arg8[%swap3A_1032, %swap3A_1033, %swap3A_1034] {strides = array<i32>} : memref<2x16x1024xf32, #tpu.memory_space<vmem>>, vector<1x1x16xf32>,
        %swap3A_1036 = vector.shape_cast %swap3A_1035 : vector<1x1x16xf32> to vector<16xf32>
        %swap3A_1037 = vector.shape_cast %add3A_1030 : vector<16xf32> to vector<1x1x16xf32>
        tpu.vector_store %arg8[%swap3A_1032, %swap3A_1033, %swap3A_1034], %swap3A_1037 {strides = array<i32>} : memref<2x16x1024xf32, #tpu.memory_space<vmem>>, vector<1x1x16xf32>,
        %get3A_1038 = arith.constant 0 : i32
        %get3A_1039 = arith.index_cast %get3A_1038 : i32 to index
        %get3A_1040 = arith.index_cast %scan3A_282 : i32 to index
        %get3A_1041 = arith.constant 576 : index
        %get3A_1042 = tpu.vector_load %arg6[%get3A_1039, %get3A_1040, %get3A_1041] {strides = array<i32>} : memref<2x16x1024xf32, #tpu.memory_space<vmem>>, vector<1x1x16xf32>,
        %get3A_1043 = vector.shape_cast %get3A_1042 : vector<1x1x16xf32> to vector<16xf32>
        %get3A_1044 = arith.constant 0 : i32
        %get3A_1045 = arith.index_cast %get3A_1044 : i32 to index
        %get3A_1046 = arith.index_cast %scan3A_282 : i32 to index
        %get3A_1047 = arith.constant 576 : index
        %get3A_1048 = tpu.vector_load %arg7[%get3A_1045, %get3A_1046, %get3A_1047] {strides = array<i32>} : memref<2x16x1024xf32, #tpu.memory_space<vmem>>, vector<1x1x16xf32>,
        %get3A_1049 = vector.shape_cast %get3A_1048 : vector<1x1x16xf32> to vector<16xf32>
        %mul3A_1050 = arith.mulf %get3A_1049, %get3A_34 : vector<16xf32>
        %add3A_1051 = arith.addf %get3A_1043, %mul3A_1050 : vector<16xf32>
        %swap3A_1052 = arith.constant 0 : i32
        %swap3A_1053 = arith.index_cast %swap3A_1052 : i32 to index
        %swap3A_1054 = arith.index_cast %scan3A_282 : i32 to index
        %swap3A_1055 = arith.constant 576 : index
        %swap3A_1056 = tpu.vector_load %arg8[%swap3A_1053, %swap3A_1054, %swap3A_1055] {strides = array<i32>} : memref<2x16x1024xf32, #tpu.memory_space<vmem>>, vector<1x1x16xf32>,
        %swap3A_1057 = vector.shape_cast %swap3A_1056 : vector<1x1x16xf32> to vector<16xf32>
        %swap3A_1058 = vector.shape_cast %add3A_1051 : vector<16xf32> to vector<1x1x16xf32>
        tpu.vector_store %arg8[%swap3A_1053, %swap3A_1054, %swap3A_1055], %swap3A_1058 {strides = array<i32>} : memref<2x16x1024xf32, #tpu.memory_space<vmem>>, vector<1x1x16xf32>,
        %get3A_1059 = arith.constant 0 : i32
        %get3A_1060 = arith.index_cast %get3A_1059 : i32 to index
        %get3A_1061 = arith.index_cast %scan3A_282 : i32 to index
        %get3A_1062 = arith.constant 592 : index
        %get3A_1063 = tpu.vector_load %arg6[%get3A_1060, %get3A_1061, %get3A_1062] {strides = array<i32>} : memref<2x16x1024xf32, #tpu.memory_space<vmem>>, vector<1x1x16xf32>,
        %get3A_1064 = vector.shape_cast %get3A_1063 : vector<1x1x16xf32> to vector<16xf32>
        %get3A_1065 = arith.constant 0 : i32
        %get3A_1066 = arith.index_cast %get3A_1065 : i32 to index
        %get3A_1067 = arith.index_cast %scan3A_282 : i32 to index
        %get3A_1068 = arith.constant 592 : index
        %get3A_1069 = tpu.vector_load %arg7[%get3A_1066, %get3A_1067, %get3A_1068] {strides = array<i32>} : memref<2x16x1024xf32, #tpu.memory_space<vmem>>, vector<1x1x16xf32>,
        %get3A_1070 = vector.shape_cast %get3A_1069 : vector<1x1x16xf32> to vector<16xf32>
        %mul3A_1071 = arith.mulf %get3A_1070, %get3A_34 : vector<16xf32>
        %add3A_1072 = arith.addf %get3A_1064, %mul3A_1071 : vector<16xf32>
        %swap3A_1073 = arith.constant 0 : i32
        %swap3A_1074 = arith.index_cast %swap3A_1073 : i32 to index
        %swap3A_1075 = arith.index_cast %scan3A_282 : i32 to index
        %swap3A_1076 = arith.constant 592 : index
        %swap3A_1077 = tpu.vector_load %arg8[%swap3A_1074, %swap3A_1075, %swap3A_1076] {strides = array<i32>} : memref<2x16x1024xf32, #tpu.memory_space<vmem>>, vector<1x1x16xf32>,
        %swap3A_1078 = vector.shape_cast %swap3A_1077 : vector<1x1x16xf32> to vector<16xf32>
        %swap3A_1079 = vector.shape_cast %add3A_1072 : vector<16xf32> to vector<1x1x16xf32>
        tpu.vector_store %arg8[%swap3A_1074, %swap3A_1075, %swap3A_1076], %swap3A_1079 {strides = array<i32>} : memref<2x16x1024xf32, #tpu.memory_space<vmem>>, vector<1x1x16xf32>,
        %get3A_1080 = arith.constant 0 : i32
        %get3A_1081 = arith.index_cast %get3A_1080 : i32 to index
        %get3A_1082 = arith.index_cast %scan3A_282 : i32 to index
        %get3A_1083 = arith.constant 608 : index
        %get3A_1084 = tpu.vector_load %arg6[%get3A_1081, %get3A_1082, %get3A_1083] {strides = array<i32>} : memref<2x16x1024xf32, #tpu.memory_space<vmem>>, vector<1x1x16xf32>,
        %get3A_1085 = vector.shape_cast %get3A_1084 : vector<1x1x16xf32> to vector<16xf32>
        %get3A_1086 = arith.constant 0 : i32
        %get3A_1087 = arith.index_cast %get3A_1086 : i32 to index
        %get3A_1088 = arith.index_cast %scan3A_282 : i32 to index
        %get3A_1089 = arith.constant 608 : index
        %get3A_1090 = tpu.vector_load %arg7[%get3A_1087, %get3A_1088, %get3A_1089] {strides = array<i32>} : memref<2x16x1024xf32, #tpu.memory_space<vmem>>, vector<1x1x16xf32>,
        %get3A_1091 = vector.shape_cast %get3A_1090 : vector<1x1x16xf32> to vector<16xf32>
        %mul3A_1092 = arith.mulf %get3A_1091, %get3A_34 : vector<16xf32>
        %add3A_1093 = arith.addf %get3A_1085, %mul3A_1092 : vector<16xf32>
        %swap3A_1094 = arith.constant 0 : i32
        %swap3A_1095 = arith.index_cast %swap3A_1094 : i32 to index
        %swap3A_1096 = arith.index_cast %scan3A_282 : i32 to index
        %swap3A_1097 = arith.constant 608 : index
        %swap3A_1098 = tpu.vector_load %arg8[%swap3A_1095, %swap3A_1096, %swap3A_1097] {strides = array<i32>} : memref<2x16x1024xf32, #tpu.memory_space<vmem>>, vector<1x1x16xf32>,
        %swap3A_1099 = vector.shape_cast %swap3A_1098 : vector<1x1x16xf32> to vector<16xf32>
        %swap3A_1100 = vector.shape_cast %add3A_1093 : vector<16xf32> to vector<1x1x16xf32>
        tpu.vector_store %arg8[%swap3A_1095, %swap3A_1096, %swap3A_1097], %swap3A_1100 {strides = array<i32>} : memref<2x16x1024xf32, #tpu.memory_space<vmem>>, vector<1x1x16xf32>,
        %get3A_1101 = arith.constant 0 : i32
        %get3A_1102 = arith.index_cast %get3A_1101 : i32 to index
        %get3A_1103 = arith.index_cast %scan3A_282 : i32 to index
        %get3A_1104 = arith.constant 624 : index
        %get3A_1105 = tpu.vector_load %arg6[%get3A_1102, %get3A_1103, %get3A_1104] {strides = array<i32>} : memref<2x16x1024xf32, #tpu.memory_space<vmem>>, vector<1x1x16xf32>,
        %get3A_1106 = vector.shape_cast %get3A_1105 : vector<1x1x16xf32> to vector<16xf32>
        %get3A_1107 = arith.constant 0 : i32
        %get3A_1108 = arith.index_cast %get3A_1107 : i32 to index
        %get3A_1109 = arith.index_cast %scan3A_282 : i32 to index
        %get3A_1110 = arith.constant 624 : index
        %get3A_1111 = tpu.vector_load %arg7[%get3A_1108, %get3A_1109, %get3A_1110] {strides = array<i32>} : memref<2x16x1024xf32, #tpu.memory_space<vmem>>, vector<1x1x16xf32>,
        %get3A_1112 = vector.shape_cast %get3A_1111 : vector<1x1x16xf32> to vector<16xf32>
        %mul3A_1113 = arith.mulf %get3A_1112, %get3A_34 : vector<16xf32>
        %add3A_1114 = arith.addf %get3A_1106, %mul3A_1113 : vector<16xf32>
        %swap3A_1115 = arith.constant 0 : i32
        %swap3A_1116 = arith.index_cast %swap3A_1115 : i32 to index
        %swap3A_1117 = arith.index_cast %scan3A_282 : i32 to index
        %swap3A_1118 = arith.constant 624 : index
        %swap3A_1119 = tpu.vector_load %arg8[%swap3A_1116, %swap3A_1117, %swap3A_1118] {strides = array<i32>} : memref<2x16x1024xf32, #tpu.memory_space<vmem>>, vector<1x1x16xf32>,
        %swap3A_1120 = vector.shape_cast %swap3A_1119 : vector<1x1x16xf32> to vector<16xf32>
        %swap3A_1121 = vector.shape_cast %add3A_1114 : vector<16xf32> to vector<1x1x16xf32>
        tpu.vector_store %arg8[%swap3A_1116, %swap3A_1117, %swap3A_1118], %swap3A_1121 {strides = array<i32>} : memref<2x16x1024xf32, #tpu.memory_space<vmem>>, vector<1x1x16xf32>,
        %get3A_1122 = arith.constant 0 : i32
        %get3A_1123 = arith.index_cast %get3A_1122 : i32 to index
        %get3A_1124 = arith.index_cast %scan3A_282 : i32 to index
        %get3A_1125 = arith.constant 640 : index
        %get3A_1126 = tpu.vector_load %arg6[%get3A_1123, %get3A_1124, %get3A_1125] {strides = array<i32>} : memref<2x16x1024xf32, #tpu.memory_space<vmem>>, vector<1x1x16xf32>,
        %get3A_1127 = vector.shape_cast %get3A_1126 : vector<1x1x16xf32> to vector<16xf32>
        %get3A_1128 = arith.constant 0 : i32
        %get3A_1129 = arith.index_cast %get3A_1128 : i32 to index
        %get3A_1130 = arith.index_cast %scan3A_282 : i32 to index
        %get3A_1131 = arith.constant 640 : index
        %get3A_1132 = tpu.vector_load %arg7[%get3A_1129, %get3A_1130, %get3A_1131] {strides = array<i32>} : memref<2x16x1024xf32, #tpu.memory_space<vmem>>, vector<1x1x16xf32>,
        %get3A_1133 = vector.shape_cast %get3A_1132 : vector<1x1x16xf32> to vector<16xf32>
        %mul3A_1134 = arith.mulf %get3A_1133, %get3A_34 : vector<16xf32>
        %add3A_1135 = arith.addf %get3A_1127, %mul3A_1134 : vector<16xf32>
        %swap3A_1136 = arith.constant 0 : i32
        %swap3A_1137 = arith.index_cast %swap3A_1136 : i32 to index
        %swap3A_1138 = arith.index_cast %scan3A_282 : i32 to index
        %swap3A_1139 = arith.constant 640 : index
        %swap3A_1140 = tpu.vector_load %arg8[%swap3A_1137, %swap3A_1138, %swap3A_1139] {strides = array<i32>} : memref<2x16x1024xf32, #tpu.memory_space<vmem>>, vector<1x1x16xf32>,
        %swap3A_1141 = vector.shape_cast %swap3A_1140 : vector<1x1x16xf32> to vector<16xf32>
        %swap3A_1142 = vector.shape_cast %add3A_1135 : vector<16xf32> to vector<1x1x16xf32>
        tpu.vector_store %arg8[%swap3A_1137, %swap3A_1138, %swap3A_1139], %swap3A_1142 {strides = array<i32>} : memref<2x16x1024xf32, #tpu.memory_space<vmem>>, vector<1x1x16xf32>,
        %get3A_1143 = arith.constant 0 : i32
        %get3A_1144 = arith.index_cast %get3A_1143 : i32 to index
        %get3A_1145 = arith.index_cast %scan3A_282 : i32 to index
        %get3A_1146 = arith.constant 656 : index
        %get3A_1147 = tpu.vector_load %arg6[%get3A_1144, %get3A_1145, %get3A_1146] {strides = array<i32>} : memref<2x16x1024xf32, #tpu.memory_space<vmem>>, vector<1x1x16xf32>,
        %get3A_1148 = vector.shape_cast %get3A_1147 : vector<1x1x16xf32> to vector<16xf32>
        %get3A_1149 = arith.constant 0 : i32
        %get3A_1150 = arith.index_cast %get3A_1149 : i32 to index
        %get3A_1151 = arith.index_cast %scan3A_282 : i32 to index
        %get3A_1152 = arith.constant 656 : index
        %get3A_1153 = tpu.vector_load %arg7[%get3A_1150, %get3A_1151, %get3A_1152] {strides = array<i32>} : memref<2x16x1024xf32, #tpu.memory_space<vmem>>, vector<1x1x16xf32>,
        %get3A_1154 = vector.shape_cast %get3A_1153 : vector<1x1x16xf32> to vector<16xf32>
        %mul3A_1155 = arith.mulf %get3A_1154, %get3A_34 : vector<16xf32>
        %add3A_1156 = arith.addf %get3A_1148, %mul3A_1155 : vector<16xf32>
        %swap3A_1157 = arith.constant 0 : i32
        %swap3A_1158 = arith.index_cast %swap3A_1157 : i32 to index
        %swap3A_1159 = arith.index_cast %scan3A_282 : i32 to index
        %swap3A_1160 = arith.constant 656 : index
        %swap3A_1161 = tpu.vector_load %arg8[%swap3A_1158, %swap3A_1159, %swap3A_1160] {strides = array<i32>} : memref<2x16x1024xf32, #tpu.memory_space<vmem>>, vector<1x1x16xf32>,
        %swap3A_1162 = vector.shape_cast %swap3A_1161 : vector<1x1x16xf32> to vector<16xf32>
        %swap3A_1163 = vector.shape_cast %add3A_1156 : vector<16xf32> to vector<1x1x16xf32>
        tpu.vector_store %arg8[%swap3A_1158, %swap3A_1159, %swap3A_1160], %swap3A_1163 {strides = array<i32>} : memref<2x16x1024xf32, #tpu.memory_space<vmem>>, vector<1x1x16xf32>,
        %get3A_1164 = arith.constant 0 : i32
        %get3A_1165 = arith.index_cast %get3A_1164 : i32 to index
        %get3A_1166 = arith.index_cast %scan3A_282 : i32 to index
        %get3A_1167 = arith.constant 672 : index
        %get3A_1168 = tpu.vector_load %arg6[%get3A_1165, %get3A_1166, %get3A_1167] {strides = array<i32>} : memref<2x16x1024xf32, #tpu.memory_space<vmem>>, vector<1x1x16xf32>,
        %get3A_1169 = vector.shape_cast %get3A_1168 : vector<1x1x16xf32> to vector<16xf32>
        %get3A_1170 = arith.constant 0 : i32
        %get3A_1171 = arith.index_cast %get3A_1170 : i32 to index
        %get3A_1172 = arith.index_cast %scan3A_282 : i32 to index
        %get3A_1173 = arith.constant 672 : index
        %get3A_1174 = tpu.vector_load %arg7[%get3A_1171, %get3A_1172, %get3A_1173] {strides = array<i32>} : memref<2x16x1024xf32, #tpu.memory_space<vmem>>, vector<1x1x16xf32>,
        %get3A_1175 = vector.shape_cast %get3A_1174 : vector<1x1x16xf32> to vector<16xf32>
        %mul3A_1176 = arith.mulf %get3A_1175, %get3A_34 : vector<16xf32>
        %add3A_1177 = arith.addf %get3A_1169, %mul3A_1176 : vector<16xf32>
        %swap3A_1178 = arith.constant 0 : i32
        %swap3A_1179 = arith.index_cast %swap3A_1178 : i32 to index
        %swap3A_1180 = arith.index_cast %scan3A_282 : i32 to index
        %swap3A_1181 = arith.constant 672 : index
        %swap3A_1182 = tpu.vector_load %arg8[%swap3A_1179, %swap3A_1180, %swap3A_1181] {strides = array<i32>} : memref<2x16x1024xf32, #tpu.memory_space<vmem>>, vector<1x1x16xf32>,
        %swap3A_1183 = vector.shape_cast %swap3A_1182 : vector<1x1x16xf32> to vector<16xf32>
        %swap3A_1184 = vector.shape_cast %add3A_1177 : vector<16xf32> to vector<1x1x16xf32>
        tpu.vector_store %arg8[%swap3A_1179, %swap3A_1180, %swap3A_1181], %swap3A_1184 {strides = array<i32>} : memref<2x16x1024xf32, #tpu.memory_space<vmem>>, vector<1x1x16xf32>,
        %get3A_1185 = arith.constant 0 : i32
        %get3A_1186 = arith.index_cast %get3A_1185 : i32 to index
        %get3A_1187 = arith.index_cast %scan3A_282 : i32 to index
        %get3A_1188 = arith.constant 688 : index
        %get3A_1189 = tpu.vector_load %arg6[%get3A_1186, %get3A_1187, %get3A_1188] {strides = array<i32>} : memref<2x16x1024xf32, #tpu.memory_space<vmem>>, vector<1x1x16xf32>,
        %get3A_1190 = vector.shape_cast %get3A_1189 : vector<1x1x16xf32> to vector<16xf32>
        %get3A_1191 = arith.constant 0 : i32
        %get3A_1192 = arith.index_cast %get3A_1191 : i32 to index
        %get3A_1193 = arith.index_cast %scan3A_282 : i32 to index
        %get3A_1194 = arith.constant 688 : index
        %get3A_1195 = tpu.vector_load %arg7[%get3A_1192, %get3A_1193, %get3A_1194] {strides = array<i32>} : memref<2x16x1024xf32, #tpu.memory_space<vmem>>, vector<1x1x16xf32>,
        %get3A_1196 = vector.shape_cast %get3A_1195 : vector<1x1x16xf32> to vector<16xf32>
        %mul3A_1197 = arith.mulf %get3A_1196, %get3A_34 : vector<16xf32>
        %add3A_1198 = arith.addf %get3A_1190, %mul3A_1197 : vector<16xf32>
        %swap3A_1199 = arith.constant 0 : i32
        %swap3A_1200 = arith.index_cast %swap3A_1199 : i32 to index
        %swap3A_1201 = arith.index_cast %scan3A_282 : i32 to index
        %swap3A_1202 = arith.constant 688 : index
        %swap3A_1203 = tpu.vector_load %arg8[%swap3A_1200, %swap3A_1201, %swap3A_1202] {strides = array<i32>} : memref<2x16x1024xf32, #tpu.memory_space<vmem>>, vector<1x1x16xf32>,
        %swap3A_1204 = vector.shape_cast %swap3A_1203 : vector<1x1x16xf32> to vector<16xf32>
        %swap3A_1205 = vector.shape_cast %add3A_1198 : vector<16xf32> to vector<1x1x16xf32>
        tpu.vector_store %arg8[%swap3A_1200, %swap3A_1201, %swap3A_1202], %swap3A_1205 {strides = array<i32>} : memref<2x16x1024xf32, #tpu.memory_space<vmem>>, vector<1x1x16xf32>,
        %get3A_1206 = arith.constant 0 : i32
        %get3A_1207 = arith.index_cast %get3A_1206 : i32 to index
        %get3A_1208 = arith.index_cast %scan3A_282 : i32 to index
        %get3A_1209 = arith.constant 704 : index
        %get3A_1210 = tpu.vector_load %arg6[%get3A_1207, %get3A_1208, %get3A_1209] {strides = array<i32>} : memref<2x16x1024xf32, #tpu.memory_space<vmem>>, vector<1x1x16xf32>,
        %get3A_1211 = vector.shape_cast %get3A_1210 : vector<1x1x16xf32> to vector<16xf32>
        %get3A_1212 = arith.constant 0 : i32
        %get3A_1213 = arith.index_cast %get3A_1212 : i32 to index
        %get3A_1214 = arith.index_cast %scan3A_282 : i32 to index
        %get3A_1215 = arith.constant 704 : index
        %get3A_1216 = tpu.vector_load %arg7[%get3A_1213, %get3A_1214, %get3A_1215] {strides = array<i32>} : memref<2x16x1024xf32, #tpu.memory_space<vmem>>, vector<1x1x16xf32>,
        %get3A_1217 = vector.shape_cast %get3A_1216 : vector<1x1x16xf32> to vector<16xf32>
        %mul3A_1218 = arith.mulf %get3A_1217, %get3A_34 : vector<16xf32>
        %add3A_1219 = arith.addf %get3A_1211, %mul3A_1218 : vector<16xf32>
        %swap3A_1220 = arith.constant 0 : i32
        %swap3A_1221 = arith.index_cast %swap3A_1220 : i32 to index
        %swap3A_1222 = arith.index_cast %scan3A_282 : i32 to index
        %swap3A_1223 = arith.constant 704 : index
        %swap3A_1224 = tpu.vector_load %arg8[%swap3A_1221, %swap3A_1222, %swap3A_1223] {strides = array<i32>} : memref<2x16x1024xf32, #tpu.memory_space<vmem>>, vector<1x1x16xf32>,
        %swap3A_1225 = vector.shape_cast %swap3A_1224 : vector<1x1x16xf32> to vector<16xf32>
        %swap3A_1226 = vector.shape_cast %add3A_1219 : vector<16xf32> to vector<1x1x16xf32>
        tpu.vector_store %arg8[%swap3A_1221, %swap3A_1222, %swap3A_1223], %swap3A_1226 {strides = array<i32>} : memref<2x16x1024xf32, #tpu.memory_space<vmem>>, vector<1x1x16xf32>,
        %get3A_1227 = arith.constant 0 : i32
        %get3A_1228 = arith.index_cast %get3A_1227 : i32 to index
        %get3A_1229 = arith.index_cast %scan3A_282 : i32 to index
        %get3A_1230 = arith.constant 720 : index
        %get3A_1231 = tpu.vector_load %arg6[%get3A_1228, %get3A_1229, %get3A_1230] {strides = array<i32>} : memref<2x16x1024xf32, #tpu.memory_space<vmem>>, vector<1x1x16xf32>,
        %get3A_1232 = vector.shape_cast %get3A_1231 : vector<1x1x16xf32> to vector<16xf32>
        %get3A_1233 = arith.constant 0 : i32
        %get3A_1234 = arith.index_cast %get3A_1233 : i32 to index
        %get3A_1235 = arith.index_cast %scan3A_282 : i32 to index
        %get3A_1236 = arith.constant 720 : index
        %get3A_1237 = tpu.vector_load %arg7[%get3A_1234, %get3A_1235, %get3A_1236] {strides = array<i32>} : memref<2x16x1024xf32, #tpu.memory_space<vmem>>, vector<1x1x16xf32>,
        %get3A_1238 = vector.shape_cast %get3A_1237 : vector<1x1x16xf32> to vector<16xf32>
        %mul3A_1239 = arith.mulf %get3A_1238, %get3A_34 : vector<16xf32>
        %add3A_1240 = arith.addf %get3A_1232, %mul3A_1239 : vector<16xf32>
        %swap3A_1241 = arith.constant 0 : i32
        %swap3A_1242 = arith.index_cast %swap3A_1241 : i32 to index
        %swap3A_1243 = arith.index_cast %scan3A_282 : i32 to index
        %swap3A_1244 = arith.constant 720 : index
        %swap3A_1245 = tpu.vector_load %arg8[%swap3A_1242, %swap3A_1243, %swap3A_1244] {strides = array<i32>} : memref<2x16x1024xf32, #tpu.memory_space<vmem>>, vector<1x1x16xf32>,
        %swap3A_1246 = vector.shape_cast %swap3A_1245 : vector<1x1x16xf32> to vector<16xf32>
        %swap3A_1247 = vector.shape_cast %add3A_1240 : vector<16xf32> to vector<1x1x16xf32>
        tpu.vector_store %arg8[%swap3A_1242, %swap3A_1243, %swap3A_1244], %swap3A_1247 {strides = array<i32>} : memref<2x16x1024xf32, #tpu.memory_space<vmem>>, vector<1x1x16xf32>,
        %get3A_1248 = arith.constant 0 : i32
        %get3A_1249 = arith.index_cast %get3A_1248 : i32 to index
        %get3A_1250 = arith.index_cast %scan3A_282 : i32 to index
        %get3A_1251 = arith.constant 736 : index
        %get3A_1252 = tpu.vector_load %arg6[%get3A_1249, %get3A_1250, %get3A_1251] {strides = array<i32>} : memref<2x16x1024xf32, #tpu.memory_space<vmem>>, vector<1x1x16xf32>,
        %get3A_1253 = vector.shape_cast %get3A_1252 : vector<1x1x16xf32> to vector<16xf32>
        %get3A_1254 = arith.constant 0 : i32
        %get3A_1255 = arith.index_cast %get3A_1254 : i32 to index
        %get3A_1256 = arith.index_cast %scan3A_282 : i32 to index
        %get3A_1257 = arith.constant 736 : index
        %get3A_1258 = tpu.vector_load %arg7[%get3A_1255, %get3A_1256, %get3A_1257] {strides = array<i32>} : memref<2x16x1024xf32, #tpu.memory_space<vmem>>, vector<1x1x16xf32>,
        %get3A_1259 = vector.shape_cast %get3A_1258 : vector<1x1x16xf32> to vector<16xf32>
        %mul3A_1260 = arith.mulf %get3A_1259, %get3A_34 : vector<16xf32>
        %add3A_1261 = arith.addf %get3A_1253, %mul3A_1260 : vector<16xf32>
        %swap3A_1262 = arith.constant 0 : i32
        %swap3A_1263 = arith.index_cast %swap3A_1262 : i32 to index
        %swap3A_1264 = arith.index_cast %scan3A_282 : i32 to index
        %swap3A_1265 = arith.constant 736 : index
        %swap3A_1266 = tpu.vector_load %arg8[%swap3A_1263, %swap3A_1264, %swap3A_1265] {strides = array<i32>} : memref<2x16x1024xf32, #tpu.memory_space<vmem>>, vector<1x1x16xf32>,
        %swap3A_1267 = vector.shape_cast %swap3A_1266 : vector<1x1x16xf32> to vector<16xf32>
        %swap3A_1268 = vector.shape_cast %add3A_1261 : vector<16xf32> to vector<1x1x16xf32>
        tpu.vector_store %arg8[%swap3A_1263, %swap3A_1264, %swap3A_1265], %swap3A_1268 {strides = array<i32>} : memref<2x16x1024xf32, #tpu.memory_space<vmem>>, vector<1x1x16xf32>,
        %get3A_1269 = arith.constant 0 : i32
        %get3A_1270 = arith.index_cast %get3A_1269 : i32 to index
        %get3A_1271 = arith.index_cast %scan3A_282 : i32 to index
        %get3A_1272 = arith.constant 752 : index
        %get3A_1273 = tpu.vector_load %arg6[%get3A_1270, %get3A_1271, %get3A_1272] {strides = array<i32>} : memref<2x16x1024xf32, #tpu.memory_space<vmem>>, vector<1x1x16xf32>,
        %get3A_1274 = vector.shape_cast %get3A_1273 : vector<1x1x16xf32> to vector<16xf32>
        %get3A_1275 = arith.constant 0 : i32
        %get3A_1276 = arith.index_cast %get3A_1275 : i32 to index
        %get3A_1277 = arith.index_cast %scan3A_282 : i32 to index
        %get3A_1278 = arith.constant 752 : index
        %get3A_1279 = tpu.vector_load %arg7[%get3A_1276, %get3A_1277, %get3A_1278] {strides = array<i32>} : memref<2x16x1024xf32, #tpu.memory_space<vmem>>, vector<1x1x16xf32>,
        %get3A_1280 = vector.shape_cast %get3A_1279 : vector<1x1x16xf32> to vector<16xf32>
        %mul3A_1281 = arith.mulf %get3A_1280, %get3A_34 : vector<16xf32>
        %add3A_1282 = arith.addf %get3A_1274, %mul3A_1281 : vector<16xf32>
        %swap3A_1283 = arith.constant 0 : i32
        %swap3A_1284 = arith.index_cast %swap3A_1283 : i32 to index
        %swap3A_1285 = arith.index_cast %scan3A_282 : i32 to index
        %swap3A_1286 = arith.constant 752 : index
        %swap3A_1287 = tpu.vector_load %arg8[%swap3A_1284, %swap3A_1285, %swap3A_1286] {strides = array<i32>} : memref<2x16x1024xf32, #tpu.memory_space<vmem>>, vector<1x1x16xf32>,
        %swap3A_1288 = vector.shape_cast %swap3A_1287 : vector<1x1x16xf32> to vector<16xf32>
        %swap3A_1289 = vector.shape_cast %add3A_1282 : vector<16xf32> to vector<1x1x16xf32>
        tpu.vector_store %arg8[%swap3A_1284, %swap3A_1285, %swap3A_1286], %swap3A_1289 {strides = array<i32>} : memref<2x16x1024xf32, #tpu.memory_space<vmem>>, vector<1x1x16xf32>,
        %get3A_1290 = arith.constant 0 : i32
        %get3A_1291 = arith.index_cast %get3A_1290 : i32 to index
        %get3A_1292 = arith.index_cast %scan3A_282 : i32 to index
        %get3A_1293 = arith.constant 768 : index
        %get3A_1294 = tpu.vector_load %arg6[%get3A_1291, %get3A_1292, %get3A_1293] {strides = array<i32>} : memref<2x16x1024xf32, #tpu.memory_space<vmem>>, vector<1x1x16xf32>,
        %get3A_1295 = vector.shape_cast %get3A_1294 : vector<1x1x16xf32> to vector<16xf32>
        %get3A_1296 = arith.constant 0 : i32
        %get3A_1297 = arith.index_cast %get3A_1296 : i32 to index
        %get3A_1298 = arith.index_cast %scan3A_282 : i32 to index
        %get3A_1299 = arith.constant 768 : index
        %get3A_1300 = tpu.vector_load %arg7[%get3A_1297, %get3A_1298, %get3A_1299] {strides = array<i32>} : memref<2x16x1024xf32, #tpu.memory_space<vmem>>, vector<1x1x16xf32>,
        %get3A_1301 = vector.shape_cast %get3A_1300 : vector<1x1x16xf32> to vector<16xf32>
        %mul3A_1302 = arith.mulf %get3A_1301, %get3A_34 : vector<16xf32>
        %add3A_1303 = arith.addf %get3A_1295, %mul3A_1302 : vector<16xf32>
        %swap3A_1304 = arith.constant 0 : i32
        %swap3A_1305 = arith.index_cast %swap3A_1304 : i32 to index
        %swap3A_1306 = arith.index_cast %scan3A_282 : i32 to index
        %swap3A_1307 = arith.constant 768 : index
        %swap3A_1308 = tpu.vector_load %arg8[%swap3A_1305, %swap3A_1306, %swap3A_1307] {strides = array<i32>} : memref<2x16x1024xf32, #tpu.memory_space<vmem>>, vector<1x1x16xf32>,
        %swap3A_1309 = vector.shape_cast %swap3A_1308 : vector<1x1x16xf32> to vector<16xf32>
        %swap3A_1310 = vector.shape_cast %add3A_1303 : vector<16xf32> to vector<1x1x16xf32>
        tpu.vector_store %arg8[%swap3A_1305, %swap3A_1306, %swap3A_1307], %swap3A_1310 {strides = array<i32>} : memref<2x16x1024xf32, #tpu.memory_space<vmem>>, vector<1x1x16xf32>,
        %get3A_1311 = arith.constant 0 : i32
        %get3A_1312 = arith.index_cast %get3A_1311 : i32 to index
        %get3A_1313 = arith.index_cast %scan3A_282 : i32 to index
        %get3A_1314 = arith.constant 784 : index
        %get3A_1315 = tpu.vector_load %arg6[%get3A_1312, %get3A_1313, %get3A_1314] {strides = array<i32>} : memref<2x16x1024xf32, #tpu.memory_space<vmem>>, vector<1x1x16xf32>,
        %get3A_1316 = vector.shape_cast %get3A_1315 : vector<1x1x16xf32> to vector<16xf32>
        %get3A_1317 = arith.constant 0 : i32
        %get3A_1318 = arith.index_cast %get3A_1317 : i32 to index
        %get3A_1319 = arith.index_cast %scan3A_282 : i32 to index
        %get3A_1320 = arith.constant 784 : index
        %get3A_1321 = tpu.vector_load %arg7[%get3A_1318, %get3A_1319, %get3A_1320] {strides = array<i32>} : memref<2x16x1024xf32, #tpu.memory_space<vmem>>, vector<1x1x16xf32>,
        %get3A_1322 = vector.shape_cast %get3A_1321 : vector<1x1x16xf32> to vector<16xf32>
        %mul3A_1323 = arith.mulf %get3A_1322, %get3A_34 : vector<16xf32>
        %add3A_1324 = arith.addf %get3A_1316, %mul3A_1323 : vector<16xf32>
        %swap3A_1325 = arith.constant 0 : i32
        %swap3A_1326 = arith.index_cast %swap3A_1325 : i32 to index
        %swap3A_1327 = arith.index_cast %scan3A_282 : i32 to index
        %swap3A_1328 = arith.constant 784 : index
        %swap3A_1329 = tpu.vector_load %arg8[%swap3A_1326, %swap3A_1327, %swap3A_1328] {strides = array<i32>} : memref<2x16x1024xf32, #tpu.memory_space<vmem>>, vector<1x1x16xf32>,
        %swap3A_1330 = vector.shape_cast %swap3A_1329 : vector<1x1x16xf32> to vector<16xf32>
        %swap3A_1331 = vector.shape_cast %add3A_1324 : vector<16xf32> to vector<1x1x16xf32>
        tpu.vector_store %arg8[%swap3A_1326, %swap3A_1327, %swap3A_1328], %swap3A_1331 {strides = array<i32>} : memref<2x16x1024xf32, #tpu.memory_space<vmem>>, vector<1x1x16xf32>,
        %get3A_1332 = arith.constant 0 : i32
        %get3A_1333 = arith.index_cast %get3A_1332 : i32 to index
        %get3A_1334 = arith.index_cast %scan3A_282 : i32 to index
        %get3A_1335 = arith.constant 800 : index
        %get3A_1336 = tpu.vector_load %arg6[%get3A_1333, %get3A_1334, %get3A_1335] {strides = array<i32>} : memref<2x16x1024xf32, #tpu.memory_space<vmem>>, vector<1x1x16xf32>,
        %get3A_1337 = vector.shape_cast %get3A_1336 : vector<1x1x16xf32> to vector<16xf32>
        %get3A_1338 = arith.constant 0 : i32
        %get3A_1339 = arith.index_cast %get3A_1338 : i32 to index
        %get3A_1340 = arith.index_cast %scan3A_282 : i32 to index
        %get3A_1341 = arith.constant 800 : index
        %get3A_1342 = tpu.vector_load %arg7[%get3A_1339, %get3A_1340, %get3A_1341] {strides = array<i32>} : memref<2x16x1024xf32, #tpu.memory_space<vmem>>, vector<1x1x16xf32>,
        %get3A_1343 = vector.shape_cast %get3A_1342 : vector<1x1x16xf32> to vector<16xf32>
        %mul3A_1344 = arith.mulf %get3A_1343, %get3A_34 : vector<16xf32>
        %add3A_1345 = arith.addf %get3A_1337, %mul3A_1344 : vector<16xf32>
        %swap3A_1346 = arith.constant 0 : i32
        %swap3A_1347 = arith.index_cast %swap3A_1346 : i32 to index
        %swap3A_1348 = arith.index_cast %scan3A_282 : i32 to index
        %swap3A_1349 = arith.constant 800 : index
        %swap3A_1350 = tpu.vector_load %arg8[%swap3A_1347, %swap3A_1348, %swap3A_1349] {strides = array<i32>} : memref<2x16x1024xf32, #tpu.memory_space<vmem>>, vector<1x1x16xf32>,
        %swap3A_1351 = vector.shape_cast %swap3A_1350 : vector<1x1x16xf32> to vector<16xf32>
        %swap3A_1352 = vector.shape_cast %add3A_1345 : vector<16xf32> to vector<1x1x16xf32>
        tpu.vector_store %arg8[%swap3A_1347, %swap3A_1348, %swap3A_1349], %swap3A_1352 {strides = array<i32>} : memref<2x16x1024xf32, #tpu.memory_space<vmem>>, vector<1x1x16xf32>,
        %get3A_1353 = arith.constant 0 : i32
        %get3A_1354 = arith.index_cast %get3A_1353 : i32 to index
        %get3A_1355 = arith.index_cast %scan3A_282 : i32 to index
        %get3A_1356 = arith.constant 816 : index
        %get3A_1357 = tpu.vector_load %arg6[%get3A_1354, %get3A_1355, %get3A_1356] {strides = array<i32>} : memref<2x16x1024xf32, #tpu.memory_space<vmem>>, vector<1x1x16xf32>,
        %get3A_1358 = vector.shape_cast %get3A_1357 : vector<1x1x16xf32> to vector<16xf32>
        %get3A_1359 = arith.constant 0 : i32
        %get3A_1360 = arith.index_cast %get3A_1359 : i32 to index
        %get3A_1361 = arith.index_cast %scan3A_282 : i32 to index
        %get3A_1362 = arith.constant 816 : index
        %get3A_1363 = tpu.vector_load %arg7[%get3A_1360, %get3A_1361, %get3A_1362] {strides = array<i32>} : memref<2x16x1024xf32, #tpu.memory_space<vmem>>, vector<1x1x16xf32>,
        %get3A_1364 = vector.shape_cast %get3A_1363 : vector<1x1x16xf32> to vector<16xf32>
        %mul3A_1365 = arith.mulf %get3A_1364, %get3A_34 : vector<16xf32>
        %add3A_1366 = arith.addf %get3A_1358, %mul3A_1365 : vector<16xf32>
        %swap3A_1367 = arith.constant 0 : i32
        %swap3A_1368 = arith.index_cast %swap3A_1367 : i32 to index
        %swap3A_1369 = arith.index_cast %scan3A_282 : i32 to index
        %swap3A_1370 = arith.constant 816 : index
        %swap3A_1371 = tpu.vector_load %arg8[%swap3A_1368, %swap3A_1369, %swap3A_1370] {strides = array<i32>} : memref<2x16x1024xf32, #tpu.memory_space<vmem>>, vector<1x1x16xf32>,
        %swap3A_1372 = vector.shape_cast %swap3A_1371 : vector<1x1x16xf32> to vector<16xf32>
        %swap3A_1373 = vector.shape_cast %add3A_1366 : vector<16xf32> to vector<1x1x16xf32>
        tpu.vector_store %arg8[%swap3A_1368, %swap3A_1369, %swap3A_1370], %swap3A_1373 {strides = array<i32>} : memref<2x16x1024xf32, #tpu.memory_space<vmem>>, vector<1x1x16xf32>,
        %get3A_1374 = arith.constant 0 : i32
        %get3A_1375 = arith.index_cast %get3A_1374 : i32 to index
        %get3A_1376 = arith.index_cast %scan3A_282 : i32 to index
        %get3A_1377 = arith.constant 832 : index
        %get3A_1378 = tpu.vector_load %arg6[%get3A_1375, %get3A_1376, %get3A_1377] {strides = array<i32>} : memref<2x16x1024xf32, #tpu.memory_space<vmem>>, vector<1x1x16xf32>,
        %get3A_1379 = vector.shape_cast %get3A_1378 : vector<1x1x16xf32> to vector<16xf32>
        %get3A_1380 = arith.constant 0 : i32
        %get3A_1381 = arith.index_cast %get3A_1380 : i32 to index
        %get3A_1382 = arith.index_cast %scan3A_282 : i32 to index
        %get3A_1383 = arith.constant 832 : index
        %get3A_1384 = tpu.vector_load %arg7[%get3A_1381, %get3A_1382, %get3A_1383] {strides = array<i32>} : memref<2x16x1024xf32, #tpu.memory_space<vmem>>, vector<1x1x16xf32>,
        %get3A_1385 = vector.shape_cast %get3A_1384 : vector<1x1x16xf32> to vector<16xf32>
        %mul3A_1386 = arith.mulf %get3A_1385, %get3A_34 : vector<16xf32>
        %add3A_1387 = arith.addf %get3A_1379, %mul3A_1386 : vector<16xf32>
        %swap3A_1388 = arith.constant 0 : i32
        %swap3A_1389 = arith.index_cast %swap3A_1388 : i32 to index
        %swap3A_1390 = arith.index_cast %scan3A_282 : i32 to index
        %swap3A_1391 = arith.constant 832 : index
        %swap3A_1392 = tpu.vector_load %arg8[%swap3A_1389, %swap3A_1390, %swap3A_1391] {strides = array<i32>} : memref<2x16x1024xf32, #tpu.memory_space<vmem>>, vector<1x1x16xf32>,
        %swap3A_1393 = vector.shape_cast %swap3A_1392 : vector<1x1x16xf32> to vector<16xf32>
        %swap3A_1394 = vector.shape_cast %add3A_1387 : vector<16xf32> to vector<1x1x16xf32>
        tpu.vector_store %arg8[%swap3A_1389, %swap3A_1390, %swap3A_1391], %swap3A_1394 {strides = array<i32>} : memref<2x16x1024xf32, #tpu.memory_space<vmem>>, vector<1x1x16xf32>,
        %get3A_1395 = arith.constant 0 : i32
        %get3A_1396 = arith.index_cast %get3A_1395 : i32 to index
        %get3A_1397 = arith.index_cast %scan3A_282 : i32 to index
        %get3A_1398 = arith.constant 848 : index
        %get3A_1399 = tpu.vector_load %arg6[%get3A_1396, %get3A_1397, %get3A_1398] {strides = array<i32>} : memref<2x16x1024xf32, #tpu.memory_space<vmem>>, vector<1x1x16xf32>,
        %get3A_1400 = vector.shape_cast %get3A_1399 : vector<1x1x16xf32> to vector<16xf32>
        %get3A_1401 = arith.constant 0 : i32
        %get3A_1402 = arith.index_cast %get3A_1401 : i32 to index
        %get3A_1403 = arith.index_cast %scan3A_282 : i32 to index
        %get3A_1404 = arith.constant 848 : index
        %get3A_1405 = tpu.vector_load %arg7[%get3A_1402, %get3A_1403, %get3A_1404] {strides = array<i32>} : memref<2x16x1024xf32, #tpu.memory_space<vmem>>, vector<1x1x16xf32>,
        %get3A_1406 = vector.shape_cast %get3A_1405 : vector<1x1x16xf32> to vector<16xf32>
        %mul3A_1407 = arith.mulf %get3A_1406, %get3A_34 : vector<16xf32>
        %add3A_1408 = arith.addf %get3A_1400, %mul3A_1407 : vector<16xf32>
        %swap3A_1409 = arith.constant 0 : i32
        %swap3A_1410 = arith.index_cast %swap3A_1409 : i32 to index
        %swap3A_1411 = arith.index_cast %scan3A_282 : i32 to index
        %swap3A_1412 = arith.constant 848 : index
        %swap3A_1413 = tpu.vector_load %arg8[%swap3A_1410, %swap3A_1411, %swap3A_1412] {strides = array<i32>} : memref<2x16x1024xf32, #tpu.memory_space<vmem>>, vector<1x1x16xf32>,
        %swap3A_1414 = vector.shape_cast %swap3A_1413 : vector<1x1x16xf32> to vector<16xf32>
        %swap3A_1415 = vector.shape_cast %add3A_1408 : vector<16xf32> to vector<1x1x16xf32>
        tpu.vector_store %arg8[%swap3A_1410, %swap3A_1411, %swap3A_1412], %swap3A_1415 {strides = array<i32>} : memref<2x16x1024xf32, #tpu.memory_space<vmem>>, vector<1x1x16xf32>,
        %get3A_1416 = arith.constant 0 : i32
        %get3A_1417 = arith.index_cast %get3A_1416 : i32 to index
        %get3A_1418 = arith.index_cast %scan3A_282 : i32 to index
        %get3A_1419 = arith.constant 864 : index
        %get3A_1420 = tpu.vector_load %arg6[%get3A_1417, %get3A_1418, %get3A_1419] {strides = array<i32>} : memref<2x16x1024xf32, #tpu.memory_space<vmem>>, vector<1x1x16xf32>,
        %get3A_1421 = vector.shape_cast %get3A_1420 : vector<1x1x16xf32> to vector<16xf32>
        %get3A_1422 = arith.constant 0 : i32
        %get3A_1423 = arith.index_cast %get3A_1422 : i32 to index
        %get3A_1424 = arith.index_cast %scan3A_282 : i32 to index
        %get3A_1425 = arith.constant 864 : index
        %get3A_1426 = tpu.vector_load %arg7[%get3A_1423, %get3A_1424, %get3A_1425] {strides = array<i32>} : memref<2x16x1024xf32, #tpu.memory_space<vmem>>, vector<1x1x16xf32>,
        %get3A_1427 = vector.shape_cast %get3A_1426 : vector<1x1x16xf32> to vector<16xf32>
        %mul3A_1428 = arith.mulf %get3A_1427, %get3A_34 : vector<16xf32>
        %add3A_1429 = arith.addf %get3A_1421, %mul3A_1428 : vector<16xf32>
        %swap3A_1430 = arith.constant 0 : i32
        %swap3A_1431 = arith.index_cast %swap3A_1430 : i32 to index
        %swap3A_1432 = arith.index_cast %scan3A_282 : i32 to index
        %swap3A_1433 = arith.constant 864 : index
        %swap3A_1434 = tpu.vector_load %arg8[%swap3A_1431, %swap3A_1432, %swap3A_1433] {strides = array<i32>} : memref<2x16x1024xf32, #tpu.memory_space<vmem>>, vector<1x1x16xf32>,
        %swap3A_1435 = vector.shape_cast %swap3A_1434 : vector<1x1x16xf32> to vector<16xf32>
        %swap3A_1436 = vector.shape_cast %add3A_1429 : vector<16xf32> to vector<1x1x16xf32>
        tpu.vector_store %arg8[%swap3A_1431, %swap3A_1432, %swap3A_1433], %swap3A_1436 {strides = array<i32>} : memref<2x16x1024xf32, #tpu.memory_space<vmem>>, vector<1x1x16xf32>,
        %get3A_1437 = arith.constant 0 : i32
        %get3A_1438 = arith.index_cast %get3A_1437 : i32 to index
        %get3A_1439 = arith.index_cast %scan3A_282 : i32 to index
        %get3A_1440 = arith.constant 880 : index
        %get3A_1441 = tpu.vector_load %arg6[%get3A_1438, %get3A_1439, %get3A_1440] {strides = array<i32>} : memref<2x16x1024xf32, #tpu.memory_space<vmem>>, vector<1x1x16xf32>,
        %get3A_1442 = vector.shape_cast %get3A_1441 : vector<1x1x16xf32> to vector<16xf32>
        %get3A_1443 = arith.constant 0 : i32
        %get3A_1444 = arith.index_cast %get3A_1443 : i32 to index
        %get3A_1445 = arith.index_cast %scan3A_282 : i32 to index
        %get3A_1446 = arith.constant 880 : index
        %get3A_1447 = tpu.vector_load %arg7[%get3A_1444, %get3A_1445, %get3A_1446] {strides = array<i32>} : memref<2x16x1024xf32, #tpu.memory_space<vmem>>, vector<1x1x16xf32>,
        %get3A_1448 = vector.shape_cast %get3A_1447 : vector<1x1x16xf32> to vector<16xf32>
        %mul3A_1449 = arith.mulf %get3A_1448, %get3A_34 : vector<16xf32>
        %add3A_1450 = arith.addf %get3A_1442, %mul3A_1449 : vector<16xf32>
        %swap3A_1451 = arith.constant 0 : i32
        %swap3A_1452 = arith.index_cast %swap3A_1451 : i32 to index
        %swap3A_1453 = arith.index_cast %scan3A_282 : i32 to index
        %swap3A_1454 = arith.constant 880 : index
        %swap3A_1455 = tpu.vector_load %arg8[%swap3A_1452, %swap3A_1453, %swap3A_1454] {strides = array<i32>} : memref<2x16x1024xf32, #tpu.memory_space<vmem>>, vector<1x1x16xf32>,
        %swap3A_1456 = vector.shape_cast %swap3A_1455 : vector<1x1x16xf32> to vector<16xf32>
        %swap3A_1457 = vector.shape_cast %add3A_1450 : vector<16xf32> to vector<1x1x16xf32>
        tpu.vector_store %arg8[%swap3A_1452, %swap3A_1453, %swap3A_1454], %swap3A_1457 {strides = array<i32>} : memref<2x16x1024xf32, #tpu.memory_space<vmem>>, vector<1x1x16xf32>,
        %get3A_1458 = arith.constant 0 : i32
        %get3A_1459 = arith.index_cast %get3A_1458 : i32 to index
        %get3A_1460 = arith.index_cast %scan3A_282 : i32 to index
        %get3A_1461 = arith.constant 896 : index
        %get3A_1462 = tpu.vector_load %arg6[%get3A_1459, %get3A_1460, %get3A_1461] {strides = array<i32>} : memref<2x16x1024xf32, #tpu.memory_space<vmem>>, vector<1x1x16xf32>,
        %get3A_1463 = vector.shape_cast %get3A_1462 : vector<1x1x16xf32> to vector<16xf32>
        %get3A_1464 = arith.constant 0 : i32
        %get3A_1465 = arith.index_cast %get3A_1464 : i32 to index
        %get3A_1466 = arith.index_cast %scan3A_282 : i32 to index
        %get3A_1467 = arith.constant 896 : index
        %get3A_1468 = tpu.vector_load %arg7[%get3A_1465, %get3A_1466, %get3A_1467] {strides = array<i32>} : memref<2x16x1024xf32, #tpu.memory_space<vmem>>, vector<1x1x16xf32>,
        %get3A_1469 = vector.shape_cast %get3A_1468 : vector<1x1x16xf32> to vector<16xf32>
        %mul3A_1470 = arith.mulf %get3A_1469, %get3A_34 : vector<16xf32>
        %add3A_1471 = arith.addf %get3A_1463, %mul3A_1470 : vector<16xf32>
        %swap3A_1472 = arith.constant 0 : i32
        %swap3A_1473 = arith.index_cast %swap3A_1472 : i32 to index
        %swap3A_1474 = arith.index_cast %scan3A_282 : i32 to index
        %swap3A_1475 = arith.constant 896 : index
        %swap3A_1476 = tpu.vector_load %arg8[%swap3A_1473, %swap3A_1474, %swap3A_1475] {strides = array<i32>} : memref<2x16x1024xf32, #tpu.memory_space<vmem>>, vector<1x1x16xf32>,
        %swap3A_1477 = vector.shape_cast %swap3A_1476 : vector<1x1x16xf32> to vector<16xf32>
        %swap3A_1478 = vector.shape_cast %add3A_1471 : vector<16xf32> to vector<1x1x16xf32>
        tpu.vector_store %arg8[%swap3A_1473, %swap3A_1474, %swap3A_1475], %swap3A_1478 {strides = array<i32>} : memref<2x16x1024xf32, #tpu.memory_space<vmem>>, vector<1x1x16xf32>,
        %get3A_1479 = arith.constant 0 : i32
        %get3A_1480 = arith.index_cast %get3A_1479 : i32 to index
        %get3A_1481 = arith.index_cast %scan3A_282 : i32 to index
        %get3A_1482 = arith.constant 912 : index
        %get3A_1483 = tpu.vector_load %arg6[%get3A_1480, %get3A_1481, %get3A_1482] {strides = array<i32>} : memref<2x16x1024xf32, #tpu.memory_space<vmem>>, vector<1x1x16xf32>,
        %get3A_1484 = vector.shape_cast %get3A_1483 : vector<1x1x16xf32> to vector<16xf32>
        %get3A_1485 = arith.constant 0 : i32
        %get3A_1486 = arith.index_cast %get3A_1485 : i32 to index
        %get3A_1487 = arith.index_cast %scan3A_282 : i32 to index
        %get3A_1488 = arith.constant 912 : index
        %get3A_1489 = tpu.vector_load %arg7[%get3A_1486, %get3A_1487, %get3A_1488] {strides = array<i32>} : memref<2x16x1024xf32, #tpu.memory_space<vmem>>, vector<1x1x16xf32>,
        %get3A_1490 = vector.shape_cast %get3A_1489 : vector<1x1x16xf32> to vector<16xf32>
        %mul3A_1491 = arith.mulf %get3A_1490, %get3A_34 : vector<16xf32>
        %add3A_1492 = arith.addf %get3A_1484, %mul3A_1491 : vector<16xf32>
        %swap3A_1493 = arith.constant 0 : i32
        %swap3A_1494 = arith.index_cast %swap3A_1493 : i32 to index
        %swap3A_1495 = arith.index_cast %scan3A_282 : i32 to index
        %swap3A_1496 = arith.constant 912 : index
        %swap3A_1497 = tpu.vector_load %arg8[%swap3A_1494, %swap3A_1495, %swap3A_1496] {strides = array<i32>} : memref<2x16x1024xf32, #tpu.memory_space<vmem>>, vector<1x1x16xf32>,
        %swap3A_1498 = vector.shape_cast %swap3A_1497 : vector<1x1x16xf32> to vector<16xf32>
        %swap3A_1499 = vector.shape_cast %add3A_1492 : vector<16xf32> to vector<1x1x16xf32>
        tpu.vector_store %arg8[%swap3A_1494, %swap3A_1495, %swap3A_1496], %swap3A_1499 {strides = array<i32>} : memref<2x16x1024xf32, #tpu.memory_space<vmem>>, vector<1x1x16xf32>,
        %get3A_1500 = arith.constant 0 : i32
        %get3A_1501 = arith.index_cast %get3A_1500 : i32 to index
        %get3A_1502 = arith.index_cast %scan3A_282 : i32 to index
        %get3A_1503 = arith.constant 928 : index
        %get3A_1504 = tpu.vector_load %arg6[%get3A_1501, %get3A_1502, %get3A_1503] {strides = array<i32>} : memref<2x16x1024xf32, #tpu.memory_space<vmem>>, vector<1x1x16xf32>,
        %get3A_1505 = vector.shape_cast %get3A_1504 : vector<1x1x16xf32> to vector<16xf32>
        %get3A_1506 = arith.constant 0 : i32
        %get3A_1507 = arith.index_cast %get3A_1506 : i32 to index
        %get3A_1508 = arith.index_cast %scan3A_282 : i32 to index
        %get3A_1509 = arith.constant 928 : index
        %get3A_1510 = tpu.vector_load %arg7[%get3A_1507, %get3A_1508, %get3A_1509] {strides = array<i32>} : memref<2x16x1024xf32, #tpu.memory_space<vmem>>, vector<1x1x16xf32>,
        %get3A_1511 = vector.shape_cast %get3A_1510 : vector<1x1x16xf32> to vector<16xf32>
        %mul3A_1512 = arith.mulf %get3A_1511, %get3A_34 : vector<16xf32>
        %add3A_1513 = arith.addf %get3A_1505, %mul3A_1512 : vector<16xf32>
        %swap3A_1514 = arith.constant 0 : i32
        %swap3A_1515 = arith.index_cast %swap3A_1514 : i32 to index
        %swap3A_1516 = arith.index_cast %scan3A_282 : i32 to index
        %swap3A_1517 = arith.constant 928 : index
        %swap3A_1518 = tpu.vector_load %arg8[%swap3A_1515, %swap3A_1516, %swap3A_1517] {strides = array<i32>} : memref<2x16x1024xf32, #tpu.memory_space<vmem>>, vector<1x1x16xf32>,
        %swap3A_1519 = vector.shape_cast %swap3A_1518 : vector<1x1x16xf32> to vector<16xf32>
        %swap3A_1520 = vector.shape_cast %add3A_1513 : vector<16xf32> to vector<1x1x16xf32>
        tpu.vector_store %arg8[%swap3A_1515, %swap3A_1516, %swap3A_1517], %swap3A_1520 {strides = array<i32>} : memref<2x16x1024xf32, #tpu.memory_space<vmem>>, vector<1x1x16xf32>,
        %get3A_1521 = arith.constant 0 : i32
        %get3A_1522 = arith.index_cast %get3A_1521 : i32 to index
        %get3A_1523 = arith.index_cast %scan3A_282 : i32 to index
        %get3A_1524 = arith.constant 944 : index
        %get3A_1525 = tpu.vector_load %arg6[%get3A_1522, %get3A_1523, %get3A_1524] {strides = array<i32>} : memref<2x16x1024xf32, #tpu.memory_space<vmem>>, vector<1x1x16xf32>,
        %get3A_1526 = vector.shape_cast %get3A_1525 : vector<1x1x16xf32> to vector<16xf32>
        %get3A_1527 = arith.constant 0 : i32
        %get3A_1528 = arith.index_cast %get3A_1527 : i32 to index
        %get3A_1529 = arith.index_cast %scan3A_282 : i32 to index
        %get3A_1530 = arith.constant 944 : index
        %get3A_1531 = tpu.vector_load %arg7[%get3A_1528, %get3A_1529, %get3A_1530] {strides = array<i32>} : memref<2x16x1024xf32, #tpu.memory_space<vmem>>, vector<1x1x16xf32>,
        %get3A_1532 = vector.shape_cast %get3A_1531 : vector<1x1x16xf32> to vector<16xf32>
        %mul3A_1533 = arith.mulf %get3A_1532, %get3A_34 : vector<16xf32>
        %add3A_1534 = arith.addf %get3A_1526, %mul3A_1533 : vector<16xf32>
        %swap3A_1535 = arith.constant 0 : i32
        %swap3A_1536 = arith.index_cast %swap3A_1535 : i32 to index
        %swap3A_1537 = arith.index_cast %scan3A_282 : i32 to index
        %swap3A_1538 = arith.constant 944 : index
        %swap3A_1539 = tpu.vector_load %arg8[%swap3A_1536, %swap3A_1537, %swap3A_1538] {strides = array<i32>} : memref<2x16x1024xf32, #tpu.memory_space<vmem>>, vector<1x1x16xf32>,
        %swap3A_1540 = vector.shape_cast %swap3A_1539 : vector<1x1x16xf32> to vector<16xf32>
        %swap3A_1541 = vector.shape_cast %add3A_1534 : vector<16xf32> to vector<1x1x16xf32>
        tpu.vector_store %arg8[%swap3A_1536, %swap3A_1537, %swap3A_1538], %swap3A_1541 {strides = array<i32>} : memref<2x16x1024xf32, #tpu.memory_space<vmem>>, vector<1x1x16xf32>,
        %get3A_1542 = arith.constant 0 : i32
        %get3A_1543 = arith.index_cast %get3A_1542 : i32 to index
        %get3A_1544 = arith.index_cast %scan3A_282 : i32 to index
        %get3A_1545 = arith.constant 960 : index
        %get3A_1546 = tpu.vector_load %arg6[%get3A_1543, %get3A_1544, %get3A_1545] {strides = array<i32>} : memref<2x16x1024xf32, #tpu.memory_space<vmem>>, vector<1x1x16xf32>,
        %get3A_1547 = vector.shape_cast %get3A_1546 : vector<1x1x16xf32> to vector<16xf32>
        %get3A_1548 = arith.constant 0 : i32
        %get3A_1549 = arith.index_cast %get3A_1548 : i32 to index
        %get3A_1550 = arith.index_cast %scan3A_282 : i32 to index
        %get3A_1551 = arith.constant 960 : index
        %get3A_1552 = tpu.vector_load %arg7[%get3A_1549, %get3A_1550, %get3A_1551] {strides = array<i32>} : memref<2x16x1024xf32, #tpu.memory_space<vmem>>, vector<1x1x16xf32>,
        %get3A_1553 = vector.shape_cast %get3A_1552 : vector<1x1x16xf32> to vector<16xf32>
        %mul3A_1554 = arith.mulf %get3A_1553, %get3A_34 : vector<16xf32>
        %add3A_1555 = arith.addf %get3A_1547, %mul3A_1554 : vector<16xf32>
        %swap3A_1556 = arith.constant 0 : i32
        %swap3A_1557 = arith.index_cast %swap3A_1556 : i32 to index
        %swap3A_1558 = arith.index_cast %scan3A_282 : i32 to index
        %swap3A_1559 = arith.constant 960 : index
        %swap3A_1560 = tpu.vector_load %arg8[%swap3A_1557, %swap3A_1558, %swap3A_1559] {strides = array<i32>} : memref<2x16x1024xf32, #tpu.memory_space<vmem>>, vector<1x1x16xf32>,
        %swap3A_1561 = vector.shape_cast %swap3A_1560 : vector<1x1x16xf32> to vector<16xf32>
        %swap3A_1562 = vector.shape_cast %add3A_1555 : vector<16xf32> to vector<1x1x16xf32>
        tpu.vector_store %arg8[%swap3A_1557, %swap3A_1558, %swap3A_1559], %swap3A_1562 {strides = array<i32>} : memref<2x16x1024xf32, #tpu.memory_space<vmem>>, vector<1x1x16xf32>,
        %get3A_1563 = arith.constant 0 : i32
        %get3A_1564 = arith.index_cast %get3A_1563 : i32 to index
        %get3A_1565 = arith.index_cast %scan3A_282 : i32 to index
        %get3A_1566 = arith.constant 976 : index
        %get3A_1567 = tpu.vector_load %arg6[%get3A_1564, %get3A_1565, %get3A_1566] {strides = array<i32>} : memref<2x16x1024xf32, #tpu.memory_space<vmem>>, vector<1x1x16xf32>,
        %get3A_1568 = vector.shape_cast %get3A_1567 : vector<1x1x16xf32> to vector<16xf32>
        %get3A_1569 = arith.constant 0 : i32
        %get3A_1570 = arith.index_cast %get3A_1569 : i32 to index
        %get3A_1571 = arith.index_cast %scan3A_282 : i32 to index
        %get3A_1572 = arith.constant 976 : index
        %get3A_1573 = tpu.vector_load %arg7[%get3A_1570, %get3A_1571, %get3A_1572] {strides = array<i32>} : memref<2x16x1024xf32, #tpu.memory_space<vmem>>, vector<1x1x16xf32>,
        %get3A_1574 = vector.shape_cast %get3A_1573 : vector<1x1x16xf32> to vector<16xf32>
        %mul3A_1575 = arith.mulf %get3A_1574, %get3A_34 : vector<16xf32>
        %add3A_1576 = arith.addf %get3A_1568, %mul3A_1575 : vector<16xf32>
        %swap3A_1577 = arith.constant 0 : i32
        %swap3A_1578 = arith.index_cast %swap3A_1577 : i32 to index
        %swap3A_1579 = arith.index_cast %scan3A_282 : i32 to index
        %swap3A_1580 = arith.constant 976 : index
        %swap3A_1581 = tpu.vector_load %arg8[%swap3A_1578, %swap3A_1579, %swap3A_1580] {strides = array<i32>} : memref<2x16x1024xf32, #tpu.memory_space<vmem>>, vector<1x1x16xf32>,
        %swap3A_1582 = vector.shape_cast %swap3A_1581 : vector<1x1x16xf32> to vector<16xf32>
        %swap3A_1583 = vector.shape_cast %add3A_1576 : vector<16xf32> to vector<1x1x16xf32>
        tpu.vector_store %arg8[%swap3A_1578, %swap3A_1579, %swap3A_1580], %swap3A_1583 {strides = array<i32>} : memref<2x16x1024xf32, #tpu.memory_space<vmem>>, vector<1x1x16xf32>,
        %get3A_1584 = arith.constant 0 : i32
        %get3A_1585 = arith.index_cast %get3A_1584 : i32 to index
        %get3A_1586 = arith.index_cast %scan3A_282 : i32 to index
        %get3A_1587 = arith.constant 992 : index
        %get3A_1588 = tpu.vector_load %arg6[%get3A_1585, %get3A_1586, %get3A_1587] {strides = array<i32>} : memref<2x16x1024xf32, #tpu.memory_space<vmem>>, vector<1x1x16xf32>,
        %get3A_1589 = vector.shape_cast %get3A_1588 : vector<1x1x16xf32> to vector<16xf32>
        %get3A_1590 = arith.constant 0 : i32
        %get3A_1591 = arith.index_cast %get3A_1590 : i32 to index
        %get3A_1592 = arith.index_cast %scan3A_282 : i32 to index
        %get3A_1593 = arith.constant 992 : index
        %get3A_1594 = tpu.vector_load %arg7[%get3A_1591, %get3A_1592, %get3A_1593] {strides = array<i32>} : memref<2x16x1024xf32, #tpu.memory_space<vmem>>, vector<1x1x16xf32>,
        %get3A_1595 = vector.shape_cast %get3A_1594 : vector<1x1x16xf32> to vector<16xf32>
        %mul3A_1596 = arith.mulf %get3A_1595, %get3A_34 : vector<16xf32>
        %add3A_1597 = arith.addf %get3A_1589, %mul3A_1596 : vector<16xf32>
        %swap3A_1598 = arith.constant 0 : i32
        %swap3A_1599 = arith.index_cast %swap3A_1598 : i32 to index
        %swap3A_1600 = arith.index_cast %scan3A_282 : i32 to index
        %swap3A_1601 = arith.constant 992 : index
        %swap3A_1602 = tpu.vector_load %arg8[%swap3A_1599, %swap3A_1600, %swap3A_1601] {strides = array<i32>} : memref<2x16x1024xf32, #tpu.memory_space<vmem>>, vector<1x1x16xf32>,
        %swap3A_1603 = vector.shape_cast %swap3A_1602 : vector<1x1x16xf32> to vector<16xf32>
        %swap3A_1604 = vector.shape_cast %add3A_1597 : vector<16xf32> to vector<1x1x16xf32>
        tpu.vector_store %arg8[%swap3A_1599, %swap3A_1600, %swap3A_1601], %swap3A_1604 {strides = array<i32>} : memref<2x16x1024xf32, #tpu.memory_space<vmem>>, vector<1x1x16xf32>,
        %get3A_1605 = arith.constant 0 : i32
        %get3A_1606 = arith.index_cast %get3A_1605 : i32 to index
        %get3A_1607 = arith.index_cast %scan3A_282 : i32 to index
        %get3A_1608 = arith.constant 1008 : index
        %get3A_1609 = tpu.vector_load %arg6[%get3A_1606, %get3A_1607, %get3A_1608] {strides = array<i32>} : memref<2x16x1024xf32, #tpu.memory_space<vmem>>, vector<1x1x16xf32>,
        %get3A_1610 = vector.shape_cast %get3A_1609 : vector<1x1x16xf32> to vector<16xf32>
        %get3A_1611 = arith.constant 0 : i32
        %get3A_1612 = arith.index_cast %get3A_1611 : i32 to index
        %get3A_1613 = arith.index_cast %scan3A_282 : i32 to index
        %get3A_1614 = arith.constant 1008 : index
        %get3A_1615 = tpu.vector_load %arg7[%get3A_1612, %get3A_1613, %get3A_1614] {strides = array<i32>} : memref<2x16x1024xf32, #tpu.memory_space<vmem>>, vector<1x1x16xf32>,
        %get3A_1616 = vector.shape_cast %get3A_1615 : vector<1x1x16xf32> to vector<16xf32>
        %mul3A_1617 = arith.mulf %get3A_1616, %get3A_34 : vector<16xf32>
        %add3A_1618 = arith.addf %get3A_1610, %mul3A_1617 : vector<16xf32>
        %swap3A_1619 = arith.constant 0 : i32
        %swap3A_1620 = arith.index_cast %swap3A_1619 : i32 to index
        %swap3A_1621 = arith.index_cast %scan3A_282 : i32 to index
        %swap3A_1622 = arith.constant 1008 : index
        %swap3A_1623 = tpu.vector_load %arg8[%swap3A_1620, %swap3A_1621, %swap3A_1622] {strides = array<i32>} : memref<2x16x1024xf32, #tpu.memory_space<vmem>>, vector<1x1x16xf32>,
        %swap3A_1624 = vector.shape_cast %swap3A_1623 : vector<1x1x16xf32> to vector<16xf32>
        %swap3A_1625 = vector.shape_cast %add3A_1618 : vector<16xf32> to vector<1x1x16xf32>
        tpu.vector_store %arg8[%swap3A_1620, %swap3A_1621, %swap3A_1622], %swap3A_1625 {strides = array<i32>} : memref<2x16x1024xf32, #tpu.memory_space<vmem>>, vector<1x1x16xf32>,
      }
      %scan3A_182 = arith.constant 16 : i32
      %mul3A_183 = arith.constant 16 : i32
      %mul3A_184 = arith.muli %add3A_140, %mul3A_183 : i32
      %add3A_185 = arith.addi %mul3A_32, %mul3A_184 : i32
      %dma_start3A_186 = arith.constant 0 : i32
      %dma_start3A_187 = arith.constant 0 : i32
      %dma_start3A_188 = arith.constant 0 : i32
      %dma_start3A_189 = tpu.memref_slice %arg8[%dma_start3A_186, %dma_start3A_187, %dma_start3A_188] : memref<2x16x1024xf32, #tpu.memory_space<vmem>> -> memref<1x16x1024xf32, #tpu.memory_space<vmem>>
      %dma_start3A_190 = tpu.memref_squeeze %dma_start3A_189 : memref<1x16x1024xf32, #tpu.memory_space<vmem>> -> memref<16x1024xf32, #tpu.memory_space<vmem>>
      %dma_start3A_191 = arith.constant 0 : i32
      %dma_start3A_192 = tpu.memref_slice %arg5[%select_n3A, %add3A_185, %dma_start3A_191] : memref<4x8192x1024xf32, #tpu.memory_space<hbm>> -> memref<1x16x1024xf32, #tpu.memory_space<hbm>>
      %dma_start3A_193 = tpu.memref_squeeze %dma_start3A_192 : memref<1x16x1024xf32, #tpu.memory_space<hbm>> -> memref<16x1024xf32, #tpu.memory_space<hbm>>
      %dma_start3A_194 = arith.constant 0 : i32
      %dma_start3A_195 = tpu.memref_slice %arg5[%select_n3A, %add3A_185, %dma_start3A_194] : memref<4x8192x1024xf32, #tpu.memory_space<hbm>> -> memref<1x16x1024xf32, #tpu.memory_space<hbm>>
      %dma_start3A_196 = tpu.memref_squeeze %dma_start3A_195 : memref<1x16x1024xf32, #tpu.memory_space<hbm>> -> memref<16x1024xf32, #tpu.memory_space<hbm>>
      %dma_start3A_197 = arith.constant 0 : i32
      %dma_start3A_198 = arith.constant 0 : i32
      %dma_start3A_199 = tpu.memref_slice %arg8[%dma_start3A_186, %dma_start3A_197, %dma_start3A_198] : memref<2x16x1024xf32, #tpu.memory_space<vmem>> -> memref<1x16x1024xf32, #tpu.memory_space<vmem>>
      %dma_start3A_200 = tpu.memref_squeeze %dma_start3A_199 : memref<1x16x1024xf32, #tpu.memory_space<vmem>> -> memref<16x1024xf32, #tpu.memory_space<vmem>>
      tpu.enqueue_dma source(%dma_start3A_200 : memref<16x1024xf32, #tpu.memory_space<vmem>>) target(%dma_start3A_196 : memref<16x1024xf32, #tpu.memory_space<hbm>>) target_semaphore(%arg12 : memref<!tpu.dma_semaphore, #tpu.memory_space<semaphore_mem>>)
      %add3A_201 = arith.constant 2 : i32
      %add3A_202 = arith.addi %add3A_140, %add3A_201 : i32
      %lt3A_203 = arith.constant 64 : i32
      %lt3A_204 = arith.cmpi slt, %add3A_202, %lt3A_203 : i32
      %convert_element_type3A_205 = arith.extui %lt3A_204 : i1 to i32
      %cond3A_206 = arith.constant 0 : i32
      %cond3A_207 = arith.cmpi ne, %convert_element_type3A_205, %cond3A_206 : i32
      scf.if %cond3A_207 {
        %add3A_282 = arith.constant 2 : i32
        %add3A_283 = arith.addi %add3A_140, %add3A_282 : i32
        %mul3A_284 = arith.constant 16 : i32
        %mul3A_285 = arith.muli %add3A_283, %mul3A_284 : i32
        %add3A_286 = arith.addi %mul3A_32, %mul3A_285 : i32
        %dma_start3A_287 = arith.constant 0 : i32
        %dma_start3A_288 = arith.constant 0 : i32
        %dma_start3A_289 = arith.constant 0 : i32
        %dma_start3A_290 = tpu.memref_slice %arg6[%dma_start3A_287, %dma_start3A_288, %dma_start3A_289] : memref<2x16x1024xf32, #tpu.memory_space<vmem>> -> memref<1x16x1024xf32, #tpu.memory_space<vmem>>
        %dma_start3A_291 = tpu.memref_squeeze %dma_start3A_290 : memref<1x16x1024xf32, #tpu.memory_space<vmem>> -> memref<16x1024xf32, #tpu.memory_space<vmem>>
        %dma_start3A_292 = arith.constant 0 : i32
        %dma_start3A_293 = tpu.memref_slice %arg2[%select_n3A, %add3A_286, %dma_start3A_292] : memref<4x8192x1024xf32, #tpu.memory_space<hbm>> -> memref<1x16x1024xf32, #tpu.memory_space<hbm>>
        %dma_start3A_294 = tpu.memref_squeeze %dma_start3A_293 : memref<1x16x1024xf32, #tpu.memory_space<hbm>> -> memref<16x1024xf32, #tpu.memory_space<hbm>>
        %dma_start3A_295 = arith.constant 0 : i32
        %dma_start3A_296 = arith.constant 0 : i32
        %dma_start3A_297 = tpu.memref_slice %arg6[%dma_start3A_287, %dma_start3A_295, %dma_start3A_296] : memref<2x16x1024xf32, #tpu.memory_space<vmem>> -> memref<1x16x1024xf32, #tpu.memory_space<vmem>>
        %dma_start3A_298 = tpu.memref_squeeze %dma_start3A_297 : memref<1x16x1024xf32, #tpu.memory_space<vmem>> -> memref<16x1024xf32, #tpu.memory_space<vmem>>
        %dma_start3A_299 = arith.constant 0 : i32
        %dma_start3A_300 = tpu.memref_slice %arg2[%select_n3A, %add3A_286, %dma_start3A_299] : memref<4x8192x1024xf32, #tpu.memory_space<hbm>> -> memref<1x16x1024xf32, #tpu.memory_space<hbm>>
        %dma_start3A_301 = tpu.memref_squeeze %dma_start3A_300 : memref<1x16x1024xf32, #tpu.memory_space<hbm>> -> memref<16x1024xf32, #tpu.memory_space<hbm>>
        tpu.enqueue_dma source(%dma_start3A_301 : memref<16x1024xf32, #tpu.memory_space<hbm>>) target(%dma_start3A_298 : memref<16x1024xf32, #tpu.memory_space<vmem>>) target_semaphore(%arg10 : memref<!tpu.dma_semaphore, #tpu.memory_space<semaphore_mem>>)
        %mul3A_302 = arith.constant 16 : i32
        %mul3A_303 = arith.muli %add3A_283, %mul3A_302 : i32
        %add3A_304 = arith.addi %mul3A_32, %mul3A_303 : i32
        %dma_start3A_305 = arith.constant 0 : i32
        %dma_start3A_306 = arith.constant 0 : i32
        %dma_start3A_307 = arith.constant 0 : i32
        %dma_start3A_308 = tpu.memref_slice %arg7[%dma_start3A_305, %dma_start3A_306, %dma_start3A_307] : memref<2x16x1024xf32, #tpu.memory_space<vmem>> -> memref<1x16x1024xf32, #tpu.memory_space<vmem>>
        %dma_start3A_309 = tpu.memref_squeeze %dma_start3A_308 : memref<1x16x1024xf32, #tpu.memory_space<vmem>> -> memref<16x1024xf32, #tpu.memory_space<vmem>>
        %dma_start3A_310 = arith.constant 0 : i32
        %dma_start3A_311 = tpu.memref_slice %arg3[%add3A_304, %dma_start3A_310] : memref<8192x1024xf32, #tpu.memory_space<hbm>> -> memref<16x1024xf32, #tpu.memory_space<hbm>>
        %dma_start3A_312 = arith.constant 0 : i32
        %dma_start3A_313 = arith.constant 0 : i32
        %dma_start3A_314 = tpu.memref_slice %arg7[%dma_start3A_305, %dma_start3A_312, %dma_start3A_313] : memref<2x16x1024xf32, #tpu.memory_space<vmem>> -> memref<1x16x1024xf32, #tpu.memory_space<vmem>>
        %dma_start3A_315 = tpu.memref_squeeze %dma_start3A_314 : memref<1x16x1024xf32, #tpu.memory_space<vmem>> -> memref<16x1024xf32, #tpu.memory_space<vmem>>
        %dma_start3A_316 = arith.constant 0 : i32
        %dma_start3A_317 = tpu.memref_slice %arg3[%add3A_304, %dma_start3A_316] : memref<8192x1024xf32, #tpu.memory_space<hbm>> -> memref<16x1024xf32, #tpu.memory_space<hbm>>
        tpu.enqueue_dma source(%dma_start3A_317 : memref<16x1024xf32, #tpu.memory_space<hbm>>) target(%dma_start3A_315 : memref<16x1024xf32, #tpu.memory_space<vmem>>) target_semaphore(%arg10 : memref<!tpu.dma_semaphore, #tpu.memory_space<semaphore_mem>>)
      } else {
      }
      %mul3A_208 = arith.constant 2 : i32
      %mul3A_209 = arith.muli %mul3A_208, %scan3A_136 : i32
      %add3A_210 = arith.constant 1 : i32
      %add3A_211 = arith.addi %mul3A_209, %add3A_210 : i32
      %mul3A_212 = arith.constant 16 : i32
      %mul3A_213 = arith.muli %add3A_211, %mul3A_212 : i32
      %add3A_214 = arith.addi %mul3A_32, %mul3A_213 : i32
      %dma_wait3A_215 = arith.constant 1 : i32
      %dma_wait3A_216 = arith.constant 0 : i32
      %dma_wait3A_217 = arith.constant 0 : i32
      %dma_wait3A_218 = tpu.memref_slice %arg6[%dma_wait3A_215, %dma_wait3A_216, %dma_wait3A_217] : memref<2x16x1024xf32, #tpu.memory_space<vmem>> -> memref<1x16x1024xf32, #tpu.memory_space<vmem>>
      %dma_wait3A_219 = tpu.memref_squeeze %dma_wait3A_218 : memref<1x16x1024xf32, #tpu.memory_space<vmem>> -> memref<16x1024xf32, #tpu.memory_space<vmem>>
      %dma_wait3A_220 = arith.constant 0 : i32
      %dma_wait3A_221 = tpu.memref_slice %arg2[%select_n3A, %add3A_214, %dma_wait3A_220] : memref<4x8192x1024xf32, #tpu.memory_space<hbm>> -> memref<1x16x1024xf32, #tpu.memory_space<hbm>>
      %dma_wait3A_222 = tpu.memref_squeeze %dma_wait3A_221 : memref<1x16x1024xf32, #tpu.memory_space<hbm>> -> memref<16x1024xf32, #tpu.memory_space<hbm>>
      %dma_wait3A_223 = arith.constant 0 : i32
      %dma_wait3A_224 = arith.constant 0 : i32
      %dma_wait3A_225 = tpu.memref_slice %arg6[%dma_wait3A_215, %dma_wait3A_223, %dma_wait3A_224] : memref<2x16x1024xf32, #tpu.memory_space<vmem>> -> memref<1x16x1024xf32, #tpu.memory_space<vmem>>
      %dma_wait3A_226 = tpu.memref_squeeze %dma_wait3A_225 : memref<1x16x1024xf32, #tpu.memory_space<vmem>> -> memref<16x1024xf32, #tpu.memory_space<vmem>>
      %dma_wait3A_227 = arith.constant 0 : i32
      %dma_wait3A_228 = tpu.memref_slice %arg2[%select_n3A, %add3A_214, %dma_wait3A_227] : memref<4x8192x1024xf32, #tpu.memory_space<hbm>> -> memref<1x16x1024xf32, #tpu.memory_space<hbm>>
      %dma_wait3A_229 = tpu.memref_squeeze %dma_wait3A_228 : memref<1x16x1024xf32, #tpu.memory_space<hbm>> -> memref<16x1024xf32, #tpu.memory_space<hbm>>
      tpu.wait_dma2 semaphore(%arg11 : memref<!tpu.dma_semaphore, #tpu.memory_space<semaphore_mem>>) src(%dma_wait3A_229 : memref<16x1024xf32, #tpu.memory_space<hbm>>) dst(%dma_wait3A_226 : memref<16x1024xf32, #tpu.memory_space<vmem>>)
      %mul3A_230 = arith.constant 16 : i32
      %mul3A_231 = arith.muli %add3A_211, %mul3A_230 : i32
      %add3A_232 = arith.addi %mul3A_32, %mul3A_231 : i32
      %dma_wait3A_233 = arith.constant 1 : i32
      %dma_wait3A_234 = arith.constant 0 : i32
      %dma_wait3A_235 = arith.constant 0 : i32
      %dma_wait3A_236 = tpu.memref_slice %arg7[%dma_wait3A_233, %dma_wait3A_234, %dma_wait3A_235] : memref<2x16x1024xf32, #tpu.memory_space<vmem>> -> memref<1x16x1024xf32, #tpu.memory_space<vmem>>
      %dma_wait3A_237 = tpu.memref_squeeze %dma_wait3A_236 : memref<1x16x1024xf32, #tpu.memory_space<vmem>> -> memref<16x1024xf32, #tpu.memory_space<vmem>>
      %dma_wait3A_238 = arith.constant 0 : i32
      %dma_wait3A_239 = tpu.memref_slice %arg3[%add3A_232, %dma_wait3A_238] : memref<8192x1024xf32, #tpu.memory_space<hbm>> -> memref<16x1024xf32, #tpu.memory_space<hbm>>
      %dma_wait3A_240 = arith.constant 0 : i32
      %dma_wait3A_241 = arith.constant 0 : i32
      %dma_wait3A_242 = tpu.memref_slice %arg7[%dma_wait3A_233, %dma_wait3A_240, %dma_wait3A_241] : memref<2x16x1024xf32, #tpu.memory_space<vmem>> -> memref<1x16x1024xf32, #tpu.memory_space<vmem>>
      %dma_wait3A_243 = tpu.memref_squeeze %dma_wait3A_242 : memref<1x16x1024xf32, #tpu.memory_space<vmem>> -> memref<16x1024xf32, #tpu.memory_space<vmem>>
      %dma_wait3A_244 = arith.constant 0 : i32
      %dma_wait3A_245 = tpu.memref_slice %arg3[%add3A_232, %dma_wait3A_244] : memref<8192x1024xf32, #tpu.memory_space<hbm>> -> memref<16x1024xf32, #tpu.memory_space<hbm>>
      tpu.wait_dma2 semaphore(%arg11 : memref<!tpu.dma_semaphore, #tpu.memory_space<semaphore_mem>>) src(%dma_wait3A_245 : memref<16x1024xf32, #tpu.memory_space<hbm>>) dst(%dma_wait3A_243 : memref<16x1024xf32, #tpu.memory_space<vmem>>)
      %ge3A_246 = arith.constant 1 : i32
      %ge3A_247 = arith.cmpi sge, %scan3A_136, %ge3A_246 : i32
      %convert_element_type3A_248 = arith.extui %ge3A_247 : i1 to i32
      %cond3A_249 = arith.constant 0 : i32
      %cond3A_250 = arith.cmpi ne, %convert_element_type3A_248, %cond3A_249 : i32
      scf.if %cond3A_250 {
        %sub3A_282 = arith.constant 2 : i32
        %sub3A_283 = arith.subi %add3A_211, %sub3A_282 : i32
        %mul3A_284 = arith.constant 16 : i32
        %mul3A_285 = arith.muli %sub3A_283, %mul3A_284 : i32
        %add3A_286 = arith.addi %mul3A_32, %mul3A_285 : i32
        %dma_wait3A_287 = arith.constant 1 : i32
        %dma_wait3A_288 = arith.constant 0 : i32
        %dma_wait3A_289 = arith.constant 0 : i32
        %dma_wait3A_290 = tpu.memref_slice %arg8[%dma_wait3A_287, %dma_wait3A_288, %dma_wait3A_289] : memref<2x16x1024xf32, #tpu.memory_space<vmem>> -> memref<1x16x1024xf32, #tpu.memory_space<vmem>>
        %dma_wait3A_291 = tpu.memref_squeeze %dma_wait3A_290 : memref<1x16x1024xf32, #tpu.memory_space<vmem>> -> memref<16x1024xf32, #tpu.memory_space<vmem>>
        %dma_wait3A_292 = arith.constant 0 : i32
        %dma_wait3A_293 = tpu.memref_slice %arg5[%select_n3A, %add3A_286, %dma_wait3A_292] : memref<4x8192x1024xf32, #tpu.memory_space<hbm>> -> memref<1x16x1024xf32, #tpu.memory_space<hbm>>
        %dma_wait3A_294 = tpu.memref_squeeze %dma_wait3A_293 : memref<1x16x1024xf32, #tpu.memory_space<hbm>> -> memref<16x1024xf32, #tpu.memory_space<hbm>>
        %dma_wait3A_295 = arith.constant 0 : i32
        %dma_wait3A_296 = tpu.memref_slice %arg5[%select_n3A, %add3A_286, %dma_wait3A_295] : memref<4x8192x1024xf32, #tpu.memory_space<hbm>> -> memref<1x16x1024xf32, #tpu.memory_space<hbm>>
        %dma_wait3A_297 = tpu.memref_squeeze %dma_wait3A_296 : memref<1x16x1024xf32, #tpu.memory_space<hbm>> -> memref<16x1024xf32, #tpu.memory_space<hbm>>
        %dma_wait3A_298 = arith.constant 0 : i32
        %dma_wait3A_299 = arith.constant 0 : i32
        %dma_wait3A_300 = tpu.memref_slice %arg8[%dma_wait3A_287, %dma_wait3A_298, %dma_wait3A_299] : memref<2x16x1024xf32, #tpu.memory_space<vmem>> -> memref<1x16x1024xf32, #tpu.memory_space<vmem>>
        %dma_wait3A_301 = tpu.memref_squeeze %dma_wait3A_300 : memref<1x16x1024xf32, #tpu.memory_space<vmem>> -> memref<16x1024xf32, #tpu.memory_space<vmem>>
        tpu.wait_dma2 semaphore(%arg13 : memref<!tpu.dma_semaphore, #tpu.memory_space<semaphore_mem>>) src(%dma_wait3A_301 : memref<16x1024xf32, #tpu.memory_space<vmem>>) dst(%dma_wait3A_297 : memref<16x1024xf32, #tpu.memory_space<hbm>>)
      } else {
      }
      %scan3A_251 = arith.constant 0 : i32
      %scan3A_252 = arith.constant 0 : i32
      %scan3A_253 = arith.constant 16 : i32
      %scan3A_254 = arith.addi %scan3A_252, %scan3A_253 : i32
      %scan3A_255 = arith.constant 1 : i32
      scf.for %scan3A_282 = %scan3A_252 to %scan3A_254 step %scan3A_255  : i32 {
        %get3A_283 = arith.constant 1 : i32
        %get3A_284 = arith.index_cast %get3A_283 : i32 to index
        %get3A_285 = arith.index_cast %scan3A_282 : i32 to index
        %get3A_286 = arith.constant 0 : index
        %get3A_287 = tpu.vector_load %arg6[%get3A_284, %get3A_285, %get3A_286] {strides = array<i32>} : memref<2x16x1024xf32, #tpu.memory_space<vmem>>, vector<1x1x16xf32>,
        %get3A_288 = vector.shape_cast %get3A_287 : vector<1x1x16xf32> to vector<16xf32>
        %get3A_289 = arith.constant 1 : i32
        %get3A_290 = arith.index_cast %get3A_289 : i32 to index
        %get3A_291 = arith.index_cast %scan3A_282 : i32 to index
        %get3A_292 = arith.constant 0 : index
        %get3A_293 = tpu.vector_load %arg7[%get3A_290, %get3A_291, %get3A_292] {strides = array<i32>} : memref<2x16x1024xf32, #tpu.memory_space<vmem>>, vector<1x1x16xf32>,
        %get3A_294 = vector.shape_cast %get3A_293 : vector<1x1x16xf32> to vector<16xf32>
        %mul3A_295 = arith.mulf %get3A_294, %get3A_34 : vector<16xf32>
        %add3A_296 = arith.addf %get3A_288, %mul3A_295 : vector<16xf32>
        %swap3A = arith.constant 1 : i32
        %swap3A_297 = arith.index_cast %swap3A : i32 to index
        %swap3A_298 = arith.index_cast %scan3A_282 : i32 to index
        %swap3A_299 = arith.constant 0 : index
        %swap3A_300 = tpu.vector_load %arg8[%swap3A_297, %swap3A_298, %swap3A_299] {strides = array<i32>} : memref<2x16x1024xf32, #tpu.memory_space<vmem>>, vector<1x1x16xf32>,
        %swap3A_301 = vector.shape_cast %swap3A_300 : vector<1x1x16xf32> to vector<16xf32>
        %swap3A_302 = vector.shape_cast %add3A_296 : vector<16xf32> to vector<1x1x16xf32>
        tpu.vector_store %arg8[%swap3A_297, %swap3A_298, %swap3A_299], %swap3A_302 {strides = array<i32>} : memref<2x16x1024xf32, #tpu.memory_space<vmem>>, vector<1x1x16xf32>,
        %get3A_303 = arith.constant 1 : i32
        %get3A_304 = arith.index_cast %get3A_303 : i32 to index
        %get3A_305 = arith.index_cast %scan3A_282 : i32 to index
        %get3A_306 = arith.constant 16 : index
        %get3A_307 = tpu.vector_load %arg6[%get3A_304, %get3A_305, %get3A_306] {strides = array<i32>} : memref<2x16x1024xf32, #tpu.memory_space<vmem>>, vector<1x1x16xf32>,
        %get3A_308 = vector.shape_cast %get3A_307 : vector<1x1x16xf32> to vector<16xf32>
        %get3A_309 = arith.constant 1 : i32
        %get3A_310 = arith.index_cast %get3A_309 : i32 to index
        %get3A_311 = arith.index_cast %scan3A_282 : i32 to index
        %get3A_312 = arith.constant 16 : index
        %get3A_313 = tpu.vector_load %arg7[%get3A_310, %get3A_311, %get3A_312] {strides = array<i32>} : memref<2x16x1024xf32, #tpu.memory_space<vmem>>, vector<1x1x16xf32>,
        %get3A_314 = vector.shape_cast %get3A_313 : vector<1x1x16xf32> to vector<16xf32>
        %mul3A_315 = arith.mulf %get3A_314, %get3A_34 : vector<16xf32>
        %add3A_316 = arith.addf %get3A_308, %mul3A_315 : vector<16xf32>
        %swap3A_317 = arith.constant 1 : i32
        %swap3A_318 = arith.index_cast %swap3A_317 : i32 to index
        %swap3A_319 = arith.index_cast %scan3A_282 : i32 to index
        %swap3A_320 = arith.constant 16 : index
        %swap3A_321 = tpu.vector_load %arg8[%swap3A_318, %swap3A_319, %swap3A_320] {strides = array<i32>} : memref<2x16x1024xf32, #tpu.memory_space<vmem>>, vector<1x1x16xf32>,
        %swap3A_322 = vector.shape_cast %swap3A_321 : vector<1x1x16xf32> to vector<16xf32>
        %swap3A_323 = vector.shape_cast %add3A_316 : vector<16xf32> to vector<1x1x16xf32>
        tpu.vector_store %arg8[%swap3A_318, %swap3A_319, %swap3A_320], %swap3A_323 {strides = array<i32>} : memref<2x16x1024xf32, #tpu.memory_space<vmem>>, vector<1x1x16xf32>,
        %get3A_324 = arith.constant 1 : i32
        %get3A_325 = arith.index_cast %get3A_324 : i32 to index
        %get3A_326 = arith.index_cast %scan3A_282 : i32 to index
        %get3A_327 = arith.constant 32 : index
        %get3A_328 = tpu.vector_load %arg6[%get3A_325, %get3A_326, %get3A_327] {strides = array<i32>} : memref<2x16x1024xf32, #tpu.memory_space<vmem>>, vector<1x1x16xf32>,
        %get3A_329 = vector.shape_cast %get3A_328 : vector<1x1x16xf32> to vector<16xf32>
        %get3A_330 = arith.constant 1 : i32
        %get3A_331 = arith.index_cast %get3A_330 : i32 to index
        %get3A_332 = arith.index_cast %scan3A_282 : i32 to index
        %get3A_333 = arith.constant 32 : index
        %get3A_334 = tpu.vector_load %arg7[%get3A_331, %get3A_332, %get3A_333] {strides = array<i32>} : memref<2x16x1024xf32, #tpu.memory_space<vmem>>, vector<1x1x16xf32>,
        %get3A_335 = vector.shape_cast %get3A_334 : vector<1x1x16xf32> to vector<16xf32>
        %mul3A_336 = arith.mulf %get3A_335, %get3A_34 : vector<16xf32>
        %add3A_337 = arith.addf %get3A_329, %mul3A_336 : vector<16xf32>
        %swap3A_338 = arith.constant 1 : i32
        %swap3A_339 = arith.index_cast %swap3A_338 : i32 to index
        %swap3A_340 = arith.index_cast %scan3A_282 : i32 to index
        %swap3A_341 = arith.constant 32 : index
        %swap3A_342 = tpu.vector_load %arg8[%swap3A_339, %swap3A_340, %swap3A_341] {strides = array<i32>} : memref<2x16x1024xf32, #tpu.memory_space<vmem>>, vector<1x1x16xf32>,
        %swap3A_343 = vector.shape_cast %swap3A_342 : vector<1x1x16xf32> to vector<16xf32>
        %swap3A_344 = vector.shape_cast %add3A_337 : vector<16xf32> to vector<1x1x16xf32>
        tpu.vector_store %arg8[%swap3A_339, %swap3A_340, %swap3A_341], %swap3A_344 {strides = array<i32>} : memref<2x16x1024xf32, #tpu.memory_space<vmem>>, vector<1x1x16xf32>,
        %get3A_345 = arith.constant 1 : i32
        %get3A_346 = arith.index_cast %get3A_345 : i32 to index
        %get3A_347 = arith.index_cast %scan3A_282 : i32 to index
        %get3A_348 = arith.constant 48 : index
        %get3A_349 = tpu.vector_load %arg6[%get3A_346, %get3A_347, %get3A_348] {strides = array<i32>} : memref<2x16x1024xf32, #tpu.memory_space<vmem>>, vector<1x1x16xf32>,
        %get3A_350 = vector.shape_cast %get3A_349 : vector<1x1x16xf32> to vector<16xf32>
        %get3A_351 = arith.constant 1 : i32
        %get3A_352 = arith.index_cast %get3A_351 : i32 to index
        %get3A_353 = arith.index_cast %scan3A_282 : i32 to index
        %get3A_354 = arith.constant 48 : index
        %get3A_355 = tpu.vector_load %arg7[%get3A_352, %get3A_353, %get3A_354] {strides = array<i32>} : memref<2x16x1024xf32, #tpu.memory_space<vmem>>, vector<1x1x16xf32>,
        %get3A_356 = vector.shape_cast %get3A_355 : vector<1x1x16xf32> to vector<16xf32>
        %mul3A_357 = arith.mulf %get3A_356, %get3A_34 : vector<16xf32>
        %add3A_358 = arith.addf %get3A_350, %mul3A_357 : vector<16xf32>
        %swap3A_359 = arith.constant 1 : i32
        %swap3A_360 = arith.index_cast %swap3A_359 : i32 to index
        %swap3A_361 = arith.index_cast %scan3A_282 : i32 to index
        %swap3A_362 = arith.constant 48 : index
        %swap3A_363 = tpu.vector_load %arg8[%swap3A_360, %swap3A_361, %swap3A_362] {strides = array<i32>} : memref<2x16x1024xf32, #tpu.memory_space<vmem>>, vector<1x1x16xf32>,
        %swap3A_364 = vector.shape_cast %swap3A_363 : vector<1x1x16xf32> to vector<16xf32>
        %swap3A_365 = vector.shape_cast %add3A_358 : vector<16xf32> to vector<1x1x16xf32>
        tpu.vector_store %arg8[%swap3A_360, %swap3A_361, %swap3A_362], %swap3A_365 {strides = array<i32>} : memref<2x16x1024xf32, #tpu.memory_space<vmem>>, vector<1x1x16xf32>,
        %get3A_366 = arith.constant 1 : i32
        %get3A_367 = arith.index_cast %get3A_366 : i32 to index
        %get3A_368 = arith.index_cast %scan3A_282 : i32 to index
        %get3A_369 = arith.constant 64 : index
        %get3A_370 = tpu.vector_load %arg6[%get3A_367, %get3A_368, %get3A_369] {strides = array<i32>} : memref<2x16x1024xf32, #tpu.memory_space<vmem>>, vector<1x1x16xf32>,
        %get3A_371 = vector.shape_cast %get3A_370 : vector<1x1x16xf32> to vector<16xf32>
        %get3A_372 = arith.constant 1 : i32
        %get3A_373 = arith.index_cast %get3A_372 : i32 to index
        %get3A_374 = arith.index_cast %scan3A_282 : i32 to index
        %get3A_375 = arith.constant 64 : index
        %get3A_376 = tpu.vector_load %arg7[%get3A_373, %get3A_374, %get3A_375] {strides = array<i32>} : memref<2x16x1024xf32, #tpu.memory_space<vmem>>, vector<1x1x16xf32>,
        %get3A_377 = vector.shape_cast %get3A_376 : vector<1x1x16xf32> to vector<16xf32>
        %mul3A_378 = arith.mulf %get3A_377, %get3A_34 : vector<16xf32>
        %add3A_379 = arith.addf %get3A_371, %mul3A_378 : vector<16xf32>
        %swap3A_380 = arith.constant 1 : i32
        %swap3A_381 = arith.index_cast %swap3A_380 : i32 to index
        %swap3A_382 = arith.index_cast %scan3A_282 : i32 to index
        %swap3A_383 = arith.constant 64 : index
        %swap3A_384 = tpu.vector_load %arg8[%swap3A_381, %swap3A_382, %swap3A_383] {strides = array<i32>} : memref<2x16x1024xf32, #tpu.memory_space<vmem>>, vector<1x1x16xf32>,
        %swap3A_385 = vector.shape_cast %swap3A_384 : vector<1x1x16xf32> to vector<16xf32>
        %swap3A_386 = vector.shape_cast %add3A_379 : vector<16xf32> to vector<1x1x16xf32>
        tpu.vector_store %arg8[%swap3A_381, %swap3A_382, %swap3A_383], %swap3A_386 {strides = array<i32>} : memref<2x16x1024xf32, #tpu.memory_space<vmem>>, vector<1x1x16xf32>,
        %get3A_387 = arith.constant 1 : i32
        %get3A_388 = arith.index_cast %get3A_387 : i32 to index
        %get3A_389 = arith.index_cast %scan3A_282 : i32 to index
        %get3A_390 = arith.constant 80 : index
        %get3A_391 = tpu.vector_load %arg6[%get3A_388, %get3A_389, %get3A_390] {strides = array<i32>} : memref<2x16x1024xf32, #tpu.memory_space<vmem>>, vector<1x1x16xf32>,
        %get3A_392 = vector.shape_cast %get3A_391 : vector<1x1x16xf32> to vector<16xf32>
        %get3A_393 = arith.constant 1 : i32
        %get3A_394 = arith.index_cast %get3A_393 : i32 to index
        %get3A_395 = arith.index_cast %scan3A_282 : i32 to index
        %get3A_396 = arith.constant 80 : index
        %get3A_397 = tpu.vector_load %arg7[%get3A_394, %get3A_395, %get3A_396] {strides = array<i32>} : memref<2x16x1024xf32, #tpu.memory_space<vmem>>, vector<1x1x16xf32>,
        %get3A_398 = vector.shape_cast %get3A_397 : vector<1x1x16xf32> to vector<16xf32>
        %mul3A_399 = arith.mulf %get3A_398, %get3A_34 : vector<16xf32>
        %add3A_400 = arith.addf %get3A_392, %mul3A_399 : vector<16xf32>
        %swap3A_401 = arith.constant 1 : i32
        %swap3A_402 = arith.index_cast %swap3A_401 : i32 to index
        %swap3A_403 = arith.index_cast %scan3A_282 : i32 to index
        %swap3A_404 = arith.constant 80 : index
        %swap3A_405 = tpu.vector_load %arg8[%swap3A_402, %swap3A_403, %swap3A_404] {strides = array<i32>} : memref<2x16x1024xf32, #tpu.memory_space<vmem>>, vector<1x1x16xf32>,
        %swap3A_406 = vector.shape_cast %swap3A_405 : vector<1x1x16xf32> to vector<16xf32>
        %swap3A_407 = vector.shape_cast %add3A_400 : vector<16xf32> to vector<1x1x16xf32>
        tpu.vector_store %arg8[%swap3A_402, %swap3A_403, %swap3A_404], %swap3A_407 {strides = array<i32>} : memref<2x16x1024xf32, #tpu.memory_space<vmem>>, vector<1x1x16xf32>,
        %get3A_408 = arith.constant 1 : i32
        %get3A_409 = arith.index_cast %get3A_408 : i32 to index
        %get3A_410 = arith.index_cast %scan3A_282 : i32 to index
        %get3A_411 = arith.constant 96 : index
        %get3A_412 = tpu.vector_load %arg6[%get3A_409, %get3A_410, %get3A_411] {strides = array<i32>} : memref<2x16x1024xf32, #tpu.memory_space<vmem>>, vector<1x1x16xf32>,
        %get3A_413 = vector.shape_cast %get3A_412 : vector<1x1x16xf32> to vector<16xf32>
        %get3A_414 = arith.constant 1 : i32
        %get3A_415 = arith.index_cast %get3A_414 : i32 to index
        %get3A_416 = arith.index_cast %scan3A_282 : i32 to index
        %get3A_417 = arith.constant 96 : index
        %get3A_418 = tpu.vector_load %arg7[%get3A_415, %get3A_416, %get3A_417] {strides = array<i32>} : memref<2x16x1024xf32, #tpu.memory_space<vmem>>, vector<1x1x16xf32>,
        %get3A_419 = vector.shape_cast %get3A_418 : vector<1x1x16xf32> to vector<16xf32>
        %mul3A_420 = arith.mulf %get3A_419, %get3A_34 : vector<16xf32>
        %add3A_421 = arith.addf %get3A_413, %mul3A_420 : vector<16xf32>
        %swap3A_422 = arith.constant 1 : i32
        %swap3A_423 = arith.index_cast %swap3A_422 : i32 to index
        %swap3A_424 = arith.index_cast %scan3A_282 : i32 to index
        %swap3A_425 = arith.constant 96 : index
        %swap3A_426 = tpu.vector_load %arg8[%swap3A_423, %swap3A_424, %swap3A_425] {strides = array<i32>} : memref<2x16x1024xf32, #tpu.memory_space<vmem>>, vector<1x1x16xf32>,
        %swap3A_427 = vector.shape_cast %swap3A_426 : vector<1x1x16xf32> to vector<16xf32>
        %swap3A_428 = vector.shape_cast %add3A_421 : vector<16xf32> to vector<1x1x16xf32>
        tpu.vector_store %arg8[%swap3A_423, %swap3A_424, %swap3A_425], %swap3A_428 {strides = array<i32>} : memref<2x16x1024xf32, #tpu.memory_space<vmem>>, vector<1x1x16xf32>,
        %get3A_429 = arith.constant 1 : i32
        %get3A_430 = arith.index_cast %get3A_429 : i32 to index
        %get3A_431 = arith.index_cast %scan3A_282 : i32 to index
        %get3A_432 = arith.constant 112 : index
        %get3A_433 = tpu.vector_load %arg6[%get3A_430, %get3A_431, %get3A_432] {strides = array<i32>} : memref<2x16x1024xf32, #tpu.memory_space<vmem>>, vector<1x1x16xf32>,
        %get3A_434 = vector.shape_cast %get3A_433 : vector<1x1x16xf32> to vector<16xf32>
        %get3A_435 = arith.constant 1 : i32
        %get3A_436 = arith.index_cast %get3A_435 : i32 to index
        %get3A_437 = arith.index_cast %scan3A_282 : i32 to index
        %get3A_438 = arith.constant 112 : index
        %get3A_439 = tpu.vector_load %arg7[%get3A_436, %get3A_437, %get3A_438] {strides = array<i32>} : memref<2x16x1024xf32, #tpu.memory_space<vmem>>, vector<1x1x16xf32>,
        %get3A_440 = vector.shape_cast %get3A_439 : vector<1x1x16xf32> to vector<16xf32>
        %mul3A_441 = arith.mulf %get3A_440, %get3A_34 : vector<16xf32>
        %add3A_442 = arith.addf %get3A_434, %mul3A_441 : vector<16xf32>
        %swap3A_443 = arith.constant 1 : i32
        %swap3A_444 = arith.index_cast %swap3A_443 : i32 to index
        %swap3A_445 = arith.index_cast %scan3A_282 : i32 to index
        %swap3A_446 = arith.constant 112 : index
        %swap3A_447 = tpu.vector_load %arg8[%swap3A_444, %swap3A_445, %swap3A_446] {strides = array<i32>} : memref<2x16x1024xf32, #tpu.memory_space<vmem>>, vector<1x1x16xf32>,
        %swap3A_448 = vector.shape_cast %swap3A_447 : vector<1x1x16xf32> to vector<16xf32>
        %swap3A_449 = vector.shape_cast %add3A_442 : vector<16xf32> to vector<1x1x16xf32>
        tpu.vector_store %arg8[%swap3A_444, %swap3A_445, %swap3A_446], %swap3A_449 {strides = array<i32>} : memref<2x16x1024xf32, #tpu.memory_space<vmem>>, vector<1x1x16xf32>,
        %get3A_450 = arith.constant 1 : i32
        %get3A_451 = arith.index_cast %get3A_450 : i32 to index
        %get3A_452 = arith.index_cast %scan3A_282 : i32 to index
        %get3A_453 = arith.constant 128 : index
        %get3A_454 = tpu.vector_load %arg6[%get3A_451, %get3A_452, %get3A_453] {strides = array<i32>} : memref<2x16x1024xf32, #tpu.memory_space<vmem>>, vector<1x1x16xf32>,
        %get3A_455 = vector.shape_cast %get3A_454 : vector<1x1x16xf32> to vector<16xf32>
        %get3A_456 = arith.constant 1 : i32
        %get3A_457 = arith.index_cast %get3A_456 : i32 to index
        %get3A_458 = arith.index_cast %scan3A_282 : i32 to index
        %get3A_459 = arith.constant 128 : index
        %get3A_460 = tpu.vector_load %arg7[%get3A_457, %get3A_458, %get3A_459] {strides = array<i32>} : memref<2x16x1024xf32, #tpu.memory_space<vmem>>, vector<1x1x16xf32>,
        %get3A_461 = vector.shape_cast %get3A_460 : vector<1x1x16xf32> to vector<16xf32>
        %mul3A_462 = arith.mulf %get3A_461, %get3A_34 : vector<16xf32>
        %add3A_463 = arith.addf %get3A_455, %mul3A_462 : vector<16xf32>
        %swap3A_464 = arith.constant 1 : i32
        %swap3A_465 = arith.index_cast %swap3A_464 : i32 to index
        %swap3A_466 = arith.index_cast %scan3A_282 : i32 to index
        %swap3A_467 = arith.constant 128 : index
        %swap3A_468 = tpu.vector_load %arg8[%swap3A_465, %swap3A_466, %swap3A_467] {strides = array<i32>} : memref<2x16x1024xf32, #tpu.memory_space<vmem>>, vector<1x1x16xf32>,
        %swap3A_469 = vector.shape_cast %swap3A_468 : vector<1x1x16xf32> to vector<16xf32>
        %swap3A_470 = vector.shape_cast %add3A_463 : vector<16xf32> to vector<1x1x16xf32>
        tpu.vector_store %arg8[%swap3A_465, %swap3A_466, %swap3A_467], %swap3A_470 {strides = array<i32>} : memref<2x16x1024xf32, #tpu.memory_space<vmem>>, vector<1x1x16xf32>,
        %get3A_471 = arith.constant 1 : i32
        %get3A_472 = arith.index_cast %get3A_471 : i32 to index
        %get3A_473 = arith.index_cast %scan3A_282 : i32 to index
        %get3A_474 = arith.constant 144 : index
        %get3A_475 = tpu.vector_load %arg6[%get3A_472, %get3A_473, %get3A_474] {strides = array<i32>} : memref<2x16x1024xf32, #tpu.memory_space<vmem>>, vector<1x1x16xf32>,
        %get3A_476 = vector.shape_cast %get3A_475 : vector<1x1x16xf32> to vector<16xf32>
        %get3A_477 = arith.constant 1 : i32
        %get3A_478 = arith.index_cast %get3A_477 : i32 to index
        %get3A_479 = arith.index_cast %scan3A_282 : i32 to index
        %get3A_480 = arith.constant 144 : index
        %get3A_481 = tpu.vector_load %arg7[%get3A_478, %get3A_479, %get3A_480] {strides = array<i32>} : memref<2x16x1024xf32, #tpu.memory_space<vmem>>, vector<1x1x16xf32>,
        %get3A_482 = vector.shape_cast %get3A_481 : vector<1x1x16xf32> to vector<16xf32>
        %mul3A_483 = arith.mulf %get3A_482, %get3A_34 : vector<16xf32>
        %add3A_484 = arith.addf %get3A_476, %mul3A_483 : vector<16xf32>
        %swap3A_485 = arith.constant 1 : i32
        %swap3A_486 = arith.index_cast %swap3A_485 : i32 to index
        %swap3A_487 = arith.index_cast %scan3A_282 : i32 to index
        %swap3A_488 = arith.constant 144 : index
        %swap3A_489 = tpu.vector_load %arg8[%swap3A_486, %swap3A_487, %swap3A_488] {strides = array<i32>} : memref<2x16x1024xf32, #tpu.memory_space<vmem>>, vector<1x1x16xf32>,
        %swap3A_490 = vector.shape_cast %swap3A_489 : vector<1x1x16xf32> to vector<16xf32>
        %swap3A_491 = vector.shape_cast %add3A_484 : vector<16xf32> to vector<1x1x16xf32>
        tpu.vector_store %arg8[%swap3A_486, %swap3A_487, %swap3A_488], %swap3A_491 {strides = array<i32>} : memref<2x16x1024xf32, #tpu.memory_space<vmem>>, vector<1x1x16xf32>,
        %get3A_492 = arith.constant 1 : i32
        %get3A_493 = arith.index_cast %get3A_492 : i32 to index
        %get3A_494 = arith.index_cast %scan3A_282 : i32 to index
        %get3A_495 = arith.constant 160 : index
        %get3A_496 = tpu.vector_load %arg6[%get3A_493, %get3A_494, %get3A_495] {strides = array<i32>} : memref<2x16x1024xf32, #tpu.memory_space<vmem>>, vector<1x1x16xf32>,
        %get3A_497 = vector.shape_cast %get3A_496 : vector<1x1x16xf32> to vector<16xf32>
        %get3A_498 = arith.constant 1 : i32
        %get3A_499 = arith.index_cast %get3A_498 : i32 to index
        %get3A_500 = arith.index_cast %scan3A_282 : i32 to index
        %get3A_501 = arith.constant 160 : index
        %get3A_502 = tpu.vector_load %arg7[%get3A_499, %get3A_500, %get3A_501] {strides = array<i32>} : memref<2x16x1024xf32, #tpu.memory_space<vmem>>, vector<1x1x16xf32>,
        %get3A_503 = vector.shape_cast %get3A_502 : vector<1x1x16xf32> to vector<16xf32>
        %mul3A_504 = arith.mulf %get3A_503, %get3A_34 : vector<16xf32>
        %add3A_505 = arith.addf %get3A_497, %mul3A_504 : vector<16xf32>
        %swap3A_506 = arith.constant 1 : i32
        %swap3A_507 = arith.index_cast %swap3A_506 : i32 to index
        %swap3A_508 = arith.index_cast %scan3A_282 : i32 to index
        %swap3A_509 = arith.constant 160 : index
        %swap3A_510 = tpu.vector_load %arg8[%swap3A_507, %swap3A_508, %swap3A_509] {strides = array<i32>} : memref<2x16x1024xf32, #tpu.memory_space<vmem>>, vector<1x1x16xf32>,
        %swap3A_511 = vector.shape_cast %swap3A_510 : vector<1x1x16xf32> to vector<16xf32>
        %swap3A_512 = vector.shape_cast %add3A_505 : vector<16xf32> to vector<1x1x16xf32>
        tpu.vector_store %arg8[%swap3A_507, %swap3A_508, %swap3A_509], %swap3A_512 {strides = array<i32>} : memref<2x16x1024xf32, #tpu.memory_space<vmem>>, vector<1x1x16xf32>,
        %get3A_513 = arith.constant 1 : i32
        %get3A_514 = arith.index_cast %get3A_513 : i32 to index
        %get3A_515 = arith.index_cast %scan3A_282 : i32 to index
        %get3A_516 = arith.constant 176 : index
        %get3A_517 = tpu.vector_load %arg6[%get3A_514, %get3A_515, %get3A_516] {strides = array<i32>} : memref<2x16x1024xf32, #tpu.memory_space<vmem>>, vector<1x1x16xf32>,
        %get3A_518 = vector.shape_cast %get3A_517 : vector<1x1x16xf32> to vector<16xf32>
        %get3A_519 = arith.constant 1 : i32
        %get3A_520 = arith.index_cast %get3A_519 : i32 to index
        %get3A_521 = arith.index_cast %scan3A_282 : i32 to index
        %get3A_522 = arith.constant 176 : index
        %get3A_523 = tpu.vector_load %arg7[%get3A_520, %get3A_521, %get3A_522] {strides = array<i32>} : memref<2x16x1024xf32, #tpu.memory_space<vmem>>, vector<1x1x16xf32>,
        %get3A_524 = vector.shape_cast %get3A_523 : vector<1x1x16xf32> to vector<16xf32>
        %mul3A_525 = arith.mulf %get3A_524, %get3A_34 : vector<16xf32>
        %add3A_526 = arith.addf %get3A_518, %mul3A_525 : vector<16xf32>
        %swap3A_527 = arith.constant 1 : i32
        %swap3A_528 = arith.index_cast %swap3A_527 : i32 to index
        %swap3A_529 = arith.index_cast %scan3A_282 : i32 to index
        %swap3A_530 = arith.constant 176 : index
        %swap3A_531 = tpu.vector_load %arg8[%swap3A_528, %swap3A_529, %swap3A_530] {strides = array<i32>} : memref<2x16x1024xf32, #tpu.memory_space<vmem>>, vector<1x1x16xf32>,
        %swap3A_532 = vector.shape_cast %swap3A_531 : vector<1x1x16xf32> to vector<16xf32>
        %swap3A_533 = vector.shape_cast %add3A_526 : vector<16xf32> to vector<1x1x16xf32>
        tpu.vector_store %arg8[%swap3A_528, %swap3A_529, %swap3A_530], %swap3A_533 {strides = array<i32>} : memref<2x16x1024xf32, #tpu.memory_space<vmem>>, vector<1x1x16xf32>,
        %get3A_534 = arith.constant 1 : i32
        %get3A_535 = arith.index_cast %get3A_534 : i32 to index
        %get3A_536 = arith.index_cast %scan3A_282 : i32 to index
        %get3A_537 = arith.constant 192 : index
        %get3A_538 = tpu.vector_load %arg6[%get3A_535, %get3A_536, %get3A_537] {strides = array<i32>} : memref<2x16x1024xf32, #tpu.memory_space<vmem>>, vector<1x1x16xf32>,
        %get3A_539 = vector.shape_cast %get3A_538 : vector<1x1x16xf32> to vector<16xf32>
        %get3A_540 = arith.constant 1 : i32
        %get3A_541 = arith.index_cast %get3A_540 : i32 to index
        %get3A_542 = arith.index_cast %scan3A_282 : i32 to index
        %get3A_543 = arith.constant 192 : index
        %get3A_544 = tpu.vector_load %arg7[%get3A_541, %get3A_542, %get3A_543] {strides = array<i32>} : memref<2x16x1024xf32, #tpu.memory_space<vmem>>, vector<1x1x16xf32>,
        %get3A_545 = vector.shape_cast %get3A_544 : vector<1x1x16xf32> to vector<16xf32>
        %mul3A_546 = arith.mulf %get3A_545, %get3A_34 : vector<16xf32>
        %add3A_547 = arith.addf %get3A_539, %mul3A_546 : vector<16xf32>
        %swap3A_548 = arith.constant 1 : i32
        %swap3A_549 = arith.index_cast %swap3A_548 : i32 to index
        %swap3A_550 = arith.index_cast %scan3A_282 : i32 to index
        %swap3A_551 = arith.constant 192 : index
        %swap3A_552 = tpu.vector_load %arg8[%swap3A_549, %swap3A_550, %swap3A_551] {strides = array<i32>} : memref<2x16x1024xf32, #tpu.memory_space<vmem>>, vector<1x1x16xf32>,
        %swap3A_553 = vector.shape_cast %swap3A_552 : vector<1x1x16xf32> to vector<16xf32>
        %swap3A_554 = vector.shape_cast %add3A_547 : vector<16xf32> to vector<1x1x16xf32>
        tpu.vector_store %arg8[%swap3A_549, %swap3A_550, %swap3A_551], %swap3A_554 {strides = array<i32>} : memref<2x16x1024xf32, #tpu.memory_space<vmem>>, vector<1x1x16xf32>,
        %get3A_555 = arith.constant 1 : i32
        %get3A_556 = arith.index_cast %get3A_555 : i32 to index
        %get3A_557 = arith.index_cast %scan3A_282 : i32 to index
        %get3A_558 = arith.constant 208 : index
        %get3A_559 = tpu.vector_load %arg6[%get3A_556, %get3A_557, %get3A_558] {strides = array<i32>} : memref<2x16x1024xf32, #tpu.memory_space<vmem>>, vector<1x1x16xf32>,
        %get3A_560 = vector.shape_cast %get3A_559 : vector<1x1x16xf32> to vector<16xf32>
        %get3A_561 = arith.constant 1 : i32
        %get3A_562 = arith.index_cast %get3A_561 : i32 to index
        %get3A_563 = arith.index_cast %scan3A_282 : i32 to index
        %get3A_564 = arith.constant 208 : index
        %get3A_565 = tpu.vector_load %arg7[%get3A_562, %get3A_563, %get3A_564] {strides = array<i32>} : memref<2x16x1024xf32, #tpu.memory_space<vmem>>, vector<1x1x16xf32>,
        %get3A_566 = vector.shape_cast %get3A_565 : vector<1x1x16xf32> to vector<16xf32>
        %mul3A_567 = arith.mulf %get3A_566, %get3A_34 : vector<16xf32>
        %add3A_568 = arith.addf %get3A_560, %mul3A_567 : vector<16xf32>
        %swap3A_569 = arith.constant 1 : i32
        %swap3A_570 = arith.index_cast %swap3A_569 : i32 to index
        %swap3A_571 = arith.index_cast %scan3A_282 : i32 to index
        %swap3A_572 = arith.constant 208 : index
        %swap3A_573 = tpu.vector_load %arg8[%swap3A_570, %swap3A_571, %swap3A_572] {strides = array<i32>} : memref<2x16x1024xf32, #tpu.memory_space<vmem>>, vector<1x1x16xf32>,
        %swap3A_574 = vector.shape_cast %swap3A_573 : vector<1x1x16xf32> to vector<16xf32>
        %swap3A_575 = vector.shape_cast %add3A_568 : vector<16xf32> to vector<1x1x16xf32>
        tpu.vector_store %arg8[%swap3A_570, %swap3A_571, %swap3A_572], %swap3A_575 {strides = array<i32>} : memref<2x16x1024xf32, #tpu.memory_space<vmem>>, vector<1x1x16xf32>,
        %get3A_576 = arith.constant 1 : i32
        %get3A_577 = arith.index_cast %get3A_576 : i32 to index
        %get3A_578 = arith.index_cast %scan3A_282 : i32 to index
        %get3A_579 = arith.constant 224 : index
        %get3A_580 = tpu.vector_load %arg6[%get3A_577, %get3A_578, %get3A_579] {strides = array<i32>} : memref<2x16x1024xf32, #tpu.memory_space<vmem>>, vector<1x1x16xf32>,
        %get3A_581 = vector.shape_cast %get3A_580 : vector<1x1x16xf32> to vector<16xf32>
        %get3A_582 = arith.constant 1 : i32
        %get3A_583 = arith.index_cast %get3A_582 : i32 to index
        %get3A_584 = arith.index_cast %scan3A_282 : i32 to index
        %get3A_585 = arith.constant 224 : index
        %get3A_586 = tpu.vector_load %arg7[%get3A_583, %get3A_584, %get3A_585] {strides = array<i32>} : memref<2x16x1024xf32, #tpu.memory_space<vmem>>, vector<1x1x16xf32>,
        %get3A_587 = vector.shape_cast %get3A_586 : vector<1x1x16xf32> to vector<16xf32>
        %mul3A_588 = arith.mulf %get3A_587, %get3A_34 : vector<16xf32>
        %add3A_589 = arith.addf %get3A_581, %mul3A_588 : vector<16xf32>
        %swap3A_590 = arith.constant 1 : i32
        %swap3A_591 = arith.index_cast %swap3A_590 : i32 to index
        %swap3A_592 = arith.index_cast %scan3A_282 : i32 to index
        %swap3A_593 = arith.constant 224 : index
        %swap3A_594 = tpu.vector_load %arg8[%swap3A_591, %swap3A_592, %swap3A_593] {strides = array<i32>} : memref<2x16x1024xf32, #tpu.memory_space<vmem>>, vector<1x1x16xf32>,
        %swap3A_595 = vector.shape_cast %swap3A_594 : vector<1x1x16xf32> to vector<16xf32>
        %swap3A_596 = vector.shape_cast %add3A_589 : vector<16xf32> to vector<1x1x16xf32>
        tpu.vector_store %arg8[%swap3A_591, %swap3A_592, %swap3A_593], %swap3A_596 {strides = array<i32>} : memref<2x16x1024xf32, #tpu.memory_space<vmem>>, vector<1x1x16xf32>,
        %get3A_597 = arith.constant 1 : i32
        %get3A_598 = arith.index_cast %get3A_597 : i32 to index
        %get3A_599 = arith.index_cast %scan3A_282 : i32 to index
        %get3A_600 = arith.constant 240 : index
        %get3A_601 = tpu.vector_load %arg6[%get3A_598, %get3A_599, %get3A_600] {strides = array<i32>} : memref<2x16x1024xf32, #tpu.memory_space<vmem>>, vector<1x1x16xf32>,
        %get3A_602 = vector.shape_cast %get3A_601 : vector<1x1x16xf32> to vector<16xf32>
        %get3A_603 = arith.constant 1 : i32
        %get3A_604 = arith.index_cast %get3A_603 : i32 to index
        %get3A_605 = arith.index_cast %scan3A_282 : i32 to index
        %get3A_606 = arith.constant 240 : index
        %get3A_607 = tpu.vector_load %arg7[%get3A_604, %get3A_605, %get3A_606] {strides = array<i32>} : memref<2x16x1024xf32, #tpu.memory_space<vmem>>, vector<1x1x16xf32>,
        %get3A_608 = vector.shape_cast %get3A_607 : vector<1x1x16xf32> to vector<16xf32>
        %mul3A_609 = arith.mulf %get3A_608, %get3A_34 : vector<16xf32>
        %add3A_610 = arith.addf %get3A_602, %mul3A_609 : vector<16xf32>
        %swap3A_611 = arith.constant 1 : i32
        %swap3A_612 = arith.index_cast %swap3A_611 : i32 to index
        %swap3A_613 = arith.index_cast %scan3A_282 : i32 to index
        %swap3A_614 = arith.constant 240 : index
        %swap3A_615 = tpu.vector_load %arg8[%swap3A_612, %swap3A_613, %swap3A_614] {strides = array<i32>} : memref<2x16x1024xf32, #tpu.memory_space<vmem>>, vector<1x1x16xf32>,
        %swap3A_616 = vector.shape_cast %swap3A_615 : vector<1x1x16xf32> to vector<16xf32>
        %swap3A_617 = vector.shape_cast %add3A_610 : vector<16xf32> to vector<1x1x16xf32>
        tpu.vector_store %arg8[%swap3A_612, %swap3A_613, %swap3A_614], %swap3A_617 {strides = array<i32>} : memref<2x16x1024xf32, #tpu.memory_space<vmem>>, vector<1x1x16xf32>,
        %get3A_618 = arith.constant 1 : i32
        %get3A_619 = arith.index_cast %get3A_618 : i32 to index
        %get3A_620 = arith.index_cast %scan3A_282 : i32 to index
        %get3A_621 = arith.constant 256 : index
        %get3A_622 = tpu.vector_load %arg6[%get3A_619, %get3A_620, %get3A_621] {strides = array<i32>} : memref<2x16x1024xf32, #tpu.memory_space<vmem>>, vector<1x1x16xf32>,
        %get3A_623 = vector.shape_cast %get3A_622 : vector<1x1x16xf32> to vector<16xf32>
        %get3A_624 = arith.constant 1 : i32
        %get3A_625 = arith.index_cast %get3A_624 : i32 to index
        %get3A_626 = arith.index_cast %scan3A_282 : i32 to index
        %get3A_627 = arith.constant 256 : index
        %get3A_628 = tpu.vector_load %arg7[%get3A_625, %get3A_626, %get3A_627] {strides = array<i32>} : memref<2x16x1024xf32, #tpu.memory_space<vmem>>, vector<1x1x16xf32>,
        %get3A_629 = vector.shape_cast %get3A_628 : vector<1x1x16xf32> to vector<16xf32>
        %mul3A_630 = arith.mulf %get3A_629, %get3A_34 : vector<16xf32>
        %add3A_631 = arith.addf %get3A_623, %mul3A_630 : vector<16xf32>
        %swap3A_632 = arith.constant 1 : i32
        %swap3A_633 = arith.index_cast %swap3A_632 : i32 to index
        %swap3A_634 = arith.index_cast %scan3A_282 : i32 to index
        %swap3A_635 = arith.constant 256 : index
        %swap3A_636 = tpu.vector_load %arg8[%swap3A_633, %swap3A_634, %swap3A_635] {strides = array<i32>} : memref<2x16x1024xf32, #tpu.memory_space<vmem>>, vector<1x1x16xf32>,
        %swap3A_637 = vector.shape_cast %swap3A_636 : vector<1x1x16xf32> to vector<16xf32>
        %swap3A_638 = vector.shape_cast %add3A_631 : vector<16xf32> to vector<1x1x16xf32>
        tpu.vector_store %arg8[%swap3A_633, %swap3A_634, %swap3A_635], %swap3A_638 {strides = array<i32>} : memref<2x16x1024xf32, #tpu.memory_space<vmem>>, vector<1x1x16xf32>,
        %get3A_639 = arith.constant 1 : i32
        %get3A_640 = arith.index_cast %get3A_639 : i32 to index
        %get3A_641 = arith.index_cast %scan3A_282 : i32 to index
        %get3A_642 = arith.constant 272 : index
        %get3A_643 = tpu.vector_load %arg6[%get3A_640, %get3A_641, %get3A_642] {strides = array<i32>} : memref<2x16x1024xf32, #tpu.memory_space<vmem>>, vector<1x1x16xf32>,
        %get3A_644 = vector.shape_cast %get3A_643 : vector<1x1x16xf32> to vector<16xf32>
        %get3A_645 = arith.constant 1 : i32
        %get3A_646 = arith.index_cast %get3A_645 : i32 to index
        %get3A_647 = arith.index_cast %scan3A_282 : i32 to index
        %get3A_648 = arith.constant 272 : index
        %get3A_649 = tpu.vector_load %arg7[%get3A_646, %get3A_647, %get3A_648] {strides = array<i32>} : memref<2x16x1024xf32, #tpu.memory_space<vmem>>, vector<1x1x16xf32>,
        %get3A_650 = vector.shape_cast %get3A_649 : vector<1x1x16xf32> to vector<16xf32>
        %mul3A_651 = arith.mulf %get3A_650, %get3A_34 : vector<16xf32>
        %add3A_652 = arith.addf %get3A_644, %mul3A_651 : vector<16xf32>
        %swap3A_653 = arith.constant 1 : i32
        %swap3A_654 = arith.index_cast %swap3A_653 : i32 to index
        %swap3A_655 = arith.index_cast %scan3A_282 : i32 to index
        %swap3A_656 = arith.constant 272 : index
        %swap3A_657 = tpu.vector_load %arg8[%swap3A_654, %swap3A_655, %swap3A_656] {strides = array<i32>} : memref<2x16x1024xf32, #tpu.memory_space<vmem>>, vector<1x1x16xf32>,
        %swap3A_658 = vector.shape_cast %swap3A_657 : vector<1x1x16xf32> to vector<16xf32>
        %swap3A_659 = vector.shape_cast %add3A_652 : vector<16xf32> to vector<1x1x16xf32>
        tpu.vector_store %arg8[%swap3A_654, %swap3A_655, %swap3A_656], %swap3A_659 {strides = array<i32>} : memref<2x16x1024xf32, #tpu.memory_space<vmem>>, vector<1x1x16xf32>,
        %get3A_660 = arith.constant 1 : i32
        %get3A_661 = arith.index_cast %get3A_660 : i32 to index
        %get3A_662 = arith.index_cast %scan3A_282 : i32 to index
        %get3A_663 = arith.constant 288 : index
        %get3A_664 = tpu.vector_load %arg6[%get3A_661, %get3A_662, %get3A_663] {strides = array<i32>} : memref<2x16x1024xf32, #tpu.memory_space<vmem>>, vector<1x1x16xf32>,
        %get3A_665 = vector.shape_cast %get3A_664 : vector<1x1x16xf32> to vector<16xf32>
        %get3A_666 = arith.constant 1 : i32
        %get3A_667 = arith.index_cast %get3A_666 : i32 to index
        %get3A_668 = arith.index_cast %scan3A_282 : i32 to index
        %get3A_669 = arith.constant 288 : index
        %get3A_670 = tpu.vector_load %arg7[%get3A_667, %get3A_668, %get3A_669] {strides = array<i32>} : memref<2x16x1024xf32, #tpu.memory_space<vmem>>, vector<1x1x16xf32>,
        %get3A_671 = vector.shape_cast %get3A_670 : vector<1x1x16xf32> to vector<16xf32>
        %mul3A_672 = arith.mulf %get3A_671, %get3A_34 : vector<16xf32>
        %add3A_673 = arith.addf %get3A_665, %mul3A_672 : vector<16xf32>
        %swap3A_674 = arith.constant 1 : i32
        %swap3A_675 = arith.index_cast %swap3A_674 : i32 to index
        %swap3A_676 = arith.index_cast %scan3A_282 : i32 to index
        %swap3A_677 = arith.constant 288 : index
        %swap3A_678 = tpu.vector_load %arg8[%swap3A_675, %swap3A_676, %swap3A_677] {strides = array<i32>} : memref<2x16x1024xf32, #tpu.memory_space<vmem>>, vector<1x1x16xf32>,
        %swap3A_679 = vector.shape_cast %swap3A_678 : vector<1x1x16xf32> to vector<16xf32>
        %swap3A_680 = vector.shape_cast %add3A_673 : vector<16xf32> to vector<1x1x16xf32>
        tpu.vector_store %arg8[%swap3A_675, %swap3A_676, %swap3A_677], %swap3A_680 {strides = array<i32>} : memref<2x16x1024xf32, #tpu.memory_space<vmem>>, vector<1x1x16xf32>,
        %get3A_681 = arith.constant 1 : i32
        %get3A_682 = arith.index_cast %get3A_681 : i32 to index
        %get3A_683 = arith.index_cast %scan3A_282 : i32 to index
        %get3A_684 = arith.constant 304 : index
        %get3A_685 = tpu.vector_load %arg6[%get3A_682, %get3A_683, %get3A_684] {strides = array<i32>} : memref<2x16x1024xf32, #tpu.memory_space<vmem>>, vector<1x1x16xf32>,
        %get3A_686 = vector.shape_cast %get3A_685 : vector<1x1x16xf32> to vector<16xf32>
        %get3A_687 = arith.constant 1 : i32
        %get3A_688 = arith.index_cast %get3A_687 : i32 to index
        %get3A_689 = arith.index_cast %scan3A_282 : i32 to index
        %get3A_690 = arith.constant 304 : index
        %get3A_691 = tpu.vector_load %arg7[%get3A_688, %get3A_689, %get3A_690] {strides = array<i32>} : memref<2x16x1024xf32, #tpu.memory_space<vmem>>, vector<1x1x16xf32>,
        %get3A_692 = vector.shape_cast %get3A_691 : vector<1x1x16xf32> to vector<16xf32>
        %mul3A_693 = arith.mulf %get3A_692, %get3A_34 : vector<16xf32>
        %add3A_694 = arith.addf %get3A_686, %mul3A_693 : vector<16xf32>
        %swap3A_695 = arith.constant 1 : i32
        %swap3A_696 = arith.index_cast %swap3A_695 : i32 to index
        %swap3A_697 = arith.index_cast %scan3A_282 : i32 to index
        %swap3A_698 = arith.constant 304 : index
        %swap3A_699 = tpu.vector_load %arg8[%swap3A_696, %swap3A_697, %swap3A_698] {strides = array<i32>} : memref<2x16x1024xf32, #tpu.memory_space<vmem>>, vector<1x1x16xf32>,
        %swap3A_700 = vector.shape_cast %swap3A_699 : vector<1x1x16xf32> to vector<16xf32>
        %swap3A_701 = vector.shape_cast %add3A_694 : vector<16xf32> to vector<1x1x16xf32>
        tpu.vector_store %arg8[%swap3A_696, %swap3A_697, %swap3A_698], %swap3A_701 {strides = array<i32>} : memref<2x16x1024xf32, #tpu.memory_space<vmem>>, vector<1x1x16xf32>,
        %get3A_702 = arith.constant 1 : i32
        %get3A_703 = arith.index_cast %get3A_702 : i32 to index
        %get3A_704 = arith.index_cast %scan3A_282 : i32 to index
        %get3A_705 = arith.constant 320 : index
        %get3A_706 = tpu.vector_load %arg6[%get3A_703, %get3A_704, %get3A_705] {strides = array<i32>} : memref<2x16x1024xf32, #tpu.memory_space<vmem>>, vector<1x1x16xf32>,
        %get3A_707 = vector.shape_cast %get3A_706 : vector<1x1x16xf32> to vector<16xf32>
        %get3A_708 = arith.constant 1 : i32
        %get3A_709 = arith.index_cast %get3A_708 : i32 to index
        %get3A_710 = arith.index_cast %scan3A_282 : i32 to index
        %get3A_711 = arith.constant 320 : index
        %get3A_712 = tpu.vector_load %arg7[%get3A_709, %get3A_710, %get3A_711] {strides = array<i32>} : memref<2x16x1024xf32, #tpu.memory_space<vmem>>, vector<1x1x16xf32>,
        %get3A_713 = vector.shape_cast %get3A_712 : vector<1x1x16xf32> to vector<16xf32>
        %mul3A_714 = arith.mulf %get3A_713, %get3A_34 : vector<16xf32>
        %add3A_715 = arith.addf %get3A_707, %mul3A_714 : vector<16xf32>
        %swap3A_716 = arith.constant 1 : i32
        %swap3A_717 = arith.index_cast %swap3A_716 : i32 to index
        %swap3A_718 = arith.index_cast %scan3A_282 : i32 to index
        %swap3A_719 = arith.constant 320 : index
        %swap3A_720 = tpu.vector_load %arg8[%swap3A_717, %swap3A_718, %swap3A_719] {strides = array<i32>} : memref<2x16x1024xf32, #tpu.memory_space<vmem>>, vector<1x1x16xf32>,
        %swap3A_721 = vector.shape_cast %swap3A_720 : vector<1x1x16xf32> to vector<16xf32>
        %swap3A_722 = vector.shape_cast %add3A_715 : vector<16xf32> to vector<1x1x16xf32>
        tpu.vector_store %arg8[%swap3A_717, %swap3A_718, %swap3A_719], %swap3A_722 {strides = array<i32>} : memref<2x16x1024xf32, #tpu.memory_space<vmem>>, vector<1x1x16xf32>,
        %get3A_723 = arith.constant 1 : i32
        %get3A_724 = arith.index_cast %get3A_723 : i32 to index
        %get3A_725 = arith.index_cast %scan3A_282 : i32 to index
        %get3A_726 = arith.constant 336 : index
        %get3A_727 = tpu.vector_load %arg6[%get3A_724, %get3A_725, %get3A_726] {strides = array<i32>} : memref<2x16x1024xf32, #tpu.memory_space<vmem>>, vector<1x1x16xf32>,
        %get3A_728 = vector.shape_cast %get3A_727 : vector<1x1x16xf32> to vector<16xf32>
        %get3A_729 = arith.constant 1 : i32
        %get3A_730 = arith.index_cast %get3A_729 : i32 to index
        %get3A_731 = arith.index_cast %scan3A_282 : i32 to index
        %get3A_732 = arith.constant 336 : index
        %get3A_733 = tpu.vector_load %arg7[%get3A_730, %get3A_731, %get3A_732] {strides = array<i32>} : memref<2x16x1024xf32, #tpu.memory_space<vmem>>, vector<1x1x16xf32>,
        %get3A_734 = vector.shape_cast %get3A_733 : vector<1x1x16xf32> to vector<16xf32>
        %mul3A_735 = arith.mulf %get3A_734, %get3A_34 : vector<16xf32>
        %add3A_736 = arith.addf %get3A_728, %mul3A_735 : vector<16xf32>
        %swap3A_737 = arith.constant 1 : i32
        %swap3A_738 = arith.index_cast %swap3A_737 : i32 to index
        %swap3A_739 = arith.index_cast %scan3A_282 : i32 to index
        %swap3A_740 = arith.constant 336 : index
        %swap3A_741 = tpu.vector_load %arg8[%swap3A_738, %swap3A_739, %swap3A_740] {strides = array<i32>} : memref<2x16x1024xf32, #tpu.memory_space<vmem>>, vector<1x1x16xf32>,
        %swap3A_742 = vector.shape_cast %swap3A_741 : vector<1x1x16xf32> to vector<16xf32>
        %swap3A_743 = vector.shape_cast %add3A_736 : vector<16xf32> to vector<1x1x16xf32>
        tpu.vector_store %arg8[%swap3A_738, %swap3A_739, %swap3A_740], %swap3A_743 {strides = array<i32>} : memref<2x16x1024xf32, #tpu.memory_space<vmem>>, vector<1x1x16xf32>,
        %get3A_744 = arith.constant 1 : i32
        %get3A_745 = arith.index_cast %get3A_744 : i32 to index
        %get3A_746 = arith.index_cast %scan3A_282 : i32 to index
        %get3A_747 = arith.constant 352 : index
        %get3A_748 = tpu.vector_load %arg6[%get3A_745, %get3A_746, %get3A_747] {strides = array<i32>} : memref<2x16x1024xf32, #tpu.memory_space<vmem>>, vector<1x1x16xf32>,
        %get3A_749 = vector.shape_cast %get3A_748 : vector<1x1x16xf32> to vector<16xf32>
        %get3A_750 = arith.constant 1 : i32
        %get3A_751 = arith.index_cast %get3A_750 : i32 to index
        %get3A_752 = arith.index_cast %scan3A_282 : i32 to index
        %get3A_753 = arith.constant 352 : index
        %get3A_754 = tpu.vector_load %arg7[%get3A_751, %get3A_752, %get3A_753] {strides = array<i32>} : memref<2x16x1024xf32, #tpu.memory_space<vmem>>, vector<1x1x16xf32>,
        %get3A_755 = vector.shape_cast %get3A_754 : vector<1x1x16xf32> to vector<16xf32>
        %mul3A_756 = arith.mulf %get3A_755, %get3A_34 : vector<16xf32>
        %add3A_757 = arith.addf %get3A_749, %mul3A_756 : vector<16xf32>
        %swap3A_758 = arith.constant 1 : i32
        %swap3A_759 = arith.index_cast %swap3A_758 : i32 to index
        %swap3A_760 = arith.index_cast %scan3A_282 : i32 to index
        %swap3A_761 = arith.constant 352 : index
        %swap3A_762 = tpu.vector_load %arg8[%swap3A_759, %swap3A_760, %swap3A_761] {strides = array<i32>} : memref<2x16x1024xf32, #tpu.memory_space<vmem>>, vector<1x1x16xf32>,
        %swap3A_763 = vector.shape_cast %swap3A_762 : vector<1x1x16xf32> to vector<16xf32>
        %swap3A_764 = vector.shape_cast %add3A_757 : vector<16xf32> to vector<1x1x16xf32>
        tpu.vector_store %arg8[%swap3A_759, %swap3A_760, %swap3A_761], %swap3A_764 {strides = array<i32>} : memref<2x16x1024xf32, #tpu.memory_space<vmem>>, vector<1x1x16xf32>,
        %get3A_765 = arith.constant 1 : i32
        %get3A_766 = arith.index_cast %get3A_765 : i32 to index
        %get3A_767 = arith.index_cast %scan3A_282 : i32 to index
        %get3A_768 = arith.constant 368 : index
        %get3A_769 = tpu.vector_load %arg6[%get3A_766, %get3A_767, %get3A_768] {strides = array<i32>} : memref<2x16x1024xf32, #tpu.memory_space<vmem>>, vector<1x1x16xf32>,
        %get3A_770 = vector.shape_cast %get3A_769 : vector<1x1x16xf32> to vector<16xf32>
        %get3A_771 = arith.constant 1 : i32
        %get3A_772 = arith.index_cast %get3A_771 : i32 to index
        %get3A_773 = arith.index_cast %scan3A_282 : i32 to index
        %get3A_774 = arith.constant 368 : index
        %get3A_775 = tpu.vector_load %arg7[%get3A_772, %get3A_773, %get3A_774] {strides = array<i32>} : memref<2x16x1024xf32, #tpu.memory_space<vmem>>, vector<1x1x16xf32>,
        %get3A_776 = vector.shape_cast %get3A_775 : vector<1x1x16xf32> to vector<16xf32>
        %mul3A_777 = arith.mulf %get3A_776, %get3A_34 : vector<16xf32>
        %add3A_778 = arith.addf %get3A_770, %mul3A_777 : vector<16xf32>
        %swap3A_779 = arith.constant 1 : i32
        %swap3A_780 = arith.index_cast %swap3A_779 : i32 to index
        %swap3A_781 = arith.index_cast %scan3A_282 : i32 to index
        %swap3A_782 = arith.constant 368 : index
        %swap3A_783 = tpu.vector_load %arg8[%swap3A_780, %swap3A_781, %swap3A_782] {strides = array<i32>} : memref<2x16x1024xf32, #tpu.memory_space<vmem>>, vector<1x1x16xf32>,
        %swap3A_784 = vector.shape_cast %swap3A_783 : vector<1x1x16xf32> to vector<16xf32>
        %swap3A_785 = vector.shape_cast %add3A_778 : vector<16xf32> to vector<1x1x16xf32>
        tpu.vector_store %arg8[%swap3A_780, %swap3A_781, %swap3A_782], %swap3A_785 {strides = array<i32>} : memref<2x16x1024xf32, #tpu.memory_space<vmem>>, vector<1x1x16xf32>,
        %get3A_786 = arith.constant 1 : i32
        %get3A_787 = arith.index_cast %get3A_786 : i32 to index
        %get3A_788 = arith.index_cast %scan3A_282 : i32 to index
        %get3A_789 = arith.constant 384 : index
        %get3A_790 = tpu.vector_load %arg6[%get3A_787, %get3A_788, %get3A_789] {strides = array<i32>} : memref<2x16x1024xf32, #tpu.memory_space<vmem>>, vector<1x1x16xf32>,
        %get3A_791 = vector.shape_cast %get3A_790 : vector<1x1x16xf32> to vector<16xf32>
        %get3A_792 = arith.constant 1 : i32
        %get3A_793 = arith.index_cast %get3A_792 : i32 to index
        %get3A_794 = arith.index_cast %scan3A_282 : i32 to index
        %get3A_795 = arith.constant 384 : index
        %get3A_796 = tpu.vector_load %arg7[%get3A_793, %get3A_794, %get3A_795] {strides = array<i32>} : memref<2x16x1024xf32, #tpu.memory_space<vmem>>, vector<1x1x16xf32>,
        %get3A_797 = vector.shape_cast %get3A_796 : vector<1x1x16xf32> to vector<16xf32>
        %mul3A_798 = arith.mulf %get3A_797, %get3A_34 : vector<16xf32>
        %add3A_799 = arith.addf %get3A_791, %mul3A_798 : vector<16xf32>
        %swap3A_800 = arith.constant 1 : i32
        %swap3A_801 = arith.index_cast %swap3A_800 : i32 to index
        %swap3A_802 = arith.index_cast %scan3A_282 : i32 to index
        %swap3A_803 = arith.constant 384 : index
        %swap3A_804 = tpu.vector_load %arg8[%swap3A_801, %swap3A_802, %swap3A_803] {strides = array<i32>} : memref<2x16x1024xf32, #tpu.memory_space<vmem>>, vector<1x1x16xf32>,
        %swap3A_805 = vector.shape_cast %swap3A_804 : vector<1x1x16xf32> to vector<16xf32>
        %swap3A_806 = vector.shape_cast %add3A_799 : vector<16xf32> to vector<1x1x16xf32>
        tpu.vector_store %arg8[%swap3A_801, %swap3A_802, %swap3A_803], %swap3A_806 {strides = array<i32>} : memref<2x16x1024xf32, #tpu.memory_space<vmem>>, vector<1x1x16xf32>,
        %get3A_807 = arith.constant 1 : i32
        %get3A_808 = arith.index_cast %get3A_807 : i32 to index
        %get3A_809 = arith.index_cast %scan3A_282 : i32 to index
        %get3A_810 = arith.constant 400 : index
        %get3A_811 = tpu.vector_load %arg6[%get3A_808, %get3A_809, %get3A_810] {strides = array<i32>} : memref<2x16x1024xf32, #tpu.memory_space<vmem>>, vector<1x1x16xf32>,
        %get3A_812 = vector.shape_cast %get3A_811 : vector<1x1x16xf32> to vector<16xf32>
        %get3A_813 = arith.constant 1 : i32
        %get3A_814 = arith.index_cast %get3A_813 : i32 to index
        %get3A_815 = arith.index_cast %scan3A_282 : i32 to index
        %get3A_816 = arith.constant 400 : index
        %get3A_817 = tpu.vector_load %arg7[%get3A_814, %get3A_815, %get3A_816] {strides = array<i32>} : memref<2x16x1024xf32, #tpu.memory_space<vmem>>, vector<1x1x16xf32>,
        %get3A_818 = vector.shape_cast %get3A_817 : vector<1x1x16xf32> to vector<16xf32>
        %mul3A_819 = arith.mulf %get3A_818, %get3A_34 : vector<16xf32>
        %add3A_820 = arith.addf %get3A_812, %mul3A_819 : vector<16xf32>
        %swap3A_821 = arith.constant 1 : i32
        %swap3A_822 = arith.index_cast %swap3A_821 : i32 to index
        %swap3A_823 = arith.index_cast %scan3A_282 : i32 to index
        %swap3A_824 = arith.constant 400 : index
        %swap3A_825 = tpu.vector_load %arg8[%swap3A_822, %swap3A_823, %swap3A_824] {strides = array<i32>} : memref<2x16x1024xf32, #tpu.memory_space<vmem>>, vector<1x1x16xf32>,
        %swap3A_826 = vector.shape_cast %swap3A_825 : vector<1x1x16xf32> to vector<16xf32>
        %swap3A_827 = vector.shape_cast %add3A_820 : vector<16xf32> to vector<1x1x16xf32>
        tpu.vector_store %arg8[%swap3A_822, %swap3A_823, %swap3A_824], %swap3A_827 {strides = array<i32>} : memref<2x16x1024xf32, #tpu.memory_space<vmem>>, vector<1x1x16xf32>,
        %get3A_828 = arith.constant 1 : i32
        %get3A_829 = arith.index_cast %get3A_828 : i32 to index
        %get3A_830 = arith.index_cast %scan3A_282 : i32 to index
        %get3A_831 = arith.constant 416 : index
        %get3A_832 = tpu.vector_load %arg6[%get3A_829, %get3A_830, %get3A_831] {strides = array<i32>} : memref<2x16x1024xf32, #tpu.memory_space<vmem>>, vector<1x1x16xf32>,
        %get3A_833 = vector.shape_cast %get3A_832 : vector<1x1x16xf32> to vector<16xf32>
        %get3A_834 = arith.constant 1 : i32
        %get3A_835 = arith.index_cast %get3A_834 : i32 to index
        %get3A_836 = arith.index_cast %scan3A_282 : i32 to index
        %get3A_837 = arith.constant 416 : index
        %get3A_838 = tpu.vector_load %arg7[%get3A_835, %get3A_836, %get3A_837] {strides = array<i32>} : memref<2x16x1024xf32, #tpu.memory_space<vmem>>, vector<1x1x16xf32>,
        %get3A_839 = vector.shape_cast %get3A_838 : vector<1x1x16xf32> to vector<16xf32>
        %mul3A_840 = arith.mulf %get3A_839, %get3A_34 : vector<16xf32>
        %add3A_841 = arith.addf %get3A_833, %mul3A_840 : vector<16xf32>
        %swap3A_842 = arith.constant 1 : i32
        %swap3A_843 = arith.index_cast %swap3A_842 : i32 to index
        %swap3A_844 = arith.index_cast %scan3A_282 : i32 to index
        %swap3A_845 = arith.constant 416 : index
        %swap3A_846 = tpu.vector_load %arg8[%swap3A_843, %swap3A_844, %swap3A_845] {strides = array<i32>} : memref<2x16x1024xf32, #tpu.memory_space<vmem>>, vector<1x1x16xf32>,
        %swap3A_847 = vector.shape_cast %swap3A_846 : vector<1x1x16xf32> to vector<16xf32>
        %swap3A_848 = vector.shape_cast %add3A_841 : vector<16xf32> to vector<1x1x16xf32>
        tpu.vector_store %arg8[%swap3A_843, %swap3A_844, %swap3A_845], %swap3A_848 {strides = array<i32>} : memref<2x16x1024xf32, #tpu.memory_space<vmem>>, vector<1x1x16xf32>,
        %get3A_849 = arith.constant 1 : i32
        %get3A_850 = arith.index_cast %get3A_849 : i32 to index
        %get3A_851 = arith.index_cast %scan3A_282 : i32 to index
        %get3A_852 = arith.constant 432 : index
        %get3A_853 = tpu.vector_load %arg6[%get3A_850, %get3A_851, %get3A_852] {strides = array<i32>} : memref<2x16x1024xf32, #tpu.memory_space<vmem>>, vector<1x1x16xf32>,
        %get3A_854 = vector.shape_cast %get3A_853 : vector<1x1x16xf32> to vector<16xf32>
        %get3A_855 = arith.constant 1 : i32
        %get3A_856 = arith.index_cast %get3A_855 : i32 to index
        %get3A_857 = arith.index_cast %scan3A_282 : i32 to index
        %get3A_858 = arith.constant 432 : index
        %get3A_859 = tpu.vector_load %arg7[%get3A_856, %get3A_857, %get3A_858] {strides = array<i32>} : memref<2x16x1024xf32, #tpu.memory_space<vmem>>, vector<1x1x16xf32>,
        %get3A_860 = vector.shape_cast %get3A_859 : vector<1x1x16xf32> to vector<16xf32>
        %mul3A_861 = arith.mulf %get3A_860, %get3A_34 : vector<16xf32>
        %add3A_862 = arith.addf %get3A_854, %mul3A_861 : vector<16xf32>
        %swap3A_863 = arith.constant 1 : i32
        %swap3A_864 = arith.index_cast %swap3A_863 : i32 to index
        %swap3A_865 = arith.index_cast %scan3A_282 : i32 to index
        %swap3A_866 = arith.constant 432 : index
        %swap3A_867 = tpu.vector_load %arg8[%swap3A_864, %swap3A_865, %swap3A_866] {strides = array<i32>} : memref<2x16x1024xf32, #tpu.memory_space<vmem>>, vector<1x1x16xf32>,
        %swap3A_868 = vector.shape_cast %swap3A_867 : vector<1x1x16xf32> to vector<16xf32>
        %swap3A_869 = vector.shape_cast %add3A_862 : vector<16xf32> to vector<1x1x16xf32>
        tpu.vector_store %arg8[%swap3A_864, %swap3A_865, %swap3A_866], %swap3A_869 {strides = array<i32>} : memref<2x16x1024xf32, #tpu.memory_space<vmem>>, vector<1x1x16xf32>,
        %get3A_870 = arith.constant 1 : i32
        %get3A_871 = arith.index_cast %get3A_870 : i32 to index
        %get3A_872 = arith.index_cast %scan3A_282 : i32 to index
        %get3A_873 = arith.constant 448 : index
        %get3A_874 = tpu.vector_load %arg6[%get3A_871, %get3A_872, %get3A_873] {strides = array<i32>} : memref<2x16x1024xf32, #tpu.memory_space<vmem>>, vector<1x1x16xf32>,
        %get3A_875 = vector.shape_cast %get3A_874 : vector<1x1x16xf32> to vector<16xf32>
        %get3A_876 = arith.constant 1 : i32
        %get3A_877 = arith.index_cast %get3A_876 : i32 to index
        %get3A_878 = arith.index_cast %scan3A_282 : i32 to index
        %get3A_879 = arith.constant 448 : index
        %get3A_880 = tpu.vector_load %arg7[%get3A_877, %get3A_878, %get3A_879] {strides = array<i32>} : memref<2x16x1024xf32, #tpu.memory_space<vmem>>, vector<1x1x16xf32>,
        %get3A_881 = vector.shape_cast %get3A_880 : vector<1x1x16xf32> to vector<16xf32>
        %mul3A_882 = arith.mulf %get3A_881, %get3A_34 : vector<16xf32>
        %add3A_883 = arith.addf %get3A_875, %mul3A_882 : vector<16xf32>
        %swap3A_884 = arith.constant 1 : i32
        %swap3A_885 = arith.index_cast %swap3A_884 : i32 to index
        %swap3A_886 = arith.index_cast %scan3A_282 : i32 to index
        %swap3A_887 = arith.constant 448 : index
        %swap3A_888 = tpu.vector_load %arg8[%swap3A_885, %swap3A_886, %swap3A_887] {strides = array<i32>} : memref<2x16x1024xf32, #tpu.memory_space<vmem>>, vector<1x1x16xf32>,
        %swap3A_889 = vector.shape_cast %swap3A_888 : vector<1x1x16xf32> to vector<16xf32>
        %swap3A_890 = vector.shape_cast %add3A_883 : vector<16xf32> to vector<1x1x16xf32>
        tpu.vector_store %arg8[%swap3A_885, %swap3A_886, %swap3A_887], %swap3A_890 {strides = array<i32>} : memref<2x16x1024xf32, #tpu.memory_space<vmem>>, vector<1x1x16xf32>,
        %get3A_891 = arith.constant 1 : i32
        %get3A_892 = arith.index_cast %get3A_891 : i32 to index
        %get3A_893 = arith.index_cast %scan3A_282 : i32 to index
        %get3A_894 = arith.constant 464 : index
        %get3A_895 = tpu.vector_load %arg6[%get3A_892, %get3A_893, %get3A_894] {strides = array<i32>} : memref<2x16x1024xf32, #tpu.memory_space<vmem>>, vector<1x1x16xf32>,
        %get3A_896 = vector.shape_cast %get3A_895 : vector<1x1x16xf32> to vector<16xf32>
        %get3A_897 = arith.constant 1 : i32
        %get3A_898 = arith.index_cast %get3A_897 : i32 to index
        %get3A_899 = arith.index_cast %scan3A_282 : i32 to index
        %get3A_900 = arith.constant 464 : index
        %get3A_901 = tpu.vector_load %arg7[%get3A_898, %get3A_899, %get3A_900] {strides = array<i32>} : memref<2x16x1024xf32, #tpu.memory_space<vmem>>, vector<1x1x16xf32>,
        %get3A_902 = vector.shape_cast %get3A_901 : vector<1x1x16xf32> to vector<16xf32>
        %mul3A_903 = arith.mulf %get3A_902, %get3A_34 : vector<16xf32>
        %add3A_904 = arith.addf %get3A_896, %mul3A_903 : vector<16xf32>
        %swap3A_905 = arith.constant 1 : i32
        %swap3A_906 = arith.index_cast %swap3A_905 : i32 to index
        %swap3A_907 = arith.index_cast %scan3A_282 : i32 to index
        %swap3A_908 = arith.constant 464 : index
        %swap3A_909 = tpu.vector_load %arg8[%swap3A_906, %swap3A_907, %swap3A_908] {strides = array<i32>} : memref<2x16x1024xf32, #tpu.memory_space<vmem>>, vector<1x1x16xf32>,
        %swap3A_910 = vector.shape_cast %swap3A_909 : vector<1x1x16xf32> to vector<16xf32>
        %swap3A_911 = vector.shape_cast %add3A_904 : vector<16xf32> to vector<1x1x16xf32>
        tpu.vector_store %arg8[%swap3A_906, %swap3A_907, %swap3A_908], %swap3A_911 {strides = array<i32>} : memref<2x16x1024xf32, #tpu.memory_space<vmem>>, vector<1x1x16xf32>,
        %get3A_912 = arith.constant 1 : i32
        %get3A_913 = arith.index_cast %get3A_912 : i32 to index
        %get3A_914 = arith.index_cast %scan3A_282 : i32 to index
        %get3A_915 = arith.constant 480 : index
        %get3A_916 = tpu.vector_load %arg6[%get3A_913, %get3A_914, %get3A_915] {strides = array<i32>} : memref<2x16x1024xf32, #tpu.memory_space<vmem>>, vector<1x1x16xf32>,
        %get3A_917 = vector.shape_cast %get3A_916 : vector<1x1x16xf32> to vector<16xf32>
        %get3A_918 = arith.constant 1 : i32
        %get3A_919 = arith.index_cast %get3A_918 : i32 to index
        %get3A_920 = arith.index_cast %scan3A_282 : i32 to index
        %get3A_921 = arith.constant 480 : index
        %get3A_922 = tpu.vector_load %arg7[%get3A_919, %get3A_920, %get3A_921] {strides = array<i32>} : memref<2x16x1024xf32, #tpu.memory_space<vmem>>, vector<1x1x16xf32>,
        %get3A_923 = vector.shape_cast %get3A_922 : vector<1x1x16xf32> to vector<16xf32>
        %mul3A_924 = arith.mulf %get3A_923, %get3A_34 : vector<16xf32>
        %add3A_925 = arith.addf %get3A_917, %mul3A_924 : vector<16xf32>
        %swap3A_926 = arith.constant 1 : i32
        %swap3A_927 = arith.index_cast %swap3A_926 : i32 to index
        %swap3A_928 = arith.index_cast %scan3A_282 : i32 to index
        %swap3A_929 = arith.constant 480 : index
        %swap3A_930 = tpu.vector_load %arg8[%swap3A_927, %swap3A_928, %swap3A_929] {strides = array<i32>} : memref<2x16x1024xf32, #tpu.memory_space<vmem>>, vector<1x1x16xf32>,
        %swap3A_931 = vector.shape_cast %swap3A_930 : vector<1x1x16xf32> to vector<16xf32>
        %swap3A_932 = vector.shape_cast %add3A_925 : vector<16xf32> to vector<1x1x16xf32>
        tpu.vector_store %arg8[%swap3A_927, %swap3A_928, %swap3A_929], %swap3A_932 {strides = array<i32>} : memref<2x16x1024xf32, #tpu.memory_space<vmem>>, vector<1x1x16xf32>,
        %get3A_933 = arith.constant 1 : i32
        %get3A_934 = arith.index_cast %get3A_933 : i32 to index
        %get3A_935 = arith.index_cast %scan3A_282 : i32 to index
        %get3A_936 = arith.constant 496 : index
        %get3A_937 = tpu.vector_load %arg6[%get3A_934, %get3A_935, %get3A_936] {strides = array<i32>} : memref<2x16x1024xf32, #tpu.memory_space<vmem>>, vector<1x1x16xf32>,
        %get3A_938 = vector.shape_cast %get3A_937 : vector<1x1x16xf32> to vector<16xf32>
        %get3A_939 = arith.constant 1 : i32
        %get3A_940 = arith.index_cast %get3A_939 : i32 to index
        %get3A_941 = arith.index_cast %scan3A_282 : i32 to index
        %get3A_942 = arith.constant 496 : index
        %get3A_943 = tpu.vector_load %arg7[%get3A_940, %get3A_941, %get3A_942] {strides = array<i32>} : memref<2x16x1024xf32, #tpu.memory_space<vmem>>, vector<1x1x16xf32>,
        %get3A_944 = vector.shape_cast %get3A_943 : vector<1x1x16xf32> to vector<16xf32>
        %mul3A_945 = arith.mulf %get3A_944, %get3A_34 : vector<16xf32>
        %add3A_946 = arith.addf %get3A_938, %mul3A_945 : vector<16xf32>
        %swap3A_947 = arith.constant 1 : i32
        %swap3A_948 = arith.index_cast %swap3A_947 : i32 to index
        %swap3A_949 = arith.index_cast %scan3A_282 : i32 to index
        %swap3A_950 = arith.constant 496 : index
        %swap3A_951 = tpu.vector_load %arg8[%swap3A_948, %swap3A_949, %swap3A_950] {strides = array<i32>} : memref<2x16x1024xf32, #tpu.memory_space<vmem>>, vector<1x1x16xf32>,
        %swap3A_952 = vector.shape_cast %swap3A_951 : vector<1x1x16xf32> to vector<16xf32>
        %swap3A_953 = vector.shape_cast %add3A_946 : vector<16xf32> to vector<1x1x16xf32>
        tpu.vector_store %arg8[%swap3A_948, %swap3A_949, %swap3A_950], %swap3A_953 {strides = array<i32>} : memref<2x16x1024xf32, #tpu.memory_space<vmem>>, vector<1x1x16xf32>,
        %get3A_954 = arith.constant 1 : i32
        %get3A_955 = arith.index_cast %get3A_954 : i32 to index
        %get3A_956 = arith.index_cast %scan3A_282 : i32 to index
        %get3A_957 = arith.constant 512 : index
        %get3A_958 = tpu.vector_load %arg6[%get3A_955, %get3A_956, %get3A_957] {strides = array<i32>} : memref<2x16x1024xf32, #tpu.memory_space<vmem>>, vector<1x1x16xf32>,
        %get3A_959 = vector.shape_cast %get3A_958 : vector<1x1x16xf32> to vector<16xf32>
        %get3A_960 = arith.constant 1 : i32
        %get3A_961 = arith.index_cast %get3A_960 : i32 to index
        %get3A_962 = arith.index_cast %scan3A_282 : i32 to index
        %get3A_963 = arith.constant 512 : index
        %get3A_964 = tpu.vector_load %arg7[%get3A_961, %get3A_962, %get3A_963] {strides = array<i32>} : memref<2x16x1024xf32, #tpu.memory_space<vmem>>, vector<1x1x16xf32>,
        %get3A_965 = vector.shape_cast %get3A_964 : vector<1x1x16xf32> to vector<16xf32>
        %mul3A_966 = arith.mulf %get3A_965, %get3A_34 : vector<16xf32>
        %add3A_967 = arith.addf %get3A_959, %mul3A_966 : vector<16xf32>
        %swap3A_968 = arith.constant 1 : i32
        %swap3A_969 = arith.index_cast %swap3A_968 : i32 to index
        %swap3A_970 = arith.index_cast %scan3A_282 : i32 to index
        %swap3A_971 = arith.constant 512 : index
        %swap3A_972 = tpu.vector_load %arg8[%swap3A_969, %swap3A_970, %swap3A_971] {strides = array<i32>} : memref<2x16x1024xf32, #tpu.memory_space<vmem>>, vector<1x1x16xf32>,
        %swap3A_973 = vector.shape_cast %swap3A_972 : vector<1x1x16xf32> to vector<16xf32>
        %swap3A_974 = vector.shape_cast %add3A_967 : vector<16xf32> to vector<1x1x16xf32>
        tpu.vector_store %arg8[%swap3A_969, %swap3A_970, %swap3A_971], %swap3A_974 {strides = array<i32>} : memref<2x16x1024xf32, #tpu.memory_space<vmem>>, vector<1x1x16xf32>,
        %get3A_975 = arith.constant 1 : i32
        %get3A_976 = arith.index_cast %get3A_975 : i32 to index
        %get3A_977 = arith.index_cast %scan3A_282 : i32 to index
        %get3A_978 = arith.constant 528 : index
        %get3A_979 = tpu.vector_load %arg6[%get3A_976, %get3A_977, %get3A_978] {strides = array<i32>} : memref<2x16x1024xf32, #tpu.memory_space<vmem>>, vector<1x1x16xf32>,
        %get3A_980 = vector.shape_cast %get3A_979 : vector<1x1x16xf32> to vector<16xf32>
        %get3A_981 = arith.constant 1 : i32
        %get3A_982 = arith.index_cast %get3A_981 : i32 to index
        %get3A_983 = arith.index_cast %scan3A_282 : i32 to index
        %get3A_984 = arith.constant 528 : index
        %get3A_985 = tpu.vector_load %arg7[%get3A_982, %get3A_983, %get3A_984] {strides = array<i32>} : memref<2x16x1024xf32, #tpu.memory_space<vmem>>, vector<1x1x16xf32>,
        %get3A_986 = vector.shape_cast %get3A_985 : vector<1x1x16xf32> to vector<16xf32>
        %mul3A_987 = arith.mulf %get3A_986, %get3A_34 : vector<16xf32>
        %add3A_988 = arith.addf %get3A_980, %mul3A_987 : vector<16xf32>
        %swap3A_989 = arith.constant 1 : i32
        %swap3A_990 = arith.index_cast %swap3A_989 : i32 to index
        %swap3A_991 = arith.index_cast %scan3A_282 : i32 to index
        %swap3A_992 = arith.constant 528 : index
        %swap3A_993 = tpu.vector_load %arg8[%swap3A_990, %swap3A_991, %swap3A_992] {strides = array<i32>} : memref<2x16x1024xf32, #tpu.memory_space<vmem>>, vector<1x1x16xf32>,
        %swap3A_994 = vector.shape_cast %swap3A_993 : vector<1x1x16xf32> to vector<16xf32>
        %swap3A_995 = vector.shape_cast %add3A_988 : vector<16xf32> to vector<1x1x16xf32>
        tpu.vector_store %arg8[%swap3A_990, %swap3A_991, %swap3A_992], %swap3A_995 {strides = array<i32>} : memref<2x16x1024xf32, #tpu.memory_space<vmem>>, vector<1x1x16xf32>,
        %get3A_996 = arith.constant 1 : i32
        %get3A_997 = arith.index_cast %get3A_996 : i32 to index
        %get3A_998 = arith.index_cast %scan3A_282 : i32 to index
        %get3A_999 = arith.constant 544 : index
        %get3A_1000 = tpu.vector_load %arg6[%get3A_997, %get3A_998, %get3A_999] {strides = array<i32>} : memref<2x16x1024xf32, #tpu.memory_space<vmem>>, vector<1x1x16xf32>,
        %get3A_1001 = vector.shape_cast %get3A_1000 : vector<1x1x16xf32> to vector<16xf32>
        %get3A_1002 = arith.constant 1 : i32
        %get3A_1003 = arith.index_cast %get3A_1002 : i32 to index
        %get3A_1004 = arith.index_cast %scan3A_282 : i32 to index
        %get3A_1005 = arith.constant 544 : index
        %get3A_1006 = tpu.vector_load %arg7[%get3A_1003, %get3A_1004, %get3A_1005] {strides = array<i32>} : memref<2x16x1024xf32, #tpu.memory_space<vmem>>, vector<1x1x16xf32>,
        %get3A_1007 = vector.shape_cast %get3A_1006 : vector<1x1x16xf32> to vector<16xf32>
        %mul3A_1008 = arith.mulf %get3A_1007, %get3A_34 : vector<16xf32>
        %add3A_1009 = arith.addf %get3A_1001, %mul3A_1008 : vector<16xf32>
        %swap3A_1010 = arith.constant 1 : i32
        %swap3A_1011 = arith.index_cast %swap3A_1010 : i32 to index
        %swap3A_1012 = arith.index_cast %scan3A_282 : i32 to index
        %swap3A_1013 = arith.constant 544 : index
        %swap3A_1014 = tpu.vector_load %arg8[%swap3A_1011, %swap3A_1012, %swap3A_1013] {strides = array<i32>} : memref<2x16x1024xf32, #tpu.memory_space<vmem>>, vector<1x1x16xf32>,
        %swap3A_1015 = vector.shape_cast %swap3A_1014 : vector<1x1x16xf32> to vector<16xf32>
        %swap3A_1016 = vector.shape_cast %add3A_1009 : vector<16xf32> to vector<1x1x16xf32>
        tpu.vector_store %arg8[%swap3A_1011, %swap3A_1012, %swap3A_1013], %swap3A_1016 {strides = array<i32>} : memref<2x16x1024xf32, #tpu.memory_space<vmem>>, vector<1x1x16xf32>,
        %get3A_1017 = arith.constant 1 : i32
        %get3A_1018 = arith.index_cast %get3A_1017 : i32 to index
        %get3A_1019 = arith.index_cast %scan3A_282 : i32 to index
        %get3A_1020 = arith.constant 560 : index
        %get3A_1021 = tpu.vector_load %arg6[%get3A_1018, %get3A_1019, %get3A_1020] {strides = array<i32>} : memref<2x16x1024xf32, #tpu.memory_space<vmem>>, vector<1x1x16xf32>,
        %get3A_1022 = vector.shape_cast %get3A_1021 : vector<1x1x16xf32> to vector<16xf32>
        %get3A_1023 = arith.constant 1 : i32
        %get3A_1024 = arith.index_cast %get3A_1023 : i32 to index
        %get3A_1025 = arith.index_cast %scan3A_282 : i32 to index
        %get3A_1026 = arith.constant 560 : index
        %get3A_1027 = tpu.vector_load %arg7[%get3A_1024, %get3A_1025, %get3A_1026] {strides = array<i32>} : memref<2x16x1024xf32, #tpu.memory_space<vmem>>, vector<1x1x16xf32>,
        %get3A_1028 = vector.shape_cast %get3A_1027 : vector<1x1x16xf32> to vector<16xf32>
        %mul3A_1029 = arith.mulf %get3A_1028, %get3A_34 : vector<16xf32>
        %add3A_1030 = arith.addf %get3A_1022, %mul3A_1029 : vector<16xf32>
        %swap3A_1031 = arith.constant 1 : i32
        %swap3A_1032 = arith.index_cast %swap3A_1031 : i32 to index
        %swap3A_1033 = arith.index_cast %scan3A_282 : i32 to index
        %swap3A_1034 = arith.constant 560 : index
        %swap3A_1035 = tpu.vector_load %arg8[%swap3A_1032, %swap3A_1033, %swap3A_1034] {strides = array<i32>} : memref<2x16x1024xf32, #tpu.memory_space<vmem>>, vector<1x1x16xf32>,
        %swap3A_1036 = vector.shape_cast %swap3A_1035 : vector<1x1x16xf32> to vector<16xf32>
        %swap3A_1037 = vector.shape_cast %add3A_1030 : vector<16xf32> to vector<1x1x16xf32>
        tpu.vector_store %arg8[%swap3A_1032, %swap3A_1033, %swap3A_1034], %swap3A_1037 {strides = array<i32>} : memref<2x16x1024xf32, #tpu.memory_space<vmem>>, vector<1x1x16xf32>,
        %get3A_1038 = arith.constant 1 : i32
        %get3A_1039 = arith.index_cast %get3A_1038 : i32 to index
        %get3A_1040 = arith.index_cast %scan3A_282 : i32 to index
        %get3A_1041 = arith.constant 576 : index
        %get3A_1042 = tpu.vector_load %arg6[%get3A_1039, %get3A_1040, %get3A_1041] {strides = array<i32>} : memref<2x16x1024xf32, #tpu.memory_space<vmem>>, vector<1x1x16xf32>,
        %get3A_1043 = vector.shape_cast %get3A_1042 : vector<1x1x16xf32> to vector<16xf32>
        %get3A_1044 = arith.constant 1 : i32
        %get3A_1045 = arith.index_cast %get3A_1044 : i32 to index
        %get3A_1046 = arith.index_cast %scan3A_282 : i32 to index
        %get3A_1047 = arith.constant 576 : index
        %get3A_1048 = tpu.vector_load %arg7[%get3A_1045, %get3A_1046, %get3A_1047] {strides = array<i32>} : memref<2x16x1024xf32, #tpu.memory_space<vmem>>, vector<1x1x16xf32>,
        %get3A_1049 = vector.shape_cast %get3A_1048 : vector<1x1x16xf32> to vector<16xf32>
        %mul3A_1050 = arith.mulf %get3A_1049, %get3A_34 : vector<16xf32>
        %add3A_1051 = arith.addf %get3A_1043, %mul3A_1050 : vector<16xf32>
        %swap3A_1052 = arith.constant 1 : i32
        %swap3A_1053 = arith.index_cast %swap3A_1052 : i32 to index
        %swap3A_1054 = arith.index_cast %scan3A_282 : i32 to index
        %swap3A_1055 = arith.constant 576 : index
        %swap3A_1056 = tpu.vector_load %arg8[%swap3A_1053, %swap3A_1054, %swap3A_1055] {strides = array<i32>} : memref<2x16x1024xf32, #tpu.memory_space<vmem>>, vector<1x1x16xf32>,
        %swap3A_1057 = vector.shape_cast %swap3A_1056 : vector<1x1x16xf32> to vector<16xf32>
        %swap3A_1058 = vector.shape_cast %add3A_1051 : vector<16xf32> to vector<1x1x16xf32>
        tpu.vector_store %arg8[%swap3A_1053, %swap3A_1054, %swap3A_1055], %swap3A_1058 {strides = array<i32>} : memref<2x16x1024xf32, #tpu.memory_space<vmem>>, vector<1x1x16xf32>,
        %get3A_1059 = arith.constant 1 : i32
        %get3A_1060 = arith.index_cast %get3A_1059 : i32 to index
        %get3A_1061 = arith.index_cast %scan3A_282 : i32 to index
        %get3A_1062 = arith.constant 592 : index
        %get3A_1063 = tpu.vector_load %arg6[%get3A_1060, %get3A_1061, %get3A_1062] {strides = array<i32>} : memref<2x16x1024xf32, #tpu.memory_space<vmem>>, vector<1x1x16xf32>,
        %get3A_1064 = vector.shape_cast %get3A_1063 : vector<1x1x16xf32> to vector<16xf32>
        %get3A_1065 = arith.constant 1 : i32
        %get3A_1066 = arith.index_cast %get3A_1065 : i32 to index
        %get3A_1067 = arith.index_cast %scan3A_282 : i32 to index
        %get3A_1068 = arith.constant 592 : index
        %get3A_1069 = tpu.vector_load %arg7[%get3A_1066, %get3A_1067, %get3A_1068] {strides = array<i32>} : memref<2x16x1024xf32, #tpu.memory_space<vmem>>, vector<1x1x16xf32>,
        %get3A_1070 = vector.shape_cast %get3A_1069 : vector<1x1x16xf32> to vector<16xf32>
        %mul3A_1071 = arith.mulf %get3A_1070, %get3A_34 : vector<16xf32>
        %add3A_1072 = arith.addf %get3A_1064, %mul3A_1071 : vector<16xf32>
        %swap3A_1073 = arith.constant 1 : i32
        %swap3A_1074 = arith.index_cast %swap3A_1073 : i32 to index
        %swap3A_1075 = arith.index_cast %scan3A_282 : i32 to index
        %swap3A_1076 = arith.constant 592 : index
        %swap3A_1077 = tpu.vector_load %arg8[%swap3A_1074, %swap3A_1075, %swap3A_1076] {strides = array<i32>} : memref<2x16x1024xf32, #tpu.memory_space<vmem>>, vector<1x1x16xf32>,
        %swap3A_1078 = vector.shape_cast %swap3A_1077 : vector<1x1x16xf32> to vector<16xf32>
        %swap3A_1079 = vector.shape_cast %add3A_1072 : vector<16xf32> to vector<1x1x16xf32>
        tpu.vector_store %arg8[%swap3A_1074, %swap3A_1075, %swap3A_1076], %swap3A_1079 {strides = array<i32>} : memref<2x16x1024xf32, #tpu.memory_space<vmem>>, vector<1x1x16xf32>,
        %get3A_1080 = arith.constant 1 : i32
        %get3A_1081 = arith.index_cast %get3A_1080 : i32 to index
        %get3A_1082 = arith.index_cast %scan3A_282 : i32 to index
        %get3A_1083 = arith.constant 608 : index
        %get3A_1084 = tpu.vector_load %arg6[%get3A_1081, %get3A_1082, %get3A_1083] {strides = array<i32>} : memref<2x16x1024xf32, #tpu.memory_space<vmem>>, vector<1x1x16xf32>,
        %get3A_1085 = vector.shape_cast %get3A_1084 : vector<1x1x16xf32> to vector<16xf32>
        %get3A_1086 = arith.constant 1 : i32
        %get3A_1087 = arith.index_cast %get3A_1086 : i32 to index
        %get3A_1088 = arith.index_cast %scan3A_282 : i32 to index
        %get3A_1089 = arith.constant 608 : index
        %get3A_1090 = tpu.vector_load %arg7[%get3A_1087, %get3A_1088, %get3A_1089] {strides = array<i32>} : memref<2x16x1024xf32, #tpu.memory_space<vmem>>, vector<1x1x16xf32>,
        %get3A_1091 = vector.shape_cast %get3A_1090 : vector<1x1x16xf32> to vector<16xf32>
        %mul3A_1092 = arith.mulf %get3A_1091, %get3A_34 : vector<16xf32>
        %add3A_1093 = arith.addf %get3A_1085, %mul3A_1092 : vector<16xf32>
        %swap3A_1094 = arith.constant 1 : i32
        %swap3A_1095 = arith.index_cast %swap3A_1094 : i32 to index
        %swap3A_1096 = arith.index_cast %scan3A_282 : i32 to index
        %swap3A_1097 = arith.constant 608 : index
        %swap3A_1098 = tpu.vector_load %arg8[%swap3A_1095, %swap3A_1096, %swap3A_1097] {strides = array<i32>} : memref<2x16x1024xf32, #tpu.memory_space<vmem>>, vector<1x1x16xf32>,
        %swap3A_1099 = vector.shape_cast %swap3A_1098 : vector<1x1x16xf32> to vector<16xf32>
        %swap3A_1100 = vector.shape_cast %add3A_1093 : vector<16xf32> to vector<1x1x16xf32>
        tpu.vector_store %arg8[%swap3A_1095, %swap3A_1096, %swap3A_1097], %swap3A_1100 {strides = array<i32>} : memref<2x16x1024xf32, #tpu.memory_space<vmem>>, vector<1x1x16xf32>,
        %get3A_1101 = arith.constant 1 : i32
        %get3A_1102 = arith.index_cast %get3A_1101 : i32 to index
        %get3A_1103 = arith.index_cast %scan3A_282 : i32 to index
        %get3A_1104 = arith.constant 624 : index
        %get3A_1105 = tpu.vector_load %arg6[%get3A_1102, %get3A_1103, %get3A_1104] {strides = array<i32>} : memref<2x16x1024xf32, #tpu.memory_space<vmem>>, vector<1x1x16xf32>,
        %get3A_1106 = vector.shape_cast %get3A_1105 : vector<1x1x16xf32> to vector<16xf32>
        %get3A_1107 = arith.constant 1 : i32
        %get3A_1108 = arith.index_cast %get3A_1107 : i32 to index
        %get3A_1109 = arith.index_cast %scan3A_282 : i32 to index
        %get3A_1110 = arith.constant 624 : index
        %get3A_1111 = tpu.vector_load %arg7[%get3A_1108, %get3A_1109, %get3A_1110] {strides = array<i32>} : memref<2x16x1024xf32, #tpu.memory_space<vmem>>, vector<1x1x16xf32>,
        %get3A_1112 = vector.shape_cast %get3A_1111 : vector<1x1x16xf32> to vector<16xf32>
        %mul3A_1113 = arith.mulf %get3A_1112, %get3A_34 : vector<16xf32>
        %add3A_1114 = arith.addf %get3A_1106, %mul3A_1113 : vector<16xf32>
        %swap3A_1115 = arith.constant 1 : i32
        %swap3A_1116 = arith.index_cast %swap3A_1115 : i32 to index
        %swap3A_1117 = arith.index_cast %scan3A_282 : i32 to index
        %swap3A_1118 = arith.constant 624 : index
        %swap3A_1119 = tpu.vector_load %arg8[%swap3A_1116, %swap3A_1117, %swap3A_1118] {strides = array<i32>} : memref<2x16x1024xf32, #tpu.memory_space<vmem>>, vector<1x1x16xf32>,
        %swap3A_1120 = vector.shape_cast %swap3A_1119 : vector<1x1x16xf32> to vector<16xf32>
        %swap3A_1121 = vector.shape_cast %add3A_1114 : vector<16xf32> to vector<1x1x16xf32>
        tpu.vector_store %arg8[%swap3A_1116, %swap3A_1117, %swap3A_1118], %swap3A_1121 {strides = array<i32>} : memref<2x16x1024xf32, #tpu.memory_space<vmem>>, vector<1x1x16xf32>,
        %get3A_1122 = arith.constant 1 : i32
        %get3A_1123 = arith.index_cast %get3A_1122 : i32 to index
        %get3A_1124 = arith.index_cast %scan3A_282 : i32 to index
        %get3A_1125 = arith.constant 640 : index
        %get3A_1126 = tpu.vector_load %arg6[%get3A_1123, %get3A_1124, %get3A_1125] {strides = array<i32>} : memref<2x16x1024xf32, #tpu.memory_space<vmem>>, vector<1x1x16xf32>,
        %get3A_1127 = vector.shape_cast %get3A_1126 : vector<1x1x16xf32> to vector<16xf32>
        %get3A_1128 = arith.constant 1 : i32
        %get3A_1129 = arith.index_cast %get3A_1128 : i32 to index
        %get3A_1130 = arith.index_cast %scan3A_282 : i32 to index
        %get3A_1131 = arith.constant 640 : index
        %get3A_1132 = tpu.vector_load %arg7[%get3A_1129, %get3A_1130, %get3A_1131] {strides = array<i32>} : memref<2x16x1024xf32, #tpu.memory_space<vmem>>, vector<1x1x16xf32>,
        %get3A_1133 = vector.shape_cast %get3A_1132 : vector<1x1x16xf32> to vector<16xf32>
        %mul3A_1134 = arith.mulf %get3A_1133, %get3A_34 : vector<16xf32>
        %add3A_1135 = arith.addf %get3A_1127, %mul3A_1134 : vector<16xf32>
        %swap3A_1136 = arith.constant 1 : i32
        %swap3A_1137 = arith.index_cast %swap3A_1136 : i32 to index
        %swap3A_1138 = arith.index_cast %scan3A_282 : i32 to index
        %swap3A_1139 = arith.constant 640 : index
        %swap3A_1140 = tpu.vector_load %arg8[%swap3A_1137, %swap3A_1138, %swap3A_1139] {strides = array<i32>} : memref<2x16x1024xf32, #tpu.memory_space<vmem>>, vector<1x1x16xf32>,
        %swap3A_1141 = vector.shape_cast %swap3A_1140 : vector<1x1x16xf32> to vector<16xf32>
        %swap3A_1142 = vector.shape_cast %add3A_1135 : vector<16xf32> to vector<1x1x16xf32>
        tpu.vector_store %arg8[%swap3A_1137, %swap3A_1138, %swap3A_1139], %swap3A_1142 {strides = array<i32>} : memref<2x16x1024xf32, #tpu.memory_space<vmem>>, vector<1x1x16xf32>,
        %get3A_1143 = arith.constant 1 : i32
        %get3A_1144 = arith.index_cast %get3A_1143 : i32 to index
        %get3A_1145 = arith.index_cast %scan3A_282 : i32 to index
        %get3A_1146 = arith.constant 656 : index
        %get3A_1147 = tpu.vector_load %arg6[%get3A_1144, %get3A_1145, %get3A_1146] {strides = array<i32>} : memref<2x16x1024xf32, #tpu.memory_space<vmem>>, vector<1x1x16xf32>,
        %get3A_1148 = vector.shape_cast %get3A_1147 : vector<1x1x16xf32> to vector<16xf32>
        %get3A_1149 = arith.constant 1 : i32
        %get3A_1150 = arith.index_cast %get3A_1149 : i32 to index
        %get3A_1151 = arith.index_cast %scan3A_282 : i32 to index
        %get3A_1152 = arith.constant 656 : index
        %get3A_1153 = tpu.vector_load %arg7[%get3A_1150, %get3A_1151, %get3A_1152] {strides = array<i32>} : memref<2x16x1024xf32, #tpu.memory_space<vmem>>, vector<1x1x16xf32>,
        %get3A_1154 = vector.shape_cast %get3A_1153 : vector<1x1x16xf32> to vector<16xf32>
        %mul3A_1155 = arith.mulf %get3A_1154, %get3A_34 : vector<16xf32>
        %add3A_1156 = arith.addf %get3A_1148, %mul3A_1155 : vector<16xf32>
        %swap3A_1157 = arith.constant 1 : i32
        %swap3A_1158 = arith.index_cast %swap3A_1157 : i32 to index
        %swap3A_1159 = arith.index_cast %scan3A_282 : i32 to index
        %swap3A_1160 = arith.constant 656 : index
        %swap3A_1161 = tpu.vector_load %arg8[%swap3A_1158, %swap3A_1159, %swap3A_1160] {strides = array<i32>} : memref<2x16x1024xf32, #tpu.memory_space<vmem>>, vector<1x1x16xf32>,
        %swap3A_1162 = vector.shape_cast %swap3A_1161 : vector<1x1x16xf32> to vector<16xf32>
        %swap3A_1163 = vector.shape_cast %add3A_1156 : vector<16xf32> to vector<1x1x16xf32>
        tpu.vector_store %arg8[%swap3A_1158, %swap3A_1159, %swap3A_1160], %swap3A_1163 {strides = array<i32>} : memref<2x16x1024xf32, #tpu.memory_space<vmem>>, vector<1x1x16xf32>,
        %get3A_1164 = arith.constant 1 : i32
        %get3A_1165 = arith.index_cast %get3A_1164 : i32 to index
        %get3A_1166 = arith.index_cast %scan3A_282 : i32 to index
        %get3A_1167 = arith.constant 672 : index
        %get3A_1168 = tpu.vector_load %arg6[%get3A_1165, %get3A_1166, %get3A_1167] {strides = array<i32>} : memref<2x16x1024xf32, #tpu.memory_space<vmem>>, vector<1x1x16xf32>,
        %get3A_1169 = vector.shape_cast %get3A_1168 : vector<1x1x16xf32> to vector<16xf32>
        %get3A_1170 = arith.constant 1 : i32
        %get3A_1171 = arith.index_cast %get3A_1170 : i32 to index
        %get3A_1172 = arith.index_cast %scan3A_282 : i32 to index
        %get3A_1173 = arith.constant 672 : index
        %get3A_1174 = tpu.vector_load %arg7[%get3A_1171, %get3A_1172, %get3A_1173] {strides = array<i32>} : memref<2x16x1024xf32, #tpu.memory_space<vmem>>, vector<1x1x16xf32>,
        %get3A_1175 = vector.shape_cast %get3A_1174 : vector<1x1x16xf32> to vector<16xf32>
        %mul3A_1176 = arith.mulf %get3A_1175, %get3A_34 : vector<16xf32>
        %add3A_1177 = arith.addf %get3A_1169, %mul3A_1176 : vector<16xf32>
        %swap3A_1178 = arith.constant 1 : i32
        %swap3A_1179 = arith.index_cast %swap3A_1178 : i32 to index
        %swap3A_1180 = arith.index_cast %scan3A_282 : i32 to index
        %swap3A_1181 = arith.constant 672 : index
        %swap3A_1182 = tpu.vector_load %arg8[%swap3A_1179, %swap3A_1180, %swap3A_1181] {strides = array<i32>} : memref<2x16x1024xf32, #tpu.memory_space<vmem>>, vector<1x1x16xf32>,
        %swap3A_1183 = vector.shape_cast %swap3A_1182 : vector<1x1x16xf32> to vector<16xf32>
        %swap3A_1184 = vector.shape_cast %add3A_1177 : vector<16xf32> to vector<1x1x16xf32>
        tpu.vector_store %arg8[%swap3A_1179, %swap3A_1180, %swap3A_1181], %swap3A_1184 {strides = array<i32>} : memref<2x16x1024xf32, #tpu.memory_space<vmem>>, vector<1x1x16xf32>,
        %get3A_1185 = arith.constant 1 : i32
        %get3A_1186 = arith.index_cast %get3A_1185 : i32 to index
        %get3A_1187 = arith.index_cast %scan3A_282 : i32 to index
        %get3A_1188 = arith.constant 688 : index
        %get3A_1189 = tpu.vector_load %arg6[%get3A_1186, %get3A_1187, %get3A_1188] {strides = array<i32>} : memref<2x16x1024xf32, #tpu.memory_space<vmem>>, vector<1x1x16xf32>,
        %get3A_1190 = vector.shape_cast %get3A_1189 : vector<1x1x16xf32> to vector<16xf32>
        %get3A_1191 = arith.constant 1 : i32
        %get3A_1192 = arith.index_cast %get3A_1191 : i32 to index
        %get3A_1193 = arith.index_cast %scan3A_282 : i32 to index
        %get3A_1194 = arith.constant 688 : index
        %get3A_1195 = tpu.vector_load %arg7[%get3A_1192, %get3A_1193, %get3A_1194] {strides = array<i32>} : memref<2x16x1024xf32, #tpu.memory_space<vmem>>, vector<1x1x16xf32>,
        %get3A_1196 = vector.shape_cast %get3A_1195 : vector<1x1x16xf32> to vector<16xf32>
        %mul3A_1197 = arith.mulf %get3A_1196, %get3A_34 : vector<16xf32>
        %add3A_1198 = arith.addf %get3A_1190, %mul3A_1197 : vector<16xf32>
        %swap3A_1199 = arith.constant 1 : i32
        %swap3A_1200 = arith.index_cast %swap3A_1199 : i32 to index
        %swap3A_1201 = arith.index_cast %scan3A_282 : i32 to index
        %swap3A_1202 = arith.constant 688 : index
        %swap3A_1203 = tpu.vector_load %arg8[%swap3A_1200, %swap3A_1201, %swap3A_1202] {strides = array<i32>} : memref<2x16x1024xf32, #tpu.memory_space<vmem>>, vector<1x1x16xf32>,
        %swap3A_1204 = vector.shape_cast %swap3A_1203 : vector<1x1x16xf32> to vector<16xf32>
        %swap3A_1205 = vector.shape_cast %add3A_1198 : vector<16xf32> to vector<1x1x16xf32>
        tpu.vector_store %arg8[%swap3A_1200, %swap3A_1201, %swap3A_1202], %swap3A_1205 {strides = array<i32>} : memref<2x16x1024xf32, #tpu.memory_space<vmem>>, vector<1x1x16xf32>,
        %get3A_1206 = arith.constant 1 : i32
        %get3A_1207 = arith.index_cast %get3A_1206 : i32 to index
        %get3A_1208 = arith.index_cast %scan3A_282 : i32 to index
        %get3A_1209 = arith.constant 704 : index
        %get3A_1210 = tpu.vector_load %arg6[%get3A_1207, %get3A_1208, %get3A_1209] {strides = array<i32>} : memref<2x16x1024xf32, #tpu.memory_space<vmem>>, vector<1x1x16xf32>,
        %get3A_1211 = vector.shape_cast %get3A_1210 : vector<1x1x16xf32> to vector<16xf32>
        %get3A_1212 = arith.constant 1 : i32
        %get3A_1213 = arith.index_cast %get3A_1212 : i32 to index
        %get3A_1214 = arith.index_cast %scan3A_282 : i32 to index
        %get3A_1215 = arith.constant 704 : index
        %get3A_1216 = tpu.vector_load %arg7[%get3A_1213, %get3A_1214, %get3A_1215] {strides = array<i32>} : memref<2x16x1024xf32, #tpu.memory_space<vmem>>, vector<1x1x16xf32>,
        %get3A_1217 = vector.shape_cast %get3A_1216 : vector<1x1x16xf32> to vector<16xf32>
        %mul3A_1218 = arith.mulf %get3A_1217, %get3A_34 : vector<16xf32>
        %add3A_1219 = arith.addf %get3A_1211, %mul3A_1218 : vector<16xf32>
        %swap3A_1220 = arith.constant 1 : i32
        %swap3A_1221 = arith.index_cast %swap3A_1220 : i32 to index
        %swap3A_1222 = arith.index_cast %scan3A_282 : i32 to index
        %swap3A_1223 = arith.constant 704 : index
        %swap3A_1224 = tpu.vector_load %arg8[%swap3A_1221, %swap3A_1222, %swap3A_1223] {strides = array<i32>} : memref<2x16x1024xf32, #tpu.memory_space<vmem>>, vector<1x1x16xf32>,
        %swap3A_1225 = vector.shape_cast %swap3A_1224 : vector<1x1x16xf32> to vector<16xf32>
        %swap3A_1226 = vector.shape_cast %add3A_1219 : vector<16xf32> to vector<1x1x16xf32>
        tpu.vector_store %arg8[%swap3A_1221, %swap3A_1222, %swap3A_1223], %swap3A_1226 {strides = array<i32>} : memref<2x16x1024xf32, #tpu.memory_space<vmem>>, vector<1x1x16xf32>,
        %get3A_1227 = arith.constant 1 : i32
        %get3A_1228 = arith.index_cast %get3A_1227 : i32 to index
        %get3A_1229 = arith.index_cast %scan3A_282 : i32 to index
        %get3A_1230 = arith.constant 720 : index
        %get3A_1231 = tpu.vector_load %arg6[%get3A_1228, %get3A_1229, %get3A_1230] {strides = array<i32>} : memref<2x16x1024xf32, #tpu.memory_space<vmem>>, vector<1x1x16xf32>,
        %get3A_1232 = vector.shape_cast %get3A_1231 : vector<1x1x16xf32> to vector<16xf32>
        %get3A_1233 = arith.constant 1 : i32
        %get3A_1234 = arith.index_cast %get3A_1233 : i32 to index
        %get3A_1235 = arith.index_cast %scan3A_282 : i32 to index
        %get3A_1236 = arith.constant 720 : index
        %get3A_1237 = tpu.vector_load %arg7[%get3A_1234, %get3A_1235, %get3A_1236] {strides = array<i32>} : memref<2x16x1024xf32, #tpu.memory_space<vmem>>, vector<1x1x16xf32>,
        %get3A_1238 = vector.shape_cast %get3A_1237 : vector<1x1x16xf32> to vector<16xf32>
        %mul3A_1239 = arith.mulf %get3A_1238, %get3A_34 : vector<16xf32>
        %add3A_1240 = arith.addf %get3A_1232, %mul3A_1239 : vector<16xf32>
        %swap3A_1241 = arith.constant 1 : i32
        %swap3A_1242 = arith.index_cast %swap3A_1241 : i32 to index
        %swap3A_1243 = arith.index_cast %scan3A_282 : i32 to index
        %swap3A_1244 = arith.constant 720 : index
        %swap3A_1245 = tpu.vector_load %arg8[%swap3A_1242, %swap3A_1243, %swap3A_1244] {strides = array<i32>} : memref<2x16x1024xf32, #tpu.memory_space<vmem>>, vector<1x1x16xf32>,
        %swap3A_1246 = vector.shape_cast %swap3A_1245 : vector<1x1x16xf32> to vector<16xf32>
        %swap3A_1247 = vector.shape_cast %add3A_1240 : vector<16xf32> to vector<1x1x16xf32>
        tpu.vector_store %arg8[%swap3A_1242, %swap3A_1243, %swap3A_1244], %swap3A_1247 {strides = array<i32>} : memref<2x16x1024xf32, #tpu.memory_space<vmem>>, vector<1x1x16xf32>,
        %get3A_1248 = arith.constant 1 : i32
        %get3A_1249 = arith.index_cast %get3A_1248 : i32 to index
        %get3A_1250 = arith.index_cast %scan3A_282 : i32 to index
        %get3A_1251 = arith.constant 736 : index
        %get3A_1252 = tpu.vector_load %arg6[%get3A_1249, %get3A_1250, %get3A_1251] {strides = array<i32>} : memref<2x16x1024xf32, #tpu.memory_space<vmem>>, vector<1x1x16xf32>,
        %get3A_1253 = vector.shape_cast %get3A_1252 : vector<1x1x16xf32> to vector<16xf32>
        %get3A_1254 = arith.constant 1 : i32
        %get3A_1255 = arith.index_cast %get3A_1254 : i32 to index
        %get3A_1256 = arith.index_cast %scan3A_282 : i32 to index
        %get3A_1257 = arith.constant 736 : index
        %get3A_1258 = tpu.vector_load %arg7[%get3A_1255, %get3A_1256, %get3A_1257] {strides = array<i32>} : memref<2x16x1024xf32, #tpu.memory_space<vmem>>, vector<1x1x16xf32>,
        %get3A_1259 = vector.shape_cast %get3A_1258 : vector<1x1x16xf32> to vector<16xf32>
        %mul3A_1260 = arith.mulf %get3A_1259, %get3A_34 : vector<16xf32>
        %add3A_1261 = arith.addf %get3A_1253, %mul3A_1260 : vector<16xf32>
        %swap3A_1262 = arith.constant 1 : i32
        %swap3A_1263 = arith.index_cast %swap3A_1262 : i32 to index
        %swap3A_1264 = arith.index_cast %scan3A_282 : i32 to index
        %swap3A_1265 = arith.constant 736 : index
        %swap3A_1266 = tpu.vector_load %arg8[%swap3A_1263, %swap3A_1264, %swap3A_1265] {strides = array<i32>} : memref<2x16x1024xf32, #tpu.memory_space<vmem>>, vector<1x1x16xf32>,
        %swap3A_1267 = vector.shape_cast %swap3A_1266 : vector<1x1x16xf32> to vector<16xf32>
        %swap3A_1268 = vector.shape_cast %add3A_1261 : vector<16xf32> to vector<1x1x16xf32>
        tpu.vector_store %arg8[%swap3A_1263, %swap3A_1264, %swap3A_1265], %swap3A_1268 {strides = array<i32>} : memref<2x16x1024xf32, #tpu.memory_space<vmem>>, vector<1x1x16xf32>,
        %get3A_1269 = arith.constant 1 : i32
        %get3A_1270 = arith.index_cast %get3A_1269 : i32 to index
        %get3A_1271 = arith.index_cast %scan3A_282 : i32 to index
        %get3A_1272 = arith.constant 752 : index
        %get3A_1273 = tpu.vector_load %arg6[%get3A_1270, %get3A_1271, %get3A_1272] {strides = array<i32>} : memref<2x16x1024xf32, #tpu.memory_space<vmem>>, vector<1x1x16xf32>,
        %get3A_1274 = vector.shape_cast %get3A_1273 : vector<1x1x16xf32> to vector<16xf32>
        %get3A_1275 = arith.constant 1 : i32
        %get3A_1276 = arith.index_cast %get3A_1275 : i32 to index
        %get3A_1277 = arith.index_cast %scan3A_282 : i32 to index
        %get3A_1278 = arith.constant 752 : index
        %get3A_1279 = tpu.vector_load %arg7[%get3A_1276, %get3A_1277, %get3A_1278] {strides = array<i32>} : memref<2x16x1024xf32, #tpu.memory_space<vmem>>, vector<1x1x16xf32>,
        %get3A_1280 = vector.shape_cast %get3A_1279 : vector<1x1x16xf32> to vector<16xf32>
        %mul3A_1281 = arith.mulf %get3A_1280, %get3A_34 : vector<16xf32>
        %add3A_1282 = arith.addf %get3A_1274, %mul3A_1281 : vector<16xf32>
        %swap3A_1283 = arith.constant 1 : i32
        %swap3A_1284 = arith.index_cast %swap3A_1283 : i32 to index
        %swap3A_1285 = arith.index_cast %scan3A_282 : i32 to index
        %swap3A_1286 = arith.constant 752 : index
        %swap3A_1287 = tpu.vector_load %arg8[%swap3A_1284, %swap3A_1285, %swap3A_1286] {strides = array<i32>} : memref<2x16x1024xf32, #tpu.memory_space<vmem>>, vector<1x1x16xf32>,
        %swap3A_1288 = vector.shape_cast %swap3A_1287 : vector<1x1x16xf32> to vector<16xf32>
        %swap3A_1289 = vector.shape_cast %add3A_1282 : vector<16xf32> to vector<1x1x16xf32>
        tpu.vector_store %arg8[%swap3A_1284, %swap3A_1285, %swap3A_1286], %swap3A_1289 {strides = array<i32>} : memref<2x16x1024xf32, #tpu.memory_space<vmem>>, vector<1x1x16xf32>,
        %get3A_1290 = arith.constant 1 : i32
        %get3A_1291 = arith.index_cast %get3A_1290 : i32 to index
        %get3A_1292 = arith.index_cast %scan3A_282 : i32 to index
        %get3A_1293 = arith.constant 768 : index
        %get3A_1294 = tpu.vector_load %arg6[%get3A_1291, %get3A_1292, %get3A_1293] {strides = array<i32>} : memref<2x16x1024xf32, #tpu.memory_space<vmem>>, vector<1x1x16xf32>,
        %get3A_1295 = vector.shape_cast %get3A_1294 : vector<1x1x16xf32> to vector<16xf32>
        %get3A_1296 = arith.constant 1 : i32
        %get3A_1297 = arith.index_cast %get3A_1296 : i32 to index
        %get3A_1298 = arith.index_cast %scan3A_282 : i32 to index
        %get3A_1299 = arith.constant 768 : index
        %get3A_1300 = tpu.vector_load %arg7[%get3A_1297, %get3A_1298, %get3A_1299] {strides = array<i32>} : memref<2x16x1024xf32, #tpu.memory_space<vmem>>, vector<1x1x16xf32>,
        %get3A_1301 = vector.shape_cast %get3A_1300 : vector<1x1x16xf32> to vector<16xf32>
        %mul3A_1302 = arith.mulf %get3A_1301, %get3A_34 : vector<16xf32>
        %add3A_1303 = arith.addf %get3A_1295, %mul3A_1302 : vector<16xf32>
        %swap3A_1304 = arith.constant 1 : i32
        %swap3A_1305 = arith.index_cast %swap3A_1304 : i32 to index
        %swap3A_1306 = arith.index_cast %scan3A_282 : i32 to index
        %swap3A_1307 = arith.constant 768 : index
        %swap3A_1308 = tpu.vector_load %arg8[%swap3A_1305, %swap3A_1306, %swap3A_1307] {strides = array<i32>} : memref<2x16x1024xf32, #tpu.memory_space<vmem>>, vector<1x1x16xf32>,
        %swap3A_1309 = vector.shape_cast %swap3A_1308 : vector<1x1x16xf32> to vector<16xf32>
        %swap3A_1310 = vector.shape_cast %add3A_1303 : vector<16xf32> to vector<1x1x16xf32>
        tpu.vector_store %arg8[%swap3A_1305, %swap3A_1306, %swap3A_1307], %swap3A_1310 {strides = array<i32>} : memref<2x16x1024xf32, #tpu.memory_space<vmem>>, vector<1x1x16xf32>,
        %get3A_1311 = arith.constant 1 : i32
        %get3A_1312 = arith.index_cast %get3A_1311 : i32 to index
        %get3A_1313 = arith.index_cast %scan3A_282 : i32 to index
        %get3A_1314 = arith.constant 784 : index
        %get3A_1315 = tpu.vector_load %arg6[%get3A_1312, %get3A_1313, %get3A_1314] {strides = array<i32>} : memref<2x16x1024xf32, #tpu.memory_space<vmem>>, vector<1x1x16xf32>,
        %get3A_1316 = vector.shape_cast %get3A_1315 : vector<1x1x16xf32> to vector<16xf32>
        %get3A_1317 = arith.constant 1 : i32
        %get3A_1318 = arith.index_cast %get3A_1317 : i32 to index
        %get3A_1319 = arith.index_cast %scan3A_282 : i32 to index
        %get3A_1320 = arith.constant 784 : index
        %get3A_1321 = tpu.vector_load %arg7[%get3A_1318, %get3A_1319, %get3A_1320] {strides = array<i32>} : memref<2x16x1024xf32, #tpu.memory_space<vmem>>, vector<1x1x16xf32>,
        %get3A_1322 = vector.shape_cast %get3A_1321 : vector<1x1x16xf32> to vector<16xf32>
        %mul3A_1323 = arith.mulf %get3A_1322, %get3A_34 : vector<16xf32>
        %add3A_1324 = arith.addf %get3A_1316, %mul3A_1323 : vector<16xf32>
        %swap3A_1325 = arith.constant 1 : i32
        %swap3A_1326 = arith.index_cast %swap3A_1325 : i32 to index
        %swap3A_1327 = arith.index_cast %scan3A_282 : i32 to index
        %swap3A_1328 = arith.constant 784 : index
        %swap3A_1329 = tpu.vector_load %arg8[%swap3A_1326, %swap3A_1327, %swap3A_1328] {strides = array<i32>} : memref<2x16x1024xf32, #tpu.memory_space<vmem>>, vector<1x1x16xf32>,
        %swap3A_1330 = vector.shape_cast %swap3A_1329 : vector<1x1x16xf32> to vector<16xf32>
        %swap3A_1331 = vector.shape_cast %add3A_1324 : vector<16xf32> to vector<1x1x16xf32>
        tpu.vector_store %arg8[%swap3A_1326, %swap3A_1327, %swap3A_1328], %swap3A_1331 {strides = array<i32>} : memref<2x16x1024xf32, #tpu.memory_space<vmem>>, vector<1x1x16xf32>,
        %get3A_1332 = arith.constant 1 : i32
        %get3A_1333 = arith.index_cast %get3A_1332 : i32 to index
        %get3A_1334 = arith.index_cast %scan3A_282 : i32 to index
        %get3A_1335 = arith.constant 800 : index
        %get3A_1336 = tpu.vector_load %arg6[%get3A_1333, %get3A_1334, %get3A_1335] {strides = array<i32>} : memref<2x16x1024xf32, #tpu.memory_space<vmem>>, vector<1x1x16xf32>,
        %get3A_1337 = vector.shape_cast %get3A_1336 : vector<1x1x16xf32> to vector<16xf32>
        %get3A_1338 = arith.constant 1 : i32
        %get3A_1339 = arith.index_cast %get3A_1338 : i32 to index
        %get3A_1340 = arith.index_cast %scan3A_282 : i32 to index
        %get3A_1341 = arith.constant 800 : index
        %get3A_1342 = tpu.vector_load %arg7[%get3A_1339, %get3A_1340, %get3A_1341] {strides = array<i32>} : memref<2x16x1024xf32, #tpu.memory_space<vmem>>, vector<1x1x16xf32>,
        %get3A_1343 = vector.shape_cast %get3A_1342 : vector<1x1x16xf32> to vector<16xf32>
        %mul3A_1344 = arith.mulf %get3A_1343, %get3A_34 : vector<16xf32>
        %add3A_1345 = arith.addf %get3A_1337, %mul3A_1344 : vector<16xf32>
        %swap3A_1346 = arith.constant 1 : i32
        %swap3A_1347 = arith.index_cast %swap3A_1346 : i32 to index
        %swap3A_1348 = arith.index_cast %scan3A_282 : i32 to index
        %swap3A_1349 = arith.constant 800 : index
        %swap3A_1350 = tpu.vector_load %arg8[%swap3A_1347, %swap3A_1348, %swap3A_1349] {strides = array<i32>} : memref<2x16x1024xf32, #tpu.memory_space<vmem>>, vector<1x1x16xf32>,
        %swap3A_1351 = vector.shape_cast %swap3A_1350 : vector<1x1x16xf32> to vector<16xf32>
        %swap3A_1352 = vector.shape_cast %add3A_1345 : vector<16xf32> to vector<1x1x16xf32>
        tpu.vector_store %arg8[%swap3A_1347, %swap3A_1348, %swap3A_1349], %swap3A_1352 {strides = array<i32>} : memref<2x16x1024xf32, #tpu.memory_space<vmem>>, vector<1x1x16xf32>,
        %get3A_1353 = arith.constant 1 : i32
        %get3A_1354 = arith.index_cast %get3A_1353 : i32 to index
        %get3A_1355 = arith.index_cast %scan3A_282 : i32 to index
        %get3A_1356 = arith.constant 816 : index
        %get3A_1357 = tpu.vector_load %arg6[%get3A_1354, %get3A_1355, %get3A_1356] {strides = array<i32>} : memref<2x16x1024xf32, #tpu.memory_space<vmem>>, vector<1x1x16xf32>,
        %get3A_1358 = vector.shape_cast %get3A_1357 : vector<1x1x16xf32> to vector<16xf32>
        %get3A_1359 = arith.constant 1 : i32
        %get3A_1360 = arith.index_cast %get3A_1359 : i32 to index
        %get3A_1361 = arith.index_cast %scan3A_282 : i32 to index
        %get3A_1362 = arith.constant 816 : index
        %get3A_1363 = tpu.vector_load %arg7[%get3A_1360, %get3A_1361, %get3A_1362] {strides = array<i32>} : memref<2x16x1024xf32, #tpu.memory_space<vmem>>, vector<1x1x16xf32>,
        %get3A_1364 = vector.shape_cast %get3A_1363 : vector<1x1x16xf32> to vector<16xf32>
        %mul3A_1365 = arith.mulf %get3A_1364, %get3A_34 : vector<16xf32>
        %add3A_1366 = arith.addf %get3A_1358, %mul3A_1365 : vector<16xf32>
        %swap3A_1367 = arith.constant 1 : i32
        %swap3A_1368 = arith.index_cast %swap3A_1367 : i32 to index
        %swap3A_1369 = arith.index_cast %scan3A_282 : i32 to index
        %swap3A_1370 = arith.constant 816 : index
        %swap3A_1371 = tpu.vector_load %arg8[%swap3A_1368, %swap3A_1369, %swap3A_1370] {strides = array<i32>} : memref<2x16x1024xf32, #tpu.memory_space<vmem>>, vector<1x1x16xf32>,
        %swap3A_1372 = vector.shape_cast %swap3A_1371 : vector<1x1x16xf32> to vector<16xf32>
        %swap3A_1373 = vector.shape_cast %add3A_1366 : vector<16xf32> to vector<1x1x16xf32>
        tpu.vector_store %arg8[%swap3A_1368, %swap3A_1369, %swap3A_1370], %swap3A_1373 {strides = array<i32>} : memref<2x16x1024xf32, #tpu.memory_space<vmem>>, vector<1x1x16xf32>,
        %get3A_1374 = arith.constant 1 : i32
        %get3A_1375 = arith.index_cast %get3A_1374 : i32 to index
        %get3A_1376 = arith.index_cast %scan3A_282 : i32 to index
        %get3A_1377 = arith.constant 832 : index
        %get3A_1378 = tpu.vector_load %arg6[%get3A_1375, %get3A_1376, %get3A_1377] {strides = array<i32>} : memref<2x16x1024xf32, #tpu.memory_space<vmem>>, vector<1x1x16xf32>,
        %get3A_1379 = vector.shape_cast %get3A_1378 : vector<1x1x16xf32> to vector<16xf32>
        %get3A_1380 = arith.constant 1 : i32
        %get3A_1381 = arith.index_cast %get3A_1380 : i32 to index
        %get3A_1382 = arith.index_cast %scan3A_282 : i32 to index
        %get3A_1383 = arith.constant 832 : index
        %get3A_1384 = tpu.vector_load %arg7[%get3A_1381, %get3A_1382, %get3A_1383] {strides = array<i32>} : memref<2x16x1024xf32, #tpu.memory_space<vmem>>, vector<1x1x16xf32>,
        %get3A_1385 = vector.shape_cast %get3A_1384 : vector<1x1x16xf32> to vector<16xf32>
        %mul3A_1386 = arith.mulf %get3A_1385, %get3A_34 : vector<16xf32>
        %add3A_1387 = arith.addf %get3A_1379, %mul3A_1386 : vector<16xf32>
        %swap3A_1388 = arith.constant 1 : i32
        %swap3A_1389 = arith.index_cast %swap3A_1388 : i32 to index
        %swap3A_1390 = arith.index_cast %scan3A_282 : i32 to index
        %swap3A_1391 = arith.constant 832 : index
        %swap3A_1392 = tpu.vector_load %arg8[%swap3A_1389, %swap3A_1390, %swap3A_1391] {strides = array<i32>} : memref<2x16x1024xf32, #tpu.memory_space<vmem>>, vector<1x1x16xf32>,
        %swap3A_1393 = vector.shape_cast %swap3A_1392 : vector<1x1x16xf32> to vector<16xf32>
        %swap3A_1394 = vector.shape_cast %add3A_1387 : vector<16xf32> to vector<1x1x16xf32>
        tpu.vector_store %arg8[%swap3A_1389, %swap3A_1390, %swap3A_1391], %swap3A_1394 {strides = array<i32>} : memref<2x16x1024xf32, #tpu.memory_space<vmem>>, vector<1x1x16xf32>,
        %get3A_1395 = arith.constant 1 : i32
        %get3A_1396 = arith.index_cast %get3A_1395 : i32 to index
        %get3A_1397 = arith.index_cast %scan3A_282 : i32 to index
        %get3A_1398 = arith.constant 848 : index
        %get3A_1399 = tpu.vector_load %arg6[%get3A_1396, %get3A_1397, %get3A_1398] {strides = array<i32>} : memref<2x16x1024xf32, #tpu.memory_space<vmem>>, vector<1x1x16xf32>,
        %get3A_1400 = vector.shape_cast %get3A_1399 : vector<1x1x16xf32> to vector<16xf32>
        %get3A_1401 = arith.constant 1 : i32
        %get3A_1402 = arith.index_cast %get3A_1401 : i32 to index
        %get3A_1403 = arith.index_cast %scan3A_282 : i32 to index
        %get3A_1404 = arith.constant 848 : index
        %get3A_1405 = tpu.vector_load %arg7[%get3A_1402, %get3A_1403, %get3A_1404] {strides = array<i32>} : memref<2x16x1024xf32, #tpu.memory_space<vmem>>, vector<1x1x16xf32>,
        %get3A_1406 = vector.shape_cast %get3A_1405 : vector<1x1x16xf32> to vector<16xf32>
        %mul3A_1407 = arith.mulf %get3A_1406, %get3A_34 : vector<16xf32>
        %add3A_1408 = arith.addf %get3A_1400, %mul3A_1407 : vector<16xf32>
        %swap3A_1409 = arith.constant 1 : i32
        %swap3A_1410 = arith.index_cast %swap3A_1409 : i32 to index
        %swap3A_1411 = arith.index_cast %scan3A_282 : i32 to index
        %swap3A_1412 = arith.constant 848 : index
        %swap3A_1413 = tpu.vector_load %arg8[%swap3A_1410, %swap3A_1411, %swap3A_1412] {strides = array<i32>} : memref<2x16x1024xf32, #tpu.memory_space<vmem>>, vector<1x1x16xf32>,
        %swap3A_1414 = vector.shape_cast %swap3A_1413 : vector<1x1x16xf32> to vector<16xf32>
        %swap3A_1415 = vector.shape_cast %add3A_1408 : vector<16xf32> to vector<1x1x16xf32>
        tpu.vector_store %arg8[%swap3A_1410, %swap3A_1411, %swap3A_1412], %swap3A_1415 {strides = array<i32>} : memref<2x16x1024xf32, #tpu.memory_space<vmem>>, vector<1x1x16xf32>,
        %get3A_1416 = arith.constant 1 : i32
        %get3A_1417 = arith.index_cast %get3A_1416 : i32 to index
        %get3A_1418 = arith.index_cast %scan3A_282 : i32 to index
        %get3A_1419 = arith.constant 864 : index
        %get3A_1420 = tpu.vector_load %arg6[%get3A_1417, %get3A_1418, %get3A_1419] {strides = array<i32>} : memref<2x16x1024xf32, #tpu.memory_space<vmem>>, vector<1x1x16xf32>,
        %get3A_1421 = vector.shape_cast %get3A_1420 : vector<1x1x16xf32> to vector<16xf32>
        %get3A_1422 = arith.constant 1 : i32
        %get3A_1423 = arith.index_cast %get3A_1422 : i32 to index
        %get3A_1424 = arith.index_cast %scan3A_282 : i32 to index
        %get3A_1425 = arith.constant 864 : index
        %get3A_1426 = tpu.vector_load %arg7[%get3A_1423, %get3A_1424, %get3A_1425] {strides = array<i32>} : memref<2x16x1024xf32, #tpu.memory_space<vmem>>, vector<1x1x16xf32>,
        %get3A_1427 = vector.shape_cast %get3A_1426 : vector<1x1x16xf32> to vector<16xf32>
        %mul3A_1428 = arith.mulf %get3A_1427, %get3A_34 : vector<16xf32>
        %add3A_1429 = arith.addf %get3A_1421, %mul3A_1428 : vector<16xf32>
        %swap3A_1430 = arith.constant 1 : i32
        %swap3A_1431 = arith.index_cast %swap3A_1430 : i32 to index
        %swap3A_1432 = arith.index_cast %scan3A_282 : i32 to index
        %swap3A_1433 = arith.constant 864 : index
        %swap3A_1434 = tpu.vector_load %arg8[%swap3A_1431, %swap3A_1432, %swap3A_1433] {strides = array<i32>} : memref<2x16x1024xf32, #tpu.memory_space<vmem>>, vector<1x1x16xf32>,
        %swap3A_1435 = vector.shape_cast %swap3A_1434 : vector<1x1x16xf32> to vector<16xf32>
        %swap3A_1436 = vector.shape_cast %add3A_1429 : vector<16xf32> to vector<1x1x16xf32>
        tpu.vector_store %arg8[%swap3A_1431, %swap3A_1432, %swap3A_1433], %swap3A_1436 {strides = array<i32>} : memref<2x16x1024xf32, #tpu.memory_space<vmem>>, vector<1x1x16xf32>,
        %get3A_1437 = arith.constant 1 : i32
        %get3A_1438 = arith.index_cast %get3A_1437 : i32 to index
        %get3A_1439 = arith.index_cast %scan3A_282 : i32 to index
        %get3A_1440 = arith.constant 880 : index
        %get3A_1441 = tpu.vector_load %arg6[%get3A_1438, %get3A_1439, %get3A_1440] {strides = array<i32>} : memref<2x16x1024xf32, #tpu.memory_space<vmem>>, vector<1x1x16xf32>,
        %get3A_1442 = vector.shape_cast %get3A_1441 : vector<1x1x16xf32> to vector<16xf32>
        %get3A_1443 = arith.constant 1 : i32
        %get3A_1444 = arith.index_cast %get3A_1443 : i32 to index
        %get3A_1445 = arith.index_cast %scan3A_282 : i32 to index
        %get3A_1446 = arith.constant 880 : index
        %get3A_1447 = tpu.vector_load %arg7[%get3A_1444, %get3A_1445, %get3A_1446] {strides = array<i32>} : memref<2x16x1024xf32, #tpu.memory_space<vmem>>, vector<1x1x16xf32>,
        %get3A_1448 = vector.shape_cast %get3A_1447 : vector<1x1x16xf32> to vector<16xf32>
        %mul3A_1449 = arith.mulf %get3A_1448, %get3A_34 : vector<16xf32>
        %add3A_1450 = arith.addf %get3A_1442, %mul3A_1449 : vector<16xf32>
        %swap3A_1451 = arith.constant 1 : i32
        %swap3A_1452 = arith.index_cast %swap3A_1451 : i32 to index
        %swap3A_1453 = arith.index_cast %scan3A_282 : i32 to index
        %swap3A_1454 = arith.constant 880 : index
        %swap3A_1455 = tpu.vector_load %arg8[%swap3A_1452, %swap3A_1453, %swap3A_1454] {strides = array<i32>} : memref<2x16x1024xf32, #tpu.memory_space<vmem>>, vector<1x1x16xf32>,
        %swap3A_1456 = vector.shape_cast %swap3A_1455 : vector<1x1x16xf32> to vector<16xf32>
        %swap3A_1457 = vector.shape_cast %add3A_1450 : vector<16xf32> to vector<1x1x16xf32>
        tpu.vector_store %arg8[%swap3A_1452, %swap3A_1453, %swap3A_1454], %swap3A_1457 {strides = array<i32>} : memref<2x16x1024xf32, #tpu.memory_space<vmem>>, vector<1x1x16xf32>,
        %get3A_1458 = arith.constant 1 : i32
        %get3A_1459 = arith.index_cast %get3A_1458 : i32 to index
        %get3A_1460 = arith.index_cast %scan3A_282 : i32 to index
        %get3A_1461 = arith.constant 896 : index
        %get3A_1462 = tpu.vector_load %arg6[%get3A_1459, %get3A_1460, %get3A_1461] {strides = array<i32>} : memref<2x16x1024xf32, #tpu.memory_space<vmem>>, vector<1x1x16xf32>,
        %get3A_1463 = vector.shape_cast %get3A_1462 : vector<1x1x16xf32> to vector<16xf32>
        %get3A_1464 = arith.constant 1 : i32
        %get3A_1465 = arith.index_cast %get3A_1464 : i32 to index
        %get3A_1466 = arith.index_cast %scan3A_282 : i32 to index
        %get3A_1467 = arith.constant 896 : index
        %get3A_1468 = tpu.vector_load %arg7[%get3A_1465, %get3A_1466, %get3A_1467] {strides = array<i32>} : memref<2x16x1024xf32, #tpu.memory_space<vmem>>, vector<1x1x16xf32>,
        %get3A_1469 = vector.shape_cast %get3A_1468 : vector<1x1x16xf32> to vector<16xf32>
        %mul3A_1470 = arith.mulf %get3A_1469, %get3A_34 : vector<16xf32>
        %add3A_1471 = arith.addf %get3A_1463, %mul3A_1470 : vector<16xf32>
        %swap3A_1472 = arith.constant 1 : i32
        %swap3A_1473 = arith.index_cast %swap3A_1472 : i32 to index
        %swap3A_1474 = arith.index_cast %scan3A_282 : i32 to index
        %swap3A_1475 = arith.constant 896 : index
        %swap3A_1476 = tpu.vector_load %arg8[%swap3A_1473, %swap3A_1474, %swap3A_1475] {strides = array<i32>} : memref<2x16x1024xf32, #tpu.memory_space<vmem>>, vector<1x1x16xf32>,
        %swap3A_1477 = vector.shape_cast %swap3A_1476 : vector<1x1x16xf32> to vector<16xf32>
        %swap3A_1478 = vector.shape_cast %add3A_1471 : vector<16xf32> to vector<1x1x16xf32>
        tpu.vector_store %arg8[%swap3A_1473, %swap3A_1474, %swap3A_1475], %swap3A_1478 {strides = array<i32>} : memref<2x16x1024xf32, #tpu.memory_space<vmem>>, vector<1x1x16xf32>,
        %get3A_1479 = arith.constant 1 : i32
        %get3A_1480 = arith.index_cast %get3A_1479 : i32 to index
        %get3A_1481 = arith.index_cast %scan3A_282 : i32 to index
        %get3A_1482 = arith.constant 912 : index
        %get3A_1483 = tpu.vector_load %arg6[%get3A_1480, %get3A_1481, %get3A_1482] {strides = array<i32>} : memref<2x16x1024xf32, #tpu.memory_space<vmem>>, vector<1x1x16xf32>,
        %get3A_1484 = vector.shape_cast %get3A_1483 : vector<1x1x16xf32> to vector<16xf32>
        %get3A_1485 = arith.constant 1 : i32
        %get3A_1486 = arith.index_cast %get3A_1485 : i32 to index
        %get3A_1487 = arith.index_cast %scan3A_282 : i32 to index
        %get3A_1488 = arith.constant 912 : index
        %get3A_1489 = tpu.vector_load %arg7[%get3A_1486, %get3A_1487, %get3A_1488] {strides = array<i32>} : memref<2x16x1024xf32, #tpu.memory_space<vmem>>, vector<1x1x16xf32>,
        %get3A_1490 = vector.shape_cast %get3A_1489 : vector<1x1x16xf32> to vector<16xf32>
        %mul3A_1491 = arith.mulf %get3A_1490, %get3A_34 : vector<16xf32>
        %add3A_1492 = arith.addf %get3A_1484, %mul3A_1491 : vector<16xf32>
        %swap3A_1493 = arith.constant 1 : i32
        %swap3A_1494 = arith.index_cast %swap3A_1493 : i32 to index
        %swap3A_1495 = arith.index_cast %scan3A_282 : i32 to index
        %swap3A_1496 = arith.constant 912 : index
        %swap3A_1497 = tpu.vector_load %arg8[%swap3A_1494, %swap3A_1495, %swap3A_1496] {strides = array<i32>} : memref<2x16x1024xf32, #tpu.memory_space<vmem>>, vector<1x1x16xf32>,
        %swap3A_1498 = vector.shape_cast %swap3A_1497 : vector<1x1x16xf32> to vector<16xf32>
        %swap3A_1499 = vector.shape_cast %add3A_1492 : vector<16xf32> to vector<1x1x16xf32>
        tpu.vector_store %arg8[%swap3A_1494, %swap3A_1495, %swap3A_1496], %swap3A_1499 {strides = array<i32>} : memref<2x16x1024xf32, #tpu.memory_space<vmem>>, vector<1x1x16xf32>,
        %get3A_1500 = arith.constant 1 : i32
        %get3A_1501 = arith.index_cast %get3A_1500 : i32 to index
        %get3A_1502 = arith.index_cast %scan3A_282 : i32 to index
        %get3A_1503 = arith.constant 928 : index
        %get3A_1504 = tpu.vector_load %arg6[%get3A_1501, %get3A_1502, %get3A_1503] {strides = array<i32>} : memref<2x16x1024xf32, #tpu.memory_space<vmem>>, vector<1x1x16xf32>,
        %get3A_1505 = vector.shape_cast %get3A_1504 : vector<1x1x16xf32> to vector<16xf32>
        %get3A_1506 = arith.constant 1 : i32
        %get3A_1507 = arith.index_cast %get3A_1506 : i32 to index
        %get3A_1508 = arith.index_cast %scan3A_282 : i32 to index
        %get3A_1509 = arith.constant 928 : index
        %get3A_1510 = tpu.vector_load %arg7[%get3A_1507, %get3A_1508, %get3A_1509] {strides = array<i32>} : memref<2x16x1024xf32, #tpu.memory_space<vmem>>, vector<1x1x16xf32>,
        %get3A_1511 = vector.shape_cast %get3A_1510 : vector<1x1x16xf32> to vector<16xf32>
        %mul3A_1512 = arith.mulf %get3A_1511, %get3A_34 : vector<16xf32>
        %add3A_1513 = arith.addf %get3A_1505, %mul3A_1512 : vector<16xf32>
        %swap3A_1514 = arith.constant 1 : i32
        %swap3A_1515 = arith.index_cast %swap3A_1514 : i32 to index
        %swap3A_1516 = arith.index_cast %scan3A_282 : i32 to index
        %swap3A_1517 = arith.constant 928 : index
        %swap3A_1518 = tpu.vector_load %arg8[%swap3A_1515, %swap3A_1516, %swap3A_1517] {strides = array<i32>} : memref<2x16x1024xf32, #tpu.memory_space<vmem>>, vector<1x1x16xf32>,
        %swap3A_1519 = vector.shape_cast %swap3A_1518 : vector<1x1x16xf32> to vector<16xf32>
        %swap3A_1520 = vector.shape_cast %add3A_1513 : vector<16xf32> to vector<1x1x16xf32>
        tpu.vector_store %arg8[%swap3A_1515, %swap3A_1516, %swap3A_1517], %swap3A_1520 {strides = array<i32>} : memref<2x16x1024xf32, #tpu.memory_space<vmem>>, vector<1x1x16xf32>,
        %get3A_1521 = arith.constant 1 : i32
        %get3A_1522 = arith.index_cast %get3A_1521 : i32 to index
        %get3A_1523 = arith.index_cast %scan3A_282 : i32 to index
        %get3A_1524 = arith.constant 944 : index
        %get3A_1525 = tpu.vector_load %arg6[%get3A_1522, %get3A_1523, %get3A_1524] {strides = array<i32>} : memref<2x16x1024xf32, #tpu.memory_space<vmem>>, vector<1x1x16xf32>,
        %get3A_1526 = vector.shape_cast %get3A_1525 : vector<1x1x16xf32> to vector<16xf32>
        %get3A_1527 = arith.constant 1 : i32
        %get3A_1528 = arith.index_cast %get3A_1527 : i32 to index
        %get3A_1529 = arith.index_cast %scan3A_282 : i32 to index
        %get3A_1530 = arith.constant 944 : index
        %get3A_1531 = tpu.vector_load %arg7[%get3A_1528, %get3A_1529, %get3A_1530] {strides = array<i32>} : memref<2x16x1024xf32, #tpu.memory_space<vmem>>, vector<1x1x16xf32>,
        %get3A_1532 = vector.shape_cast %get3A_1531 : vector<1x1x16xf32> to vector<16xf32>
        %mul3A_1533 = arith.mulf %get3A_1532, %get3A_34 : vector<16xf32>
        %add3A_1534 = arith.addf %get3A_1526, %mul3A_1533 : vector<16xf32>
        %swap3A_1535 = arith.constant 1 : i32
        %swap3A_1536 = arith.index_cast %swap3A_1535 : i32 to index
        %swap3A_1537 = arith.index_cast %scan3A_282 : i32 to index
        %swap3A_1538 = arith.constant 944 : index
        %swap3A_1539 = tpu.vector_load %arg8[%swap3A_1536, %swap3A_1537, %swap3A_1538] {strides = array<i32>} : memref<2x16x1024xf32, #tpu.memory_space<vmem>>, vector<1x1x16xf32>,
        %swap3A_1540 = vector.shape_cast %swap3A_1539 : vector<1x1x16xf32> to vector<16xf32>
        %swap3A_1541 = vector.shape_cast %add3A_1534 : vector<16xf32> to vector<1x1x16xf32>
        tpu.vector_store %arg8[%swap3A_1536, %swap3A_1537, %swap3A_1538], %swap3A_1541 {strides = array<i32>} : memref<2x16x1024xf32, #tpu.memory_space<vmem>>, vector<1x1x16xf32>,
        %get3A_1542 = arith.constant 1 : i32
        %get3A_1543 = arith.index_cast %get3A_1542 : i32 to index
        %get3A_1544 = arith.index_cast %scan3A_282 : i32 to index
        %get3A_1545 = arith.constant 960 : index
        %get3A_1546 = tpu.vector_load %arg6[%get3A_1543, %get3A_1544, %get3A_1545] {strides = array<i32>} : memref<2x16x1024xf32, #tpu.memory_space<vmem>>, vector<1x1x16xf32>,
        %get3A_1547 = vector.shape_cast %get3A_1546 : vector<1x1x16xf32> to vector<16xf32>
        %get3A_1548 = arith.constant 1 : i32
        %get3A_1549 = arith.index_cast %get3A_1548 : i32 to index
        %get3A_1550 = arith.index_cast %scan3A_282 : i32 to index
        %get3A_1551 = arith.constant 960 : index
        %get3A_1552 = tpu.vector_load %arg7[%get3A_1549, %get3A_1550, %get3A_1551] {strides = array<i32>} : memref<2x16x1024xf32, #tpu.memory_space<vmem>>, vector<1x1x16xf32>,
        %get3A_1553 = vector.shape_cast %get3A_1552 : vector<1x1x16xf32> to vector<16xf32>
        %mul3A_1554 = arith.mulf %get3A_1553, %get3A_34 : vector<16xf32>
        %add3A_1555 = arith.addf %get3A_1547, %mul3A_1554 : vector<16xf32>
        %swap3A_1556 = arith.constant 1 : i32
        %swap3A_1557 = arith.index_cast %swap3A_1556 : i32 to index
        %swap3A_1558 = arith.index_cast %scan3A_282 : i32 to index
        %swap3A_1559 = arith.constant 960 : index
        %swap3A_1560 = tpu.vector_load %arg8[%swap3A_1557, %swap3A_1558, %swap3A_1559] {strides = array<i32>} : memref<2x16x1024xf32, #tpu.memory_space<vmem>>, vector<1x1x16xf32>,
        %swap3A_1561 = vector.shape_cast %swap3A_1560 : vector<1x1x16xf32> to vector<16xf32>
        %swap3A_1562 = vector.shape_cast %add3A_1555 : vector<16xf32> to vector<1x1x16xf32>
        tpu.vector_store %arg8[%swap3A_1557, %swap3A_1558, %swap3A_1559], %swap3A_1562 {strides = array<i32>} : memref<2x16x1024xf32, #tpu.memory_space<vmem>>, vector<1x1x16xf32>,
        %get3A_1563 = arith.constant 1 : i32
        %get3A_1564 = arith.index_cast %get3A_1563 : i32 to index
        %get3A_1565 = arith.index_cast %scan3A_282 : i32 to index
        %get3A_1566 = arith.constant 976 : index
        %get3A_1567 = tpu.vector_load %arg6[%get3A_1564, %get3A_1565, %get3A_1566] {strides = array<i32>} : memref<2x16x1024xf32, #tpu.memory_space<vmem>>, vector<1x1x16xf32>,
        %get3A_1568 = vector.shape_cast %get3A_1567 : vector<1x1x16xf32> to vector<16xf32>
        %get3A_1569 = arith.constant 1 : i32
        %get3A_1570 = arith.index_cast %get3A_1569 : i32 to index
        %get3A_1571 = arith.index_cast %scan3A_282 : i32 to index
        %get3A_1572 = arith.constant 976 : index
        %get3A_1573 = tpu.vector_load %arg7[%get3A_1570, %get3A_1571, %get3A_1572] {strides = array<i32>} : memref<2x16x1024xf32, #tpu.memory_space<vmem>>, vector<1x1x16xf32>,
        %get3A_1574 = vector.shape_cast %get3A_1573 : vector<1x1x16xf32> to vector<16xf32>
        %mul3A_1575 = arith.mulf %get3A_1574, %get3A_34 : vector<16xf32>
        %add3A_1576 = arith.addf %get3A_1568, %mul3A_1575 : vector<16xf32>
        %swap3A_1577 = arith.constant 1 : i32
        %swap3A_1578 = arith.index_cast %swap3A_1577 : i32 to index
        %swap3A_1579 = arith.index_cast %scan3A_282 : i32 to index
        %swap3A_1580 = arith.constant 976 : index
        %swap3A_1581 = tpu.vector_load %arg8[%swap3A_1578, %swap3A_1579, %swap3A_1580] {strides = array<i32>} : memref<2x16x1024xf32, #tpu.memory_space<vmem>>, vector<1x1x16xf32>,
        %swap3A_1582 = vector.shape_cast %swap3A_1581 : vector<1x1x16xf32> to vector<16xf32>
        %swap3A_1583 = vector.shape_cast %add3A_1576 : vector<16xf32> to vector<1x1x16xf32>
        tpu.vector_store %arg8[%swap3A_1578, %swap3A_1579, %swap3A_1580], %swap3A_1583 {strides = array<i32>} : memref<2x16x1024xf32, #tpu.memory_space<vmem>>, vector<1x1x16xf32>,
        %get3A_1584 = arith.constant 1 : i32
        %get3A_1585 = arith.index_cast %get3A_1584 : i32 to index
        %get3A_1586 = arith.index_cast %scan3A_282 : i32 to index
        %get3A_1587 = arith.constant 992 : index
        %get3A_1588 = tpu.vector_load %arg6[%get3A_1585, %get3A_1586, %get3A_1587] {strides = array<i32>} : memref<2x16x1024xf32, #tpu.memory_space<vmem>>, vector<1x1x16xf32>,
        %get3A_1589 = vector.shape_cast %get3A_1588 : vector<1x1x16xf32> to vector<16xf32>
        %get3A_1590 = arith.constant 1 : i32
        %get3A_1591 = arith.index_cast %get3A_1590 : i32 to index
        %get3A_1592 = arith.index_cast %scan3A_282 : i32 to index
        %get3A_1593 = arith.constant 992 : index
        %get3A_1594 = tpu.vector_load %arg7[%get3A_1591, %get3A_1592, %get3A_1593] {strides = array<i32>} : memref<2x16x1024xf32, #tpu.memory_space<vmem>>, vector<1x1x16xf32>,
        %get3A_1595 = vector.shape_cast %get3A_1594 : vector<1x1x16xf32> to vector<16xf32>
        %mul3A_1596 = arith.mulf %get3A_1595, %get3A_34 : vector<16xf32>
        %add3A_1597 = arith.addf %get3A_1589, %mul3A_1596 : vector<16xf32>
        %swap3A_1598 = arith.constant 1 : i32
        %swap3A_1599 = arith.index_cast %swap3A_1598 : i32 to index
        %swap3A_1600 = arith.index_cast %scan3A_282 : i32 to index
        %swap3A_1601 = arith.constant 992 : index
        %swap3A_1602 = tpu.vector_load %arg8[%swap3A_1599, %swap3A_1600, %swap3A_1601] {strides = array<i32>} : memref<2x16x1024xf32, #tpu.memory_space<vmem>>, vector<1x1x16xf32>,
        %swap3A_1603 = vector.shape_cast %swap3A_1602 : vector<1x1x16xf32> to vector<16xf32>
        %swap3A_1604 = vector.shape_cast %add3A_1597 : vector<16xf32> to vector<1x1x16xf32>
        tpu.vector_store %arg8[%swap3A_1599, %swap3A_1600, %swap3A_1601], %swap3A_1604 {strides = array<i32>} : memref<2x16x1024xf32, #tpu.memory_space<vmem>>, vector<1x1x16xf32>,
        %get3A_1605 = arith.constant 1 : i32
        %get3A_1606 = arith.index_cast %get3A_1605 : i32 to index
        %get3A_1607 = arith.index_cast %scan3A_282 : i32 to index
        %get3A_1608 = arith.constant 1008 : index
        %get3A_1609 = tpu.vector_load %arg6[%get3A_1606, %get3A_1607, %get3A_1608] {strides = array<i32>} : memref<2x16x1024xf32, #tpu.memory_space<vmem>>, vector<1x1x16xf32>,
        %get3A_1610 = vector.shape_cast %get3A_1609 : vector<1x1x16xf32> to vector<16xf32>
        %get3A_1611 = arith.constant 1 : i32
        %get3A_1612 = arith.index_cast %get3A_1611 : i32 to index
        %get3A_1613 = arith.index_cast %scan3A_282 : i32 to index
        %get3A_1614 = arith.constant 1008 : index
        %get3A_1615 = tpu.vector_load %arg7[%get3A_1612, %get3A_1613, %get3A_1614] {strides = array<i32>} : memref<2x16x1024xf32, #tpu.memory_space<vmem>>, vector<1x1x16xf32>,
        %get3A_1616 = vector.shape_cast %get3A_1615 : vector<1x1x16xf32> to vector<16xf32>
        %mul3A_1617 = arith.mulf %get3A_1616, %get3A_34 : vector<16xf32>
        %add3A_1618 = arith.addf %get3A_1610, %mul3A_1617 : vector<16xf32>
        %swap3A_1619 = arith.constant 1 : i32
        %swap3A_1620 = arith.index_cast %swap3A_1619 : i32 to index
        %swap3A_1621 = arith.index_cast %scan3A_282 : i32 to index
        %swap3A_1622 = arith.constant 1008 : index
        %swap3A_1623 = tpu.vector_load %arg8[%swap3A_1620, %swap3A_1621, %swap3A_1622] {strides = array<i32>} : memref<2x16x1024xf32, #tpu.memory_space<vmem>>, vector<1x1x16xf32>,
        %swap3A_1624 = vector.shape_cast %swap3A_1623 : vector<1x1x16xf32> to vector<16xf32>
        %swap3A_1625 = vector.shape_cast %add3A_1618 : vector<16xf32> to vector<1x1x16xf32>
        tpu.vector_store %arg8[%swap3A_1620, %swap3A_1621, %swap3A_1622], %swap3A_1625 {strides = array<i32>} : memref<2x16x1024xf32, #tpu.memory_space<vmem>>, vector<1x1x16xf32>,
      }
      %scan3A_256 = arith.constant 16 : i32
      %mul3A_257 = arith.constant 16 : i32
      %mul3A_258 = arith.muli %add3A_211, %mul3A_257 : i32
      %add3A_259 = arith.addi %mul3A_32, %mul3A_258 : i32
      %dma_start3A_260 = arith.constant 1 : i32
      %dma_start3A_261 = arith.constant 0 : i32
      %dma_start3A_262 = arith.constant 0 : i32
      %dma_start3A_263 = tpu.memref_slice %arg8[%dma_start3A_260, %dma_start3A_261, %dma_start3A_262] : memref<2x16x1024xf32, #tpu.memory_space<vmem>> -> memref<1x16x1024xf32, #tpu.memory_space<vmem>>
      %dma_start3A_264 = tpu.memref_squeeze %dma_start3A_263 : memref<1x16x1024xf32, #tpu.memory_space<vmem>> -> memref<16x1024xf32, #tpu.memory_space<vmem>>
      %dma_start3A_265 = arith.constant 0 : i32
      %dma_start3A_266 = tpu.memref_slice %arg5[%select_n3A, %add3A_259, %dma_start3A_265] : memref<4x8192x1024xf32, #tpu.memory_space<hbm>> -> memref<1x16x1024xf32, #tpu.memory_space<hbm>>
      %dma_start3A_267 = tpu.memref_squeeze %dma_start3A_266 : memref<1x16x1024xf32, #tpu.memory_space<hbm>> -> memref<16x1024xf32, #tpu.memory_space<hbm>>
      %dma_start3A_268 = arith.constant 0 : i32
      %dma_start3A_269 = tpu.memref_slice %arg5[%select_n3A, %add3A_259, %dma_start3A_268] : memref<4x8192x1024xf32, #tpu.memory_space<hbm>> -> memref<1x16x1024xf32, #tpu.memory_space<hbm>>
      %dma_start3A_270 = tpu.memref_squeeze %dma_start3A_269 : memref<1x16x1024xf32, #tpu.memory_space<hbm>> -> memref<16x1024xf32, #tpu.memory_space<hbm>>
      %dma_start3A_271 = arith.constant 0 : i32
      %dma_start3A_272 = arith.constant 0 : i32
      %dma_start3A_273 = tpu.memref_slice %arg8[%dma_start3A_260, %dma_start3A_271, %dma_start3A_272] : memref<2x16x1024xf32, #tpu.memory_space<vmem>> -> memref<1x16x1024xf32, #tpu.memory_space<vmem>>
      %dma_start3A_274 = tpu.memref_squeeze %dma_start3A_273 : memref<1x16x1024xf32, #tpu.memory_space<vmem>> -> memref<16x1024xf32, #tpu.memory_space<vmem>>
      tpu.enqueue_dma source(%dma_start3A_274 : memref<16x1024xf32, #tpu.memory_space<vmem>>) target(%dma_start3A_270 : memref<16x1024xf32, #tpu.memory_space<hbm>>) target_semaphore(%arg13 : memref<!tpu.dma_semaphore, #tpu.memory_space<semaphore_mem>>)
      %add3A_275 = arith.constant 2 : i32
      %add3A_276 = arith.addi %add3A_211, %add3A_275 : i32
      %lt3A_277 = arith.constant 64 : i32
      %lt3A_278 = arith.cmpi slt, %add3A_276, %lt3A_277 : i32
      %convert_element_type3A_279 = arith.extui %lt3A_278 : i1 to i32
      %cond3A_280 = arith.constant 0 : i32
      %cond3A_281 = arith.cmpi ne, %convert_element_type3A_279, %cond3A_280 : i32
      scf.if %cond3A_281 {
        %add3A_282 = arith.constant 2 : i32
        %add3A_283 = arith.addi %add3A_211, %add3A_282 : i32
        %mul3A_284 = arith.constant 16 : i32
        %mul3A_285 = arith.muli %add3A_283, %mul3A_284 : i32
        %add3A_286 = arith.addi %mul3A_32, %mul3A_285 : i32
        %dma_start3A_287 = arith.constant 1 : i32
        %dma_start3A_288 = arith.constant 0 : i32
        %dma_start3A_289 = arith.constant 0 : i32
        %dma_start3A_290 = tpu.memref_slice %arg6[%dma_start3A_287, %dma_start3A_288, %dma_start3A_289] : memref<2x16x1024xf32, #tpu.memory_space<vmem>> -> memref<1x16x1024xf32, #tpu.memory_space<vmem>>
        %dma_start3A_291 = tpu.memref_squeeze %dma_start3A_290 : memref<1x16x1024xf32, #tpu.memory_space<vmem>> -> memref<16x1024xf32, #tpu.memory_space<vmem>>
        %dma_start3A_292 = arith.constant 0 : i32
        %dma_start3A_293 = tpu.memref_slice %arg2[%select_n3A, %add3A_286, %dma_start3A_292] : memref<4x8192x1024xf32, #tpu.memory_space<hbm>> -> memref<1x16x1024xf32, #tpu.memory_space<hbm>>
        %dma_start3A_294 = tpu.memref_squeeze %dma_start3A_293 : memref<1x16x1024xf32, #tpu.memory_space<hbm>> -> memref<16x1024xf32, #tpu.memory_space<hbm>>
        %dma_start3A_295 = arith.constant 0 : i32
        %dma_start3A_296 = arith.constant 0 : i32
        %dma_start3A_297 = tpu.memref_slice %arg6[%dma_start3A_287, %dma_start3A_295, %dma_start3A_296] : memref<2x16x1024xf32, #tpu.memory_space<vmem>> -> memref<1x16x1024xf32, #tpu.memory_space<vmem>>
        %dma_start3A_298 = tpu.memref_squeeze %dma_start3A_297 : memref<1x16x1024xf32, #tpu.memory_space<vmem>> -> memref<16x1024xf32, #tpu.memory_space<vmem>>
        %dma_start3A_299 = arith.constant 0 : i32
        %dma_start3A_300 = tpu.memref_slice %arg2[%select_n3A, %add3A_286, %dma_start3A_299] : memref<4x8192x1024xf32, #tpu.memory_space<hbm>> -> memref<1x16x1024xf32, #tpu.memory_space<hbm>>
        %dma_start3A_301 = tpu.memref_squeeze %dma_start3A_300 : memref<1x16x1024xf32, #tpu.memory_space<hbm>> -> memref<16x1024xf32, #tpu.memory_space<hbm>>
        tpu.enqueue_dma source(%dma_start3A_301 : memref<16x1024xf32, #tpu.memory_space<hbm>>) target(%dma_start3A_298 : memref<16x1024xf32, #tpu.memory_space<vmem>>) target_semaphore(%arg11 : memref<!tpu.dma_semaphore, #tpu.memory_space<semaphore_mem>>)
        %mul3A_302 = arith.constant 16 : i32
        %mul3A_303 = arith.muli %add3A_283, %mul3A_302 : i32
        %add3A_304 = arith.addi %mul3A_32, %mul3A_303 : i32
        %dma_start3A_305 = arith.constant 1 : i32
        %dma_start3A_306 = arith.constant 0 : i32
        %dma_start3A_307 = arith.constant 0 : i32
        %dma_start3A_308 = tpu.memref_slice %arg7[%dma_start3A_305, %dma_start3A_306, %dma_start3A_307] : memref<2x16x1024xf32, #tpu.memory_space<vmem>> -> memref<1x16x1024xf32, #tpu.memory_space<vmem>>
        %dma_start3A_309 = tpu.memref_squeeze %dma_start3A_308 : memref<1x16x1024xf32, #tpu.memory_space<vmem>> -> memref<16x1024xf32, #tpu.memory_space<vmem>>
        %dma_start3A_310 = arith.constant 0 : i32
        %dma_start3A_311 = tpu.memref_slice %arg3[%add3A_304, %dma_start3A_310] : memref<8192x1024xf32, #tpu.memory_space<hbm>> -> memref<16x1024xf32, #tpu.memory_space<hbm>>
        %dma_start3A_312 = arith.constant 0 : i32
        %dma_start3A_313 = arith.constant 0 : i32
        %dma_start3A_314 = tpu.memref_slice %arg7[%dma_start3A_305, %dma_start3A_312, %dma_start3A_313] : memref<2x16x1024xf32, #tpu.memory_space<vmem>> -> memref<1x16x1024xf32, #tpu.memory_space<vmem>>
        %dma_start3A_315 = tpu.memref_squeeze %dma_start3A_314 : memref<1x16x1024xf32, #tpu.memory_space<vmem>> -> memref<16x1024xf32, #tpu.memory_space<vmem>>
        %dma_start3A_316 = arith.constant 0 : i32
        %dma_start3A_317 = tpu.memref_slice %arg3[%add3A_304, %dma_start3A_316] : memref<8192x1024xf32, #tpu.memory_space<hbm>> -> memref<16x1024xf32, #tpu.memory_space<hbm>>
        tpu.enqueue_dma source(%dma_start3A_317 : memref<16x1024xf32, #tpu.memory_space<hbm>>) target(%dma_start3A_315 : memref<16x1024xf32, #tpu.memory_space<vmem>>) target_semaphore(%arg11 : memref<!tpu.dma_semaphore, #tpu.memory_space<semaphore_mem>>)
      } else {
      }
    }
    %scan3A_102 = arith.constant 32 : i32
    %add3A_103 = arith.constant 992 : i32
    %add3A_104 = arith.addi %mul3A_32, %add3A_103 : i32
    %dma_wait3A = arith.constant 0 : i32
    %dma_wait3A_105 = arith.constant 0 : i32
    %dma_wait3A_106 = arith.constant 0 : i32
    %dma_wait3A_107 = tpu.memref_slice %arg8[%dma_wait3A, %dma_wait3A_105, %dma_wait3A_106] : memref<2x16x1024xf32, #tpu.memory_space<vmem>> -> memref<1x16x1024xf32, #tpu.memory_space<vmem>>
    %dma_wait3A_108 = tpu.memref_squeeze %dma_wait3A_107 : memref<1x16x1024xf32, #tpu.memory_space<vmem>> -> memref<16x1024xf32, #tpu.memory_space<vmem>>
    %dma_wait3A_109 = arith.constant 0 : i32
    %dma_wait3A_110 = tpu.memref_slice %arg5[%select_n3A, %add3A_104, %dma_wait3A_109] : memref<4x8192x1024xf32, #tpu.memory_space<hbm>> -> memref<1x16x1024xf32, #tpu.memory_space<hbm>>
    %dma_wait3A_111 = tpu.memref_squeeze %dma_wait3A_110 : memref<1x16x1024xf32, #tpu.memory_space<hbm>> -> memref<16x1024xf32, #tpu.memory_space<hbm>>
    %dma_wait3A_112 = arith.constant 0 : i32
    %dma_wait3A_113 = tpu.memref_slice %arg5[%select_n3A, %add3A_104, %dma_wait3A_112] : memref<4x8192x1024xf32, #tpu.memory_space<hbm>> -> memref<1x16x1024xf32, #tpu.memory_space<hbm>>
    %dma_wait3A_114 = tpu.memref_squeeze %dma_wait3A_113 : memref<1x16x1024xf32, #tpu.memory_space<hbm>> -> memref<16x1024xf32, #tpu.memory_space<hbm>>
    %dma_wait3A_115 = arith.constant 0 : i32
    %dma_wait3A_116 = arith.constant 0 : i32
    %dma_wait3A_117 = tpu.memref_slice %arg8[%dma_wait3A, %dma_wait3A_115, %dma_wait3A_116] : memref<2x16x1024xf32, #tpu.memory_space<vmem>> -> memref<1x16x1024xf32, #tpu.memory_space<vmem>>
    %dma_wait3A_118 = tpu.memref_squeeze %dma_wait3A_117 : memref<1x16x1024xf32, #tpu.memory_space<vmem>> -> memref<16x1024xf32, #tpu.memory_space<vmem>>
    tpu.wait_dma2 semaphore(%arg12 : memref<!tpu.dma_semaphore, #tpu.memory_space<semaphore_mem>>) src(%dma_wait3A_118 : memref<16x1024xf32, #tpu.memory_space<vmem>>) dst(%dma_wait3A_114 : memref<16x1024xf32, #tpu.memory_space<hbm>>)
    %add3A_119 = arith.constant 1008 : i32
    %add3A_120 = arith.addi %mul3A_32, %add3A_119 : i32
    %dma_wait3A_121 = arith.constant 1 : i32
    %dma_wait3A_122 = arith.constant 0 : i32
    %dma_wait3A_123 = arith.constant 0 : i32
    %dma_wait3A_124 = tpu.memref_slice %arg8[%dma_wait3A_121, %dma_wait3A_122, %dma_wait3A_123] : memref<2x16x1024xf32, #tpu.memory_space<vmem>> -> memref<1x16x1024xf32, #tpu.memory_space<vmem>>
    %dma_wait3A_125 = tpu.memref_squeeze %dma_wait3A_124 : memref<1x16x1024xf32, #tpu.memory_space<vmem>> -> memref<16x1024xf32, #tpu.memory_space<vmem>>
    %dma_wait3A_126 = arith.constant 0 : i32
    %dma_wait3A_127 = tpu.memref_slice %arg5[%select_n3A, %add3A_120, %dma_wait3A_126] : memref<4x8192x1024xf32, #tpu.memory_space<hbm>> -> memref<1x16x1024xf32, #tpu.memory_space<hbm>>
    %dma_wait3A_128 = tpu.memref_squeeze %dma_wait3A_127 : memref<1x16x1024xf32, #tpu.memory_space<hbm>> -> memref<16x1024xf32, #tpu.memory_space<hbm>>
    %dma_wait3A_129 = arith.constant 0 : i32
    %dma_wait3A_130 = tpu.memref_slice %arg5[%select_n3A, %add3A_120, %dma_wait3A_129] : memref<4x8192x1024xf32, #tpu.memory_space<hbm>> -> memref<1x16x1024xf32, #tpu.memory_space<hbm>>
    %dma_wait3A_131 = tpu.memref_squeeze %dma_wait3A_130 : memref<1x16x1024xf32, #tpu.memory_space<hbm>> -> memref<16x1024xf32, #tpu.memory_space<hbm>>
    %dma_wait3A_132 = arith.constant 0 : i32
    %dma_wait3A_133 = arith.constant 0 : i32
    %dma_wait3A_134 = tpu.memref_slice %arg8[%dma_wait3A_121, %dma_wait3A_132, %dma_wait3A_133] : memref<2x16x1024xf32, #tpu.memory_space<vmem>> -> memref<1x16x1024xf32, #tpu.memory_space<vmem>>
    %dma_wait3A_135 = tpu.memref_squeeze %dma_wait3A_134 : memref<1x16x1024xf32, #tpu.memory_space<vmem>> -> memref<16x1024xf32, #tpu.memory_space<vmem>>
    tpu.wait_dma2 semaphore(%arg13 : memref<!tpu.dma_semaphore, #tpu.memory_space<semaphore_mem>>) src(%dma_wait3A_135 : memref<16x1024xf32, #tpu.memory_space<vmem>>) dst(%dma_wait3A_131 : memref<16x1024xf32, #tpu.memory_space<hbm>>)
    return
  }
}

</mosaic_0001>

<sc_bundles>
// kernel: kernel.3.cloned.1.call-start
scs
__scs_entry_jumppad:
0x0: {  	(pc) =	sbr.rel $0x88, $3  }
0x1: {  	(tag) =	ssettag $0x0;
	lr =	simm.s32 $0x1  }
0x2: {  	[smem:$0x3F9E] =	sst lr;
	_ =	strace $0xD0000000  }
0x3: {  	_ = 	snop  }
0x4: {  	_ = 	snop  }
0x5: {  	_ = 	snop  }
0x6: {  	_ = 	snop  }
0x7: {  	_ = 	snop  }
__scs_overlays_trampoline_lowered:
0x8: {  	[smem:$0x3FAD] =	sst s0  }
0x9: {  	[smem:$0x3FAE] =	sst s1  }
0xa: {  	[smem:$0x3FAF] =	sst s2  }
0xb: {  	[smem:$0x3FB0] =	sst s3  }
0xc: {  	[smem:$0x3FB1] =	sst s4  }
0xd: {  	[smem:$0x3FB2] =	sst s5  }
0xe: {  	[smem:$0x3FB3] =	sst s6  }
0xf: {  	[smem:$0x3FB4] =	sst s7  }
0x10: {  	[smem:$0x3FB5] =	sst s8  }
0x11: {  	[smem:$0x3FB6] =	sst s9;
	s0 =	simm.s32 @!p0 $0x0  }
0x12: {  	s1 =	sld [smem:$0x3F9C];
	s0 =	simm.s32 @p0 $0x1  }
0x13: {  	[smem:$0x3FB7] =	sst s0;
	s0 =	simm.s32 @!p1 $0x0  }
0x14: {  	s2 =	sld [smem:$0x3F9B];
	s0 =	simm.s32 @p1 $0x1  }
0x15: {  	[smem:$0x3FB8] =	sst s0;
	s0 =	simm.s32 @!p2 $0x0  }
0x16: {  	s3 =	sld [smem:$0x3FDB];
	s0 =	simm.s32 @p2 $0x1  }
0x17: {  	s4 =	simm.s32 $0x1BF5;
	[smem:$0x3FBA] =	sst s0  }
0x18: {  	s0 =	sld [smem:$0x3F9D];
	_ =	swait.ge [sflag:s4], $0x0  }
0x19: {  	s7 =	sld [smem:$0x3F9E]  }
0x1a: {  	s8 =	sadd.s32 $0xFFFFE003, lr  }
0x1b: {  	s9 =	sadd.s32 $0xFFFFFEF7, lr;
	s5 =	simm.s32 $0xFFFFFFFF;
	p2 =	slt.u32 s8, $0xFFFFF086  }
0x1c: {  	p1 =	slt.u32 s9, $0xF7A;
	s5 =	simm.s32 @!p2 $0x0  }
0x1d: {  	s5 =	simm.s32 @p1 $0x1;
	p0 =	seq.s32 s7, s2  }
0x1e: {  	s7 =	smul.u32 @!p0 $0xF7A, s2;
	p2 =	seq.s32 @!p0 s5, $0x0  }
0x1f: {  	s9 =	smul.u32 $0xF7A, s1;
	s8 =	simm.s32 @!p0 $0x1BF5;
	p2 =	por !p2, p0  }
0x20: {  	[sflag:s8] =	ssyncset.s32 @!p0 $0xFFFFF086;
	s6 =	sadd.s32 @!p0 s3, s7;
	s7 =	simm.s32 @!p0 $0x108  }
0x21: {  	s3 =	sadd.s32 s3, s9;
	s6 =	sadd.s32 @!p0 $0x88, s6;
	s7 =	simm.s32 @p2 $0x1082  }
0x22: {  	[simem:s7], [sflag:s8] =	dma.local @!p0 [hbm:s6], $0xF7A  }
0x23: {  	s9 =	sor.u32 $0xD0000000, s2;
	s6 =	simm.s32 $0x108;
	_ =	swait.ge @!p0 [sflag:s8], $0x0  }
0x24: {  	s3 =	sadd.s32 $0x88, s3;
	s6 =	simm.s32 @!p1 $0x1082;
	[sflag:s4] =	ssyncset.s32 $0xFFFFF086  }
0x25: {  	[simem:s6], [sflag:s4] =	dma.local [hbm:s3], $0xF7A  }
0x26: {  	[smem:$0x3F9E] =	sst s1;
	(tag) =	ssettag s2;
	_ =	strace s9  }
0x27: {  	s1 =	sld [smem:$0x3FAE]  }
0x28: {  	s2 =	sld [smem:$0x3FAF]  }
0x29: {  	s4 =	sld [smem:$0x3FB1]  }
0x2a: {  	p0 =	seq.s32 s5, $0x0;
	s5 =	sld [smem:$0x3FB2]  }
0x2b: {  	s6 =	sld [smem:$0x3FB3]  }
0x2c: {  	s7 =	sld [smem:$0x3FB4]  }
0x2d: {  	s3 =	simm.s32 $0x108;
	s8 =	sld [smem:$0x3FB5]  }
0x2e: {  	s3 =	simm.s32 @!p0 $0x1082;
	s9 =	sld [smem:$0x3FB6]  }
0x2f: {  	lr =	sadd.s32 s0, s3;
	s0 =	sld [smem:$0x3FAD]  }
0x30: {  	s3 =	sld [smem:$0x3FB0]  }
0x31: {  	[smem:$0x3FB9] =	sst s10  }
0x32: {  	s10 =	sld [smem:$0x3FB7];
	_ =	sdelay $0x3  }
0x33: {  	p0 =	seq.s32 s10, $0x1;
	s10 =	sld [smem:$0x3FB9];
	_ =	sdelay $0x3  }
0x34: {  	[smem:$0x3FB9] =	sst s10  }
0x35: {  	s10 =	sld [smem:$0x3FB8];
	_ =	sdelay $0x3  }
0x36: {  	p1 =	seq.s32 s10, $0x1;
	s10 =	sld [smem:$0x3FB9];
	_ =	sdelay $0x3  }
0x37: {  	[smem:$0x3FB9] =	sst s10  }
0x38: {  	s10 =	sld [smem:$0x3FBA]  }
0x39: {  	_ = 	snop;
	(pc) =	sbr.ind lr, $3  }
0x3a: {  	_ = 	snop  }
0x3b: {  	_ = 	snop  }
0x3c: {  	p2 =	seq.s32 s10, $0x1;
	s10 =	sld [smem:$0x3FB9]  }
0x3d: {  	_ =	shalt  }
0x3e: {  	_ =	shalt  }
0x3f: {  	_ =	shalt  }
0x40: {  	_ =	shalt  }
0x41: {  	_ =	shalt  }
0x42: {  	_ =	shalt  }
0x43: {  	_ =	shalt  }
0x44: {  	_ =	shalt  }
0x45: {  	_ =	shalt  }
0x46: {  	_ =	shalt  }
0x47: {  	_ =	shalt  }
0x48: {  	_ =	shalt  }
0x49: {  	_ =	shalt  }
0x4a: {  	_ =	shalt  }
0x4b: {  	_ =	shalt  }
0x4c: {  	_ =	shalt  }
0x4d: {  	_ =	shalt  }
0x4e: {  	_ =	shalt  }
0x4f: {  	_ =	shalt  }
0x50: {  	_ =	shalt  }
0x51: {  	_ =	shalt  }
0x52: {  	_ =	shalt  }
0x53: {  	_ =	shalt  }
0x54: {  	_ =	shalt  }
0x55: {  	_ =	shalt  }
0x56: {  	_ =	shalt  }
0x57: {  	_ =	shalt  }
0x58: {  	_ =	shalt  }
0x59: {  	_ =	shalt  }
0x5a: {  	_ =	shalt  }
0x5b: {  	_ =	shalt  }
0x5c: {  	_ =	shalt  }
0x5d: {  	_ =	shalt  }
0x5e: {  	_ =	shalt  }
0x5f: {  	_ =	shalt  }
0x60: {  	_ =	shalt  }
0x61: {  	_ =	shalt  }
0x62: {  	_ =	shalt  }
0x63: {  	_ =	shalt  }
0x64: {  	_ =	shalt  }
0x65: {  	_ =	shalt  }
0x66: {  	_ =	shalt  }
0x67: {  	_ =	shalt  }
0x68: {  	_ =	shalt  }
0x69: {  	_ =	shalt  }
0x6a: {  	_ =	shalt  }
0x6b: {  	_ =	shalt  }
0x6c: {  	_ =	shalt  }
0x6d: {  	_ =	shalt  }
0x6e: {  	_ =	shalt  }
0x6f: {  	_ =	shalt  }
0x70: {  	_ =	shalt  }
0x71: {  	_ =	shalt  }
0x72: {  	_ =	shalt  }
0x73: {  	_ =	shalt  }
0x74: {  	_ =	shalt  }
0x75: {  	_ =	shalt  }
0x76: {  	_ =	shalt  }
0x77: {  	_ =	shalt  }
0x78: {  	_ =	shalt  }
0x79: {  	_ =	shalt  }
0x7a: {  	_ =	shalt  }
0x7b: {  	_ =	shalt  }
0x7c: {  	_ =	shalt  }
0x7d: {  	_ =	shalt  }
0x7e: {  	_ =	shalt  }
0x7f: {  	_ =	shalt  }
0x80: {  	_ =	shalt  }
0x81: {  	_ =	shalt  }
0x82: {  	_ =	shalt  }
0x83: {  	_ =	shalt  }
0x84: {  	_ =	shalt  }
0x85: {  	_ =	shalt  }
0x86: {  	_ =	shalt  }
0x87: {  	_ =	shalt  }
.Lfunc_end0:
.L_simem_size_0:
called_computation_lowered:
.L_overlay_start_0:
0x88: {  	s2 =	sld [smem:$0x3FD9]  }
0x89: {  	s3 =	sld [smem:$0x3FFE];
	_ =	sdelay $0x1  }
0x8a: {  	s1 =	srdreg.scid  }
0x8b: {  	s0 =	sand.u32 $0x1, s1  }
0x8c: {  	s17 =	sshll.u32 s0, $0xA;
	s2 =	sadd.s32 s3, s2  }
0x8d: {  	s2 =	sadd.s32 s2, s17  }
0x8e: {  	[smem:$0x3FC5] =	sst s2  }
0x8f: {  	_ = 	snop  }
0x90: {  	s2 =	sld [smem:$0x3FC9]  }
0x91: {  	s18 =	sld [smem:$0x3FC8]  }
0x92: {  	s4 =	sld [smem:$0x3FD0];
	(tm) =	ssettm $0x1  }
0x93: {  	s5 =	sld [smem:$0x3FFB];
	_ =	sdelay $0x3  }
0x94: {  	_ =	strace s5  }
0x95: {  	s5 =	sld [smem:$0x3FFC];
	_ =	sdelay $0x3  }
0x96: {  	_ =	strace s5  }
0x97: {  	s5 =	sld [smem:$0x3FFD];
	_ =	sdelay $0x3  }
0x98: {  	_ =	strace s5  }
0x99: {  	_ =	strace $0x8FFFFFFF  }
0x9a: {  	s19 =	sld [smem:$0x3FDB];
	_ =	sdelay $0x1  }
0x9b: {  	s6 =	simm.s32 $_scs_section_size  }
0x9c: {  	s7 =	simm.s32 $_size__tile_overlayer_lowered;
	s8 =	simm.s32 $_tile_overlayer_lowered  }
0x9d: {  	s22 =	simm.s32 $0x1BFF;
	s21 =	sshll.u32 s8, $0x1;
	s5 =	sadd.s32 s6, s19  }
0x9e: {  	s9 =	simm.s32 $0x0;
	s20 =	sshll.u32 s7, $0x1;
	s7 =	sadd.s32 s21, s5  }
0x9f: {  	[timem:s9], [sflag:s22] =	dma.local [hbm:s7], s20  }
0xa0: {  	_ =	swait.ge [sflag:s22], s20  }
0xa1: {  	s6 =	ssub.s32 $0x0, s20;
	[sflag:s22] =	ssyncset.done $0x0  }
0xa2: {  	[sflag:s22] =	ssyncadd.s32 s6;
	_ =	sdelay $0x1  }
0xa3: {  	s23 =	simm.s32 $0x1B8B  }
0xa4: {  	_ =	swait.ge [sflag:s23], $0x1  }
0xa5: {  	[sflag:s23] =	ssyncset.done $0x0  }
0xa6: {  	s25 =	simm.s32 $0x1B8E;
	s24 =	sld [smem:$0x3FFE];
	[sflag:s23] =	ssyncadd.s32 $0xFFFFFFFF  }
0xa7: {  	s26 =	simm.s32 $execute0_lowered;
	[smem:$0x3FD2] =	sst s25  }
0xa8: {  	s7 =	sshll.u32 s26, $0x1;
	_ =	strace $0x80000046;
	[dreg:$0x1] =	wrdreg $0xFFFFFFFF  }
0xa9: {  	s28 =	simm.s32 $_size_execute0_lowered;
	s5 =	sadd.s32 s5, s7;
	[dreg:$0x0] =	wrdreg $0x0  }
0xaa: {  	s7 =	sshll.u32 s28, $0x1;
	[dreg:$0x2] =	wrdreg s5  }
0xab: {  	[dreg:$0x3] =	wrdreg s7  }
0xac: {  	[dreg:$0x4] =	wrdreg $0xC0  }
0xad: {  	_ =	task [dreg:s9], $0x5FFFF  }
0xae: {  	[dreg:$0x1] =	wrdreg $0xFFFFFFFF  }
0xaf: {  	[dreg:$0x0] =	wrdreg $0x60  }
0xb0: {  	[dreg:$0x2] =	wrdreg s2  }
0xb1: {  	[dreg:$0x3] =	wrdreg s18  }
0xb2: {  	[dreg:$0x4] =	wrdreg s24  }
0xb3: {  	[dreg:$0x5] =	wrdreg s4  }
0xb4: {  	[dreg:$0x6] =	wrdreg $0x9  }
0xb5: {  	_ =	task.clear_ibuf [dreg:s9], $0x7FFFF;
	_ =	strace $0x90000046  }
0xb6: {  	s29 =	simm.s32 $0x9;
	_ =	strace $0x80000048  }
0xb7: {  	_ =	swait.ge [sflag:s29], $0x1  }
0xb8: {  	[sflag:s29] =	ssyncadd.s32 $0xFFFFFFFF  }
0xb9: {  	_ =	strace $0x90000048  }
0xba: {  	_ =	sfence  }
0xbb: {  	s30 =	sld [smem:$0x0];
	_ =	sdelay $0x2  }
0xbc: {  	s31 =	sshll.u32 s1, $0xD;
	s1 =	sshrl.u32 s1, $0x2  }
0xbd: {  	s3 =	sand.u32 $0x4000, s31;
	s1 =	sadd.s32 s1, s30  }
0xbe: {  	s0 =	sor.u32 s3, s0;
	s1 =	sshll.u32 s1, $0x11  }
0xbf: {  	s0 =	sor.u32 s1, s0  }
0xc0: {  	s0 =	sadd.s32 $0x8F2B, s0  }
0xc1: {  	[sflag:s0] =	ssyncadd.remote.s32 $0x1  }
0xc2: {  	_ =	sfence.sel $0xFFFF  }
0xc3: {  	[dreg:$0x0] =	wrdreg $0xFFFFFFFF;
	(pc) =	sbr.abs _section_cstart, $3  }
0xc4: {  	[dreg:$0x1] =	wrdreg $0xFFFFFFFF  }
0xc5: {  	_ =	task.clear_ibuf [dreg:s9], $0x2FFFF;
	_ =	strace $0x9FFFFFFF  }
0xc6: {  	(tm) =	ssettm $0x7FFFFFFF  }
0xc7: {  	_ =	shalt  }
tec
execute0_lowered:
.L_overlay_start_1:
0x0: {  	(tag) =	ssettag $0x1  }
0x1: {  	s0 =	srdreg.scid;
	s1 =	rddreg [dreg:$0x0]  }
0x2: {  	s2 =	rddreg [dreg:$0x1];
	s4 =	stileid.u32  }
0x3: {  	s7 =	rddreg [dreg:$0x2];
	s5 =	simm.s32 $0x0;
	s6 =	simm.s32 $0x1  }
0x4: {  	s9 =	simm.s32 $0x1;
	s19 =	simm.s32 $0x5;
	s21 =	simm.s32 $0x4000  }
0x5: {  	s22 =	simm.s32 $0xC000;
	s23 =	simm.s32 $0x10000;
	s28 =	simm.s32 $0x4  }
0x6: {  	s29 =	simm.s32 $0x0;
	s0 =	sand.u32 $0x1, s0;
	s11 =	sand.u32 $0x7, s4  }
0x7: {  	[smem:$0x7FF] =	sst s5;
	s24 =	sadd.s32 $0x400, s7;
	s3 =	sshll.u32 s0, $0x4  }
0x8: {  	p1 =	sne.s32 s11, $0x0;
	s0 =	ssub.s32 $0x2, s0;
	s3 =	sor.u32 s4, s3  }
0x9: {  	s16 =	sshll.u32 s11, $0x14;
	s11 =	sshll.u32 s11, $0x11;
	p0 =	seq.s32 s3, $0x0  }
0xa: {  	s4 =	rddreg [dreg:$0x3];
	_ =	strace $0x80000047;
	p0 =	por !p1, !p0  }
0xb: {  	[dreg:$0x5] =	wrdreg s24;
	s25 =	sshrl.u32 s0, $0x1;
	p0 =	por !p0, !p0  }
0xc: {  	s30 =	sor.u32 $0x4000, s16;
	s3 =	sshrl.u32 s3, $0x3;
	s6 =	simm.s32 @!p0 $0x0  }
0xd: {  	s11 =	sadd.s32 s2, s11;
	s15 =	sor.u32 $0x8000, s16;
	s3 =	ssub.s32 s3, s6  }
0xe: {  	s24 =	simm.s32 $0x2;
	s0 =	ssub.s32 s0, s25;
	s6 =	sshll.u32 s3, $0x17  }
.Ltmp0:
0xf: {  	s7 =	sshrl.u32 s30, $0x3;
	s8 =	sor.u32 s16, s6;
	(pc) =	sbr.rel .LBB2_1-.Ltmp0, $4  }
0x10: {  	s25 =	simm.s32 $0x14000;
	s13 =	sadd.s32 s2, s7;
	s26 =	sshrl.u32 s8, $0x3  }
0x11: {  	s17 =	smax.u32 s0, $0x1;
	s31 =	sor.u32 s30, s6;
	s3 =	sadd.s32 s1, s26  }
0x12: {  	s16 =	sor.u32 $0xC000, s16;
	[dreg:$0x6] =	wrdreg s3;
	s3 =	sshrl.u32 s31, $0x3  }
0x13: {  	s14 =	sor.u32 $0x4000, s8;
	s26 =	simm.s32 $0x3;
	s12 =	sadd.s32 s1, s3  }
.LBB2_8:
0x14: {  	s29 =	sadd.s32 $0x1, s29  }
0x15: {  	_ =	swait.ge [sflag:s26], $0x4000;
	p0 =	sne.s32 s29, s17  }
.Ltmp1:
0x16: {  	[sflag:s26] =	ssyncset.done $0x0;
	(pc) =	sbr.rel @!p0 .LBB2_9-.Ltmp1, $4  }
0x17: {  	[sflag:s26] =	ssyncadd.s32 $0xFFFFC000  }
0x18: {  	_ =	swait.ge [sflag:s28], $0x4000  }
0x19: {  	[sflag:s28] =	ssyncset.done $0x0  }
0x1a: {  	[sflag:s28] =	ssyncadd.s32 $0xFFFFC000  }
.LBB2_1:
0x1b: {  	s0 =	rddreg [dreg:$0x5];
	s3 =	simm.s32 $0x18000  }
0x1c: {  	[tilespmem:s3], [sflag:$0x5] =	stream.linear.gather [hbm4b:s0+s5], $0x80, $0x38;
	[tilespmem:$0x18080] =	vst v63  }
0x1d: {  	_ =	swait.ge [sflag:s19], $0x80  }
0x1e: {  	[sflag:s19] =	ssyncset.done $0x0  }
0x1f: {  	s20 =	rddreg [dreg:$0x6];
	[sflag:s19] =	ssyncadd.s32 $0xFFFFFF80  }
0x20: {  	v0 =	vld [tilespmem:$0x18000];
	[tilespmem:s5], [sflag:$0x1] =	stream.linear.gather [hbm4b:s20+s5], $0x4000, $0x38  }
0x21: {  	s31 =	simm.s32 $0x8000  }
0x22: {  	[tilespmem:s31], [sflag:$0x1] =	stream.linear.gather [hbm4b:s11+s5], $0x4000, $0x38;
	[tilespmem:$0x18080] =	vst v63  }
0x23: {  	_ = 	snop  }
0x24: {  	[tilespmem:s21], [sflag:$0x2] =	stream.linear.gather [hbm4b:s12+s5], $0x4000, $0x38;
	[tilespmem:$0x18080] =	vst v63  }
0x25: {  	s30 =	simm.s32 $0x0  }
0x26: {  	[tilespmem:s22], [sflag:$0x2] =	stream.linear.gather [hbm4b:s13+s5], $0x4000, $0x38;
	[tilespmem:$0x18080] =	vst v63  }
.LBB2_2:
0x27: {  	_ =	swait.ge [sflag:s9], $0x4000  }
0x28: {  	[sflag:s9] =	ssyncset.done $0x0  }
0x29: {  	[sflag:s9] =	ssyncadd.s32 $0xFFFFC000  }
0x2a: {  	_ =	swait.ge [sflag:s9], $0x4000  }
0x2b: {  	p1 =	seq.s32 s30, $0x0;
	[sflag:s9] =	ssyncset.done $0x0  }
0x2c: {  	s0 =	simm.s32 @!p1 $0x3;
	[sflag:s9] =	ssyncadd.s32 $0xFFFFC000  }
0x2d: {  	s31 =	sshll.u32 s30, $0xF;
	_ =	swait.ge @!p1 [sflag:s0], $0x4000  }
0x2e: {  	s3 =	simm.s32 $0xFFFFC000;
	s18 =	simm.s32 $0x0;
	[sflag:s0] =	ssyncset.done @!p1 $0x0  }
0x2f: {  	s20 =	simm.s32 $0x0;
	[sflag:s0] =	ssyncadd.s32 @!p1 $0xFFFFC000;
	s0 =	simm.s32 $0x0  }
.LBB2_3:
0x30: {  	s7 =	sadd.s32 $0x4000, s3  }
0x31: {  	s10 =	sand.u32 $0x380, s20;
	s7 =	sand.u32 $0x2000, s7  }
0x32: {  	s7 =	sor.u32 s10, s7  }
0x33: {  	v1 =	vld [tilespmem:s7+$0x0]  }
0x34: {  	v2 =	vld [tilespmem:s7+$0x8000]  }
0x35: {  	v3 =	vld [tilespmem:s7+$0x10]  }
0x36: {  	v4 =	vld [tilespmem:s7+$0x8010]  }
0x37: {  	v5 =	vld [tilespmem:s7+$0x20]  }
0x38: {  	v6 =	vld [tilespmem:s7+$0x8020]  }
0x39: {  	v7 =	vld [tilespmem:s7+$0x30]  }
0x3a: {  	v8 =	vld [tilespmem:s7+$0x8030]  }
0x3b: {  	v9 =	vld [tilespmem:s7+$0x40]  }
0x3c: {  	v10 =	vld [tilespmem:s7+$0x8040]  }
0x3d: {  	v11 =	vld [tilespmem:s7+$0x50]  }
0x3e: {  	v12 =	vld [tilespmem:s7+$0x8050]  }
0x3f: {  	v13 =	vld [tilespmem:s7+$0x60]  }
0x40: {  	v14 =	vld [tilespmem:s7+$0x8060]  }
0x41: {  	v15 =	vld [tilespmem:s7+$0x70]  }
0x42: {  	v16 =	vld [tilespmem:s7+$0x8070]  }
0x43: {  	v17 =	vld [tilespmem:s7+$0x400]  }
0x44: {  	v18 =	vld [tilespmem:s7+$0x8400]  }
0x45: {  	v19 =	vld [tilespmem:s7+$0x410]  }
0x46: {  	v20 =	vld [tilespmem:s7+$0x8410]  }
0x47: {  	v21 =	vld [tilespmem:s7+$0x420]  }
0x48: {  	v22 =	vld [tilespmem:s7+$0x8420]  }
0x49: {  	v23 =	vld [tilespmem:s7+$0x430]  }
0x4a: {  	v24 =	vld [tilespmem:s7+$0x8430]  }
0x4b: {  	v25 =	vld [tilespmem:s7+$0x440]  }
0x4c: {  	v26 =	vld [tilespmem:s7+$0x8440]  }
0x4d: {  	v27 =	vld [tilespmem:s7+$0x450]  }
0x4e: {  	v28 =	vld [tilespmem:s7+$0x8450]  }
0x4f: {  	v29 =	vld [tilespmem:s7+$0x460]  }
0x50: {  	v30 =	vld [tilespmem:s7+$0x8460]  }
0x51: {  	v31 =	vld [tilespmem:s7+$0x470]  }
0x52: {  	v32 =	vld [tilespmem:s7+$0x8470]  }
0x53: {  	v33 =	vld [tilespmem:s7+$0x800]  }
0x54: {  	v34 =	vld [tilespmem:s7+$0x8800]  }
0x55: {  	v35 =	vld [tilespmem:s7+$0x810]  }
0x56: {  	v36 =	vld [tilespmem:s7+$0x8810]  }
0x57: {  	v37 =	vld [tilespmem:s7+$0x820]  }
0x58: {  	v38 =	vld [tilespmem:s7+$0x8820]  }
0x59: {  	v39 =	vld [tilespmem:s7+$0x830]  }
0x5a: {  	v40 =	vld [tilespmem:s7+$0x8830]  }
0x5b: {  	v41 =	vld [tilespmem:s7+$0x840]  }
0x5c: {  	v42 =	vld [tilespmem:s7+$0x8840]  }
0x5d: {  	v43 =	vld [tilespmem:s7+$0x850]  }
0x5e: {  	v44 =	vld [tilespmem:s7+$0x8850]  }
0x5f: {  	v45 =	vld [tilespmem:s7+$0x860]  }
0x60: {  	v46 =	vld [tilespmem:s7+$0x8860]  }
0x61: {  	v47 =	vld [tilespmem:s7+$0x870]  }
0x62: {  	v48 =	vld [tilespmem:s7+$0x8870]  }
0x63: {  	v49 =	vld [tilespmem:s7+$0xC00]  }
0x64: {  	v50 =	vld [tilespmem:s7+$0x8C00]  }
0x65: {  	v51 =	vld [tilespmem:s7+$0xC10]  }
0x66: {  	v52 =	vld [tilespmem:s7+$0x8C10]  }
0x67: {  	v53 =	vld [tilespmem:s7+$0xC20]  }
0x68: {  	v54 =	vld [tilespmem:s7+$0x8C20]  }
0x69: {  	v55 =	vld [tilespmem:s7+$0xC30]  }
0x6a: {  	v56 =	vld [tilespmem:s7+$0x8C30]  }
0x6b: {  	v57 =	vld [tilespmem:s7+$0xC40]  }
0x6c: {  	v58 =	vld [tilespmem:s7+$0x8C40]  }
0x6d: {  	v59 =	vld [tilespmem:s7+$0xC50]  }
0x6e: {  	v60 =	vld [tilespmem:s7+$0x8C50];
	v2 =	vmul.f32 v2, v0  }
0x6f: {  	v61 =	vld [tilespmem:s7+$0xC60];
	v4 =	vmul.f32 v4, v0  }
0x70: {  	v63 =	vmul.f32 v8, v0;
	v8 =	vld [tilespmem:s7+$0xC70];
	v1 =	vadd.f32 v2, v1;
	v2 =	vmul.f32 v6, v0  }
0x71: {  	v62 =	vmul.f32 v16, v0;
	v16 =	vld [tilespmem:s7+$0x1040];
	v3 =	vadd.f32 v4, v3  }
0x72: {  	v6 =	vld [tilespmem:s7+$0x8C60];
	[tilespmem:s7+$0x10000] =	vst v1;
	v1 =	vadd.f32 v2, v5;
	v2 =	vmul.f32 v10, v0  }
0x73: {  	v12 =	vmul.f32 v12, v0;
	v5 =	vld [tilespmem:s7+$0x8C70];
	[tilespmem:s7+$0x10010] =	vst v3;
	v3 =	vadd.f32 v63, v7  }
0x74: {  	v7 =	vld [tilespmem:s7+$0x1000];
	[tilespmem:s7+$0x10020] =	vst v1;
	v1 =	vadd.f32 v2, v9;
	v2 =	vmul.f32 v14, v0  }
0x75: {  	v10 =	vld [tilespmem:s7+$0x1010];
	[tilespmem:s7+$0x10030] =	vst v3;
	v3 =	vadd.f32 v12, v11  }
0x76: {  	v63 =	vld [tilespmem:s7+$0x9010];
	[tilespmem:s7+$0x10040] =	vst v1;
	v1 =	vadd.f32 v2, v13;
	v2 =	vmul.f32 v18, v0  }
0x77: {  	v20 =	vmul.f32 v20, v0;
	v9 =	vld [tilespmem:s7+$0x9000];
	[tilespmem:s7+$0x10050] =	vst v3;
	v3 =	vadd.f32 v62, v15  }
0x78: {  	v12 =	vld [tilespmem:s7+$0x1020];
	[tilespmem:s7+$0x10060] =	vst v1;
	v1 =	vadd.f32 v2, v17;
	v2 =	vmul.f32 v22, v0  }
0x79: {  	v24 =	vmul.f32 v24, v0;
	v14 =	vld [tilespmem:s7+$0x1030];
	[tilespmem:s7+$0x10070] =	vst v3;
	v3 =	vadd.f32 v20, v19  }
0x7a: {  	v13 =	vld [tilespmem:s7+$0x9020];
	[tilespmem:s7+$0x10400] =	vst v1;
	v1 =	vadd.f32 v2, v21;
	v2 =	vmul.f32 v26, v0  }
0x7b: {  	v28 =	vmul.f32 v28, v0;
	v15 =	vld [tilespmem:s7+$0x9030];
	[tilespmem:s7+$0x10410] =	vst v3;
	v3 =	vadd.f32 v24, v23  }
0x7c: {  	v18 =	vld [tilespmem:s7+$0x1050];
	[tilespmem:s7+$0x10420] =	vst v1;
	v1 =	vadd.f32 v2, v25;
	v2 =	vmul.f32 v30, v0  }
0x7d: {  	v32 =	vmul.f32 v32, v0;
	v62 =	vld [tilespmem:s7+$0x9450];
	[tilespmem:s7+$0x10430] =	vst v3;
	v3 =	vadd.f32 v28, v27  }
0x7e: {  	v17 =	vld [tilespmem:s7+$0x9040];
	[tilespmem:s7+$0x10440] =	vst v1;
	v1 =	vadd.f32 v2, v29;
	v2 =	vmul.f32 v34, v0  }
0x7f: {  	v36 =	vmul.f32 v36, v0;
	v19 =	vld [tilespmem:s7+$0x9050];
	[tilespmem:s7+$0x10450] =	vst v3;
	v3 =	vadd.f32 v32, v31  }
0x80: {  	v20 =	vld [tilespmem:s7+$0x1060];
	[tilespmem:s7+$0x10460] =	vst v1;
	v1 =	vadd.f32 v2, v33;
	v2 =	vmul.f32 v38, v0  }
0x81: {  	v40 =	vmul.f32 v40, v0;
	v22 =	vld [tilespmem:s7+$0x1070];
	[tilespmem:s7+$0x10470] =	vst v3;
	v3 =	vadd.f32 v36, v35  }
0x82: {  	v21 =	vld [tilespmem:s7+$0x9060];
	[tilespmem:s7+$0x10800] =	vst v1;
	v1 =	vadd.f32 v2, v37;
	v2 =	vmul.f32 v42, v0  }
0x83: {  	v23 =	vld [tilespmem:s7+$0x9070];
	[tilespmem:s7+$0x10810] =	vst v3;
	v3 =	vadd.f32 v40, v39;
	v42 =	vmul.f32 v44, v0  }
0x84: {  	v24 =	vld [tilespmem:s7+$0x1400];
	[tilespmem:s7+$0x10820] =	vst v1;
	v1 =	vadd.f32 v2, v41;
	v2 =	vmul.f32 v46, v0  }
0x85: {  	v26 =	vld [tilespmem:s7+$0x1410];
	v44 =	vmul.f32 v48, v0;
	[tilespmem:s7+$0x10830] =	vst v3;
	v3 =	vadd.f32 v42, v43  }
0x86: {  	v25 =	vld [tilespmem:s7+$0x9400];
	[tilespmem:s7+$0x10840] =	vst v1;
	v1 =	vadd.f32 v2, v45;
	v2 =	vmul.f32 v50, v0  }
0x87: {  	v28 =	vld [tilespmem:s7+$0x1420];
	v48 =	vmul.f32 v52, v0;
	[tilespmem:s7+$0x10850] =	vst v3;
	v3 =	vadd.f32 v44, v47  }
0x88: {  	v34 =	vld [tilespmem:s7+$0x9460];
	[tilespmem:s7+$0x10860] =	vst v1;
	v1 =	vadd.f32 v2, v49;
	v2 =	vmul.f32 v54, v0  }
0x89: {  	v33 =	vld [tilespmem:s7+$0x1460];
	[tilespmem:s7+$0x10870] =	vst v3;
	v3 =	vadd.f32 v48, v51;
	v51 =	vmul.f32 v56, v0  }
0x8a: {  	v36 =	vld [tilespmem:s7+$0x1470];
	[tilespmem:s7+$0x10C00] =	vst v1;
	v1 =	vadd.f32 v2, v53;
	v2 =	vmul.f32 v58, v0  }
0x8b: {  	v52 =	vld [tilespmem:s7+$0x1430];
	[tilespmem:s7+$0x10C10] =	vst v3;
	v3 =	vadd.f32 v51, v55;
	v55 =	vmul.f32 v60, v0  }
0x8c: {  	v37 =	vld [tilespmem:s7+$0x9470];
	[tilespmem:s7+$0x10C20] =	vst v1;
	v1 =	vadd.f32 v2, v57;
	v2 =	vmul.f32 v6, v0  }
0x8d: {  	v39 =	vld [tilespmem:s7+$0x1800];
	[tilespmem:s7+$0x10C30] =	vst v3;
	v3 =	vadd.f32 v55, v59;
	v59 =	vmul.f32 v5, v0  }
0x8e: {  	v40 =	vld [tilespmem:s7+$0x9800];
	[tilespmem:s7+$0x10C40] =	vst v1;
	v1 =	vadd.f32 v2, v61;
	v2 =	vmul.f32 v9, v0  }
0x8f: {  	v63 =	vmul.f32 v63, v0;
	v46 =	vld [tilespmem:s7+$0x9410];
	[tilespmem:s7+$0x10C50] =	vst v3;
	v3 =	vadd.f32 v59, v8  }
0x90: {  	v42 =	vld [tilespmem:s7+$0x1810];
	[tilespmem:s7+$0x10C60] =	vst v1;
	v1 =	vadd.f32 v2, v7;
	v2 =	vmul.f32 v13, v0  }
0x91: {  	v35 =	vmul.f32 v15, v0;
	v43 =	vld [tilespmem:s7+$0x9810];
	[tilespmem:s7+$0x10C70] =	vst v3;
	v3 =	vadd.f32 v63, v10  }
0x92: {  	v50 =	vld [tilespmem:s7+$0x9420];
	[tilespmem:s7+$0x11000] =	vst v1;
	v1 =	vadd.f32 v2, v12;
	v2 =	vmul.f32 v17, v0  }
0x93: {  	v38 =	vmul.f32 v19, v0;
	v45 =	vld [tilespmem:s7+$0x1820];
	[tilespmem:s7+$0x11010] =	vst v3;
	v3 =	vadd.f32 v35, v14  }
0x94: {  	v54 =	vld [tilespmem:s7+$0x9430];
	[tilespmem:s7+$0x11020] =	vst v1;
	v1 =	vadd.f32 v2, v16;
	v2 =	vmul.f32 v21, v0  }
0x95: {  	v41 =	vmul.f32 v23, v0;
	v58 =	vld [tilespmem:s7+$0x9440];
	[tilespmem:s7+$0x11030] =	vst v3;
	v3 =	vadd.f32 v38, v18  }
0x96: {  	v56 =	vld [tilespmem:s7+$0x1440];
	[tilespmem:s7+$0x11040] =	vst v1;
	v1 =	vadd.f32 v2, v20;
	v2 =	vmul.f32 v25, v0  }
0x97: {  	v48 =	vld [tilespmem:s7+$0x1830];
	v44 =	vmul.f32 v46, v0;
	[tilespmem:s7+$0x11050] =	vst v3;
	v3 =	vadd.f32 v41, v22  }
0x98: {  	v60 =	vld [tilespmem:s7+$0x1450];
	[tilespmem:s7+$0x11060] =	vst v1;
	v1 =	vadd.f32 v2, v24;
	v2 =	vmul.f32 v50, v0  }
0x99: {  	v49 =	vld [tilespmem:s7+$0x9830];
	v47 =	vmul.f32 v54, v0;
	[tilespmem:s7+$0x11070] =	vst v3;
	v3 =	vadd.f32 v44, v26  }
0x9a: {  	v46 =	vld [tilespmem:s7+$0x9820];
	[tilespmem:s7+$0x11400] =	vst v1;
	v1 =	vadd.f32 v2, v28;
	v2 =	vmul.f32 v58, v0  }
0x9b: {  	v51 =	vld [tilespmem:s7+$0x1840];
	v50 =	vmul.f32 v62, v0;
	[tilespmem:s7+$0x11410] =	vst v3;
	v3 =	vadd.f32 v47, v52  }
0x9c: {  	v55 =	vld [tilespmem:s7+$0x9850];
	[tilespmem:s7+$0x11420] =	vst v1;
	v1 =	vadd.f32 v2, v56;
	v2 =	vmul.f32 v34, v0  }
0x9d: {  	v53 =	vmul.f32 v37, v0;
	v52 =	vld [tilespmem:s7+$0x9840];
	[tilespmem:s7+$0x11430] =	vst v3;
	v3 =	vadd.f32 v50, v60  }
0x9e: {  	v57 =	vld [tilespmem:s7+$0x9860];
	[tilespmem:s7+$0x11440] =	vst v1;
	v1 =	vadd.f32 v2, v33;
	v2 =	vmul.f32 v40, v0  }
0x9f: {  	v54 =	vld [tilespmem:s7+$0x1850];
	v56 =	vmul.f32 v43, v0;
	[tilespmem:s7+$0x11450] =	vst v3;
	v3 =	vadd.f32 v53, v36  }
0xa0: {  	v58 =	vld [tilespmem:s7+$0x9870];
	[tilespmem:s7+$0x11460] =	vst v1;
	v1 =	vadd.f32 v2, v39;
	v2 =	vmul.f32 v46, v0  }
0xa1: {  	v59 =	vmul.f32 v49, v0;
	v60 =	vld [tilespmem:s7+$0x1860];
	[tilespmem:s7+$0x11470] =	vst v3;
	v3 =	vadd.f32 v56, v42  }
0xa2: {  	v61 =	vld [tilespmem:s7+$0x1870];
	[tilespmem:s7+$0x11800] =	vst v1;
	v1 =	vadd.f32 v2, v45;
	v2 =	vmul.f32 v52, v0  }
0xa3: {  	v62 =	vmul.f32 v55, v0;
	[tilespmem:s7+$0x11810] =	vst v3;
	v3 =	vadd.f32 v59, v48  }
0xa4: {  	[tilespmem:s7+$0x11820] =	vst v1;
	v1 =	vadd.f32 v2, v51;
	v2 =	vmul.f32 v57, v0  }
0xa5: {  	v63 =	vmul.f32 v58, v0;
	[tilespmem:s7+$0x11830] =	vst v3;
	v3 =	vadd.f32 v62, v54  }
0xa6: {  	s10 =	sand.u32 $0x7, s0;
	[tilespmem:s7+$0x11840] =	vst v1;
	v1 =	vadd.f32 v2, v60  }
0xa7: {  	s10 =	sshll.u32 s10, $0x7;
	[tilespmem:s7+$0x11850] =	vst v3;
	v2 =	vadd.f32 v63, v61  }
0xa8: {  	s10 =	sadd.s32 s10, s18;
	[tilespmem:s7+$0x11860] =	vst v1  }
0xa9: {  	[tilespmem:s7+$0x11870] =	vst v2;
	s7 =	sor.u32 $0x1C00, s10  }
0xaa: {  	v1 =	vld [tilespmem:s7+$0x8000];
	_ =	sdelay $0x1  }
0xab: {  	v2 =	vld [tilespmem:s7+$0x0];
	_ =	sdelay $0x2  }
0xac: {  	v1 =	vmul.f32 v1, v0;
	_ =	sdelay $0x1  }
0xad: {  	v1 =	vadd.f32 v1, v2;
	_ =	sdelay $0x1  }
0xae: {  	[tilespmem:s7+$0x10000] =	vst v1;
	s7 =	sor.u32 $0x1C10, s10  }
0xaf: {  	v1 =	vld [tilespmem:s7+$0x8000];
	_ =	sdelay $0x1  }
0xb0: {  	v2 =	vld [tilespmem:s7+$0x0];
	_ =	sdelay $0x2  }
0xb1: {  	v1 =	vmul.f32 v1, v0;
	_ =	sdelay $0x1  }
0xb2: {  	v1 =	vadd.f32 v1, v2;
	_ =	sdelay $0x1  }
0xb3: {  	[tilespmem:s7+$0x10000] =	vst v1;
	s7 =	sor.u32 $0x1C20, s10  }
0xb4: {  	v1 =	vld [tilespmem:s7+$0x8000];
	_ =	sdelay $0x1  }
0xb5: {  	v2 =	vld [tilespmem:s7+$0x0];
	_ =	sdelay $0x2  }
0xb6: {  	v1 =	vmul.f32 v1, v0;
	_ =	sdelay $0x1  }
0xb7: {  	v1 =	vadd.f32 v1, v2;
	_ =	sdelay $0x1  }
0xb8: {  	[tilespmem:s7+$0x10000] =	vst v1;
	s7 =	sor.u32 $0x1C30, s10  }
0xb9: {  	v1 =	vld [tilespmem:s7+$0x8000];
	_ =	sdelay $0x1  }
0xba: {  	v2 =	vld [tilespmem:s7+$0x0];
	_ =	sdelay $0x2  }
0xbb: {  	v1 =	vmul.f32 v1, v0;
	_ =	sdelay $0x1  }
0xbc: {  	v1 =	vadd.f32 v1, v2;
	_ =	sdelay $0x1  }
0xbd: {  	[tilespmem:s7+$0x10000] =	vst v1;
	s7 =	sor.u32 $0x1C40, s10  }
0xbe: {  	v1 =	vld [tilespmem:s7+$0x8000];
	_ =	sdelay $0x1  }
0xbf: {  	v2 =	vld [tilespmem:s7+$0x0];
	_ =	sdelay $0x2  }
0xc0: {  	v1 =	vmul.f32 v1, v0;
	_ =	sdelay $0x1  }
0xc1: {  	v1 =	vadd.f32 v1, v2;
	_ =	sdelay $0x1  }
0xc2: {  	[tilespmem:s7+$0x10000] =	vst v1;
	s7 =	sor.u32 $0x1C50, s10  }
0xc3: {  	v1 =	vld [tilespmem:s7+$0x8000];
	_ =	sdelay $0x1  }
0xc4: {  	v2 =	vld [tilespmem:s7+$0x0];
	_ =	sdelay $0x2  }
0xc5: {  	v1 =	vmul.f32 v1, v0;
	_ =	sdelay $0x1  }
0xc6: {  	v1 =	vadd.f32 v1, v2;
	_ =	sdelay $0x1  }
0xc7: {  	[tilespmem:s7+$0x10000] =	vst v1;
	s7 =	sor.u32 $0x1C60, s10  }
0xc8: {  	v1 =	vld [tilespmem:s7+$0x8000];
	_ =	sdelay $0x1  }
0xc9: {  	v2 =	vld [tilespmem:s7+$0x0];
	_ =	sdelay $0x2  }
0xca: {  	v1 =	vmul.f32 v1, v0;
	_ =	sdelay $0x1  }
0xcb: {  	v1 =	vadd.f32 v1, v2;
	_ =	sdelay $0x1  }
0xcc: {  	s10 =	sor.u32 $0x1C70, s10;
	[tilespmem:s7+$0x10000] =	vst v1  }
0xcd: {  	v1 =	vld [tilespmem:s10+$0x8000];
	_ =	sdelay $0x1  }
0xce: {  	v2 =	vld [tilespmem:s10+$0x0];
	_ =	sdelay $0x1  }
0xcf: {  	p0 =	sne.s32 s20, $0x780  }
.Ltmp2:
0xd0: {  	v1 =	vmul.f32 v1, v0;
	(pc) =	sbr.rel @p0 .LBB2_3-.Ltmp2, $4  }
0xd1: {  	_ = 	snop  }
0xd2: {  	v1 =	vadd.f32 v1, v2  }
0xd3: {  	s3 =	sadd.s32 $0x400, s3  }
0xd4: {  	s20 =	sadd.s32 $0x80, s20;
	s0 =	sadd.s32 $0x1, s0;
	s18 =	sadd.s32 $0x400, s18;
	[tilespmem:s10+$0x10000] =	vst v1  }
0xd5: {  	s0 =	sor.u32 s31, s8  }
0xd6: {  	s0 =	sshrl.u32 s0, $0x3  }
0xd7: {  	p0 =	seq.s32 s30, $0x1F;
	s0 =	sadd.s32 s4, s0  }
0xd8: {  	[hbm4b:s0+s5] =	stream.linear.scatter [tilespmem:s23], [sflag:$0x3], $0x4000, $0x38;
	[tilespmem:$0x18080] =	vst v63  }
0xd9: {  	s0 =	sadd.s32 @!p0 s31, s15  }
0xda: {  	s3 =	sadd.s32 @!p0 s6, s0  }
0xdb: {  	s3 =	sshrl.u32 @!p0 s3, $0x3  }
0xdc: {  	s7 =	simm.s32 @!p0 $0x0;
	s0 =	sshrl.u32 @!p0 s0, $0x3;
	s3 =	sadd.s32 @!p0 s1, s3  }
0xdd: {  	[tilespmem:s7], [sflag:$0x1] =	stream.linear.gather @!p0 [hbm4b:s3+s7], $0x4000, $0x38;
	[tilespmem:$0x18080] =	vst v63  }
0xde: {  	s0 =	sadd.s32 @!p0 s2, s0;
	s3 =	simm.s32 @!p0 $0x8000  }
0xdf: {  	[tilespmem:s3], [sflag:$0x1] =	stream.linear.gather @!p0 [hbm4b:s0+s7], $0x4000, $0x38;
	[tilespmem:$0x18080] =	vst v63  }
0xe0: {  	_ =	swait.ge [sflag:s24], $0x4000  }
0xe1: {  	[sflag:s24] =	ssyncset.done $0x0  }
0xe2: {  	[sflag:s24] =	ssyncadd.s32 $0xFFFFC000  }
0xe3: {  	_ =	swait.ge [sflag:s24], $0x4000  }
0xe4: {  	[sflag:s24] =	ssyncset.done $0x0  }
0xe5: {  	s0 =	simm.s32 @!p1 $0x4;
	[sflag:s24] =	ssyncadd.s32 $0xFFFFC000  }
0xe6: {  	_ =	swait.ge @!p1 [sflag:s0], $0x4000  }
0xe7: {  	[sflag:s0] =	ssyncset.done @!p1 $0x0  }
0xe8: {  	s3 =	simm.s32 $0x0;
	[sflag:s0] =	ssyncadd.s32 @!p1 $0xFFFFC000;
	s0 =	simm.s32 $0x0  }
.LBB2_5:
0xe9: {  	s7 =	sand.u32 $0x2000, s0;
	s10 =	sand.u32 $0x380, s3  }
0xea: {  	s18 =	sor.u32 s10, s7  }
0xeb: {  	v1 =	vld [tilespmem:s18+$0x4000]  }
0xec: {  	v2 =	vld [tilespmem:s18+$0xC000]  }
0xed: {  	v3 =	vld [tilespmem:s18+$0x4010]  }
0xee: {  	v4 =	vld [tilespmem:s18+$0xC010]  }
0xef: {  	v5 =	vld [tilespmem:s18+$0x4020]  }
0xf0: {  	v6 =	vld [tilespmem:s18+$0xC020]  }
0xf1: {  	v7 =	vld [tilespmem:s18+$0x4030]  }
0xf2: {  	v8 =	vld [tilespmem:s18+$0xC030]  }
0xf3: {  	v9 =	vld [tilespmem:s18+$0x4040]  }
0xf4: {  	v10 =	vld [tilespmem:s18+$0xC040]  }
0xf5: {  	v11 =	vld [tilespmem:s18+$0x4050]  }
0xf6: {  	v12 =	vld [tilespmem:s18+$0xC050];
	v2 =	vmul.f32 v2, v0  }
0xf7: {  	v13 =	vld [tilespmem:s18+$0xC060];
	v4 =	vmul.f32 v4, v0  }
0xf8: {  	v61 =	vld [tilespmem:s18+$0xC070];
	v1 =	vadd.f32 v2, v1;
	v2 =	vmul.f32 v6, v0  }
0xf9: {  	v63 =	vld [tilespmem:s18+$0x4060];
	v62 =	vmul.f32 v8, v0;
	v3 =	vadd.f32 v4, v3  }
0xfa: {  	[tilespmem:s18+$0x14000] =	vst v1;
	v1 =	vadd.f32 v2, v5;
	v2 =	vmul.f32 v10, v0;
	v10 =	vld [tilespmem:s18+$0x4070]  }
0xfb: {  	v14 =	vmul.f32 v12, v0;
	[tilespmem:s18+$0x14010] =	vst v3;
	v3 =	vadd.f32 v62, v7  }
0xfc: {  	[tilespmem:s18+$0x14020] =	vst v1;
	v1 =	vadd.f32 v2, v9;
	v2 =	vmul.f32 v13, v0  }
0xfd: {  	v15 =	vmul.f32 v61, v0;
	[tilespmem:s18+$0x14030] =	vst v3;
	v3 =	vadd.f32 v14, v11  }
0xfe: {  	[tilespmem:s18+$0x14040] =	vst v1;
	v1 =	vadd.f32 v2, v63  }
0xff: {  	s10 =	sand.u32 $0xFFFFE000, s0;
	[tilespmem:s18+$0x14050] =	vst v3;
	v2 =	vadd.f32 v15, v10  }
0x100: {  	s7 =	sadd.s32 s10, s3;
	[tilespmem:s18+$0x14060] =	vst v1  }
0x101: {  	s20 =	sor.u32 $0x4400, s7;
	[tilespmem:s18+$0x14070] =	vst v2  }
0x102: {  	v1 =	vld [tilespmem:s20+$0x8000];
	_ =	sdelay $0x1  }
0x103: {  	v2 =	vld [tilespmem:s20+$0x0];
	_ =	sdelay $0x2  }
0x104: {  	v1 =	vmul.f32 v1, v0;
	_ =	sdelay $0x1  }
0x105: {  	v1 =	vadd.f32 v1, v2;
	_ =	sdelay $0x1  }
0x106: {  	[tilespmem:s20+$0x10000] =	vst v1;
	s20 =	sor.u32 $0x4410, s7  }
0x107: {  	v1 =	vld [tilespmem:s20+$0x8000];
	_ =	sdelay $0x1  }
0x108: {  	v2 =	vld [tilespmem:s20+$0x0];
	_ =	sdelay $0x2  }
0x109: {  	v1 =	vmul.f32 v1, v0;
	_ =	sdelay $0x1  }
0x10a: {  	v1 =	vadd.f32 v1, v2;
	_ =	sdelay $0x1  }
0x10b: {  	[tilespmem:s20+$0x10000] =	vst v1;
	s20 =	sor.u32 $0x4420, s7  }
0x10c: {  	v1 =	vld [tilespmem:s20+$0x8000];
	_ =	sdelay $0x1  }
0x10d: {  	v2 =	vld [tilespmem:s20+$0x0];
	_ =	sdelay $0x2  }
0x10e: {  	v1 =	vmul.f32 v1, v0;
	_ =	sdelay $0x1  }
0x10f: {  	v1 =	vadd.f32 v1, v2;
	_ =	sdelay $0x1  }
0x110: {  	[tilespmem:s20+$0x10000] =	vst v1;
	s20 =	sor.u32 $0x4430, s7  }
0x111: {  	v1 =	vld [tilespmem:s20+$0x8000];
	_ =	sdelay $0x1  }
0x112: {  	v2 =	vld [tilespmem:s20+$0x0];
	_ =	sdelay $0x2  }
0x113: {  	v1 =	vmul.f32 v1, v0;
	_ =	sdelay $0x1  }
0x114: {  	v1 =	vadd.f32 v1, v2;
	_ =	sdelay $0x1  }
0x115: {  	[tilespmem:s20+$0x10000] =	vst v1;
	s20 =	sor.u32 $0x4440, s7  }
0x116: {  	v1 =	vld [tilespmem:s20+$0x8000];
	_ =	sdelay $0x1  }
0x117: {  	v2 =	vld [tilespmem:s20+$0x0];
	_ =	sdelay $0x2  }
0x118: {  	v1 =	vmul.f32 v1, v0;
	_ =	sdelay $0x1  }
0x119: {  	v1 =	vadd.f32 v1, v2;
	_ =	sdelay $0x1  }
0x11a: {  	[tilespmem:s20+$0x10000] =	vst v1;
	s20 =	sor.u32 $0x4450, s7  }
0x11b: {  	v1 =	vld [tilespmem:s20+$0x8000];
	_ =	sdelay $0x1  }
0x11c: {  	v2 =	vld [tilespmem:s20+$0x0];
	_ =	sdelay $0x2  }
0x11d: {  	v1 =	vmul.f32 v1, v0;
	_ =	sdelay $0x1  }
0x11e: {  	v1 =	vadd.f32 v1, v2;
	_ =	sdelay $0x1  }
0x11f: {  	[tilespmem:s20+$0x10000] =	vst v1;
	s20 =	sor.u32 $0x4460, s7  }
0x120: {  	v1 =	vld [tilespmem:s20+$0x8000];
	_ =	sdelay $0x1  }
0x121: {  	v2 =	vld [tilespmem:s20+$0x0];
	_ =	sdelay $0x2  }
0x122: {  	v1 =	vmul.f32 v1, v0;
	_ =	sdelay $0x1  }
0x123: {  	v1 =	vadd.f32 v1, v2;
	_ =	sdelay $0x1  }
0x124: {  	[tilespmem:s20+$0x10000] =	vst v1;
	s20 =	sor.u32 $0x4470, s7  }
0x125: {  	v1 =	vld [tilespmem:s20+$0x8000];
	_ =	sdelay $0x1  }
0x126: {  	v2 =	vld [tilespmem:s20+$0x0];
	_ =	sdelay $0x2  }
0x127: {  	v1 =	vmul.f32 v1, v0;
	_ =	sdelay $0x1  }
0x128: {  	v1 =	vadd.f32 v1, v2;
	_ =	sdelay $0x1  }
0x129: {  	[tilespmem:s20+$0x10000] =	vst v1  }
0x12a: {  	v1 =	vld [tilespmem:s18+$0x4800]  }
0x12b: {  	v2 =	vld [tilespmem:s18+$0xC800]  }
0x12c: {  	v3 =	vld [tilespmem:s18+$0x4810]  }
0x12d: {  	v16 =	vld [tilespmem:s18+$0xC810]  }
0x12e: {  	v17 =	vld [tilespmem:s18+$0x4820]  }
0x12f: {  	v18 =	vld [tilespmem:s18+$0xC820]  }
0x130: {  	v19 =	vld [tilespmem:s18+$0x4830]  }
0x131: {  	v20 =	vld [tilespmem:s18+$0xC830]  }
0x132: {  	v21 =	vld [tilespmem:s18+$0x4840]  }
0x133: {  	v22 =	vld [tilespmem:s18+$0xC840]  }
0x134: {  	v23 =	vld [tilespmem:s18+$0x4850]  }
0x135: {  	v24 =	vld [tilespmem:s18+$0xC850];
	v2 =	vmul.f32 v2, v0  }
0x136: {  	v25 =	vld [tilespmem:s18+$0xC860];
	v4 =	vmul.f32 v16, v0  }
0x137: {  	v26 =	vld [tilespmem:s18+$0xC870];
	v1 =	vadd.f32 v2, v1;
	v2 =	vmul.f32 v18, v0  }
0x138: {  	v28 =	vld [tilespmem:s18+$0x4860];
	v27 =	vmul.f32 v20, v0;
	v3 =	vadd.f32 v4, v3  }
0x139: {  	v29 =	vld [tilespmem:s18+$0x4870];
	[tilespmem:s18+$0x14800] =	vst v1;
	v1 =	vadd.f32 v2, v17;
	v2 =	vmul.f32 v22, v0  }
0x13a: {  	v30 =	vmul.f32 v24, v0;
	[tilespmem:s18+$0x14810] =	vst v3;
	v3 =	vadd.f32 v27, v19  }
0x13b: {  	[tilespmem:s18+$0x14820] =	vst v1;
	v1 =	vadd.f32 v2, v21;
	v2 =	vmul.f32 v25, v0  }
0x13c: {  	v31 =	vmul.f32 v26, v0;
	[tilespmem:s18+$0x14830] =	vst v3;
	v3 =	vadd.f32 v30, v23  }
0x13d: {  	[tilespmem:s18+$0x14840] =	vst v1;
	v1 =	vadd.f32 v2, v28  }
0x13e: {  	[tilespmem:s18+$0x14850] =	vst v3;
	v2 =	vadd.f32 v31, v29  }
0x13f: {  	[tilespmem:s18+$0x14860] =	vst v1  }
0x140: {  	s20 =	sor.u32 $0x4C00, s7;
	[tilespmem:s18+$0x14870] =	vst v2  }
0x141: {  	v1 =	vld [tilespmem:s20+$0x8000];
	_ =	sdelay $0x1  }
0x142: {  	v2 =	vld [tilespmem:s20+$0x0];
	_ =	sdelay $0x2  }
0x143: {  	v1 =	vmul.f32 v1, v0;
	_ =	sdelay $0x1  }
0x144: {  	v1 =	vadd.f32 v1, v2;
	_ =	sdelay $0x1  }
0x145: {  	[tilespmem:s20+$0x10000] =	vst v1;
	s20 =	sor.u32 $0x4C10, s7  }
0x146: {  	v1 =	vld [tilespmem:s20+$0x8000];
	_ =	sdelay $0x1  }
0x147: {  	v2 =	vld [tilespmem:s20+$0x0];
	_ =	sdelay $0x2  }
0x148: {  	v1 =	vmul.f32 v1, v0;
	_ =	sdelay $0x1  }
0x149: {  	v1 =	vadd.f32 v1, v2;
	_ =	sdelay $0x1  }
0x14a: {  	[tilespmem:s20+$0x10000] =	vst v1;
	s20 =	sor.u32 $0x4C20, s7  }
0x14b: {  	v1 =	vld [tilespmem:s20+$0x8000];
	_ =	sdelay $0x1  }
0x14c: {  	v2 =	vld [tilespmem:s20+$0x0];
	_ =	sdelay $0x2  }
0x14d: {  	v1 =	vmul.f32 v1, v0;
	_ =	sdelay $0x1  }
0x14e: {  	v1 =	vadd.f32 v1, v2;
	_ =	sdelay $0x1  }
0x14f: {  	[tilespmem:s20+$0x10000] =	vst v1;
	s20 =	sor.u32 $0x4C30, s7  }
0x150: {  	v1 =	vld [tilespmem:s20+$0x8000];
	_ =	sdelay $0x1  }
0x151: {  	v2 =	vld [tilespmem:s20+$0x0];
	_ =	sdelay $0x2  }
0x152: {  	v1 =	vmul.f32 v1, v0;
	_ =	sdelay $0x1  }
0x153: {  	v1 =	vadd.f32 v1, v2;
	_ =	sdelay $0x1  }
0x154: {  	[tilespmem:s20+$0x10000] =	vst v1;
	s20 =	sor.u32 $0x4C40, s7  }
0x155: {  	v1 =	vld [tilespmem:s20+$0x8000];
	_ =	sdelay $0x1  }
0x156: {  	v2 =	vld [tilespmem:s20+$0x0];
	_ =	sdelay $0x2  }
0x157: {  	v1 =	vmul.f32 v1, v0;
	_ =	sdelay $0x1  }
0x158: {  	v1 =	vadd.f32 v1, v2;
	_ =	sdelay $0x1  }
0x159: {  	[tilespmem:s20+$0x10000] =	vst v1;
	s20 =	sor.u32 $0x4C50, s7  }
0x15a: {  	v1 =	vld [tilespmem:s20+$0x8000];
	_ =	sdelay $0x1  }
0x15b: {  	v2 =	vld [tilespmem:s20+$0x0];
	_ =	sdelay $0x2  }
0x15c: {  	v1 =	vmul.f32 v1, v0;
	_ =	sdelay $0x1  }
0x15d: {  	v1 =	vadd.f32 v1, v2;
	_ =	sdelay $0x1  }
0x15e: {  	[tilespmem:s20+$0x10000] =	vst v1;
	s20 =	sor.u32 $0x4C60, s7  }
0x15f: {  	v1 =	vld [tilespmem:s20+$0x8000];
	_ =	sdelay $0x1  }
0x160: {  	v2 =	vld [tilespmem:s20+$0x0];
	_ =	sdelay $0x2  }
0x161: {  	v1 =	vmul.f32 v1, v0;
	_ =	sdelay $0x1  }
0x162: {  	v1 =	vadd.f32 v1, v2;
	_ =	sdelay $0x1  }
0x163: {  	[tilespmem:s20+$0x10000] =	vst v1;
	s20 =	sor.u32 $0x4C70, s7  }
0x164: {  	v1 =	vld [tilespmem:s20+$0x8000];
	_ =	sdelay $0x1  }
0x165: {  	v2 =	vld [tilespmem:s20+$0x0];
	_ =	sdelay $0x2  }
0x166: {  	v1 =	vmul.f32 v1, v0;
	_ =	sdelay $0x1  }
0x167: {  	v1 =	vadd.f32 v1, v2;
	_ =	sdelay $0x1  }
0x168: {  	[tilespmem:s20+$0x10000] =	vst v1  }
0x169: {  	v1 =	vld [tilespmem:s18+$0x5000]  }
0x16a: {  	v2 =	vld [tilespmem:s18+$0xD000]  }
0x16b: {  	v3 =	vld [tilespmem:s18+$0x5010]  }
0x16c: {  	v32 =	vld [tilespmem:s18+$0xD010]  }
0x16d: {  	v33 =	vld [tilespmem:s18+$0x5020]  }
0x16e: {  	v34 =	vld [tilespmem:s18+$0xD020]  }
0x16f: {  	v35 =	vld [tilespmem:s18+$0x5030]  }
0x170: {  	v36 =	vld [tilespmem:s18+$0xD030]  }
0x171: {  	v37 =	vld [tilespmem:s18+$0x5040]  }
0x172: {  	v38 =	vld [tilespmem:s18+$0xD040]  }
0x173: {  	v39 =	vld [tilespmem:s18+$0x5050]  }
0x174: {  	v40 =	vld [tilespmem:s18+$0xD050];
	v2 =	vmul.f32 v2, v0  }
0x175: {  	v41 =	vld [tilespmem:s18+$0xD060];
	v4 =	vmul.f32 v32, v0  }
0x176: {  	v42 =	vld [tilespmem:s18+$0xD070];
	v1 =	vadd.f32 v2, v1;
	v2 =	vmul.f32 v34, v0  }
0x177: {  	v44 =	vld [tilespmem:s18+$0x5060];
	v43 =	vmul.f32 v36, v0;
	v3 =	vadd.f32 v4, v3  }
0x178: {  	v45 =	vld [tilespmem:s18+$0x5070];
	[tilespmem:s18+$0x15000] =	vst v1;
	v1 =	vadd.f32 v2, v33;
	v2 =	vmul.f32 v38, v0  }
0x179: {  	v46 =	vmul.f32 v40, v0;
	[tilespmem:s18+$0x15010] =	vst v3;
	v3 =	vadd.f32 v43, v35  }
0x17a: {  	[tilespmem:s18+$0x15020] =	vst v1;
	v1 =	vadd.f32 v2, v37;
	v2 =	vmul.f32 v41, v0  }
0x17b: {  	v47 =	vmul.f32 v42, v0;
	[tilespmem:s18+$0x15030] =	vst v3;
	v3 =	vadd.f32 v46, v39  }
0x17c: {  	[tilespmem:s18+$0x15040] =	vst v1;
	v1 =	vadd.f32 v2, v44  }
0x17d: {  	[tilespmem:s18+$0x15050] =	vst v3;
	v2 =	vadd.f32 v47, v45  }
0x17e: {  	[tilespmem:s18+$0x15060] =	vst v1  }
0x17f: {  	s20 =	sor.u32 $0x5400, s7;
	[tilespmem:s18+$0x15070] =	vst v2  }
0x180: {  	v1 =	vld [tilespmem:s20+$0x8000];
	_ =	sdelay $0x1  }
0x181: {  	v2 =	vld [tilespmem:s20+$0x0];
	_ =	sdelay $0x2  }
0x182: {  	v1 =	vmul.f32 v1, v0;
	_ =	sdelay $0x1  }
0x183: {  	v1 =	vadd.f32 v1, v2;
	_ =	sdelay $0x1  }
0x184: {  	[tilespmem:s20+$0x10000] =	vst v1;
	s20 =	sor.u32 $0x5410, s7  }
0x185: {  	v1 =	vld [tilespmem:s20+$0x8000];
	_ =	sdelay $0x1  }
0x186: {  	v2 =	vld [tilespmem:s20+$0x0];
	_ =	sdelay $0x2  }
0x187: {  	v1 =	vmul.f32 v1, v0;
	_ =	sdelay $0x1  }
0x188: {  	v1 =	vadd.f32 v1, v2;
	_ =	sdelay $0x1  }
0x189: {  	[tilespmem:s20+$0x10000] =	vst v1;
	s20 =	sor.u32 $0x5420, s7  }
0x18a: {  	v1 =	vld [tilespmem:s20+$0x8000];
	_ =	sdelay $0x1  }
0x18b: {  	v2 =	vld [tilespmem:s20+$0x0];
	_ =	sdelay $0x2  }
0x18c: {  	v1 =	vmul.f32 v1, v0;
	_ =	sdelay $0x1  }
0x18d: {  	v1 =	vadd.f32 v1, v2;
	_ =	sdelay $0x1  }
0x18e: {  	[tilespmem:s20+$0x10000] =	vst v1;
	s20 =	sor.u32 $0x5430, s7  }
0x18f: {  	v1 =	vld [tilespmem:s20+$0x8000];
	_ =	sdelay $0x1  }
0x190: {  	v2 =	vld [tilespmem:s20+$0x0];
	_ =	sdelay $0x2  }
0x191: {  	v1 =	vmul.f32 v1, v0;
	_ =	sdelay $0x1  }
0x192: {  	v1 =	vadd.f32 v1, v2;
	_ =	sdelay $0x1  }
0x193: {  	[tilespmem:s20+$0x10000] =	vst v1;
	s20 =	sor.u32 $0x5440, s7  }
0x194: {  	v1 =	vld [tilespmem:s20+$0x8000];
	_ =	sdelay $0x1  }
0x195: {  	v2 =	vld [tilespmem:s20+$0x0];
	_ =	sdelay $0x2  }
0x196: {  	v1 =	vmul.f32 v1, v0;
	_ =	sdelay $0x1  }
0x197: {  	v1 =	vadd.f32 v1, v2;
	_ =	sdelay $0x1  }
0x198: {  	[tilespmem:s20+$0x10000] =	vst v1;
	s20 =	sor.u32 $0x5450, s7  }
0x199: {  	v1 =	vld [tilespmem:s20+$0x8000];
	_ =	sdelay $0x1  }
0x19a: {  	v2 =	vld [tilespmem:s20+$0x0];
	_ =	sdelay $0x2  }
0x19b: {  	v1 =	vmul.f32 v1, v0;
	_ =	sdelay $0x1  }
0x19c: {  	v1 =	vadd.f32 v1, v2;
	_ =	sdelay $0x1  }
0x19d: {  	[tilespmem:s20+$0x10000] =	vst v1;
	s20 =	sor.u32 $0x5460, s7  }
0x19e: {  	v1 =	vld [tilespmem:s20+$0x8000];
	_ =	sdelay $0x1  }
0x19f: {  	v2 =	vld [tilespmem:s20+$0x0];
	_ =	sdelay $0x2  }
0x1a0: {  	v1 =	vmul.f32 v1, v0;
	_ =	sdelay $0x1  }
0x1a1: {  	v1 =	vadd.f32 v1, v2;
	_ =	sdelay $0x1  }
0x1a2: {  	s7 =	sor.u32 $0x5470, s7;
	[tilespmem:s20+$0x10000] =	vst v1  }
0x1a3: {  	v1 =	vld [tilespmem:s7+$0x8000];
	_ =	sdelay $0x1  }
0x1a4: {  	v2 =	vld [tilespmem:s7+$0x0];
	_ =	sdelay $0x2  }
0x1a5: {  	v1 =	vmul.f32 v1, v0;
	_ =	sdelay $0x1  }
0x1a6: {  	v1 =	vadd.f32 v1, v2;
	_ =	sdelay $0x1  }
0x1a7: {  	[tilespmem:s7+$0x10000] =	vst v1  }
0x1a8: {  	v1 =	vld [tilespmem:s18+$0x5800]  }
0x1a9: {  	v2 =	vld [tilespmem:s18+$0xD800]  }
0x1aa: {  	v3 =	vld [tilespmem:s18+$0x5810]  }
0x1ab: {  	v48 =	vld [tilespmem:s18+$0xD810]  }
0x1ac: {  	v49 =	vld [tilespmem:s18+$0x5820]  }
0x1ad: {  	v50 =	vld [tilespmem:s18+$0xD820]  }
0x1ae: {  	v51 =	vld [tilespmem:s18+$0x5830]  }
0x1af: {  	v52 =	vld [tilespmem:s18+$0xD830]  }
0x1b0: {  	v53 =	vld [tilespmem:s18+$0x5840]  }
0x1b1: {  	v54 =	vld [tilespmem:s18+$0xD840]  }
0x1b2: {  	v55 =	vld [tilespmem:s18+$0x5850]  }
0x1b3: {  	v56 =	vld [tilespmem:s18+$0xD850];
	v2 =	vmul.f32 v2, v0  }
0x1b4: {  	v57 =	vld [tilespmem:s18+$0xD860];
	v4 =	vmul.f32 v48, v0  }
0x1b5: {  	v58 =	vld [tilespmem:s18+$0xD870];
	v1 =	vadd.f32 v2, v1;
	v2 =	vmul.f32 v50, v0  }
0x1b6: {  	v60 =	vld [tilespmem:s18+$0x5860];
	v59 =	vmul.f32 v52, v0;
	v3 =	vadd.f32 v4, v3  }
0x1b7: {  	v61 =	vld [tilespmem:s18+$0x5870];
	[tilespmem:s18+$0x15800] =	vst v1;
	v1 =	vadd.f32 v2, v49;
	v2 =	vmul.f32 v54, v0  }
0x1b8: {  	v62 =	vmul.f32 v56, v0;
	[tilespmem:s18+$0x15810] =	vst v3;
	v3 =	vadd.f32 v59, v51  }
0x1b9: {  	[tilespmem:s18+$0x15820] =	vst v1;
	v1 =	vadd.f32 v2, v53;
	v2 =	vmul.f32 v57, v0  }
0x1ba: {  	v63 =	vmul.f32 v58, v0;
	[tilespmem:s18+$0x15830] =	vst v3;
	v3 =	vadd.f32 v62, v55  }
0x1bb: {  	[tilespmem:s18+$0x15840] =	vst v1;
	v1 =	vadd.f32 v2, v60  }
0x1bc: {  	[tilespmem:s18+$0x15850] =	vst v3;
	v2 =	vadd.f32 v63, v61  }
0x1bd: {  	s7 =	sor.u32 s3, s0;
	[tilespmem:s18+$0x15860] =	vst v1  }
0x1be: {  	s20 =	sor.u32 $0x5C00, s7;
	[tilespmem:s18+$0x15870] =	vst v2  }
0x1bf: {  	v1 =	vld [tilespmem:s20+$0x8000];
	_ =	sdelay $0x1  }
0x1c0: {  	v2 =	vld [tilespmem:s20+$0x0];
	_ =	sdelay $0x2  }
0x1c1: {  	v1 =	vmul.f32 v1, v0;
	_ =	sdelay $0x1  }
0x1c2: {  	v1 =	vadd.f32 v1, v2;
	_ =	sdelay $0x1  }
0x1c3: {  	s18 =	sor.u32 $0x5C10, s7;
	[tilespmem:s20+$0x10000] =	vst v1  }
0x1c4: {  	v1 =	vld [tilespmem:s18+$0x8000];
	_ =	sdelay $0x1  }
0x1c5: {  	v2 =	vld [tilespmem:s18+$0x0];
	_ =	sdelay $0x2  }
0x1c6: {  	v1 =	vmul.f32 v1, v0;
	_ =	sdelay $0x1  }
0x1c7: {  	v1 =	vadd.f32 v1, v2;
	_ =	sdelay $0x1  }
0x1c8: {  	s20 =	sor.u32 $0x5C20, s7;
	[tilespmem:s18+$0x10000] =	vst v1  }
0x1c9: {  	v1 =	vld [tilespmem:s20+$0x8000];
	_ =	sdelay $0x1  }
0x1ca: {  	v2 =	vld [tilespmem:s20+$0x0];
	_ =	sdelay $0x2  }
0x1cb: {  	v1 =	vmul.f32 v1, v0;
	_ =	sdelay $0x1  }
0x1cc: {  	v1 =	vadd.f32 v1, v2;
	_ =	sdelay $0x1  }
0x1cd: {  	s18 =	sor.u32 $0x5C30, s7;
	[tilespmem:s20+$0x10000] =	vst v1  }
0x1ce: {  	v1 =	vld [tilespmem:s18+$0x8000];
	_ =	sdelay $0x1  }
0x1cf: {  	v2 =	vld [tilespmem:s18+$0x0];
	_ =	sdelay $0x2  }
0x1d0: {  	v1 =	vmul.f32 v1, v0;
	_ =	sdelay $0x1  }
0x1d1: {  	v1 =	vadd.f32 v1, v2;
	_ =	sdelay $0x1  }
0x1d2: {  	s20 =	sor.u32 $0x5C40, s7;
	[tilespmem:s18+$0x10000] =	vst v1  }
0x1d3: {  	v1 =	vld [tilespmem:s20+$0x8000];
	_ =	sdelay $0x1  }
0x1d4: {  	v2 =	vld [tilespmem:s20+$0x0];
	_ =	sdelay $0x2  }
0x1d5: {  	v1 =	vmul.f32 v1, v0;
	_ =	sdelay $0x1  }
0x1d6: {  	v1 =	vadd.f32 v1, v2;
	_ =	sdelay $0x1  }
0x1d7: {  	s18 =	sor.u32 $0x5C50, s7;
	[tilespmem:s20+$0x10000] =	vst v1  }
0x1d8: {  	v1 =	vld [tilespmem:s18+$0x8000];
	_ =	sdelay $0x1  }
0x1d9: {  	v2 =	vld [tilespmem:s18+$0x0];
	_ =	sdelay $0x2  }
0x1da: {  	v1 =	vmul.f32 v1, v0;
	_ =	sdelay $0x1  }
0x1db: {  	v1 =	vadd.f32 v1, v2;
	_ =	sdelay $0x1  }
0x1dc: {  	s20 =	sor.u32 $0x5C60, s7;
	[tilespmem:s18+$0x10000] =	vst v1  }
0x1dd: {  	v1 =	vld [tilespmem:s20+$0x8000];
	_ =	sdelay $0x1  }
0x1de: {  	v2 =	vld [tilespmem:s20+$0x0];
	_ =	sdelay $0x2  }
0x1df: {  	v1 =	vmul.f32 v1, v0;
	_ =	sdelay $0x1  }
0x1e0: {  	v1 =	vadd.f32 v1, v2;
	_ =	sdelay $0x1  }
0x1e1: {  	s7 =	sor.u32 $0x5C70, s7;
	[tilespmem:s20+$0x10000] =	vst v1  }
0x1e2: {  	v1 =	vld [tilespmem:s7+$0x8000];
	_ =	sdelay $0x1  }
0x1e3: {  	v2 =	vld [tilespmem:s7+$0x0];
	_ =	sdelay $0x1  }
0x1e4: {  	p1 =	sne.s32 s0, $0x3C00  }
.Ltmp3:
0x1e5: {  	v1 =	vmul.f32 v1, v0;
	(pc) =	sbr.rel @p1 .LBB2_5-.Ltmp3, $3  }
0x1e6: {  	_ = 	snop  }
0x1e7: {  	v1 =	vadd.f32 v1, v2;
	_ =	sdelay $0x1  }
0x1e8: {  	s3 =	sadd.s32 $0x80, s3;
	s0 =	sadd.s32 $0x400, s0;
	[tilespmem:s7+$0x10000] =	vst v1  }
.Ltmp4:
0x1e9: {  	(pc) =	sbr.rel @p0 .LBB2_8-.Ltmp4, $4  }
0x1ea: {  	s0 =	sadd.s32 s14, s31  }
0x1eb: {  	s0 =	sshrl.u32 s0, $0x3  }
0x1ec: {  	s0 =	sadd.s32 s4, s0  }
0x1ed: {  	[hbm4b:s0+s5] =	stream.linear.scatter [tilespmem:s25], [sflag:$0x4], $0x4000, $0x38;
	[tilespmem:$0x18080] =	vst v63  }
0x1ee: {  	s0 =	sadd.s32 s31, s16  }
0x1ef: {  	s3 =	sadd.s32 s6, s0  }
.Ltmp5:
0x1f0: {  	s3 =	sshrl.u32 s3, $0x3;
	(pc) =	sbr.rel .LBB2_2-.Ltmp5, $4  }
0x1f1: {  	s0 =	sshrl.u32 s0, $0x3;
	s3 =	sadd.s32 s1, s3  }
0x1f2: {  	[tilespmem:s21], [sflag:$0x2] =	stream.linear.gather [hbm4b:s3+s5], $0x4000, $0x38;
	[tilespmem:$0x18080] =	vst v63  }
0x1f3: {  	s30 =	sadd.s32 $0x1, s30;
	s0 =	sadd.s32 s2, s0  }
0x1f4: {  	[tilespmem:s22], [sflag:$0x2] =	stream.linear.gather [hbm4b:s0+s5], $0x4000, $0x38;
	[tilespmem:$0x18080] =	vst v63  }
.LBB2_9:
0x1f5: {  	_ =	sfence.sel $0x180000  }
0x1f6: {  	[bflag:$0x0] =	sbarrier.arrive $0xFFFF  }
0x1f7: {  	_ =	strace $0x90000047  }
0x1f8: {  	s0 =	stileid.u32;
	[bflag:$0x2] =	sbarrier.arrive $0xFFFF  }
0x1f9: {  	p0 =	sne.s32 s0, $0x0;
	s0 =	rddreg [dreg:$0x4]  }
0x1fa: {  	s0 =	sadd.s32 @!p0 $0x100000, s0  }
0x1fb: {  	[sflag:s0] =	ssyncadd.tile.s32 @!p0 $0x1;
	_ =	shalt  }
.Lfunc_end2:
_tile_overlayer_lowered:
.L_overlay_start_2:
0x1fc: {  	(tag) =	ssettag $0x2  }
0x1fd: {  	s0 =	rddreg [dreg:$0x0];
	s2 =	stileid.u32  }
0x1fe: {  	s1 =	rddreg [dreg:$0x1];
	p0 =	sne.s32 s2, $0x0  }
0x1ff: {  	s3 =	rddreg [dreg:$0x2];
	[bflag:$0x3] =	sbarrier.arrive $0xFFFF;
	s2 =	simm.s32 @!p0 $0x1C05  }
0x200: {  	[timem:s3], [sflag:s2] =	dma.local @!p0 [hbm:s0], s1  }
0x201: {  	s0 =	simm.s32 @!p0 $0x5  }
0x202: {  	_ =	swait.ge @!p0 [sflag:s0], s1  }
0x203: {  	s1 =	ssub.s32 @!p0 $0x0, s1;
	[sflag:s0] =	ssyncset.done @!p0 $0x0  }
0x204: {  	[sflag:s0] =	ssyncadd.s32 @!p0 s1  }
0x205: {  	[bflag:$0x3] =	sbarrier.arrive $0xFFFF  }
0x206: {  	_ =	shalt  }

</sc_bundles>
